<compile_context>
chip_gen: v7x
topology: tpu7x:2x2x1
jax: 0.10.2.dev20260603
libtpu: 0.0.44.dev20260713+nightly
codegen_flags: <defaults>
</compile_context>

<pallas_src>
import functools
import math

import jax
import jax.numpy as jnp
from jax import lax
from jax.experimental import pallas as pl
from jax.experimental.pallas import tpu as pltpu
from jax.experimental.pallas import tpu_sc as plsc

_info = plsc.get_sparse_core_info()
_NC, _NS, _L = _info.num_cores, _info.num_subcores, _info.num_lanes
_NW = _NC * _NS


@functools.lru_cache(maxsize=None)
def _build(N, S, D, V):
    b_per_w = N // _NW
    C = 16
    NBUF = 2
    n_chunks = b_per_w // C
    nvec = D // _L
    assert nvec & (nvec - 1) == 0
    nvec_shift = nvec.bit_length() - 1
    scale = float(math.sqrt(D))
    mesh = plsc.VectorSubcoreMesh(core_axis_name="c", subcore_axis_name="s")

    @functools.partial(
        pl.kernel,
        out_type=jax.ShapeDtypeStruct((N, D), jnp.float32),
        mesh=mesh,
        scratch_types=[
            pltpu.VMEM((b_per_w,), jnp.int32),
            pltpu.VMEM((NBUF, C, D), jnp.float32),
            pltpu.VMEM((NBUF, C, D), jnp.float32),
            pltpu.VMEM((NBUF, C, D), jnp.float32),
            pltpu.SemaphoreType.DMA((NBUF,)),
            pltpu.SemaphoreType.DMA((NBUF,)),
            pltpu.SemaphoreType.DMA((NBUF,)),
        ],
    )
    def emb(x_hbm, table_hbm, pe_hbm, out_hbm, idx_all, rows, peb, outb,
            gsem, psem, ssem):
        wid = lax.axis_index("s") * _NC + lax.axis_index("c")
        base = wid * b_per_w
        pe_base = lax.rem(base, S)
        pltpu.sync_copy(x_hbm.at[pl.ds(base, b_per_w)], idx_all)

        gh, ph, sh = {}, {}, {}

        def start_in(k):
            b = k % NBUF
            gh[k] = pltpu.async_copy(
                table_hbm.at[idx_all.at[pl.ds(k * C, C)]], rows.at[b],
                gsem.at[b])
            ph[k] = pltpu.async_copy(
                pe_hbm.at[pl.ds(pe_base + k * C, C)], peb.at[b], psem.at[b])

        for k in range(NBUF):
            start_in(k)
        for k in range(n_chunks):
            b = k % NBUF
            gh[k].wait()
            ph[k].wait()
            if k >= NBUF:
                sh[k - NBUF].wait()

            @plsc.parallel_loop(0, C * nvec, unroll=8)
            def _(i):
                r = lax.shift_right_logical(i, nvec_shift)
                sl = pl.ds((i & (nvec - 1)) * _L, _L)
                outb[b, r, sl] = rows[b, r, sl] * scale + peb[b, r, sl]

            sh[k] = pltpu.async_copy(
                outb.at[b], out_hbm.at[pl.ds(base + k * C, C)], ssem.at[b])
            if k + NBUF < n_chunks:
                start_in(k + NBUF)
        for k in range(n_chunks - NBUF, n_chunks):
            sh[k].wait()

    return emb


def kernel(x, table, pe):
    B, S = x.shape
    V, D = table.shape
    N = B * S
    xf = x.reshape(N).astype(jnp.int32)
    emb = _build(N, S, D, V)
    out = emb(xf, table, pe)
    return out.reshape(B, S, D)

# --- scband reference (transcript-rebuilt; emitter-appended) ---
"""Pipeline reference for scband-embeddings-54073638256766 (READ-ONLY COPY).

The authoritative reference and input builder live on the scoring server;
editing this copy changes nothing except your own understanding.
"""

import jax, jax.numpy as jnp
import numpy as np

VOCAB = 100000
SEQ_LEN = 2048
D_MODEL = 1024
BATCH = 4
N_PE = 10000


def _make_pe(seq_len, d_model, n=N_PE):
    pe = np.zeros((seq_len, d_model), dtype=np.float32)
    position = np.arange(0, seq_len, dtype=np.float32)[:, None]
    div_term = np.exp(np.arange(0, d_model, 2, dtype=np.float32) * -(np.log(n) / d_model))
    final_multiplier = position * div_term
    pe[:, 1::2] = np.cos(final_multiplier)
    pe[:, 0::2] = np.sin(final_multiplier)
    return jnp.asarray(pe)


def setup_inputs(seed: int = 0) -> dict:
    key = jax.random.key(seed)
    k_idx, k_tab = jax.random.split(key)
    x = jax.random.randint(k_idx, (BATCH, SEQ_LEN), 0, VOCAB, dtype=jnp.int64 if jax.config.read('jax_enable_x64') else jnp.int32)
    table = jax.random.normal(k_tab, (VOCAB, D_MODEL), dtype=jnp.float32)
    pe = _make_pe(SEQ_LEN, D_MODEL)
    return {"x": x, "table": table, "pe": pe}


def reference(x, table, pe):
    # InputEmbeddings: embedding lookup scaled by sqrt(d_model)
    inp_emb = jnp.take(table, x, axis=0) * jnp.sqrt(jnp.asarray(D_MODEL, dtype=jnp.float32))
    seq_len = inp_emb.shape[1]
    pos_enc = pe[:seq_len, :]
    return pos_enc + inp_emb

if __name__ == "__main__":
    import jax
    _d = setup_inputs()
    print(jax.jit(kernel)(*tuple(_d.values())))

</pallas_src>

<mosaic_0001>
#map = affine_map<(d0, d1) -> (0)>
#map1 = affine_map<(d0, d1) -> (0, 0)>
module attributes {stable_mosaic.version = 14 : i64} {
  func.func @emb(%arg0: i32, %arg1: i32, %arg2: memref<8192xi32, #tpu.memory_space<hbm>>, %arg3: memref<100000x1024xf32, #tpu.memory_space<hbm>>, %arg4: memref<2048x1024xf32, #tpu.memory_space<hbm>>, %arg5: memref<8192x1024xf32, #tpu.memory_space<hbm>>, %arg6: memref<256xi32, #tpu.memory_space<vmem>>, %arg7: memref<2x16x1024xf32, #tpu.memory_space<vmem>>, %arg8: memref<2x16x1024xf32, #tpu.memory_space<vmem>>, %arg9: memref<2x16x1024xf32, #tpu.memory_space<vmem>>, %arg10: memref<2x!tpu.dma_semaphore, #tpu.memory_space<semaphore_mem>>, %arg11: memref<2x!tpu.dma_semaphore, #tpu.memory_space<semaphore_mem>>, %arg12: memref<2x!tpu.dma_semaphore, #tpu.memory_space<semaphore_mem>>) attributes {dimension_semantics = [#tpu.dimension_semantics<core_parallel>, #tpu.dimension_semantics<subcore_parallel>], iteration_bounds = array<i64: 2, 16>, scalar_prefetch = 0 : i64, scratch_operands = 7 : i64, tpu.core_type = #tpu.core_type<sc_vector_subcore>, window_params = [{transform_indices = #map}, {transform_indices = #map1}, {transform_indices = #map1}, {transform_indices = #map1}]} {
    %mul3A = arith.constant 2 : i32
    %mul3A_0 = arith.muli %arg1, %mul3A : i32
    %add3A = arith.addi %mul3A_0, %arg0 : i32
    %mul3A_1 = arith.constant 256 : i32
    %mul3A_2 = arith.muli %add3A, %mul3A_1 : i32
    %rem3A = arith.constant 2048 : i32
    %rem3A_3 = arith.remsi %mul3A_2, %rem3A : i32
    "tpu.region"() ({
      %run_scoped3A = tpu.sem_alloc : memref<!tpu.dma_semaphore, #tpu.memory_space<semaphore_mem>>
      %dma_start3A_1553 = tpu.memref_slice %arg2[%mul3A_2] : memref<8192xi32, #tpu.memory_space<hbm>> -> memref<256xi32, #tpu.memory_space<hbm>>
      %dma_start3A_1554 = tpu.memref_slice %arg2[%mul3A_2] : memref<8192xi32, #tpu.memory_space<hbm>> -> memref<256xi32, #tpu.memory_space<hbm>>
      tpu.enqueue_dma source(%dma_start3A_1554 : memref<256xi32, #tpu.memory_space<hbm>>) target(%arg6 : memref<256xi32, #tpu.memory_space<vmem>>) target_semaphore(%run_scoped3A : memref<!tpu.dma_semaphore, #tpu.memory_space<semaphore_mem>>)
      %dma_wait3A_1555 = tpu.memref_slice %arg2[%mul3A_2] : memref<8192xi32, #tpu.memory_space<hbm>> -> memref<256xi32, #tpu.memory_space<hbm>>
      %dma_wait3A_1556 = tpu.memref_slice %arg2[%mul3A_2] : memref<8192xi32, #tpu.memory_space<hbm>> -> memref<256xi32, #tpu.memory_space<hbm>>
      tpu.wait_dma2 semaphore(%run_scoped3A : memref<!tpu.dma_semaphore, #tpu.memory_space<semaphore_mem>>) src(%dma_wait3A_1556 : memref<256xi32, #tpu.memory_space<hbm>>) dst(%arg6 : memref<256xi32, #tpu.memory_space<vmem>>)
      tpu.yield
    }) : () -> ()
    %dma_start3A = arith.constant 0 : i32
    %dma_start3A_4 = arith.constant 0 : i32
    %dma_start3A_5 = arith.constant 0 : i32
    %dma_start3A_6 = arith.constant 0 : i32
    %dma_start3A_7 = tpu.memref_slice %arg7[%dma_start3A, %dma_start3A_5, %dma_start3A_6] : memref<2x16x1024xf32, #tpu.memory_space<vmem>> -> memref<1x16x1024xf32, #tpu.memory_space<vmem>>
    %dma_start3A_8 = tpu.memref_squeeze %dma_start3A_7 : memref<1x16x1024xf32, #tpu.memory_space<vmem>> -> memref<16x1024xf32, #tpu.memory_space<vmem>>
    %dma_start3A_9 = arith.constant 0 : i32
    %dma_start3A_10 = tpu.memref_slice %arg6[%dma_start3A_9] : memref<256xi32, #tpu.memory_space<vmem>> -> memref<16xi32, #tpu.memory_space<vmem>>
    %dma_start3A_11 = arith.constant 0 : i32
    %dma_start3A_12 = arith.constant 0 : i32
    %dma_start3A_13 = tpu.memref_slice %arg3[%dma_start3A_11, %dma_start3A_12] : memref<100000x1024xf32, #tpu.memory_space<hbm>> -> memref<100000x1024xf32, #tpu.memory_space<hbm>>
    %dma_start3A_14 = tpu.memref_slice %arg10[%dma_start3A_4] : memref<2x!tpu.dma_semaphore, #tpu.memory_space<semaphore_mem>> -> memref<1x!tpu.dma_semaphore, #tpu.memory_space<semaphore_mem>>
    %dma_start3A_15 = tpu.memref_squeeze %dma_start3A_14 : memref<1x!tpu.dma_semaphore, #tpu.memory_space<semaphore_mem>> -> memref<!tpu.dma_semaphore, #tpu.memory_space<semaphore_mem>>
    tpu.enqueue_indirect_dma source(%dma_start3A_13 : memref<100000x1024xf32, #tpu.memory_space<hbm>>) target(%dma_start3A_8 : memref<16x1024xf32, #tpu.memory_space<vmem>>) offsets(%dma_start3A_10 : memref<16xi32, #tpu.memory_space<vmem>>) semaphore(%dma_start3A_15 : memref<!tpu.dma_semaphore, #tpu.memory_space<semaphore_mem>>)
    %add3A_16 = arith.constant 0 : i32
    %add3A_17 = arith.addi %rem3A_3, %add3A_16 : i32
    %dma_start3A_18 = arith.constant 0 : i32
    %dma_start3A_19 = arith.constant 0 : i32
    %dma_start3A_20 = arith.constant 0 : i32
    %dma_start3A_21 = arith.constant 0 : i32
    %dma_start3A_22 = tpu.memref_slice %arg8[%dma_start3A_18, %dma_start3A_20, %dma_start3A_21] : memref<2x16x1024xf32, #tpu.memory_space<vmem>> -> memref<1x16x1024xf32, #tpu.memory_space<vmem>>
    %dma_start3A_23 = tpu.memref_squeeze %dma_start3A_22 : memref<1x16x1024xf32, #tpu.memory_space<vmem>> -> memref<16x1024xf32, #tpu.memory_space<vmem>>
    %dma_start3A_24 = arith.constant 0 : i32
    %dma_start3A_25 = tpu.memref_slice %arg4[%add3A_17, %dma_start3A_24] : memref<2048x1024xf32, #tpu.memory_space<hbm>> -> memref<16x1024xf32, #tpu.memory_space<hbm>>
    %dma_start3A_26 = tpu.memref_slice %arg11[%dma_start3A_19] : memref<2x!tpu.dma_semaphore, #tpu.memory_space<semaphore_mem>> -> memref<1x!tpu.dma_semaphore, #tpu.memory_space<semaphore_mem>>
    %dma_start3A_27 = tpu.memref_squeeze %dma_start3A_26 : memref<1x!tpu.dma_semaphore, #tpu.memory_space<semaphore_mem>> -> memref<!tpu.dma_semaphore, #tpu.memory_space<semaphore_mem>>
    %dma_start3A_28 = arith.constant 0 : i32
    %dma_start3A_29 = arith.constant 0 : i32
    %dma_start3A_30 = tpu.memref_slice %arg8[%dma_start3A_18, %dma_start3A_28, %dma_start3A_29] : memref<2x16x1024xf32, #tpu.memory_space<vmem>> -> memref<1x16x1024xf32, #tpu.memory_space<vmem>>
    %dma_start3A_31 = tpu.memref_squeeze %dma_start3A_30 : memref<1x16x1024xf32, #tpu.memory_space<vmem>> -> memref<16x1024xf32, #tpu.memory_space<vmem>>
    %dma_start3A_32 = arith.constant 0 : i32
    %dma_start3A_33 = tpu.memref_slice %arg4[%add3A_17, %dma_start3A_32] : memref<2048x1024xf32, #tpu.memory_space<hbm>> -> memref<16x1024xf32, #tpu.memory_space<hbm>>
    tpu.enqueue_dma source(%dma_start3A_33 : memref<16x1024xf32, #tpu.memory_space<hbm>>) target(%dma_start3A_31 : memref<16x1024xf32, #tpu.memory_space<vmem>>) target_semaphore(%dma_start3A_27 : memref<!tpu.dma_semaphore, #tpu.memory_space<semaphore_mem>>)
    %dma_start3A_34 = arith.constant 1 : i32
    %dma_start3A_35 = arith.constant 1 : i32
    %dma_start3A_36 = arith.constant 0 : i32
    %dma_start3A_37 = arith.constant 0 : i32
    %dma_start3A_38 = tpu.memref_slice %arg7[%dma_start3A_34, %dma_start3A_36, %dma_start3A_37] : memref<2x16x1024xf32, #tpu.memory_space<vmem>> -> memref<1x16x1024xf32, #tpu.memory_space<vmem>>
    %dma_start3A_39 = tpu.memref_squeeze %dma_start3A_38 : memref<1x16x1024xf32, #tpu.memory_space<vmem>> -> memref<16x1024xf32, #tpu.memory_space<vmem>>
    %dma_start3A_40 = arith.constant 16 : i32
    %dma_start3A_41 = tpu.memref_slice %arg6[%dma_start3A_40] : memref<256xi32, #tpu.memory_space<vmem>> -> memref<16xi32, #tpu.memory_space<vmem>>
    %dma_start3A_42 = arith.constant 0 : i32
    %dma_start3A_43 = arith.constant 0 : i32
    %dma_start3A_44 = tpu.memref_slice %arg3[%dma_start3A_42, %dma_start3A_43] : memref<100000x1024xf32, #tpu.memory_space<hbm>> -> memref<100000x1024xf32, #tpu.memory_space<hbm>>
    %dma_start3A_45 = tpu.memref_slice %arg10[%dma_start3A_35] : memref<2x!tpu.dma_semaphore, #tpu.memory_space<semaphore_mem>> -> memref<1x!tpu.dma_semaphore, #tpu.memory_space<semaphore_mem>>
    %dma_start3A_46 = tpu.memref_squeeze %dma_start3A_45 : memref<1x!tpu.dma_semaphore, #tpu.memory_space<semaphore_mem>> -> memref<!tpu.dma_semaphore, #tpu.memory_space<semaphore_mem>>
    tpu.enqueue_indirect_dma source(%dma_start3A_44 : memref<100000x1024xf32, #tpu.memory_space<hbm>>) target(%dma_start3A_39 : memref<16x1024xf32, #tpu.memory_space<vmem>>) offsets(%dma_start3A_41 : memref<16xi32, #tpu.memory_space<vmem>>) semaphore(%dma_start3A_46 : memref<!tpu.dma_semaphore, #tpu.memory_space<semaphore_mem>>)
    %add3A_47 = arith.constant 16 : i32
    %add3A_48 = arith.addi %rem3A_3, %add3A_47 : i32
    %dma_start3A_49 = arith.constant 1 : i32
    %dma_start3A_50 = arith.constant 1 : i32
    %dma_start3A_51 = arith.constant 0 : i32
    %dma_start3A_52 = arith.constant 0 : i32
    %dma_start3A_53 = tpu.memref_slice %arg8[%dma_start3A_49, %dma_start3A_51, %dma_start3A_52] : memref<2x16x1024xf32, #tpu.memory_space<vmem>> -> memref<1x16x1024xf32, #tpu.memory_space<vmem>>
    %dma_start3A_54 = tpu.memref_squeeze %dma_start3A_53 : memref<1x16x1024xf32, #tpu.memory_space<vmem>> -> memref<16x1024xf32, #tpu.memory_space<vmem>>
    %dma_start3A_55 = arith.constant 0 : i32
    %dma_start3A_56 = tpu.memref_slice %arg4[%add3A_48, %dma_start3A_55] : memref<2048x1024xf32, #tpu.memory_space<hbm>> -> memref<16x1024xf32, #tpu.memory_space<hbm>>
    %dma_start3A_57 = tpu.memref_slice %arg11[%dma_start3A_50] : memref<2x!tpu.dma_semaphore, #tpu.memory_space<semaphore_mem>> -> memref<1x!tpu.dma_semaphore, #tpu.memory_space<semaphore_mem>>
    %dma_start3A_58 = tpu.memref_squeeze %dma_start3A_57 : memref<1x!tpu.dma_semaphore, #tpu.memory_space<semaphore_mem>> -> memref<!tpu.dma_semaphore, #tpu.memory_space<semaphore_mem>>
    %dma_start3A_59 = arith.constant 0 : i32
    %dma_start3A_60 = arith.constant 0 : i32
    %dma_start3A_61 = tpu.memref_slice %arg8[%dma_start3A_49, %dma_start3A_59, %dma_start3A_60] : memref<2x16x1024xf32, #tpu.memory_space<vmem>> -> memref<1x16x1024xf32, #tpu.memory_space<vmem>>
    %dma_start3A_62 = tpu.memref_squeeze %dma_start3A_61 : memref<1x16x1024xf32, #tpu.memory_space<vmem>> -> memref<16x1024xf32, #tpu.memory_space<vmem>>
    %dma_start3A_63 = arith.constant 0 : i32
    %dma_start3A_64 = tpu.memref_slice %arg4[%add3A_48, %dma_start3A_63] : memref<2048x1024xf32, #tpu.memory_space<hbm>> -> memref<16x1024xf32, #tpu.memory_space<hbm>>
    tpu.enqueue_dma source(%dma_start3A_64 : memref<16x1024xf32, #tpu.memory_space<hbm>>) target(%dma_start3A_62 : memref<16x1024xf32, #tpu.memory_space<vmem>>) target_semaphore(%dma_start3A_58 : memref<!tpu.dma_semaphore, #tpu.memory_space<semaphore_mem>>)
    %dma_wait3A = arith.constant 0 : i32
    %dma_wait3A_65 = arith.constant 0 : i32
    %dma_wait3A_66 = arith.constant 0 : i32
    %dma_wait3A_67 = arith.constant 0 : i32
    %dma_wait3A_68 = tpu.memref_slice %arg7[%dma_wait3A, %dma_wait3A_66, %dma_wait3A_67] : memref<2x16x1024xf32, #tpu.memory_space<vmem>> -> memref<1x16x1024xf32, #tpu.memory_space<vmem>>
    %dma_wait3A_69 = tpu.memref_squeeze %dma_wait3A_68 : memref<1x16x1024xf32, #tpu.memory_space<vmem>> -> memref<16x1024xf32, #tpu.memory_space<vmem>>
    %dma_wait3A_70 = arith.constant 0 : i32
    %dma_wait3A_71 = tpu.memref_slice %arg6[%dma_wait3A_70] : memref<256xi32, #tpu.memory_space<vmem>> -> memref<16xi32, #tpu.memory_space<vmem>>
    %dma_wait3A_72 = arith.constant 0 : i32
    %dma_wait3A_73 = arith.constant 0 : i32
    %dma_wait3A_74 = tpu.memref_slice %arg3[%dma_wait3A_72, %dma_wait3A_73] : memref<100000x1024xf32, #tpu.memory_space<hbm>> -> memref<100000x1024xf32, #tpu.memory_space<hbm>>
    %dma_wait3A_75 = tpu.memref_slice %arg10[%dma_wait3A_65] : memref<2x!tpu.dma_semaphore, #tpu.memory_space<semaphore_mem>> -> memref<1x!tpu.dma_semaphore, #tpu.memory_space<semaphore_mem>>
    %dma_wait3A_76 = tpu.memref_squeeze %dma_wait3A_75 : memref<1x!tpu.dma_semaphore, #tpu.memory_space<semaphore_mem>> -> memref<!tpu.dma_semaphore, #tpu.memory_space<semaphore_mem>>
    tpu.wait_indirect_dma semaphore(%dma_wait3A_76 : memref<!tpu.dma_semaphore, #tpu.memory_space<semaphore_mem>>) src(%dma_wait3A_74 : memref<100000x1024xf32, #tpu.memory_space<hbm>>) dst(%dma_wait3A_69 : memref<16x1024xf32, #tpu.memory_space<vmem>>)
    %dma_wait3A_77 = arith.constant 0 : i32
    %dma_wait3A_78 = arith.constant 0 : i32
    %dma_wait3A_79 = arith.constant 0 : i32
    %dma_wait3A_80 = arith.constant 0 : i32
    %dma_wait3A_81 = tpu.memref_slice %arg8[%dma_wait3A_77, %dma_wait3A_79, %dma_wait3A_80] : memref<2x16x1024xf32, #tpu.memory_space<vmem>> -> memref<1x16x1024xf32, #tpu.memory_space<vmem>>
    %dma_wait3A_82 = tpu.memref_squeeze %dma_wait3A_81 : memref<1x16x1024xf32, #tpu.memory_space<vmem>> -> memref<16x1024xf32, #tpu.memory_space<vmem>>
    %dma_wait3A_83 = arith.constant 0 : i32
    %dma_wait3A_84 = tpu.memref_slice %arg4[%add3A_17, %dma_wait3A_83] : memref<2048x1024xf32, #tpu.memory_space<hbm>> -> memref<16x1024xf32, #tpu.memory_space<hbm>>
    %dma_wait3A_85 = tpu.memref_slice %arg11[%dma_wait3A_78] : memref<2x!tpu.dma_semaphore, #tpu.memory_space<semaphore_mem>> -> memref<1x!tpu.dma_semaphore, #tpu.memory_space<semaphore_mem>>
    %dma_wait3A_86 = tpu.memref_squeeze %dma_wait3A_85 : memref<1x!tpu.dma_semaphore, #tpu.memory_space<semaphore_mem>> -> memref<!tpu.dma_semaphore, #tpu.memory_space<semaphore_mem>>
    %dma_wait3A_87 = arith.constant 0 : i32
    %dma_wait3A_88 = arith.constant 0 : i32
    %dma_wait3A_89 = tpu.memref_slice %arg8[%dma_wait3A_77, %dma_wait3A_87, %dma_wait3A_88] : memref<2x16x1024xf32, #tpu.memory_space<vmem>> -> memref<1x16x1024xf32, #tpu.memory_space<vmem>>
    %dma_wait3A_90 = tpu.memref_squeeze %dma_wait3A_89 : memref<1x16x1024xf32, #tpu.memory_space<vmem>> -> memref<16x1024xf32, #tpu.memory_space<vmem>>
    %dma_wait3A_91 = arith.constant 0 : i32
    %dma_wait3A_92 = tpu.memref_slice %arg4[%add3A_17, %dma_wait3A_91] : memref<2048x1024xf32, #tpu.memory_space<hbm>> -> memref<16x1024xf32, #tpu.memory_space<hbm>>
    tpu.wait_dma2 semaphore(%dma_wait3A_86 : memref<!tpu.dma_semaphore, #tpu.memory_space<semaphore_mem>>) src(%dma_wait3A_92 : memref<16x1024xf32, #tpu.memory_space<hbm>>) dst(%dma_wait3A_90 : memref<16x1024xf32, #tpu.memory_space<vmem>>)
    %parallel_loop3A = arith.constant 0 : i32
    %parallel_loop3A_93 = arith.constant 1024 : i32
    %parallel_loop3A_94 = arith.constant 1 : i32
    scf.for %parallel_loop3A_1553 = %parallel_loop3A to %parallel_loop3A_93 step %parallel_loop3A_94  : i32 {
      %parallel_loop3A_1554 = arith.constant 6 : i32
      %parallel_loop3A_1555 = arith.shrui %parallel_loop3A_1553, %parallel_loop3A_1554 : i32
      %parallel_loop3A_1556 = arith.constant 63 : i32
      %parallel_loop3A_1557 = arith.andi %parallel_loop3A_1553, %parallel_loop3A_1556 : i32
      %parallel_loop3A_1558 = arith.constant 16 : i32
      %parallel_loop3A_1559 = arith.muli %parallel_loop3A_1557, %parallel_loop3A_1558 : i32
      %parallel_loop3A_1560 = arith.constant 0 : i32
      %parallel_loop3A_1561 = arith.index_cast %parallel_loop3A_1560 : i32 to index
      %parallel_loop3A_1562 = arith.index_cast %parallel_loop3A_1555 : i32 to index
      %parallel_loop3A_1563 = arith.index_cast %parallel_loop3A_1559 : i32 to index
      %parallel_loop3A_1564 = tpu.vector_load %arg7[%parallel_loop3A_1561, %parallel_loop3A_1562, %parallel_loop3A_1563] {strides = array<i32>} : memref<2x16x1024xf32, #tpu.memory_space<vmem>>, vector<1x1x16xf32>,
      %parallel_loop3A_1565 = vector.shape_cast %parallel_loop3A_1564 : vector<1x1x16xf32> to vector<16xf32>
      %parallel_loop3A_1566 = arith.constant 3.200000e+01 : f32
      %parallel_loop3A_1567 = vector.broadcast %parallel_loop3A_1566 : f32 to vector<16xf32>
      %parallel_loop3A_1568 = arith.mulf %parallel_loop3A_1565, %parallel_loop3A_1567 : vector<16xf32>
      %parallel_loop3A_1569 = arith.constant 0 : i32
      %parallel_loop3A_1570 = arith.index_cast %parallel_loop3A_1569 : i32 to index
      %parallel_loop3A_1571 = arith.index_cast %parallel_loop3A_1555 : i32 to index
      %parallel_loop3A_1572 = arith.index_cast %parallel_loop3A_1559 : i32 to index
      %parallel_loop3A_1573 = tpu.vector_load %arg8[%parallel_loop3A_1570, %parallel_loop3A_1571, %parallel_loop3A_1572] {strides = array<i32>} : memref<2x16x1024xf32, #tpu.memory_space<vmem>>, vector<1x1x16xf32>,
      %parallel_loop3A_1574 = vector.shape_cast %parallel_loop3A_1573 : vector<1x1x16xf32> to vector<16xf32>
      %parallel_loop3A_1575 = arith.addf %parallel_loop3A_1568, %parallel_loop3A_1574 : vector<16xf32>
      %parallel_loop3A_1576 = arith.constant 0 : i32
      %parallel_loop3A_1577 = arith.index_cast %parallel_loop3A_1576 : i32 to index
      %parallel_loop3A_1578 = arith.index_cast %parallel_loop3A_1555 : i32 to index
      %parallel_loop3A_1579 = arith.index_cast %parallel_loop3A_1559 : i32 to index
      %parallel_loop3A_1580 = tpu.vector_load %arg9[%parallel_loop3A_1577, %parallel_loop3A_1578, %parallel_loop3A_1579] {strides = array<i32>} : memref<2x16x1024xf32, #tpu.memory_space<vmem>>, vector<1x1x16xf32>,
      %parallel_loop3A_1581 = vector.shape_cast %parallel_loop3A_1580 : vector<1x1x16xf32> to vector<16xf32>
      %parallel_loop3A_1582 = vector.shape_cast %parallel_loop3A_1575 : vector<16xf32> to vector<1x1x16xf32>
      tpu.vector_store %arg9[%parallel_loop3A_1577, %parallel_loop3A_1578, %parallel_loop3A_1579], %parallel_loop3A_1582 {strides = array<i32>} : memref<2x16x1024xf32, #tpu.memory_space<vmem>>, vector<1x1x16xf32>,
    } {sc.loop_unroll_factor = 8 : i64, sc.parallel_access}
    %add3A_95 = arith.constant 0 : i32
    %add3A_96 = arith.addi %mul3A_2, %add3A_95 : i32
    %dma_start3A_97 = arith.constant 0 : i32
    %dma_start3A_98 = arith.constant 0 : i32
    %dma_start3A_99 = arith.constant 0 : i32
    %dma_start3A_100 = arith.constant 0 : i32
    %dma_start3A_101 = tpu.memref_slice %arg9[%dma_start3A_97, %dma_start3A_99, %dma_start3A_100] : memref<2x16x1024xf32, #tpu.memory_space<vmem>> -> memref<1x16x1024xf32, #tpu.memory_space<vmem>>
    %dma_start3A_102 = tpu.memref_squeeze %dma_start3A_101 : memref<1x16x1024xf32, #tpu.memory_space<vmem>> -> memref<16x1024xf32, #tpu.memory_space<vmem>>
    %dma_start3A_103 = arith.constant 0 : i32
    %dma_start3A_104 = tpu.memref_slice %arg5[%add3A_96, %dma_start3A_103] : memref<8192x1024xf32, #tpu.memory_space<hbm>> -> memref<16x1024xf32, #tpu.memory_space<hbm>>
    %dma_start3A_105 = tpu.memref_slice %arg12[%dma_start3A_98] : memref<2x!tpu.dma_semaphore, #tpu.memory_space<semaphore_mem>> -> memref<1x!tpu.dma_semaphore, #tpu.memory_space<semaphore_mem>>
    %dma_start3A_106 = tpu.memref_squeeze %dma_start3A_105 : memref<1x!tpu.dma_semaphore, #tpu.memory_space<semaphore_mem>> -> memref<!tpu.dma_semaphore, #tpu.memory_space<semaphore_mem>>
    %dma_start3A_107 = arith.constant 0 : i32
    %dma_start3A_108 = tpu.memref_slice %arg5[%add3A_96, %dma_start3A_107] : memref<8192x1024xf32, #tpu.memory_space<hbm>> -> memref<16x1024xf32, #tpu.memory_space<hbm>>
    %dma_start3A_109 = arith.constant 0 : i32
    %dma_start3A_110 = arith.constant 0 : i32
    %dma_start3A_111 = tpu.memref_slice %arg9[%dma_start3A_97, %dma_start3A_109, %dma_start3A_110] : memref<2x16x1024xf32, #tpu.memory_space<vmem>> -> memref<1x16x1024xf32, #tpu.memory_space<vmem>>
    %dma_start3A_112 = tpu.memref_squeeze %dma_start3A_111 : memref<1x16x1024xf32, #tpu.memory_space<vmem>> -> memref<16x1024xf32, #tpu.memory_space<vmem>>
    tpu.enqueue_dma source(%dma_start3A_112 : memref<16x1024xf32, #tpu.memory_space<vmem>>) target(%dma_start3A_108 : memref<16x1024xf32, #tpu.memory_space<hbm>>) target_semaphore(%dma_start3A_106 : memref<!tpu.dma_semaphore, #tpu.memory_space<semaphore_mem>>)
    %dma_start3A_113 = arith.constant 0 : i32
    %dma_start3A_114 = arith.constant 0 : i32
    %dma_start3A_115 = arith.constant 0 : i32
    %dma_start3A_116 = arith.constant 0 : i32
    %dma_start3A_117 = tpu.memref_slice %arg7[%dma_start3A_113, %dma_start3A_115, %dma_start3A_116] : memref<2x16x1024xf32, #tpu.memory_space<vmem>> -> memref<1x16x1024xf32, #tpu.memory_space<vmem>>
    %dma_start3A_118 = tpu.memref_squeeze %dma_start3A_117 : memref<1x16x1024xf32, #tpu.memory_space<vmem>> -> memref<16x1024xf32, #tpu.memory_space<vmem>>
    %dma_start3A_119 = arith.constant 32 : i32
    %dma_start3A_120 = tpu.memref_slice %arg6[%dma_start3A_119] : memref<256xi32, #tpu.memory_space<vmem>> -> memref<16xi32, #tpu.memory_space<vmem>>
    %dma_start3A_121 = arith.constant 0 : i32
    %dma_start3A_122 = arith.constant 0 : i32
    %dma_start3A_123 = tpu.memref_slice %arg3[%dma_start3A_121, %dma_start3A_122] : memref<100000x1024xf32, #tpu.memory_space<hbm>> -> memref<100000x1024xf32, #tpu.memory_space<hbm>>
    %dma_start3A_124 = tpu.memref_slice %arg10[%dma_start3A_114] : memref<2x!tpu.dma_semaphore, #tpu.memory_space<semaphore_mem>> -> memref<1x!tpu.dma_semaphore, #tpu.memory_space<semaphore_mem>>
    %dma_start3A_125 = tpu.memref_squeeze %dma_start3A_124 : memref<1x!tpu.dma_semaphore, #tpu.memory_space<semaphore_mem>> -> memref<!tpu.dma_semaphore, #tpu.memory_space<semaphore_mem>>
    tpu.enqueue_indirect_dma source(%dma_start3A_123 : memref<100000x1024xf32, #tpu.memory_space<hbm>>) target(%dma_start3A_118 : memref<16x1024xf32, #tpu.memory_space<vmem>>) offsets(%dma_start3A_120 : memref<16xi32, #tpu.memory_space<vmem>>) semaphore(%dma_start3A_125 : memref<!tpu.dma_semaphore, #tpu.memory_space<semaphore_mem>>)
    %add3A_126 = arith.constant 32 : i32
    %add3A_127 = arith.addi %rem3A_3, %add3A_126 : i32
    %dma_start3A_128 = arith.constant 0 : i32
    %dma_start3A_129 = arith.constant 0 : i32
    %dma_start3A_130 = arith.constant 0 : i32
    %dma_start3A_131 = arith.constant 0 : i32
    %dma_start3A_132 = tpu.memref_slice %arg8[%dma_start3A_128, %dma_start3A_130, %dma_start3A_131] : memref<2x16x1024xf32, #tpu.memory_space<vmem>> -> memref<1x16x1024xf32, #tpu.memory_space<vmem>>
    %dma_start3A_133 = tpu.memref_squeeze %dma_start3A_132 : memref<1x16x1024xf32, #tpu.memory_space<vmem>> -> memref<16x1024xf32, #tpu.memory_space<vmem>>
    %dma_start3A_134 = arith.constant 0 : i32
    %dma_start3A_135 = tpu.memref_slice %arg4[%add3A_127, %dma_start3A_134] : memref<2048x1024xf32, #tpu.memory_space<hbm>> -> memref<16x1024xf32, #tpu.memory_space<hbm>>
    %dma_start3A_136 = tpu.memref_slice %arg11[%dma_start3A_129] : memref<2x!tpu.dma_semaphore, #tpu.memory_space<semaphore_mem>> -> memref<1x!tpu.dma_semaphore, #tpu.memory_space<semaphore_mem>>
    %dma_start3A_137 = tpu.memref_squeeze %dma_start3A_136 : memref<1x!tpu.dma_semaphore, #tpu.memory_space<semaphore_mem>> -> memref<!tpu.dma_semaphore, #tpu.memory_space<semaphore_mem>>
    %dma_start3A_138 = arith.constant 0 : i32
    %dma_start3A_139 = arith.constant 0 : i32
    %dma_start3A_140 = tpu.memref_slice %arg8[%dma_start3A_128, %dma_start3A_138, %dma_start3A_139] : memref<2x16x1024xf32, #tpu.memory_space<vmem>> -> memref<1x16x1024xf32, #tpu.memory_space<vmem>>
    %dma_start3A_141 = tpu.memref_squeeze %dma_start3A_140 : memref<1x16x1024xf32, #tpu.memory_space<vmem>> -> memref<16x1024xf32, #tpu.memory_space<vmem>>
    %dma_start3A_142 = arith.constant 0 : i32
    %dma_start3A_143 = tpu.memref_slice %arg4[%add3A_127, %dma_start3A_142] : memref<2048x1024xf32, #tpu.memory_space<hbm>> -> memref<16x1024xf32, #tpu.memory_space<hbm>>
    tpu.enqueue_dma source(%dma_start3A_143 : memref<16x1024xf32, #tpu.memory_space<hbm>>) target(%dma_start3A_141 : memref<16x1024xf32, #tpu.memory_space<vmem>>) target_semaphore(%dma_start3A_137 : memref<!tpu.dma_semaphore, #tpu.memory_space<semaphore_mem>>)
    %dma_wait3A_144 = arith.constant 1 : i32
    %dma_wait3A_145 = arith.constant 1 : i32
    %dma_wait3A_146 = arith.constant 0 : i32
    %dma_wait3A_147 = arith.constant 0 : i32
    %dma_wait3A_148 = tpu.memref_slice %arg7[%dma_wait3A_144, %dma_wait3A_146, %dma_wait3A_147] : memref<2x16x1024xf32, #tpu.memory_space<vmem>> -> memref<1x16x1024xf32, #tpu.memory_space<vmem>>
    %dma_wait3A_149 = tpu.memref_squeeze %dma_wait3A_148 : memref<1x16x1024xf32, #tpu.memory_space<vmem>> -> memref<16x1024xf32, #tpu.memory_space<vmem>>
    %dma_wait3A_150 = arith.constant 16 : i32
    %dma_wait3A_151 = tpu.memref_slice %arg6[%dma_wait3A_150] : memref<256xi32, #tpu.memory_space<vmem>> -> memref<16xi32, #tpu.memory_space<vmem>>
    %dma_wait3A_152 = arith.constant 0 : i32
    %dma_wait3A_153 = arith.constant 0 : i32
    %dma_wait3A_154 = tpu.memref_slice %arg3[%dma_wait3A_152, %dma_wait3A_153] : memref<100000x1024xf32, #tpu.memory_space<hbm>> -> memref<100000x1024xf32, #tpu.memory_space<hbm>>
    %dma_wait3A_155 = tpu.memref_slice %arg10[%dma_wait3A_145] : memref<2x!tpu.dma_semaphore, #tpu.memory_space<semaphore_mem>> -> memref<1x!tpu.dma_semaphore, #tpu.memory_space<semaphore_mem>>
    %dma_wait3A_156 = tpu.memref_squeeze %dma_wait3A_155 : memref<1x!tpu.dma_semaphore, #tpu.memory_space<semaphore_mem>> -> memref<!tpu.dma_semaphore, #tpu.memory_space<semaphore_mem>>
    tpu.wait_indirect_dma semaphore(%dma_wait3A_156 : memref<!tpu.dma_semaphore, #tpu.memory_space<semaphore_mem>>) src(%dma_wait3A_154 : memref<100000x1024xf32, #tpu.memory_space<hbm>>) dst(%dma_wait3A_149 : memref<16x1024xf32, #tpu.memory_space<vmem>>)
    %dma_wait3A_157 = arith.constant 1 : i32
    %dma_wait3A_158 = arith.constant 1 : i32
    %dma_wait3A_159 = arith.constant 0 : i32
    %dma_wait3A_160 = arith.constant 0 : i32
    %dma_wait3A_161 = tpu.memref_slice %arg8[%dma_wait3A_157, %dma_wait3A_159, %dma_wait3A_160] : memref<2x16x1024xf32, #tpu.memory_space<vmem>> -> memref<1x16x1024xf32, #tpu.memory_space<vmem>>
    %dma_wait3A_162 = tpu.memref_squeeze %dma_wait3A_161 : memref<1x16x1024xf32, #tpu.memory_space<vmem>> -> memref<16x1024xf32, #tpu.memory_space<vmem>>
    %dma_wait3A_163 = arith.constant 0 : i32
    %dma_wait3A_164 = tpu.memref_slice %arg4[%add3A_48, %dma_wait3A_163] : memref<2048x1024xf32, #tpu.memory_space<hbm>> -> memref<16x1024xf32, #tpu.memory_space<hbm>>
    %dma_wait3A_165 = tpu.memref_slice %arg11[%dma_wait3A_158] : memref<2x!tpu.dma_semaphore, #tpu.memory_space<semaphore_mem>> -> memref<1x!tpu.dma_semaphore, #tpu.memory_space<semaphore_mem>>
    %dma_wait3A_166 = tpu.memref_squeeze %dma_wait3A_165 : memref<1x!tpu.dma_semaphore, #tpu.memory_space<semaphore_mem>> -> memref<!tpu.dma_semaphore, #tpu.memory_space<semaphore_mem>>
    %dma_wait3A_167 = arith.constant 0 : i32
    %dma_wait3A_168 = arith.constant 0 : i32
    %dma_wait3A_169 = tpu.memref_slice %arg8[%dma_wait3A_157, %dma_wait3A_167, %dma_wait3A_168] : memref<2x16x1024xf32, #tpu.memory_space<vmem>> -> memref<1x16x1024xf32, #tpu.memory_space<vmem>>
    %dma_wait3A_170 = tpu.memref_squeeze %dma_wait3A_169 : memref<1x16x1024xf32, #tpu.memory_space<vmem>> -> memref<16x1024xf32, #tpu.memory_space<vmem>>
    %dma_wait3A_171 = arith.constant 0 : i32
    %dma_wait3A_172 = tpu.memref_slice %arg4[%add3A_48, %dma_wait3A_171] : memref<2048x1024xf32, #tpu.memory_space<hbm>> -> memref<16x1024xf32, #tpu.memory_space<hbm>>
    tpu.wait_dma2 semaphore(%dma_wait3A_166 : memref<!tpu.dma_semaphore, #tpu.memory_space<semaphore_mem>>) src(%dma_wait3A_172 : memref<16x1024xf32, #tpu.memory_space<hbm>>) dst(%dma_wait3A_170 : memref<16x1024xf32, #tpu.memory_space<vmem>>)
    %parallel_loop3A_173 = arith.constant 0 : i32
    %parallel_loop3A_174 = arith.constant 1024 : i32
    %parallel_loop3A_175 = arith.constant 1 : i32
    scf.for %parallel_loop3A_1553 = %parallel_loop3A_173 to %parallel_loop3A_174 step %parallel_loop3A_175  : i32 {
      %parallel_loop3A_1554 = arith.constant 6 : i32
      %parallel_loop3A_1555 = arith.shrui %parallel_loop3A_1553, %parallel_loop3A_1554 : i32
      %parallel_loop3A_1556 = arith.constant 63 : i32
      %parallel_loop3A_1557 = arith.andi %parallel_loop3A_1553, %parallel_loop3A_1556 : i32
      %parallel_loop3A_1558 = arith.constant 16 : i32
      %parallel_loop3A_1559 = arith.muli %parallel_loop3A_1557, %parallel_loop3A_1558 : i32
      %parallel_loop3A_1560 = arith.constant 1 : i32
      %parallel_loop3A_1561 = arith.index_cast %parallel_loop3A_1560 : i32 to index
      %parallel_loop3A_1562 = arith.index_cast %parallel_loop3A_1555 : i32 to index
      %parallel_loop3A_1563 = arith.index_cast %parallel_loop3A_1559 : i32 to index
      %parallel_loop3A_1564 = tpu.vector_load %arg7[%parallel_loop3A_1561, %parallel_loop3A_1562, %parallel_loop3A_1563] {strides = array<i32>} : memref<2x16x1024xf32, #tpu.memory_space<vmem>>, vector<1x1x16xf32>,
      %parallel_loop3A_1565 = vector.shape_cast %parallel_loop3A_1564 : vector<1x1x16xf32> to vector<16xf32>
      %parallel_loop3A_1566 = arith.constant 3.200000e+01 : f32
      %parallel_loop3A_1567 = vector.broadcast %parallel_loop3A_1566 : f32 to vector<16xf32>
      %parallel_loop3A_1568 = arith.mulf %parallel_loop3A_1565, %parallel_loop3A_1567 : vector<16xf32>
      %parallel_loop3A_1569 = arith.constant 1 : i32
      %parallel_loop3A_1570 = arith.index_cast %parallel_loop3A_1569 : i32 to index
      %parallel_loop3A_1571 = arith.index_cast %parallel_loop3A_1555 : i32 to index
      %parallel_loop3A_1572 = arith.index_cast %parallel_loop3A_1559 : i32 to index
      %parallel_loop3A_1573 = tpu.vector_load %arg8[%parallel_loop3A_1570, %parallel_loop3A_1571, %parallel_loop3A_1572] {strides = array<i32>} : memref<2x16x1024xf32, #tpu.memory_space<vmem>>, vector<1x1x16xf32>,
      %parallel_loop3A_1574 = vector.shape_cast %parallel_loop3A_1573 : vector<1x1x16xf32> to vector<16xf32>
      %parallel_loop3A_1575 = arith.addf %parallel_loop3A_1568, %parallel_loop3A_1574 : vector<16xf32>
      %parallel_loop3A_1576 = arith.constant 1 : i32
      %parallel_loop3A_1577 = arith.index_cast %parallel_loop3A_1576 : i32 to index
      %parallel_loop3A_1578 = arith.index_cast %parallel_loop3A_1555 : i32 to index
      %parallel_loop3A_1579 = arith.index_cast %parallel_loop3A_1559 : i32 to index
      %parallel_loop3A_1580 = tpu.vector_load %arg9[%parallel_loop3A_1577, %parallel_loop3A_1578, %parallel_loop3A_1579] {strides = array<i32>} : memref<2x16x1024xf32, #tpu.memory_space<vmem>>, vector<1x1x16xf32>,
      %parallel_loop3A_1581 = vector.shape_cast %parallel_loop3A_1580 : vector<1x1x16xf32> to vector<16xf32>
      %parallel_loop3A_1582 = vector.shape_cast %parallel_loop3A_1575 : vector<16xf32> to vector<1x1x16xf32>
      tpu.vector_store %arg9[%parallel_loop3A_1577, %parallel_loop3A_1578, %parallel_loop3A_1579], %parallel_loop3A_1582 {strides = array<i32>} : memref<2x16x1024xf32, #tpu.memory_space<vmem>>, vector<1x1x16xf32>,
    } {sc.loop_unroll_factor = 8 : i64, sc.parallel_access}
    %add3A_176 = arith.constant 16 : i32
    %add3A_177 = arith.addi %mul3A_2, %add3A_176 : i32
    %dma_start3A_178 = arith.constant 1 : i32
    %dma_start3A_179 = arith.constant 1 : i32
    %dma_start3A_180 = arith.constant 0 : i32
    %dma_start3A_181 = arith.constant 0 : i32
    %dma_start3A_182 = tpu.memref_slice %arg9[%dma_start3A_178, %dma_start3A_180, %dma_start3A_181] : memref<2x16x1024xf32, #tpu.memory_space<vmem>> -> memref<1x16x1024xf32, #tpu.memory_space<vmem>>
    %dma_start3A_183 = tpu.memref_squeeze %dma_start3A_182 : memref<1x16x1024xf32, #tpu.memory_space<vmem>> -> memref<16x1024xf32, #tpu.memory_space<vmem>>
    %dma_start3A_184 = arith.constant 0 : i32
    %dma_start3A_185 = tpu.memref_slice %arg5[%add3A_177, %dma_start3A_184] : memref<8192x1024xf32, #tpu.memory_space<hbm>> -> memref<16x1024xf32, #tpu.memory_space<hbm>>
    %dma_start3A_186 = tpu.memref_slice %arg12[%dma_start3A_179] : memref<2x!tpu.dma_semaphore, #tpu.memory_space<semaphore_mem>> -> memref<1x!tpu.dma_semaphore, #tpu.memory_space<semaphore_mem>>
    %dma_start3A_187 = tpu.memref_squeeze %dma_start3A_186 : memref<1x!tpu.dma_semaphore, #tpu.memory_space<semaphore_mem>> -> memref<!tpu.dma_semaphore, #tpu.memory_space<semaphore_mem>>
    %dma_start3A_188 = arith.constant 0 : i32
    %dma_start3A_189 = tpu.memref_slice %arg5[%add3A_177, %dma_start3A_188] : memref<8192x1024xf32, #tpu.memory_space<hbm>> -> memref<16x1024xf32, #tpu.memory_space<hbm>>
    %dma_start3A_190 = arith.constant 0 : i32
    %dma_start3A_191 = arith.constant 0 : i32
    %dma_start3A_192 = tpu.memref_slice %arg9[%dma_start3A_178, %dma_start3A_190, %dma_start3A_191] : memref<2x16x1024xf32, #tpu.memory_space<vmem>> -> memref<1x16x1024xf32, #tpu.memory_space<vmem>>
    %dma_start3A_193 = tpu.memref_squeeze %dma_start3A_192 : memref<1x16x1024xf32, #tpu.memory_space<vmem>> -> memref<16x1024xf32, #tpu.memory_space<vmem>>
    tpu.enqueue_dma source(%dma_start3A_193 : memref<16x1024xf32, #tpu.memory_space<vmem>>) target(%dma_start3A_189 : memref<16x1024xf32, #tpu.memory_space<hbm>>) target_semaphore(%dma_start3A_187 : memref<!tpu.dma_semaphore, #tpu.memory_space<semaphore_mem>>)
    %dma_start3A_194 = arith.constant 1 : i32
    %dma_start3A_195 = arith.constant 1 : i32
    %dma_start3A_196 = arith.constant 0 : i32
    %dma_start3A_197 = arith.constant 0 : i32
    %dma_start3A_198 = tpu.memref_slice %arg7[%dma_start3A_194, %dma_start3A_196, %dma_start3A_197] : memref<2x16x1024xf32, #tpu.memory_space<vmem>> -> memref<1x16x1024xf32, #tpu.memory_space<vmem>>
    %dma_start3A_199 = tpu.memref_squeeze %dma_start3A_198 : memref<1x16x1024xf32, #tpu.memory_space<vmem>> -> memref<16x1024xf32, #tpu.memory_space<vmem>>
    %dma_start3A_200 = arith.constant 48 : i32
    %dma_start3A_201 = tpu.memref_slice %arg6[%dma_start3A_200] : memref<256xi32, #tpu.memory_space<vmem>> -> memref<16xi32, #tpu.memory_space<vmem>>
    %dma_start3A_202 = arith.constant 0 : i32
    %dma_start3A_203 = arith.constant 0 : i32
    %dma_start3A_204 = tpu.memref_slice %arg3[%dma_start3A_202, %dma_start3A_203] : memref<100000x1024xf32, #tpu.memory_space<hbm>> -> memref<100000x1024xf32, #tpu.memory_space<hbm>>
    %dma_start3A_205 = tpu.memref_slice %arg10[%dma_start3A_195] : memref<2x!tpu.dma_semaphore, #tpu.memory_space<semaphore_mem>> -> memref<1x!tpu.dma_semaphore, #tpu.memory_space<semaphore_mem>>
    %dma_start3A_206 = tpu.memref_squeeze %dma_start3A_205 : memref<1x!tpu.dma_semaphore, #tpu.memory_space<semaphore_mem>> -> memref<!tpu.dma_semaphore, #tpu.memory_space<semaphore_mem>>
    tpu.enqueue_indirect_dma source(%dma_start3A_204 : memref<100000x1024xf32, #tpu.memory_space<hbm>>) target(%dma_start3A_199 : memref<16x1024xf32, #tpu.memory_space<vmem>>) offsets(%dma_start3A_201 : memref<16xi32, #tpu.memory_space<vmem>>) semaphore(%dma_start3A_206 : memref<!tpu.dma_semaphore, #tpu.memory_space<semaphore_mem>>)
    %add3A_207 = arith.constant 48 : i32
    %add3A_208 = arith.addi %rem3A_3, %add3A_207 : i32
    %dma_start3A_209 = arith.constant 1 : i32
    %dma_start3A_210 = arith.constant 1 : i32
    %dma_start3A_211 = arith.constant 0 : i32
    %dma_start3A_212 = arith.constant 0 : i32
    %dma_start3A_213 = tpu.memref_slice %arg8[%dma_start3A_209, %dma_start3A_211, %dma_start3A_212] : memref<2x16x1024xf32, #tpu.memory_space<vmem>> -> memref<1x16x1024xf32, #tpu.memory_space<vmem>>
    %dma_start3A_214 = tpu.memref_squeeze %dma_start3A_213 : memref<1x16x1024xf32, #tpu.memory_space<vmem>> -> memref<16x1024xf32, #tpu.memory_space<vmem>>
    %dma_start3A_215 = arith.constant 0 : i32
    %dma_start3A_216 = tpu.memref_slice %arg4[%add3A_208, %dma_start3A_215] : memref<2048x1024xf32, #tpu.memory_space<hbm>> -> memref<16x1024xf32, #tpu.memory_space<hbm>>
    %dma_start3A_217 = tpu.memref_slice %arg11[%dma_start3A_210] : memref<2x!tpu.dma_semaphore, #tpu.memory_space<semaphore_mem>> -> memref<1x!tpu.dma_semaphore, #tpu.memory_space<semaphore_mem>>
    %dma_start3A_218 = tpu.memref_squeeze %dma_start3A_217 : memref<1x!tpu.dma_semaphore, #tpu.memory_space<semaphore_mem>> -> memref<!tpu.dma_semaphore, #tpu.memory_space<semaphore_mem>>
    %dma_start3A_219 = arith.constant 0 : i32
    %dma_start3A_220 = arith.constant 0 : i32
    %dma_start3A_221 = tpu.memref_slice %arg8[%dma_start3A_209, %dma_start3A_219, %dma_start3A_220] : memref<2x16x1024xf32, #tpu.memory_space<vmem>> -> memref<1x16x1024xf32, #tpu.memory_space<vmem>>
    %dma_start3A_222 = tpu.memref_squeeze %dma_start3A_221 : memref<1x16x1024xf32, #tpu.memory_space<vmem>> -> memref<16x1024xf32, #tpu.memory_space<vmem>>
    %dma_start3A_223 = arith.constant 0 : i32
    %dma_start3A_224 = tpu.memref_slice %arg4[%add3A_208, %dma_start3A_223] : memref<2048x1024xf32, #tpu.memory_space<hbm>> -> memref<16x1024xf32, #tpu.memory_space<hbm>>
    tpu.enqueue_dma source(%dma_start3A_224 : memref<16x1024xf32, #tpu.memory_space<hbm>>) target(%dma_start3A_222 : memref<16x1024xf32, #tpu.memory_space<vmem>>) target_semaphore(%dma_start3A_218 : memref<!tpu.dma_semaphore, #tpu.memory_space<semaphore_mem>>)
    %dma_wait3A_225 = arith.constant 0 : i32
    %dma_wait3A_226 = arith.constant 0 : i32
    %dma_wait3A_227 = arith.constant 0 : i32
    %dma_wait3A_228 = arith.constant 0 : i32
    %dma_wait3A_229 = tpu.memref_slice %arg7[%dma_wait3A_225, %dma_wait3A_227, %dma_wait3A_228] : memref<2x16x1024xf32, #tpu.memory_space<vmem>> -> memref<1x16x1024xf32, #tpu.memory_space<vmem>>
    %dma_wait3A_230 = tpu.memref_squeeze %dma_wait3A_229 : memref<1x16x1024xf32, #tpu.memory_space<vmem>> -> memref<16x1024xf32, #tpu.memory_space<vmem>>
    %dma_wait3A_231 = arith.constant 32 : i32
    %dma_wait3A_232 = tpu.memref_slice %arg6[%dma_wait3A_231] : memref<256xi32, #tpu.memory_space<vmem>> -> memref<16xi32, #tpu.memory_space<vmem>>
    %dma_wait3A_233 = arith.constant 0 : i32
    %dma_wait3A_234 = arith.constant 0 : i32
    %dma_wait3A_235 = tpu.memref_slice %arg3[%dma_wait3A_233, %dma_wait3A_234] : memref<100000x1024xf32, #tpu.memory_space<hbm>> -> memref<100000x1024xf32, #tpu.memory_space<hbm>>
    %dma_wait3A_236 = tpu.memref_slice %arg10[%dma_wait3A_226] : memref<2x!tpu.dma_semaphore, #tpu.memory_space<semaphore_mem>> -> memref<1x!tpu.dma_semaphore, #tpu.memory_space<semaphore_mem>>
    %dma_wait3A_237 = tpu.memref_squeeze %dma_wait3A_236 : memref<1x!tpu.dma_semaphore, #tpu.memory_space<semaphore_mem>> -> memref<!tpu.dma_semaphore, #tpu.memory_space<semaphore_mem>>
    tpu.wait_indirect_dma semaphore(%dma_wait3A_237 : memref<!tpu.dma_semaphore, #tpu.memory_space<semaphore_mem>>) src(%dma_wait3A_235 : memref<100000x1024xf32, #tpu.memory_space<hbm>>) dst(%dma_wait3A_230 : memref<16x1024xf32, #tpu.memory_space<vmem>>)
    %dma_wait3A_238 = arith.constant 0 : i32
    %dma_wait3A_239 = arith.constant 0 : i32
    %dma_wait3A_240 = arith.constant 0 : i32
    %dma_wait3A_241 = arith.constant 0 : i32
    %dma_wait3A_242 = tpu.memref_slice %arg8[%dma_wait3A_238, %dma_wait3A_240, %dma_wait3A_241] : memref<2x16x1024xf32, #tpu.memory_space<vmem>> -> memref<1x16x1024xf32, #tpu.memory_space<vmem>>
    %dma_wait3A_243 = tpu.memref_squeeze %dma_wait3A_242 : memref<1x16x1024xf32, #tpu.memory_space<vmem>> -> memref<16x1024xf32, #tpu.memory_space<vmem>>
    %dma_wait3A_244 = arith.constant 0 : i32
    %dma_wait3A_245 = tpu.memref_slice %arg4[%add3A_127, %dma_wait3A_244] : memref<2048x1024xf32, #tpu.memory_space<hbm>> -> memref<16x1024xf32, #tpu.memory_space<hbm>>
    %dma_wait3A_246 = tpu.memref_slice %arg11[%dma_wait3A_239] : memref<2x!tpu.dma_semaphore, #tpu.memory_space<semaphore_mem>> -> memref<1x!tpu.dma_semaphore, #tpu.memory_space<semaphore_mem>>
    %dma_wait3A_247 = tpu.memref_squeeze %dma_wait3A_246 : memref<1x!tpu.dma_semaphore, #tpu.memory_space<semaphore_mem>> -> memref<!tpu.dma_semaphore, #tpu.memory_space<semaphore_mem>>
    %dma_wait3A_248 = arith.constant 0 : i32
    %dma_wait3A_249 = arith.constant 0 : i32
    %dma_wait3A_250 = tpu.memref_slice %arg8[%dma_wait3A_238, %dma_wait3A_248, %dma_wait3A_249] : memref<2x16x1024xf32, #tpu.memory_space<vmem>> -> memref<1x16x1024xf32, #tpu.memory_space<vmem>>
    %dma_wait3A_251 = tpu.memref_squeeze %dma_wait3A_250 : memref<1x16x1024xf32, #tpu.memory_space<vmem>> -> memref<16x1024xf32, #tpu.memory_space<vmem>>
    %dma_wait3A_252 = arith.constant 0 : i32
    %dma_wait3A_253 = tpu.memref_slice %arg4[%add3A_127, %dma_wait3A_252] : memref<2048x1024xf32, #tpu.memory_space<hbm>> -> memref<16x1024xf32, #tpu.memory_space<hbm>>
    tpu.wait_dma2 semaphore(%dma_wait3A_247 : memref<!tpu.dma_semaphore, #tpu.memory_space<semaphore_mem>>) src(%dma_wait3A_253 : memref<16x1024xf32, #tpu.memory_space<hbm>>) dst(%dma_wait3A_251 : memref<16x1024xf32, #tpu.memory_space<vmem>>)
    %dma_wait3A_254 = arith.constant 0 : i32
    %dma_wait3A_255 = arith.constant 0 : i32
    %dma_wait3A_256 = arith.constant 0 : i32
    %dma_wait3A_257 = arith.constant 0 : i32
    %dma_wait3A_258 = tpu.memref_slice %arg9[%dma_wait3A_254, %dma_wait3A_256, %dma_wait3A_257] : memref<2x16x1024xf32, #tpu.memory_space<vmem>> -> memref<1x16x1024xf32, #tpu.memory_space<vmem>>
    %dma_wait3A_259 = tpu.memref_squeeze %dma_wait3A_258 : memref<1x16x1024xf32, #tpu.memory_space<vmem>> -> memref<16x1024xf32, #tpu.memory_space<vmem>>
    %dma_wait3A_260 = arith.constant 0 : i32
    %dma_wait3A_261 = tpu.memref_slice %arg5[%add3A_96, %dma_wait3A_260] : memref<8192x1024xf32, #tpu.memory_space<hbm>> -> memref<16x1024xf32, #tpu.memory_space<hbm>>
    %dma_wait3A_262 = tpu.memref_slice %arg12[%dma_wait3A_255] : memref<2x!tpu.dma_semaphore, #tpu.memory_space<semaphore_mem>> -> memref<1x!tpu.dma_semaphore, #tpu.memory_space<semaphore_mem>>
    %dma_wait3A_263 = tpu.memref_squeeze %dma_wait3A_262 : memref<1x!tpu.dma_semaphore, #tpu.memory_space<semaphore_mem>> -> memref<!tpu.dma_semaphore, #tpu.memory_space<semaphore_mem>>
    %dma_wait3A_264 = arith.constant 0 : i32
    %dma_wait3A_265 = tpu.memref_slice %arg5[%add3A_96, %dma_wait3A_264] : memref<8192x1024xf32, #tpu.memory_space<hbm>> -> memref<16x1024xf32, #tpu.memory_space<hbm>>
    %dma_wait3A_266 = arith.constant 0 : i32
    %dma_wait3A_267 = arith.constant 0 : i32
    %dma_wait3A_268 = tpu.memref_slice %arg9[%dma_wait3A_254, %dma_wait3A_266, %dma_wait3A_267] : memref<2x16x1024xf32, #tpu.memory_space<vmem>> -> memref<1x16x1024xf32, #tpu.memory_space<vmem>>
    %dma_wait3A_269 = tpu.memref_squeeze %dma_wait3A_268 : memref<1x16x1024xf32, #tpu.memory_space<vmem>> -> memref<16x1024xf32, #tpu.memory_space<vmem>>
    tpu.wait_dma2 semaphore(%dma_wait3A_263 : memref<!tpu.dma_semaphore, #tpu.memory_space<semaphore_mem>>) src(%dma_wait3A_269 : memref<16x1024xf32, #tpu.memory_space<vmem>>) dst(%dma_wait3A_265 : memref<16x1024xf32, #tpu.memory_space<hbm>>)
    %parallel_loop3A_270 = arith.constant 0 : i32
    %parallel_loop3A_271 = arith.constant 1024 : i32
    %parallel_loop3A_272 = arith.constant 1 : i32
    scf.for %parallel_loop3A_1553 = %parallel_loop3A_270 to %parallel_loop3A_271 step %parallel_loop3A_272  : i32 {
      %parallel_loop3A_1554 = arith.constant 6 : i32
      %parallel_loop3A_1555 = arith.shrui %parallel_loop3A_1553, %parallel_loop3A_1554 : i32
      %parallel_loop3A_1556 = arith.constant 63 : i32
      %parallel_loop3A_1557 = arith.andi %parallel_loop3A_1553, %parallel_loop3A_1556 : i32
      %parallel_loop3A_1558 = arith.constant 16 : i32
      %parallel_loop3A_1559 = arith.muli %parallel_loop3A_1557, %parallel_loop3A_1558 : i32
      %parallel_loop3A_1560 = arith.constant 0 : i32
      %parallel_loop3A_1561 = arith.index_cast %parallel_loop3A_1560 : i32 to index
      %parallel_loop3A_1562 = arith.index_cast %parallel_loop3A_1555 : i32 to index
      %parallel_loop3A_1563 = arith.index_cast %parallel_loop3A_1559 : i32 to index
      %parallel_loop3A_1564 = tpu.vector_load %arg7[%parallel_loop3A_1561, %parallel_loop3A_1562, %parallel_loop3A_1563] {strides = array<i32>} : memref<2x16x1024xf32, #tpu.memory_space<vmem>>, vector<1x1x16xf32>,
      %parallel_loop3A_1565 = vector.shape_cast %parallel_loop3A_1564 : vector<1x1x16xf32> to vector<16xf32>
      %parallel_loop3A_1566 = arith.constant 3.200000e+01 : f32
      %parallel_loop3A_1567 = vector.broadcast %parallel_loop3A_1566 : f32 to vector<16xf32>
      %parallel_loop3A_1568 = arith.mulf %parallel_loop3A_1565, %parallel_loop3A_1567 : vector<16xf32>
      %parallel_loop3A_1569 = arith.constant 0 : i32
      %parallel_loop3A_1570 = arith.index_cast %parallel_loop3A_1569 : i32 to index
      %parallel_loop3A_1571 = arith.index_cast %parallel_loop3A_1555 : i32 to index
      %parallel_loop3A_1572 = arith.index_cast %parallel_loop3A_1559 : i32 to index
      %parallel_loop3A_1573 = tpu.vector_load %arg8[%parallel_loop3A_1570, %parallel_loop3A_1571, %parallel_loop3A_1572] {strides = array<i32>} : memref<2x16x1024xf32, #tpu.memory_space<vmem>>, vector<1x1x16xf32>,
      %parallel_loop3A_1574 = vector.shape_cast %parallel_loop3A_1573 : vector<1x1x16xf32> to vector<16xf32>
      %parallel_loop3A_1575 = arith.addf %parallel_loop3A_1568, %parallel_loop3A_1574 : vector<16xf32>
      %parallel_loop3A_1576 = arith.constant 0 : i32
      %parallel_loop3A_1577 = arith.index_cast %parallel_loop3A_1576 : i32 to index
      %parallel_loop3A_1578 = arith.index_cast %parallel_loop3A_1555 : i32 to index
      %parallel_loop3A_1579 = arith.index_cast %parallel_loop3A_1559 : i32 to index
      %parallel_loop3A_1580 = tpu.vector_load %arg9[%parallel_loop3A_1577, %parallel_loop3A_1578, %parallel_loop3A_1579] {strides = array<i32>} : memref<2x16x1024xf32, #tpu.memory_space<vmem>>, vector<1x1x16xf32>,
      %parallel_loop3A_1581 = vector.shape_cast %parallel_loop3A_1580 : vector<1x1x16xf32> to vector<16xf32>
      %parallel_loop3A_1582 = vector.shape_cast %parallel_loop3A_1575 : vector<16xf32> to vector<1x1x16xf32>
      tpu.vector_store %arg9[%parallel_loop3A_1577, %parallel_loop3A_1578, %parallel_loop3A_1579], %parallel_loop3A_1582 {strides = array<i32>} : memref<2x16x1024xf32, #tpu.memory_space<vmem>>, vector<1x1x16xf32>,
    } {sc.loop_unroll_factor = 8 : i64, sc.parallel_access}
    %add3A_273 = arith.constant 32 : i32
    %add3A_274 = arith.addi %mul3A_2, %add3A_273 : i32
    %dma_start3A_275 = arith.constant 0 : i32
    %dma_start3A_276 = arith.constant 0 : i32
    %dma_start3A_277 = arith.constant 0 : i32
    %dma_start3A_278 = arith.constant 0 : i32
    %dma_start3A_279 = tpu.memref_slice %arg9[%dma_start3A_275, %dma_start3A_277, %dma_start3A_278] : memref<2x16x1024xf32, #tpu.memory_space<vmem>> -> memref<1x16x1024xf32, #tpu.memory_space<vmem>>
    %dma_start3A_280 = tpu.memref_squeeze %dma_start3A_279 : memref<1x16x1024xf32, #tpu.memory_space<vmem>> -> memref<16x1024xf32, #tpu.memory_space<vmem>>
    %dma_start3A_281 = arith.constant 0 : i32
    %dma_start3A_282 = tpu.memref_slice %arg5[%add3A_274, %dma_start3A_281] : memref<8192x1024xf32, #tpu.memory_space<hbm>> -> memref<16x1024xf32, #tpu.memory_space<hbm>>
    %dma_start3A_283 = tpu.memref_slice %arg12[%dma_start3A_276] : memref<2x!tpu.dma_semaphore, #tpu.memory_space<semaphore_mem>> -> memref<1x!tpu.dma_semaphore, #tpu.memory_space<semaphore_mem>>
    %dma_start3A_284 = tpu.memref_squeeze %dma_start3A_283 : memref<1x!tpu.dma_semaphore, #tpu.memory_space<semaphore_mem>> -> memref<!tpu.dma_semaphore, #tpu.memory_space<semaphore_mem>>
    %dma_start3A_285 = arith.constant 0 : i32
    %dma_start3A_286 = tpu.memref_slice %arg5[%add3A_274, %dma_start3A_285] : memref<8192x1024xf32, #tpu.memory_space<hbm>> -> memref<16x1024xf32, #tpu.memory_space<hbm>>
    %dma_start3A_287 = arith.constant 0 : i32
    %dma_start3A_288 = arith.constant 0 : i32
    %dma_start3A_289 = tpu.memref_slice %arg9[%dma_start3A_275, %dma_start3A_287, %dma_start3A_288] : memref<2x16x1024xf32, #tpu.memory_space<vmem>> -> memref<1x16x1024xf32, #tpu.memory_space<vmem>>
    %dma_start3A_290 = tpu.memref_squeeze %dma_start3A_289 : memref<1x16x1024xf32, #tpu.memory_space<vmem>> -> memref<16x1024xf32, #tpu.memory_space<vmem>>
    tpu.enqueue_dma source(%dma_start3A_290 : memref<16x1024xf32, #tpu.memory_space<vmem>>) target(%dma_start3A_286 : memref<16x1024xf32, #tpu.memory_space<hbm>>) target_semaphore(%dma_start3A_284 : memref<!tpu.dma_semaphore, #tpu.memory_space<semaphore_mem>>)
    %dma_start3A_291 = arith.constant 0 : i32
    %dma_start3A_292 = arith.constant 0 : i32
    %dma_start3A_293 = arith.constant 0 : i32
    %dma_start3A_294 = arith.constant 0 : i32
    %dma_start3A_295 = tpu.memref_slice %arg7[%dma_start3A_291, %dma_start3A_293, %dma_start3A_294] : memref<2x16x1024xf32, #tpu.memory_space<vmem>> -> memref<1x16x1024xf32, #tpu.memory_space<vmem>>
    %dma_start3A_296 = tpu.memref_squeeze %dma_start3A_295 : memref<1x16x1024xf32, #tpu.memory_space<vmem>> -> memref<16x1024xf32, #tpu.memory_space<vmem>>
    %dma_start3A_297 = arith.constant 64 : i32
    %dma_start3A_298 = tpu.memref_slice %arg6[%dma_start3A_297] : memref<256xi32, #tpu.memory_space<vmem>> -> memref<16xi32, #tpu.memory_space<vmem>>
    %dma_start3A_299 = arith.constant 0 : i32
    %dma_start3A_300 = arith.constant 0 : i32
    %dma_start3A_301 = tpu.memref_slice %arg3[%dma_start3A_299, %dma_start3A_300] : memref<100000x1024xf32, #tpu.memory_space<hbm>> -> memref<100000x1024xf32, #tpu.memory_space<hbm>>
    %dma_start3A_302 = tpu.memref_slice %arg10[%dma_start3A_292] : memref<2x!tpu.dma_semaphore, #tpu.memory_space<semaphore_mem>> -> memref<1x!tpu.dma_semaphore, #tpu.memory_space<semaphore_mem>>
    %dma_start3A_303 = tpu.memref_squeeze %dma_start3A_302 : memref<1x!tpu.dma_semaphore, #tpu.memory_space<semaphore_mem>> -> memref<!tpu.dma_semaphore, #tpu.memory_space<semaphore_mem>>
    tpu.enqueue_indirect_dma source(%dma_start3A_301 : memref<100000x1024xf32, #tpu.memory_space<hbm>>) target(%dma_start3A_296 : memref<16x1024xf32, #tpu.memory_space<vmem>>) offsets(%dma_start3A_298 : memref<16xi32, #tpu.memory_space<vmem>>) semaphore(%dma_start3A_303 : memref<!tpu.dma_semaphore, #tpu.memory_space<semaphore_mem>>)
    %add3A_304 = arith.constant 64 : i32
    %add3A_305 = arith.addi %rem3A_3, %add3A_304 : i32
    %dma_start3A_306 = arith.constant 0 : i32
    %dma_start3A_307 = arith.constant 0 : i32
    %dma_start3A_308 = arith.constant 0 : i32
    %dma_start3A_309 = arith.constant 0 : i32
    %dma_start3A_310 = tpu.memref_slice %arg8[%dma_start3A_306, %dma_start3A_308, %dma_start3A_309] : memref<2x16x1024xf32, #tpu.memory_space<vmem>> -> memref<1x16x1024xf32, #tpu.memory_space<vmem>>
    %dma_start3A_311 = tpu.memref_squeeze %dma_start3A_310 : memref<1x16x1024xf32, #tpu.memory_space<vmem>> -> memref<16x1024xf32, #tpu.memory_space<vmem>>
    %dma_start3A_312 = arith.constant 0 : i32
    %dma_start3A_313 = tpu.memref_slice %arg4[%add3A_305, %dma_start3A_312] : memref<2048x1024xf32, #tpu.memory_space<hbm>> -> memref<16x1024xf32, #tpu.memory_space<hbm>>
    %dma_start3A_314 = tpu.memref_slice %arg11[%dma_start3A_307] : memref<2x!tpu.dma_semaphore, #tpu.memory_space<semaphore_mem>> -> memref<1x!tpu.dma_semaphore, #tpu.memory_space<semaphore_mem>>
    %dma_start3A_315 = tpu.memref_squeeze %dma_start3A_314 : memref<1x!tpu.dma_semaphore, #tpu.memory_space<semaphore_mem>> -> memref<!tpu.dma_semaphore, #tpu.memory_space<semaphore_mem>>
    %dma_start3A_316 = arith.constant 0 : i32
    %dma_start3A_317 = arith.constant 0 : i32
    %dma_start3A_318 = tpu.memref_slice %arg8[%dma_start3A_306, %dma_start3A_316, %dma_start3A_317] : memref<2x16x1024xf32, #tpu.memory_space<vmem>> -> memref<1x16x1024xf32, #tpu.memory_space<vmem>>
    %dma_start3A_319 = tpu.memref_squeeze %dma_start3A_318 : memref<1x16x1024xf32, #tpu.memory_space<vmem>> -> memref<16x1024xf32, #tpu.memory_space<vmem>>
    %dma_start3A_320 = arith.constant 0 : i32
    %dma_start3A_321 = tpu.memref_slice %arg4[%add3A_305, %dma_start3A_320] : memref<2048x1024xf32, #tpu.memory_space<hbm>> -> memref<16x1024xf32, #tpu.memory_space<hbm>>
    tpu.enqueue_dma source(%dma_start3A_321 : memref<16x1024xf32, #tpu.memory_space<hbm>>) target(%dma_start3A_319 : memref<16x1024xf32, #tpu.memory_space<vmem>>) target_semaphore(%dma_start3A_315 : memref<!tpu.dma_semaphore, #tpu.memory_space<semaphore_mem>>)
    %dma_wait3A_322 = arith.constant 1 : i32
    %dma_wait3A_323 = arith.constant 1 : i32
    %dma_wait3A_324 = arith.constant 0 : i32
    %dma_wait3A_325 = arith.constant 0 : i32
    %dma_wait3A_326 = tpu.memref_slice %arg7[%dma_wait3A_322, %dma_wait3A_324, %dma_wait3A_325] : memref<2x16x1024xf32, #tpu.memory_space<vmem>> -> memref<1x16x1024xf32, #tpu.memory_space<vmem>>
    %dma_wait3A_327 = tpu.memref_squeeze %dma_wait3A_326 : memref<1x16x1024xf32, #tpu.memory_space<vmem>> -> memref<16x1024xf32, #tpu.memory_space<vmem>>
    %dma_wait3A_328 = arith.constant 48 : i32
    %dma_wait3A_329 = tpu.memref_slice %arg6[%dma_wait3A_328] : memref<256xi32, #tpu.memory_space<vmem>> -> memref<16xi32, #tpu.memory_space<vmem>>
    %dma_wait3A_330 = arith.constant 0 : i32
    %dma_wait3A_331 = arith.constant 0 : i32
    %dma_wait3A_332 = tpu.memref_slice %arg3[%dma_wait3A_330, %dma_wait3A_331] : memref<100000x1024xf32, #tpu.memory_space<hbm>> -> memref<100000x1024xf32, #tpu.memory_space<hbm>>
    %dma_wait3A_333 = tpu.memref_slice %arg10[%dma_wait3A_323] : memref<2x!tpu.dma_semaphore, #tpu.memory_space<semaphore_mem>> -> memref<1x!tpu.dma_semaphore, #tpu.memory_space<semaphore_mem>>
    %dma_wait3A_334 = tpu.memref_squeeze %dma_wait3A_333 : memref<1x!tpu.dma_semaphore, #tpu.memory_space<semaphore_mem>> -> memref<!tpu.dma_semaphore, #tpu.memory_space<semaphore_mem>>
    tpu.wait_indirect_dma semaphore(%dma_wait3A_334 : memref<!tpu.dma_semaphore, #tpu.memory_space<semaphore_mem>>) src(%dma_wait3A_332 : memref<100000x1024xf32, #tpu.memory_space<hbm>>) dst(%dma_wait3A_327 : memref<16x1024xf32, #tpu.memory_space<vmem>>)
    %dma_wait3A_335 = arith.constant 1 : i32
    %dma_wait3A_336 = arith.constant 1 : i32
    %dma_wait3A_337 = arith.constant 0 : i32
    %dma_wait3A_338 = arith.constant 0 : i32
    %dma_wait3A_339 = tpu.memref_slice %arg8[%dma_wait3A_335, %dma_wait3A_337, %dma_wait3A_338] : memref<2x16x1024xf32, #tpu.memory_space<vmem>> -> memref<1x16x1024xf32, #tpu.memory_space<vmem>>
    %dma_wait3A_340 = tpu.memref_squeeze %dma_wait3A_339 : memref<1x16x1024xf32, #tpu.memory_space<vmem>> -> memref<16x1024xf32, #tpu.memory_space<vmem>>
    %dma_wait3A_341 = arith.constant 0 : i32
    %dma_wait3A_342 = tpu.memref_slice %arg4[%add3A_208, %dma_wait3A_341] : memref<2048x1024xf32, #tpu.memory_space<hbm>> -> memref<16x1024xf32, #tpu.memory_space<hbm>>
    %dma_wait3A_343 = tpu.memref_slice %arg11[%dma_wait3A_336] : memref<2x!tpu.dma_semaphore, #tpu.memory_space<semaphore_mem>> -> memref<1x!tpu.dma_semaphore, #tpu.memory_space<semaphore_mem>>
    %dma_wait3A_344 = tpu.memref_squeeze %dma_wait3A_343 : memref<1x!tpu.dma_semaphore, #tpu.memory_space<semaphore_mem>> -> memref<!tpu.dma_semaphore, #tpu.memory_space<semaphore_mem>>
    %dma_wait3A_345 = arith.constant 0 : i32
    %dma_wait3A_346 = arith.constant 0 : i32
    %dma_wait3A_347 = tpu.memref_slice %arg8[%dma_wait3A_335, %dma_wait3A_345, %dma_wait3A_346] : memref<2x16x1024xf32, #tpu.memory_space<vmem>> -> memref<1x16x1024xf32, #tpu.memory_space<vmem>>
    %dma_wait3A_348 = tpu.memref_squeeze %dma_wait3A_347 : memref<1x16x1024xf32, #tpu.memory_space<vmem>> -> memref<16x1024xf32, #tpu.memory_space<vmem>>
    %dma_wait3A_349 = arith.constant 0 : i32
    %dma_wait3A_350 = tpu.memref_slice %arg4[%add3A_208, %dma_wait3A_349] : memref<2048x1024xf32, #tpu.memory_space<hbm>> -> memref<16x1024xf32, #tpu.memory_space<hbm>>
    tpu.wait_dma2 semaphore(%dma_wait3A_344 : memref<!tpu.dma_semaphore, #tpu.memory_space<semaphore_mem>>) src(%dma_wait3A_350 : memref<16x1024xf32, #tpu.memory_space<hbm>>) dst(%dma_wait3A_348 : memref<16x1024xf32, #tpu.memory_space<vmem>>)
    %dma_wait3A_351 = arith.constant 1 : i32
    %dma_wait3A_352 = arith.constant 1 : i32
    %dma_wait3A_353 = arith.constant 0 : i32
    %dma_wait3A_354 = arith.constant 0 : i32
    %dma_wait3A_355 = tpu.memref_slice %arg9[%dma_wait3A_351, %dma_wait3A_353, %dma_wait3A_354] : memref<2x16x1024xf32, #tpu.memory_space<vmem>> -> memref<1x16x1024xf32, #tpu.memory_space<vmem>>
    %dma_wait3A_356 = tpu.memref_squeeze %dma_wait3A_355 : memref<1x16x1024xf32, #tpu.memory_space<vmem>> -> memref<16x1024xf32, #tpu.memory_space<vmem>>
    %dma_wait3A_357 = arith.constant 0 : i32
    %dma_wait3A_358 = tpu.memref_slice %arg5[%add3A_177, %dma_wait3A_357] : memref<8192x1024xf32, #tpu.memory_space<hbm>> -> memref<16x1024xf32, #tpu.memory_space<hbm>>
    %dma_wait3A_359 = tpu.memref_slice %arg12[%dma_wait3A_352] : memref<2x!tpu.dma_semaphore, #tpu.memory_space<semaphore_mem>> -> memref<1x!tpu.dma_semaphore, #tpu.memory_space<semaphore_mem>>
    %dma_wait3A_360 = tpu.memref_squeeze %dma_wait3A_359 : memref<1x!tpu.dma_semaphore, #tpu.memory_space<semaphore_mem>> -> memref<!tpu.dma_semaphore, #tpu.memory_space<semaphore_mem>>
    %dma_wait3A_361 = arith.constant 0 : i32
    %dma_wait3A_362 = tpu.memref_slice %arg5[%add3A_177, %dma_wait3A_361] : memref<8192x1024xf32, #tpu.memory_space<hbm>> -> memref<16x1024xf32, #tpu.memory_space<hbm>>
    %dma_wait3A_363 = arith.constant 0 : i32
    %dma_wait3A_364 = arith.constant 0 : i32
    %dma_wait3A_365 = tpu.memref_slice %arg9[%dma_wait3A_351, %dma_wait3A_363, %dma_wait3A_364] : memref<2x16x1024xf32, #tpu.memory_space<vmem>> -> memref<1x16x1024xf32, #tpu.memory_space<vmem>>
    %dma_wait3A_366 = tpu.memref_squeeze %dma_wait3A_365 : memref<1x16x1024xf32, #tpu.memory_space<vmem>> -> memref<16x1024xf32, #tpu.memory_space<vmem>>
    tpu.wait_dma2 semaphore(%dma_wait3A_360 : memref<!tpu.dma_semaphore, #tpu.memory_space<semaphore_mem>>) src(%dma_wait3A_366 : memref<16x1024xf32, #tpu.memory_space<vmem>>) dst(%dma_wait3A_362 : memref<16x1024xf32, #tpu.memory_space<hbm>>)
    %parallel_loop3A_367 = arith.constant 0 : i32
    %parallel_loop3A_368 = arith.constant 1024 : i32
    %parallel_loop3A_369 = arith.constant 1 : i32
    scf.for %parallel_loop3A_1553 = %parallel_loop3A_367 to %parallel_loop3A_368 step %parallel_loop3A_369  : i32 {
      %parallel_loop3A_1554 = arith.constant 6 : i32
      %parallel_loop3A_1555 = arith.shrui %parallel_loop3A_1553, %parallel_loop3A_1554 : i32
      %parallel_loop3A_1556 = arith.constant 63 : i32
      %parallel_loop3A_1557 = arith.andi %parallel_loop3A_1553, %parallel_loop3A_1556 : i32
      %parallel_loop3A_1558 = arith.constant 16 : i32
      %parallel_loop3A_1559 = arith.muli %parallel_loop3A_1557, %parallel_loop3A_1558 : i32
      %parallel_loop3A_1560 = arith.constant 1 : i32
      %parallel_loop3A_1561 = arith.index_cast %parallel_loop3A_1560 : i32 to index
      %parallel_loop3A_1562 = arith.index_cast %parallel_loop3A_1555 : i32 to index
      %parallel_loop3A_1563 = arith.index_cast %parallel_loop3A_1559 : i32 to index
      %parallel_loop3A_1564 = tpu.vector_load %arg7[%parallel_loop3A_1561, %parallel_loop3A_1562, %parallel_loop3A_1563] {strides = array<i32>} : memref<2x16x1024xf32, #tpu.memory_space<vmem>>, vector<1x1x16xf32>,
      %parallel_loop3A_1565 = vector.shape_cast %parallel_loop3A_1564 : vector<1x1x16xf32> to vector<16xf32>
      %parallel_loop3A_1566 = arith.constant 3.200000e+01 : f32
      %parallel_loop3A_1567 = vector.broadcast %parallel_loop3A_1566 : f32 to vector<16xf32>
      %parallel_loop3A_1568 = arith.mulf %parallel_loop3A_1565, %parallel_loop3A_1567 : vector<16xf32>
      %parallel_loop3A_1569 = arith.constant 1 : i32
      %parallel_loop3A_1570 = arith.index_cast %parallel_loop3A_1569 : i32 to index
      %parallel_loop3A_1571 = arith.index_cast %parallel_loop3A_1555 : i32 to index
      %parallel_loop3A_1572 = arith.index_cast %parallel_loop3A_1559 : i32 to index
      %parallel_loop3A_1573 = tpu.vector_load %arg8[%parallel_loop3A_1570, %parallel_loop3A_1571, %parallel_loop3A_1572] {strides = array<i32>} : memref<2x16x1024xf32, #tpu.memory_space<vmem>>, vector<1x1x16xf32>,
      %parallel_loop3A_1574 = vector.shape_cast %parallel_loop3A_1573 : vector<1x1x16xf32> to vector<16xf32>
      %parallel_loop3A_1575 = arith.addf %parallel_loop3A_1568, %parallel_loop3A_1574 : vector<16xf32>
      %parallel_loop3A_1576 = arith.constant 1 : i32
      %parallel_loop3A_1577 = arith.index_cast %parallel_loop3A_1576 : i32 to index
      %parallel_loop3A_1578 = arith.index_cast %parallel_loop3A_1555 : i32 to index
      %parallel_loop3A_1579 = arith.index_cast %parallel_loop3A_1559 : i32 to index
      %parallel_loop3A_1580 = tpu.vector_load %arg9[%parallel_loop3A_1577, %parallel_loop3A_1578, %parallel_loop3A_1579] {strides = array<i32>} : memref<2x16x1024xf32, #tpu.memory_space<vmem>>, vector<1x1x16xf32>,
      %parallel_loop3A_1581 = vector.shape_cast %parallel_loop3A_1580 : vector<1x1x16xf32> to vector<16xf32>
      %parallel_loop3A_1582 = vector.shape_cast %parallel_loop3A_1575 : vector<16xf32> to vector<1x1x16xf32>
      tpu.vector_store %arg9[%parallel_loop3A_1577, %parallel_loop3A_1578, %parallel_loop3A_1579], %parallel_loop3A_1582 {strides = array<i32>} : memref<2x16x1024xf32, #tpu.memory_space<vmem>>, vector<1x1x16xf32>,
    } {sc.loop_unroll_factor = 8 : i64, sc.parallel_access}
    %add3A_370 = arith.constant 48 : i32
    %add3A_371 = arith.addi %mul3A_2, %add3A_370 : i32
    %dma_start3A_372 = arith.constant 1 : i32
    %dma_start3A_373 = arith.constant 1 : i32
    %dma_start3A_374 = arith.constant 0 : i32
    %dma_start3A_375 = arith.constant 0 : i32
    %dma_start3A_376 = tpu.memref_slice %arg9[%dma_start3A_372, %dma_start3A_374, %dma_start3A_375] : memref<2x16x1024xf32, #tpu.memory_space<vmem>> -> memref<1x16x1024xf32, #tpu.memory_space<vmem>>
    %dma_start3A_377 = tpu.memref_squeeze %dma_start3A_376 : memref<1x16x1024xf32, #tpu.memory_space<vmem>> -> memref<16x1024xf32, #tpu.memory_space<vmem>>
    %dma_start3A_378 = arith.constant 0 : i32
    %dma_start3A_379 = tpu.memref_slice %arg5[%add3A_371, %dma_start3A_378] : memref<8192x1024xf32, #tpu.memory_space<hbm>> -> memref<16x1024xf32, #tpu.memory_space<hbm>>
    %dma_start3A_380 = tpu.memref_slice %arg12[%dma_start3A_373] : memref<2x!tpu.dma_semaphore, #tpu.memory_space<semaphore_mem>> -> memref<1x!tpu.dma_semaphore, #tpu.memory_space<semaphore_mem>>
    %dma_start3A_381 = tpu.memref_squeeze %dma_start3A_380 : memref<1x!tpu.dma_semaphore, #tpu.memory_space<semaphore_mem>> -> memref<!tpu.dma_semaphore, #tpu.memory_space<semaphore_mem>>
    %dma_start3A_382 = arith.constant 0 : i32
    %dma_start3A_383 = tpu.memref_slice %arg5[%add3A_371, %dma_start3A_382] : memref<8192x1024xf32, #tpu.memory_space<hbm>> -> memref<16x1024xf32, #tpu.memory_space<hbm>>
    %dma_start3A_384 = arith.constant 0 : i32
    %dma_start3A_385 = arith.constant 0 : i32
    %dma_start3A_386 = tpu.memref_slice %arg9[%dma_start3A_372, %dma_start3A_384, %dma_start3A_385] : memref<2x16x1024xf32, #tpu.memory_space<vmem>> -> memref<1x16x1024xf32, #tpu.memory_space<vmem>>
    %dma_start3A_387 = tpu.memref_squeeze %dma_start3A_386 : memref<1x16x1024xf32, #tpu.memory_space<vmem>> -> memref<16x1024xf32, #tpu.memory_space<vmem>>
    tpu.enqueue_dma source(%dma_start3A_387 : memref<16x1024xf32, #tpu.memory_space<vmem>>) target(%dma_start3A_383 : memref<16x1024xf32, #tpu.memory_space<hbm>>) target_semaphore(%dma_start3A_381 : memref<!tpu.dma_semaphore, #tpu.memory_space<semaphore_mem>>)
    %dma_start3A_388 = arith.constant 1 : i32
    %dma_start3A_389 = arith.constant 1 : i32
    %dma_start3A_390 = arith.constant 0 : i32
    %dma_start3A_391 = arith.constant 0 : i32
    %dma_start3A_392 = tpu.memref_slice %arg7[%dma_start3A_388, %dma_start3A_390, %dma_start3A_391] : memref<2x16x1024xf32, #tpu.memory_space<vmem>> -> memref<1x16x1024xf32, #tpu.memory_space<vmem>>
    %dma_start3A_393 = tpu.memref_squeeze %dma_start3A_392 : memref<1x16x1024xf32, #tpu.memory_space<vmem>> -> memref<16x1024xf32, #tpu.memory_space<vmem>>
    %dma_start3A_394 = arith.constant 80 : i32
    %dma_start3A_395 = tpu.memref_slice %arg6[%dma_start3A_394] : memref<256xi32, #tpu.memory_space<vmem>> -> memref<16xi32, #tpu.memory_space<vmem>>
    %dma_start3A_396 = arith.constant 0 : i32
    %dma_start3A_397 = arith.constant 0 : i32
    %dma_start3A_398 = tpu.memref_slice %arg3[%dma_start3A_396, %dma_start3A_397] : memref<100000x1024xf32, #tpu.memory_space<hbm>> -> memref<100000x1024xf32, #tpu.memory_space<hbm>>
    %dma_start3A_399 = tpu.memref_slice %arg10[%dma_start3A_389] : memref<2x!tpu.dma_semaphore, #tpu.memory_space<semaphore_mem>> -> memref<1x!tpu.dma_semaphore, #tpu.memory_space<semaphore_mem>>
    %dma_start3A_400 = tpu.memref_squeeze %dma_start3A_399 : memref<1x!tpu.dma_semaphore, #tpu.memory_space<semaphore_mem>> -> memref<!tpu.dma_semaphore, #tpu.memory_space<semaphore_mem>>
    tpu.enqueue_indirect_dma source(%dma_start3A_398 : memref<100000x1024xf32, #tpu.memory_space<hbm>>) target(%dma_start3A_393 : memref<16x1024xf32, #tpu.memory_space<vmem>>) offsets(%dma_start3A_395 : memref<16xi32, #tpu.memory_space<vmem>>) semaphore(%dma_start3A_400 : memref<!tpu.dma_semaphore, #tpu.memory_space<semaphore_mem>>)
    %add3A_401 = arith.constant 80 : i32
    %add3A_402 = arith.addi %rem3A_3, %add3A_401 : i32
    %dma_start3A_403 = arith.constant 1 : i32
    %dma_start3A_404 = arith.constant 1 : i32
    %dma_start3A_405 = arith.constant 0 : i32
    %dma_start3A_406 = arith.constant 0 : i32
    %dma_start3A_407 = tpu.memref_slice %arg8[%dma_start3A_403, %dma_start3A_405, %dma_start3A_406] : memref<2x16x1024xf32, #tpu.memory_space<vmem>> -> memref<1x16x1024xf32, #tpu.memory_space<vmem>>
    %dma_start3A_408 = tpu.memref_squeeze %dma_start3A_407 : memref<1x16x1024xf32, #tpu.memory_space<vmem>> -> memref<16x1024xf32, #tpu.memory_space<vmem>>
    %dma_start3A_409 = arith.constant 0 : i32
    %dma_start3A_410 = tpu.memref_slice %arg4[%add3A_402, %dma_start3A_409] : memref<2048x1024xf32, #tpu.memory_space<hbm>> -> memref<16x1024xf32, #tpu.memory_space<hbm>>
    %dma_start3A_411 = tpu.memref_slice %arg11[%dma_start3A_404] : memref<2x!tpu.dma_semaphore, #tpu.memory_space<semaphore_mem>> -> memref<1x!tpu.dma_semaphore, #tpu.memory_space<semaphore_mem>>
    %dma_start3A_412 = tpu.memref_squeeze %dma_start3A_411 : memref<1x!tpu.dma_semaphore, #tpu.memory_space<semaphore_mem>> -> memref<!tpu.dma_semaphore, #tpu.memory_space<semaphore_mem>>
    %dma_start3A_413 = arith.constant 0 : i32
    %dma_start3A_414 = arith.constant 0 : i32
    %dma_start3A_415 = tpu.memref_slice %arg8[%dma_start3A_403, %dma_start3A_413, %dma_start3A_414] : memref<2x16x1024xf32, #tpu.memory_space<vmem>> -> memref<1x16x1024xf32, #tpu.memory_space<vmem>>
    %dma_start3A_416 = tpu.memref_squeeze %dma_start3A_415 : memref<1x16x1024xf32, #tpu.memory_space<vmem>> -> memref<16x1024xf32, #tpu.memory_space<vmem>>
    %dma_start3A_417 = arith.constant 0 : i32
    %dma_start3A_418 = tpu.memref_slice %arg4[%add3A_402, %dma_start3A_417] : memref<2048x1024xf32, #tpu.memory_space<hbm>> -> memref<16x1024xf32, #tpu.memory_space<hbm>>
    tpu.enqueue_dma source(%dma_start3A_418 : memref<16x1024xf32, #tpu.memory_space<hbm>>) target(%dma_start3A_416 : memref<16x1024xf32, #tpu.memory_space<vmem>>) target_semaphore(%dma_start3A_412 : memref<!tpu.dma_semaphore, #tpu.memory_space<semaphore_mem>>)
    %dma_wait3A_419 = arith.constant 0 : i32
    %dma_wait3A_420 = arith.constant 0 : i32
    %dma_wait3A_421 = arith.constant 0 : i32
    %dma_wait3A_422 = arith.constant 0 : i32
    %dma_wait3A_423 = tpu.memref_slice %arg7[%dma_wait3A_419, %dma_wait3A_421, %dma_wait3A_422] : memref<2x16x1024xf32, #tpu.memory_space<vmem>> -> memref<1x16x1024xf32, #tpu.memory_space<vmem>>
    %dma_wait3A_424 = tpu.memref_squeeze %dma_wait3A_423 : memref<1x16x1024xf32, #tpu.memory_space<vmem>> -> memref<16x1024xf32, #tpu.memory_space<vmem>>
    %dma_wait3A_425 = arith.constant 64 : i32
    %dma_wait3A_426 = tpu.memref_slice %arg6[%dma_wait3A_425] : memref<256xi32, #tpu.memory_space<vmem>> -> memref<16xi32, #tpu.memory_space<vmem>>
    %dma_wait3A_427 = arith.constant 0 : i32
    %dma_wait3A_428 = arith.constant 0 : i32
    %dma_wait3A_429 = tpu.memref_slice %arg3[%dma_wait3A_427, %dma_wait3A_428] : memref<100000x1024xf32, #tpu.memory_space<hbm>> -> memref<100000x1024xf32, #tpu.memory_space<hbm>>
    %dma_wait3A_430 = tpu.memref_slice %arg10[%dma_wait3A_420] : memref<2x!tpu.dma_semaphore, #tpu.memory_space<semaphore_mem>> -> memref<1x!tpu.dma_semaphore, #tpu.memory_space<semaphore_mem>>
    %dma_wait3A_431 = tpu.memref_squeeze %dma_wait3A_430 : memref<1x!tpu.dma_semaphore, #tpu.memory_space<semaphore_mem>> -> memref<!tpu.dma_semaphore, #tpu.memory_space<semaphore_mem>>
    tpu.wait_indirect_dma semaphore(%dma_wait3A_431 : memref<!tpu.dma_semaphore, #tpu.memory_space<semaphore_mem>>) src(%dma_wait3A_429 : memref<100000x1024xf32, #tpu.memory_space<hbm>>) dst(%dma_wait3A_424 : memref<16x1024xf32, #tpu.memory_space<vmem>>)
    %dma_wait3A_432 = arith.constant 0 : i32
    %dma_wait3A_433 = arith.constant 0 : i32
    %dma_wait3A_434 = arith.constant 0 : i32
    %dma_wait3A_435 = arith.constant 0 : i32
    %dma_wait3A_436 = tpu.memref_slice %arg8[%dma_wait3A_432, %dma_wait3A_434, %dma_wait3A_435] : memref<2x16x1024xf32, #tpu.memory_space<vmem>> -> memref<1x16x1024xf32, #tpu.memory_space<vmem>>
    %dma_wait3A_437 = tpu.memref_squeeze %dma_wait3A_436 : memref<1x16x1024xf32, #tpu.memory_space<vmem>> -> memref<16x1024xf32, #tpu.memory_space<vmem>>
    %dma_wait3A_438 = arith.constant 0 : i32
    %dma_wait3A_439 = tpu.memref_slice %arg4[%add3A_305, %dma_wait3A_438] : memref<2048x1024xf32, #tpu.memory_space<hbm>> -> memref<16x1024xf32, #tpu.memory_space<hbm>>
    %dma_wait3A_440 = tpu.memref_slice %arg11[%dma_wait3A_433] : memref<2x!tpu.dma_semaphore, #tpu.memory_space<semaphore_mem>> -> memref<1x!tpu.dma_semaphore, #tpu.memory_space<semaphore_mem>>
    %dma_wait3A_441 = tpu.memref_squeeze %dma_wait3A_440 : memref<1x!tpu.dma_semaphore, #tpu.memory_space<semaphore_mem>> -> memref<!tpu.dma_semaphore, #tpu.memory_space<semaphore_mem>>
    %dma_wait3A_442 = arith.constant 0 : i32
    %dma_wait3A_443 = arith.constant 0 : i32
    %dma_wait3A_444 = tpu.memref_slice %arg8[%dma_wait3A_432, %dma_wait3A_442, %dma_wait3A_443] : memref<2x16x1024xf32, #tpu.memory_space<vmem>> -> memref<1x16x1024xf32, #tpu.memory_space<vmem>>
    %dma_wait3A_445 = tpu.memref_squeeze %dma_wait3A_444 : memref<1x16x1024xf32, #tpu.memory_space<vmem>> -> memref<16x1024xf32, #tpu.memory_space<vmem>>
    %dma_wait3A_446 = arith.constant 0 : i32
    %dma_wait3A_447 = tpu.memref_slice %arg4[%add3A_305, %dma_wait3A_446] : memref<2048x1024xf32, #tpu.memory_space<hbm>> -> memref<16x1024xf32, #tpu.memory_space<hbm>>
    tpu.wait_dma2 semaphore(%dma_wait3A_441 : memref<!tpu.dma_semaphore, #tpu.memory_space<semaphore_mem>>) src(%dma_wait3A_447 : memref<16x1024xf32, #tpu.memory_space<hbm>>) dst(%dma_wait3A_445 : memref<16x1024xf32, #tpu.memory_space<vmem>>)
    %dma_wait3A_448 = arith.constant 0 : i32
    %dma_wait3A_449 = arith.constant 0 : i32
    %dma_wait3A_450 = arith.constant 0 : i32
    %dma_wait3A_451 = arith.constant 0 : i32
    %dma_wait3A_452 = tpu.memref_slice %arg9[%dma_wait3A_448, %dma_wait3A_450, %dma_wait3A_451] : memref<2x16x1024xf32, #tpu.memory_space<vmem>> -> memref<1x16x1024xf32, #tpu.memory_space<vmem>>
    %dma_wait3A_453 = tpu.memref_squeeze %dma_wait3A_452 : memref<1x16x1024xf32, #tpu.memory_space<vmem>> -> memref<16x1024xf32, #tpu.memory_space<vmem>>
    %dma_wait3A_454 = arith.constant 0 : i32
    %dma_wait3A_455 = tpu.memref_slice %arg5[%add3A_274, %dma_wait3A_454] : memref<8192x1024xf32, #tpu.memory_space<hbm>> -> memref<16x1024xf32, #tpu.memory_space<hbm>>
    %dma_wait3A_456 = tpu.memref_slice %arg12[%dma_wait3A_449] : memref<2x!tpu.dma_semaphore, #tpu.memory_space<semaphore_mem>> -> memref<1x!tpu.dma_semaphore, #tpu.memory_space<semaphore_mem>>
    %dma_wait3A_457 = tpu.memref_squeeze %dma_wait3A_456 : memref<1x!tpu.dma_semaphore, #tpu.memory_space<semaphore_mem>> -> memref<!tpu.dma_semaphore, #tpu.memory_space<semaphore_mem>>
    %dma_wait3A_458 = arith.constant 0 : i32
    %dma_wait3A_459 = tpu.memref_slice %arg5[%add3A_274, %dma_wait3A_458] : memref<8192x1024xf32, #tpu.memory_space<hbm>> -> memref<16x1024xf32, #tpu.memory_space<hbm>>
    %dma_wait3A_460 = arith.constant 0 : i32
    %dma_wait3A_461 = arith.constant 0 : i32
    %dma_wait3A_462 = tpu.memref_slice %arg9[%dma_wait3A_448, %dma_wait3A_460, %dma_wait3A_461] : memref<2x16x1024xf32, #tpu.memory_space<vmem>> -> memref<1x16x1024xf32, #tpu.memory_space<vmem>>
    %dma_wait3A_463 = tpu.memref_squeeze %dma_wait3A_462 : memref<1x16x1024xf32, #tpu.memory_space<vmem>> -> memref<16x1024xf32, #tpu.memory_space<vmem>>
    tpu.wait_dma2 semaphore(%dma_wait3A_457 : memref<!tpu.dma_semaphore, #tpu.memory_space<semaphore_mem>>) src(%dma_wait3A_463 : memref<16x1024xf32, #tpu.memory_space<vmem>>) dst(%dma_wait3A_459 : memref<16x1024xf32, #tpu.memory_space<hbm>>)
    %parallel_loop3A_464 = arith.constant 0 : i32
    %parallel_loop3A_465 = arith.constant 1024 : i32
    %parallel_loop3A_466 = arith.constant 1 : i32
    scf.for %parallel_loop3A_1553 = %parallel_loop3A_464 to %parallel_loop3A_465 step %parallel_loop3A_466  : i32 {
      %parallel_loop3A_1554 = arith.constant 6 : i32
      %parallel_loop3A_1555 = arith.shrui %parallel_loop3A_1553, %parallel_loop3A_1554 : i32
      %parallel_loop3A_1556 = arith.constant 63 : i32
      %parallel_loop3A_1557 = arith.andi %parallel_loop3A_1553, %parallel_loop3A_1556 : i32
      %parallel_loop3A_1558 = arith.constant 16 : i32
      %parallel_loop3A_1559 = arith.muli %parallel_loop3A_1557, %parallel_loop3A_1558 : i32
      %parallel_loop3A_1560 = arith.constant 0 : i32
      %parallel_loop3A_1561 = arith.index_cast %parallel_loop3A_1560 : i32 to index
      %parallel_loop3A_1562 = arith.index_cast %parallel_loop3A_1555 : i32 to index
      %parallel_loop3A_1563 = arith.index_cast %parallel_loop3A_1559 : i32 to index
      %parallel_loop3A_1564 = tpu.vector_load %arg7[%parallel_loop3A_1561, %parallel_loop3A_1562, %parallel_loop3A_1563] {strides = array<i32>} : memref<2x16x1024xf32, #tpu.memory_space<vmem>>, vector<1x1x16xf32>,
      %parallel_loop3A_1565 = vector.shape_cast %parallel_loop3A_1564 : vector<1x1x16xf32> to vector<16xf32>
      %parallel_loop3A_1566 = arith.constant 3.200000e+01 : f32
      %parallel_loop3A_1567 = vector.broadcast %parallel_loop3A_1566 : f32 to vector<16xf32>
      %parallel_loop3A_1568 = arith.mulf %parallel_loop3A_1565, %parallel_loop3A_1567 : vector<16xf32>
      %parallel_loop3A_1569 = arith.constant 0 : i32
      %parallel_loop3A_1570 = arith.index_cast %parallel_loop3A_1569 : i32 to index
      %parallel_loop3A_1571 = arith.index_cast %parallel_loop3A_1555 : i32 to index
      %parallel_loop3A_1572 = arith.index_cast %parallel_loop3A_1559 : i32 to index
      %parallel_loop3A_1573 = tpu.vector_load %arg8[%parallel_loop3A_1570, %parallel_loop3A_1571, %parallel_loop3A_1572] {strides = array<i32>} : memref<2x16x1024xf32, #tpu.memory_space<vmem>>, vector<1x1x16xf32>,
      %parallel_loop3A_1574 = vector.shape_cast %parallel_loop3A_1573 : vector<1x1x16xf32> to vector<16xf32>
      %parallel_loop3A_1575 = arith.addf %parallel_loop3A_1568, %parallel_loop3A_1574 : vector<16xf32>
      %parallel_loop3A_1576 = arith.constant 0 : i32
      %parallel_loop3A_1577 = arith.index_cast %parallel_loop3A_1576 : i32 to index
      %parallel_loop3A_1578 = arith.index_cast %parallel_loop3A_1555 : i32 to index
      %parallel_loop3A_1579 = arith.index_cast %parallel_loop3A_1559 : i32 to index
      %parallel_loop3A_1580 = tpu.vector_load %arg9[%parallel_loop3A_1577, %parallel_loop3A_1578, %parallel_loop3A_1579] {strides = array<i32>} : memref<2x16x1024xf32, #tpu.memory_space<vmem>>, vector<1x1x16xf32>,
      %parallel_loop3A_1581 = vector.shape_cast %parallel_loop3A_1580 : vector<1x1x16xf32> to vector<16xf32>
      %parallel_loop3A_1582 = vector.shape_cast %parallel_loop3A_1575 : vector<16xf32> to vector<1x1x16xf32>
      tpu.vector_store %arg9[%parallel_loop3A_1577, %parallel_loop3A_1578, %parallel_loop3A_1579], %parallel_loop3A_1582 {strides = array<i32>} : memref<2x16x1024xf32, #tpu.memory_space<vmem>>, vector<1x1x16xf32>,
    } {sc.loop_unroll_factor = 8 : i64, sc.parallel_access}
    %add3A_467 = arith.constant 64 : i32
    %add3A_468 = arith.addi %mul3A_2, %add3A_467 : i32
    %dma_start3A_469 = arith.constant 0 : i32
    %dma_start3A_470 = arith.constant 0 : i32
    %dma_start3A_471 = arith.constant 0 : i32
    %dma_start3A_472 = arith.constant 0 : i32
    %dma_start3A_473 = tpu.memref_slice %arg9[%dma_start3A_469, %dma_start3A_471, %dma_start3A_472] : memref<2x16x1024xf32, #tpu.memory_space<vmem>> -> memref<1x16x1024xf32, #tpu.memory_space<vmem>>
    %dma_start3A_474 = tpu.memref_squeeze %dma_start3A_473 : memref<1x16x1024xf32, #tpu.memory_space<vmem>> -> memref<16x1024xf32, #tpu.memory_space<vmem>>
    %dma_start3A_475 = arith.constant 0 : i32
    %dma_start3A_476 = tpu.memref_slice %arg5[%add3A_468, %dma_start3A_475] : memref<8192x1024xf32, #tpu.memory_space<hbm>> -> memref<16x1024xf32, #tpu.memory_space<hbm>>
    %dma_start3A_477 = tpu.memref_slice %arg12[%dma_start3A_470] : memref<2x!tpu.dma_semaphore, #tpu.memory_space<semaphore_mem>> -> memref<1x!tpu.dma_semaphore, #tpu.memory_space<semaphore_mem>>
    %dma_start3A_478 = tpu.memref_squeeze %dma_start3A_477 : memref<1x!tpu.dma_semaphore, #tpu.memory_space<semaphore_mem>> -> memref<!tpu.dma_semaphore, #tpu.memory_space<semaphore_mem>>
    %dma_start3A_479 = arith.constant 0 : i32
    %dma_start3A_480 = tpu.memref_slice %arg5[%add3A_468, %dma_start3A_479] : memref<8192x1024xf32, #tpu.memory_space<hbm>> -> memref<16x1024xf32, #tpu.memory_space<hbm>>
    %dma_start3A_481 = arith.constant 0 : i32
    %dma_start3A_482 = arith.constant 0 : i32
    %dma_start3A_483 = tpu.memref_slice %arg9[%dma_start3A_469, %dma_start3A_481, %dma_start3A_482] : memref<2x16x1024xf32, #tpu.memory_space<vmem>> -> memref<1x16x1024xf32, #tpu.memory_space<vmem>>
    %dma_start3A_484 = tpu.memref_squeeze %dma_start3A_483 : memref<1x16x1024xf32, #tpu.memory_space<vmem>> -> memref<16x1024xf32, #tpu.memory_space<vmem>>
    tpu.enqueue_dma source(%dma_start3A_484 : memref<16x1024xf32, #tpu.memory_space<vmem>>) target(%dma_start3A_480 : memref<16x1024xf32, #tpu.memory_space<hbm>>) target_semaphore(%dma_start3A_478 : memref<!tpu.dma_semaphore, #tpu.memory_space<semaphore_mem>>)
    %dma_start3A_485 = arith.constant 0 : i32
    %dma_start3A_486 = arith.constant 0 : i32
    %dma_start3A_487 = arith.constant 0 : i32
    %dma_start3A_488 = arith.constant 0 : i32
    %dma_start3A_489 = tpu.memref_slice %arg7[%dma_start3A_485, %dma_start3A_487, %dma_start3A_488] : memref<2x16x1024xf32, #tpu.memory_space<vmem>> -> memref<1x16x1024xf32, #tpu.memory_space<vmem>>
    %dma_start3A_490 = tpu.memref_squeeze %dma_start3A_489 : memref<1x16x1024xf32, #tpu.memory_space<vmem>> -> memref<16x1024xf32, #tpu.memory_space<vmem>>
    %dma_start3A_491 = arith.constant 96 : i32
    %dma_start3A_492 = tpu.memref_slice %arg6[%dma_start3A_491] : memref<256xi32, #tpu.memory_space<vmem>> -> memref<16xi32, #tpu.memory_space<vmem>>
    %dma_start3A_493 = arith.constant 0 : i32
    %dma_start3A_494 = arith.constant 0 : i32
    %dma_start3A_495 = tpu.memref_slice %arg3[%dma_start3A_493, %dma_start3A_494] : memref<100000x1024xf32, #tpu.memory_space<hbm>> -> memref<100000x1024xf32, #tpu.memory_space<hbm>>
    %dma_start3A_496 = tpu.memref_slice %arg10[%dma_start3A_486] : memref<2x!tpu.dma_semaphore, #tpu.memory_space<semaphore_mem>> -> memref<1x!tpu.dma_semaphore, #tpu.memory_space<semaphore_mem>>
    %dma_start3A_497 = tpu.memref_squeeze %dma_start3A_496 : memref<1x!tpu.dma_semaphore, #tpu.memory_space<semaphore_mem>> -> memref<!tpu.dma_semaphore, #tpu.memory_space<semaphore_mem>>
    tpu.enqueue_indirect_dma source(%dma_start3A_495 : memref<100000x1024xf32, #tpu.memory_space<hbm>>) target(%dma_start3A_490 : memref<16x1024xf32, #tpu.memory_space<vmem>>) offsets(%dma_start3A_492 : memref<16xi32, #tpu.memory_space<vmem>>) semaphore(%dma_start3A_497 : memref<!tpu.dma_semaphore, #tpu.memory_space<semaphore_mem>>)
    %add3A_498 = arith.constant 96 : i32
    %add3A_499 = arith.addi %rem3A_3, %add3A_498 : i32
    %dma_start3A_500 = arith.constant 0 : i32
    %dma_start3A_501 = arith.constant 0 : i32
    %dma_start3A_502 = arith.constant 0 : i32
    %dma_start3A_503 = arith.constant 0 : i32
    %dma_start3A_504 = tpu.memref_slice %arg8[%dma_start3A_500, %dma_start3A_502, %dma_start3A_503] : memref<2x16x1024xf32, #tpu.memory_space<vmem>> -> memref<1x16x1024xf32, #tpu.memory_space<vmem>>
    %dma_start3A_505 = tpu.memref_squeeze %dma_start3A_504 : memref<1x16x1024xf32, #tpu.memory_space<vmem>> -> memref<16x1024xf32, #tpu.memory_space<vmem>>
    %dma_start3A_506 = arith.constant 0 : i32
    %dma_start3A_507 = tpu.memref_slice %arg4[%add3A_499, %dma_start3A_506] : memref<2048x1024xf32, #tpu.memory_space<hbm>> -> memref<16x1024xf32, #tpu.memory_space<hbm>>
    %dma_start3A_508 = tpu.memref_slice %arg11[%dma_start3A_501] : memref<2x!tpu.dma_semaphore, #tpu.memory_space<semaphore_mem>> -> memref<1x!tpu.dma_semaphore, #tpu.memory_space<semaphore_mem>>
    %dma_start3A_509 = tpu.memref_squeeze %dma_start3A_508 : memref<1x!tpu.dma_semaphore, #tpu.memory_space<semaphore_mem>> -> memref<!tpu.dma_semaphore, #tpu.memory_space<semaphore_mem>>
    %dma_start3A_510 = arith.constant 0 : i32
    %dma_start3A_511 = arith.constant 0 : i32
    %dma_start3A_512 = tpu.memref_slice %arg8[%dma_start3A_500, %dma_start3A_510, %dma_start3A_511] : memref<2x16x1024xf32, #tpu.memory_space<vmem>> -> memref<1x16x1024xf32, #tpu.memory_space<vmem>>
    %dma_start3A_513 = tpu.memref_squeeze %dma_start3A_512 : memref<1x16x1024xf32, #tpu.memory_space<vmem>> -> memref<16x1024xf32, #tpu.memory_space<vmem>>
    %dma_start3A_514 = arith.constant 0 : i32
    %dma_start3A_515 = tpu.memref_slice %arg4[%add3A_499, %dma_start3A_514] : memref<2048x1024xf32, #tpu.memory_space<hbm>> -> memref<16x1024xf32, #tpu.memory_space<hbm>>
    tpu.enqueue_dma source(%dma_start3A_515 : memref<16x1024xf32, #tpu.memory_space<hbm>>) target(%dma_start3A_513 : memref<16x1024xf32, #tpu.memory_space<vmem>>) target_semaphore(%dma_start3A_509 : memref<!tpu.dma_semaphore, #tpu.memory_space<semaphore_mem>>)
    %dma_wait3A_516 = arith.constant 1 : i32
    %dma_wait3A_517 = arith.constant 1 : i32
    %dma_wait3A_518 = arith.constant 0 : i32
    %dma_wait3A_519 = arith.constant 0 : i32
    %dma_wait3A_520 = tpu.memref_slice %arg7[%dma_wait3A_516, %dma_wait3A_518, %dma_wait3A_519] : memref<2x16x1024xf32, #tpu.memory_space<vmem>> -> memref<1x16x1024xf32, #tpu.memory_space<vmem>>
    %dma_wait3A_521 = tpu.memref_squeeze %dma_wait3A_520 : memref<1x16x1024xf32, #tpu.memory_space<vmem>> -> memref<16x1024xf32, #tpu.memory_space<vmem>>
    %dma_wait3A_522 = arith.constant 80 : i32
    %dma_wait3A_523 = tpu.memref_slice %arg6[%dma_wait3A_522] : memref<256xi32, #tpu.memory_space<vmem>> -> memref<16xi32, #tpu.memory_space<vmem>>
    %dma_wait3A_524 = arith.constant 0 : i32
    %dma_wait3A_525 = arith.constant 0 : i32
    %dma_wait3A_526 = tpu.memref_slice %arg3[%dma_wait3A_524, %dma_wait3A_525] : memref<100000x1024xf32, #tpu.memory_space<hbm>> -> memref<100000x1024xf32, #tpu.memory_space<hbm>>
    %dma_wait3A_527 = tpu.memref_slice %arg10[%dma_wait3A_517] : memref<2x!tpu.dma_semaphore, #tpu.memory_space<semaphore_mem>> -> memref<1x!tpu.dma_semaphore, #tpu.memory_space<semaphore_mem>>
    %dma_wait3A_528 = tpu.memref_squeeze %dma_wait3A_527 : memref<1x!tpu.dma_semaphore, #tpu.memory_space<semaphore_mem>> -> memref<!tpu.dma_semaphore, #tpu.memory_space<semaphore_mem>>
    tpu.wait_indirect_dma semaphore(%dma_wait3A_528 : memref<!tpu.dma_semaphore, #tpu.memory_space<semaphore_mem>>) src(%dma_wait3A_526 : memref<100000x1024xf32, #tpu.memory_space<hbm>>) dst(%dma_wait3A_521 : memref<16x1024xf32, #tpu.memory_space<vmem>>)
    %dma_wait3A_529 = arith.constant 1 : i32
    %dma_wait3A_530 = arith.constant 1 : i32
    %dma_wait3A_531 = arith.constant 0 : i32
    %dma_wait3A_532 = arith.constant 0 : i32
    %dma_wait3A_533 = tpu.memref_slice %arg8[%dma_wait3A_529, %dma_wait3A_531, %dma_wait3A_532] : memref<2x16x1024xf32, #tpu.memory_space<vmem>> -> memref<1x16x1024xf32, #tpu.memory_space<vmem>>
    %dma_wait3A_534 = tpu.memref_squeeze %dma_wait3A_533 : memref<1x16x1024xf32, #tpu.memory_space<vmem>> -> memref<16x1024xf32, #tpu.memory_space<vmem>>
    %dma_wait3A_535 = arith.constant 0 : i32
    %dma_wait3A_536 = tpu.memref_slice %arg4[%add3A_402, %dma_wait3A_535] : memref<2048x1024xf32, #tpu.memory_space<hbm>> -> memref<16x1024xf32, #tpu.memory_space<hbm>>
    %dma_wait3A_537 = tpu.memref_slice %arg11[%dma_wait3A_530] : memref<2x!tpu.dma_semaphore, #tpu.memory_space<semaphore_mem>> -> memref<1x!tpu.dma_semaphore, #tpu.memory_space<semaphore_mem>>
    %dma_wait3A_538 = tpu.memref_squeeze %dma_wait3A_537 : memref<1x!tpu.dma_semaphore, #tpu.memory_space<semaphore_mem>> -> memref<!tpu.dma_semaphore, #tpu.memory_space<semaphore_mem>>
    %dma_wait3A_539 = arith.constant 0 : i32
    %dma_wait3A_540 = arith.constant 0 : i32
    %dma_wait3A_541 = tpu.memref_slice %arg8[%dma_wait3A_529, %dma_wait3A_539, %dma_wait3A_540] : memref<2x16x1024xf32, #tpu.memory_space<vmem>> -> memref<1x16x1024xf32, #tpu.memory_space<vmem>>
    %dma_wait3A_542 = tpu.memref_squeeze %dma_wait3A_541 : memref<1x16x1024xf32, #tpu.memory_space<vmem>> -> memref<16x1024xf32, #tpu.memory_space<vmem>>
    %dma_wait3A_543 = arith.constant 0 : i32
    %dma_wait3A_544 = tpu.memref_slice %arg4[%add3A_402, %dma_wait3A_543] : memref<2048x1024xf32, #tpu.memory_space<hbm>> -> memref<16x1024xf32, #tpu.memory_space<hbm>>
    tpu.wait_dma2 semaphore(%dma_wait3A_538 : memref<!tpu.dma_semaphore, #tpu.memory_space<semaphore_mem>>) src(%dma_wait3A_544 : memref<16x1024xf32, #tpu.memory_space<hbm>>) dst(%dma_wait3A_542 : memref<16x1024xf32, #tpu.memory_space<vmem>>)
    %dma_wait3A_545 = arith.constant 1 : i32
    %dma_wait3A_546 = arith.constant 1 : i32
    %dma_wait3A_547 = arith.constant 0 : i32
    %dma_wait3A_548 = arith.constant 0 : i32
    %dma_wait3A_549 = tpu.memref_slice %arg9[%dma_wait3A_545, %dma_wait3A_547, %dma_wait3A_548] : memref<2x16x1024xf32, #tpu.memory_space<vmem>> -> memref<1x16x1024xf32, #tpu.memory_space<vmem>>
    %dma_wait3A_550 = tpu.memref_squeeze %dma_wait3A_549 : memref<1x16x1024xf32, #tpu.memory_space<vmem>> -> memref<16x1024xf32, #tpu.memory_space<vmem>>
    %dma_wait3A_551 = arith.constant 0 : i32
    %dma_wait3A_552 = tpu.memref_slice %arg5[%add3A_371, %dma_wait3A_551] : memref<8192x1024xf32, #tpu.memory_space<hbm>> -> memref<16x1024xf32, #tpu.memory_space<hbm>>
    %dma_wait3A_553 = tpu.memref_slice %arg12[%dma_wait3A_546] : memref<2x!tpu.dma_semaphore, #tpu.memory_space<semaphore_mem>> -> memref<1x!tpu.dma_semaphore, #tpu.memory_space<semaphore_mem>>
    %dma_wait3A_554 = tpu.memref_squeeze %dma_wait3A_553 : memref<1x!tpu.dma_semaphore, #tpu.memory_space<semaphore_mem>> -> memref<!tpu.dma_semaphore, #tpu.memory_space<semaphore_mem>>
    %dma_wait3A_555 = arith.constant 0 : i32
    %dma_wait3A_556 = tpu.memref_slice %arg5[%add3A_371, %dma_wait3A_555] : memref<8192x1024xf32, #tpu.memory_space<hbm>> -> memref<16x1024xf32, #tpu.memory_space<hbm>>
    %dma_wait3A_557 = arith.constant 0 : i32
    %dma_wait3A_558 = arith.constant 0 : i32
    %dma_wait3A_559 = tpu.memref_slice %arg9[%dma_wait3A_545, %dma_wait3A_557, %dma_wait3A_558] : memref<2x16x1024xf32, #tpu.memory_space<vmem>> -> memref<1x16x1024xf32, #tpu.memory_space<vmem>>
    %dma_wait3A_560 = tpu.memref_squeeze %dma_wait3A_559 : memref<1x16x1024xf32, #tpu.memory_space<vmem>> -> memref<16x1024xf32, #tpu.memory_space<vmem>>
    tpu.wait_dma2 semaphore(%dma_wait3A_554 : memref<!tpu.dma_semaphore, #tpu.memory_space<semaphore_mem>>) src(%dma_wait3A_560 : memref<16x1024xf32, #tpu.memory_space<vmem>>) dst(%dma_wait3A_556 : memref<16x1024xf32, #tpu.memory_space<hbm>>)
    %parallel_loop3A_561 = arith.constant 0 : i32
    %parallel_loop3A_562 = arith.constant 1024 : i32
    %parallel_loop3A_563 = arith.constant 1 : i32
    scf.for %parallel_loop3A_1553 = %parallel_loop3A_561 to %parallel_loop3A_562 step %parallel_loop3A_563  : i32 {
      %parallel_loop3A_1554 = arith.constant 6 : i32
      %parallel_loop3A_1555 = arith.shrui %parallel_loop3A_1553, %parallel_loop3A_1554 : i32
      %parallel_loop3A_1556 = arith.constant 63 : i32
      %parallel_loop3A_1557 = arith.andi %parallel_loop3A_1553, %parallel_loop3A_1556 : i32
      %parallel_loop3A_1558 = arith.constant 16 : i32
      %parallel_loop3A_1559 = arith.muli %parallel_loop3A_1557, %parallel_loop3A_1558 : i32
      %parallel_loop3A_1560 = arith.constant 1 : i32
      %parallel_loop3A_1561 = arith.index_cast %parallel_loop3A_1560 : i32 to index
      %parallel_loop3A_1562 = arith.index_cast %parallel_loop3A_1555 : i32 to index
      %parallel_loop3A_1563 = arith.index_cast %parallel_loop3A_1559 : i32 to index
      %parallel_loop3A_1564 = tpu.vector_load %arg7[%parallel_loop3A_1561, %parallel_loop3A_1562, %parallel_loop3A_1563] {strides = array<i32>} : memref<2x16x1024xf32, #tpu.memory_space<vmem>>, vector<1x1x16xf32>,
      %parallel_loop3A_1565 = vector.shape_cast %parallel_loop3A_1564 : vector<1x1x16xf32> to vector<16xf32>
      %parallel_loop3A_1566 = arith.constant 3.200000e+01 : f32
      %parallel_loop3A_1567 = vector.broadcast %parallel_loop3A_1566 : f32 to vector<16xf32>
      %parallel_loop3A_1568 = arith.mulf %parallel_loop3A_1565, %parallel_loop3A_1567 : vector<16xf32>
      %parallel_loop3A_1569 = arith.constant 1 : i32
      %parallel_loop3A_1570 = arith.index_cast %parallel_loop3A_1569 : i32 to index
      %parallel_loop3A_1571 = arith.index_cast %parallel_loop3A_1555 : i32 to index
      %parallel_loop3A_1572 = arith.index_cast %parallel_loop3A_1559 : i32 to index
      %parallel_loop3A_1573 = tpu.vector_load %arg8[%parallel_loop3A_1570, %parallel_loop3A_1571, %parallel_loop3A_1572] {strides = array<i32>} : memref<2x16x1024xf32, #tpu.memory_space<vmem>>, vector<1x1x16xf32>,
      %parallel_loop3A_1574 = vector.shape_cast %parallel_loop3A_1573 : vector<1x1x16xf32> to vector<16xf32>
      %parallel_loop3A_1575 = arith.addf %parallel_loop3A_1568, %parallel_loop3A_1574 : vector<16xf32>
      %parallel_loop3A_1576 = arith.constant 1 : i32
      %parallel_loop3A_1577 = arith.index_cast %parallel_loop3A_1576 : i32 to index
      %parallel_loop3A_1578 = arith.index_cast %parallel_loop3A_1555 : i32 to index
      %parallel_loop3A_1579 = arith.index_cast %parallel_loop3A_1559 : i32 to index
      %parallel_loop3A_1580 = tpu.vector_load %arg9[%parallel_loop3A_1577, %parallel_loop3A_1578, %parallel_loop3A_1579] {strides = array<i32>} : memref<2x16x1024xf32, #tpu.memory_space<vmem>>, vector<1x1x16xf32>,
      %parallel_loop3A_1581 = vector.shape_cast %parallel_loop3A_1580 : vector<1x1x16xf32> to vector<16xf32>
      %parallel_loop3A_1582 = vector.shape_cast %parallel_loop3A_1575 : vector<16xf32> to vector<1x1x16xf32>
      tpu.vector_store %arg9[%parallel_loop3A_1577, %parallel_loop3A_1578, %parallel_loop3A_1579], %parallel_loop3A_1582 {strides = array<i32>} : memref<2x16x1024xf32, #tpu.memory_space<vmem>>, vector<1x1x16xf32>,
    } {sc.loop_unroll_factor = 8 : i64, sc.parallel_access}
    %add3A_564 = arith.constant 80 : i32
    %add3A_565 = arith.addi %mul3A_2, %add3A_564 : i32
    %dma_start3A_566 = arith.constant 1 : i32
    %dma_start3A_567 = arith.constant 1 : i32
    %dma_start3A_568 = arith.constant 0 : i32
    %dma_start3A_569 = arith.constant 0 : i32
    %dma_start3A_570 = tpu.memref_slice %arg9[%dma_start3A_566, %dma_start3A_568, %dma_start3A_569] : memref<2x16x1024xf32, #tpu.memory_space<vmem>> -> memref<1x16x1024xf32, #tpu.memory_space<vmem>>
    %dma_start3A_571 = tpu.memref_squeeze %dma_start3A_570 : memref<1x16x1024xf32, #tpu.memory_space<vmem>> -> memref<16x1024xf32, #tpu.memory_space<vmem>>
    %dma_start3A_572 = arith.constant 0 : i32
    %dma_start3A_573 = tpu.memref_slice %arg5[%add3A_565, %dma_start3A_572] : memref<8192x1024xf32, #tpu.memory_space<hbm>> -> memref<16x1024xf32, #tpu.memory_space<hbm>>
    %dma_start3A_574 = tpu.memref_slice %arg12[%dma_start3A_567] : memref<2x!tpu.dma_semaphore, #tpu.memory_space<semaphore_mem>> -> memref<1x!tpu.dma_semaphore, #tpu.memory_space<semaphore_mem>>
    %dma_start3A_575 = tpu.memref_squeeze %dma_start3A_574 : memref<1x!tpu.dma_semaphore, #tpu.memory_space<semaphore_mem>> -> memref<!tpu.dma_semaphore, #tpu.memory_space<semaphore_mem>>
    %dma_start3A_576 = arith.constant 0 : i32
    %dma_start3A_577 = tpu.memref_slice %arg5[%add3A_565, %dma_start3A_576] : memref<8192x1024xf32, #tpu.memory_space<hbm>> -> memref<16x1024xf32, #tpu.memory_space<hbm>>
    %dma_start3A_578 = arith.constant 0 : i32
    %dma_start3A_579 = arith.constant 0 : i32
    %dma_start3A_580 = tpu.memref_slice %arg9[%dma_start3A_566, %dma_start3A_578, %dma_start3A_579] : memref<2x16x1024xf32, #tpu.memory_space<vmem>> -> memref<1x16x1024xf32, #tpu.memory_space<vmem>>
    %dma_start3A_581 = tpu.memref_squeeze %dma_start3A_580 : memref<1x16x1024xf32, #tpu.memory_space<vmem>> -> memref<16x1024xf32, #tpu.memory_space<vmem>>
    tpu.enqueue_dma source(%dma_start3A_581 : memref<16x1024xf32, #tpu.memory_space<vmem>>) target(%dma_start3A_577 : memref<16x1024xf32, #tpu.memory_space<hbm>>) target_semaphore(%dma_start3A_575 : memref<!tpu.dma_semaphore, #tpu.memory_space<semaphore_mem>>)
    %dma_start3A_582 = arith.constant 1 : i32
    %dma_start3A_583 = arith.constant 1 : i32
    %dma_start3A_584 = arith.constant 0 : i32
    %dma_start3A_585 = arith.constant 0 : i32
    %dma_start3A_586 = tpu.memref_slice %arg7[%dma_start3A_582, %dma_start3A_584, %dma_start3A_585] : memref<2x16x1024xf32, #tpu.memory_space<vmem>> -> memref<1x16x1024xf32, #tpu.memory_space<vmem>>
    %dma_start3A_587 = tpu.memref_squeeze %dma_start3A_586 : memref<1x16x1024xf32, #tpu.memory_space<vmem>> -> memref<16x1024xf32, #tpu.memory_space<vmem>>
    %dma_start3A_588 = arith.constant 112 : i32
    %dma_start3A_589 = tpu.memref_slice %arg6[%dma_start3A_588] : memref<256xi32, #tpu.memory_space<vmem>> -> memref<16xi32, #tpu.memory_space<vmem>>
    %dma_start3A_590 = arith.constant 0 : i32
    %dma_start3A_591 = arith.constant 0 : i32
    %dma_start3A_592 = tpu.memref_slice %arg3[%dma_start3A_590, %dma_start3A_591] : memref<100000x1024xf32, #tpu.memory_space<hbm>> -> memref<100000x1024xf32, #tpu.memory_space<hbm>>
    %dma_start3A_593 = tpu.memref_slice %arg10[%dma_start3A_583] : memref<2x!tpu.dma_semaphore, #tpu.memory_space<semaphore_mem>> -> memref<1x!tpu.dma_semaphore, #tpu.memory_space<semaphore_mem>>
    %dma_start3A_594 = tpu.memref_squeeze %dma_start3A_593 : memref<1x!tpu.dma_semaphore, #tpu.memory_space<semaphore_mem>> -> memref<!tpu.dma_semaphore, #tpu.memory_space<semaphore_mem>>
    tpu.enqueue_indirect_dma source(%dma_start3A_592 : memref<100000x1024xf32, #tpu.memory_space<hbm>>) target(%dma_start3A_587 : memref<16x1024xf32, #tpu.memory_space<vmem>>) offsets(%dma_start3A_589 : memref<16xi32, #tpu.memory_space<vmem>>) semaphore(%dma_start3A_594 : memref<!tpu.dma_semaphore, #tpu.memory_space<semaphore_mem>>)
    %add3A_595 = arith.constant 112 : i32
    %add3A_596 = arith.addi %rem3A_3, %add3A_595 : i32
    %dma_start3A_597 = arith.constant 1 : i32
    %dma_start3A_598 = arith.constant 1 : i32
    %dma_start3A_599 = arith.constant 0 : i32
    %dma_start3A_600 = arith.constant 0 : i32
    %dma_start3A_601 = tpu.memref_slice %arg8[%dma_start3A_597, %dma_start3A_599, %dma_start3A_600] : memref<2x16x1024xf32, #tpu.memory_space<vmem>> -> memref<1x16x1024xf32, #tpu.memory_space<vmem>>
    %dma_start3A_602 = tpu.memref_squeeze %dma_start3A_601 : memref<1x16x1024xf32, #tpu.memory_space<vmem>> -> memref<16x1024xf32, #tpu.memory_space<vmem>>
    %dma_start3A_603 = arith.constant 0 : i32
    %dma_start3A_604 = tpu.memref_slice %arg4[%add3A_596, %dma_start3A_603] : memref<2048x1024xf32, #tpu.memory_space<hbm>> -> memref<16x1024xf32, #tpu.memory_space<hbm>>
    %dma_start3A_605 = tpu.memref_slice %arg11[%dma_start3A_598] : memref<2x!tpu.dma_semaphore, #tpu.memory_space<semaphore_mem>> -> memref<1x!tpu.dma_semaphore, #tpu.memory_space<semaphore_mem>>
    %dma_start3A_606 = tpu.memref_squeeze %dma_start3A_605 : memref<1x!tpu.dma_semaphore, #tpu.memory_space<semaphore_mem>> -> memref<!tpu.dma_semaphore, #tpu.memory_space<semaphore_mem>>
    %dma_start3A_607 = arith.constant 0 : i32
    %dma_start3A_608 = arith.constant 0 : i32
    %dma_start3A_609 = tpu.memref_slice %arg8[%dma_start3A_597, %dma_start3A_607, %dma_start3A_608] : memref<2x16x1024xf32, #tpu.memory_space<vmem>> -> memref<1x16x1024xf32, #tpu.memory_space<vmem>>
    %dma_start3A_610 = tpu.memref_squeeze %dma_start3A_609 : memref<1x16x1024xf32, #tpu.memory_space<vmem>> -> memref<16x1024xf32, #tpu.memory_space<vmem>>
    %dma_start3A_611 = arith.constant 0 : i32
    %dma_start3A_612 = tpu.memref_slice %arg4[%add3A_596, %dma_start3A_611] : memref<2048x1024xf32, #tpu.memory_space<hbm>> -> memref<16x1024xf32, #tpu.memory_space<hbm>>
    tpu.enqueue_dma source(%dma_start3A_612 : memref<16x1024xf32, #tpu.memory_space<hbm>>) target(%dma_start3A_610 : memref<16x1024xf32, #tpu.memory_space<vmem>>) target_semaphore(%dma_start3A_606 : memref<!tpu.dma_semaphore, #tpu.memory_space<semaphore_mem>>)
    %dma_wait3A_613 = arith.constant 0 : i32
    %dma_wait3A_614 = arith.constant 0 : i32
    %dma_wait3A_615 = arith.constant 0 : i32
    %dma_wait3A_616 = arith.constant 0 : i32
    %dma_wait3A_617 = tpu.memref_slice %arg7[%dma_wait3A_613, %dma_wait3A_615, %dma_wait3A_616] : memref<2x16x1024xf32, #tpu.memory_space<vmem>> -> memref<1x16x1024xf32, #tpu.memory_space<vmem>>
    %dma_wait3A_618 = tpu.memref_squeeze %dma_wait3A_617 : memref<1x16x1024xf32, #tpu.memory_space<vmem>> -> memref<16x1024xf32, #tpu.memory_space<vmem>>
    %dma_wait3A_619 = arith.constant 96 : i32
    %dma_wait3A_620 = tpu.memref_slice %arg6[%dma_wait3A_619] : memref<256xi32, #tpu.memory_space<vmem>> -> memref<16xi32, #tpu.memory_space<vmem>>
    %dma_wait3A_621 = arith.constant 0 : i32
    %dma_wait3A_622 = arith.constant 0 : i32
    %dma_wait3A_623 = tpu.memref_slice %arg3[%dma_wait3A_621, %dma_wait3A_622] : memref<100000x1024xf32, #tpu.memory_space<hbm>> -> memref<100000x1024xf32, #tpu.memory_space<hbm>>
    %dma_wait3A_624 = tpu.memref_slice %arg10[%dma_wait3A_614] : memref<2x!tpu.dma_semaphore, #tpu.memory_space<semaphore_mem>> -> memref<1x!tpu.dma_semaphore, #tpu.memory_space<semaphore_mem>>
    %dma_wait3A_625 = tpu.memref_squeeze %dma_wait3A_624 : memref<1x!tpu.dma_semaphore, #tpu.memory_space<semaphore_mem>> -> memref<!tpu.dma_semaphore, #tpu.memory_space<semaphore_mem>>
    tpu.wait_indirect_dma semaphore(%dma_wait3A_625 : memref<!tpu.dma_semaphore, #tpu.memory_space<semaphore_mem>>) src(%dma_wait3A_623 : memref<100000x1024xf32, #tpu.memory_space<hbm>>) dst(%dma_wait3A_618 : memref<16x1024xf32, #tpu.memory_space<vmem>>)
    %dma_wait3A_626 = arith.constant 0 : i32
    %dma_wait3A_627 = arith.constant 0 : i32
    %dma_wait3A_628 = arith.constant 0 : i32
    %dma_wait3A_629 = arith.constant 0 : i32
    %dma_wait3A_630 = tpu.memref_slice %arg8[%dma_wait3A_626, %dma_wait3A_628, %dma_wait3A_629] : memref<2x16x1024xf32, #tpu.memory_space<vmem>> -> memref<1x16x1024xf32, #tpu.memory_space<vmem>>
    %dma_wait3A_631 = tpu.memref_squeeze %dma_wait3A_630 : memref<1x16x1024xf32, #tpu.memory_space<vmem>> -> memref<16x1024xf32, #tpu.memory_space<vmem>>
    %dma_wait3A_632 = arith.constant 0 : i32
    %dma_wait3A_633 = tpu.memref_slice %arg4[%add3A_499, %dma_wait3A_632] : memref<2048x1024xf32, #tpu.memory_space<hbm>> -> memref<16x1024xf32, #tpu.memory_space<hbm>>
    %dma_wait3A_634 = tpu.memref_slice %arg11[%dma_wait3A_627] : memref<2x!tpu.dma_semaphore, #tpu.memory_space<semaphore_mem>> -> memref<1x!tpu.dma_semaphore, #tpu.memory_space<semaphore_mem>>
    %dma_wait3A_635 = tpu.memref_squeeze %dma_wait3A_634 : memref<1x!tpu.dma_semaphore, #tpu.memory_space<semaphore_mem>> -> memref<!tpu.dma_semaphore, #tpu.memory_space<semaphore_mem>>
    %dma_wait3A_636 = arith.constant 0 : i32
    %dma_wait3A_637 = arith.constant 0 : i32
    %dma_wait3A_638 = tpu.memref_slice %arg8[%dma_wait3A_626, %dma_wait3A_636, %dma_wait3A_637] : memref<2x16x1024xf32, #tpu.memory_space<vmem>> -> memref<1x16x1024xf32, #tpu.memory_space<vmem>>
    %dma_wait3A_639 = tpu.memref_squeeze %dma_wait3A_638 : memref<1x16x1024xf32, #tpu.memory_space<vmem>> -> memref<16x1024xf32, #tpu.memory_space<vmem>>
    %dma_wait3A_640 = arith.constant 0 : i32
    %dma_wait3A_641 = tpu.memref_slice %arg4[%add3A_499, %dma_wait3A_640] : memref<2048x1024xf32, #tpu.memory_space<hbm>> -> memref<16x1024xf32, #tpu.memory_space<hbm>>
    tpu.wait_dma2 semaphore(%dma_wait3A_635 : memref<!tpu.dma_semaphore, #tpu.memory_space<semaphore_mem>>) src(%dma_wait3A_641 : memref<16x1024xf32, #tpu.memory_space<hbm>>) dst(%dma_wait3A_639 : memref<16x1024xf32, #tpu.memory_space<vmem>>)
    %dma_wait3A_642 = arith.constant 0 : i32
    %dma_wait3A_643 = arith.constant 0 : i32
    %dma_wait3A_644 = arith.constant 0 : i32
    %dma_wait3A_645 = arith.constant 0 : i32
    %dma_wait3A_646 = tpu.memref_slice %arg9[%dma_wait3A_642, %dma_wait3A_644, %dma_wait3A_645] : memref<2x16x1024xf32, #tpu.memory_space<vmem>> -> memref<1x16x1024xf32, #tpu.memory_space<vmem>>
    %dma_wait3A_647 = tpu.memref_squeeze %dma_wait3A_646 : memref<1x16x1024xf32, #tpu.memory_space<vmem>> -> memref<16x1024xf32, #tpu.memory_space<vmem>>
    %dma_wait3A_648 = arith.constant 0 : i32
    %dma_wait3A_649 = tpu.memref_slice %arg5[%add3A_468, %dma_wait3A_648] : memref<8192x1024xf32, #tpu.memory_space<hbm>> -> memref<16x1024xf32, #tpu.memory_space<hbm>>
    %dma_wait3A_650 = tpu.memref_slice %arg12[%dma_wait3A_643] : memref<2x!tpu.dma_semaphore, #tpu.memory_space<semaphore_mem>> -> memref<1x!tpu.dma_semaphore, #tpu.memory_space<semaphore_mem>>
    %dma_wait3A_651 = tpu.memref_squeeze %dma_wait3A_650 : memref<1x!tpu.dma_semaphore, #tpu.memory_space<semaphore_mem>> -> memref<!tpu.dma_semaphore, #tpu.memory_space<semaphore_mem>>
    %dma_wait3A_652 = arith.constant 0 : i32
    %dma_wait3A_653 = tpu.memref_slice %arg5[%add3A_468, %dma_wait3A_652] : memref<8192x1024xf32, #tpu.memory_space<hbm>> -> memref<16x1024xf32, #tpu.memory_space<hbm>>
    %dma_wait3A_654 = arith.constant 0 : i32
    %dma_wait3A_655 = arith.constant 0 : i32
    %dma_wait3A_656 = tpu.memref_slice %arg9[%dma_wait3A_642, %dma_wait3A_654, %dma_wait3A_655] : memref<2x16x1024xf32, #tpu.memory_space<vmem>> -> memref<1x16x1024xf32, #tpu.memory_space<vmem>>
    %dma_wait3A_657 = tpu.memref_squeeze %dma_wait3A_656 : memref<1x16x1024xf32, #tpu.memory_space<vmem>> -> memref<16x1024xf32, #tpu.memory_space<vmem>>
    tpu.wait_dma2 semaphore(%dma_wait3A_651 : memref<!tpu.dma_semaphore, #tpu.memory_space<semaphore_mem>>) src(%dma_wait3A_657 : memref<16x1024xf32, #tpu.memory_space<vmem>>) dst(%dma_wait3A_653 : memref<16x1024xf32, #tpu.memory_space<hbm>>)
    %parallel_loop3A_658 = arith.constant 0 : i32
    %parallel_loop3A_659 = arith.constant 1024 : i32
    %parallel_loop3A_660 = arith.constant 1 : i32
    scf.for %parallel_loop3A_1553 = %parallel_loop3A_658 to %parallel_loop3A_659 step %parallel_loop3A_660  : i32 {
      %parallel_loop3A_1554 = arith.constant 6 : i32
      %parallel_loop3A_1555 = arith.shrui %parallel_loop3A_1553, %parallel_loop3A_1554 : i32
      %parallel_loop3A_1556 = arith.constant 63 : i32
      %parallel_loop3A_1557 = arith.andi %parallel_loop3A_1553, %parallel_loop3A_1556 : i32
      %parallel_loop3A_1558 = arith.constant 16 : i32
      %parallel_loop3A_1559 = arith.muli %parallel_loop3A_1557, %parallel_loop3A_1558 : i32
      %parallel_loop3A_1560 = arith.constant 0 : i32
      %parallel_loop3A_1561 = arith.index_cast %parallel_loop3A_1560 : i32 to index
      %parallel_loop3A_1562 = arith.index_cast %parallel_loop3A_1555 : i32 to index
      %parallel_loop3A_1563 = arith.index_cast %parallel_loop3A_1559 : i32 to index
      %parallel_loop3A_1564 = tpu.vector_load %arg7[%parallel_loop3A_1561, %parallel_loop3A_1562, %parallel_loop3A_1563] {strides = array<i32>} : memref<2x16x1024xf32, #tpu.memory_space<vmem>>, vector<1x1x16xf32>,
      %parallel_loop3A_1565 = vector.shape_cast %parallel_loop3A_1564 : vector<1x1x16xf32> to vector<16xf32>
      %parallel_loop3A_1566 = arith.constant 3.200000e+01 : f32
      %parallel_loop3A_1567 = vector.broadcast %parallel_loop3A_1566 : f32 to vector<16xf32>
      %parallel_loop3A_1568 = arith.mulf %parallel_loop3A_1565, %parallel_loop3A_1567 : vector<16xf32>
      %parallel_loop3A_1569 = arith.constant 0 : i32
      %parallel_loop3A_1570 = arith.index_cast %parallel_loop3A_1569 : i32 to index
      %parallel_loop3A_1571 = arith.index_cast %parallel_loop3A_1555 : i32 to index
      %parallel_loop3A_1572 = arith.index_cast %parallel_loop3A_1559 : i32 to index
      %parallel_loop3A_1573 = tpu.vector_load %arg8[%parallel_loop3A_1570, %parallel_loop3A_1571, %parallel_loop3A_1572] {strides = array<i32>} : memref<2x16x1024xf32, #tpu.memory_space<vmem>>, vector<1x1x16xf32>,
      %parallel_loop3A_1574 = vector.shape_cast %parallel_loop3A_1573 : vector<1x1x16xf32> to vector<16xf32>
      %parallel_loop3A_1575 = arith.addf %parallel_loop3A_1568, %parallel_loop3A_1574 : vector<16xf32>
      %parallel_loop3A_1576 = arith.constant 0 : i32
      %parallel_loop3A_1577 = arith.index_cast %parallel_loop3A_1576 : i32 to index
      %parallel_loop3A_1578 = arith.index_cast %parallel_loop3A_1555 : i32 to index
      %parallel_loop3A_1579 = arith.index_cast %parallel_loop3A_1559 : i32 to index
      %parallel_loop3A_1580 = tpu.vector_load %arg9[%parallel_loop3A_1577, %parallel_loop3A_1578, %parallel_loop3A_1579] {strides = array<i32>} : memref<2x16x1024xf32, #tpu.memory_space<vmem>>, vector<1x1x16xf32>,
      %parallel_loop3A_1581 = vector.shape_cast %parallel_loop3A_1580 : vector<1x1x16xf32> to vector<16xf32>
      %parallel_loop3A_1582 = vector.shape_cast %parallel_loop3A_1575 : vector<16xf32> to vector<1x1x16xf32>
      tpu.vector_store %arg9[%parallel_loop3A_1577, %parallel_loop3A_1578, %parallel_loop3A_1579], %parallel_loop3A_1582 {strides = array<i32>} : memref<2x16x1024xf32, #tpu.memory_space<vmem>>, vector<1x1x16xf32>,
    } {sc.loop_unroll_factor = 8 : i64, sc.parallel_access}
    %add3A_661 = arith.constant 96 : i32
    %add3A_662 = arith.addi %mul3A_2, %add3A_661 : i32
    %dma_start3A_663 = arith.constant 0 : i32
    %dma_start3A_664 = arith.constant 0 : i32
    %dma_start3A_665 = arith.constant 0 : i32
    %dma_start3A_666 = arith.constant 0 : i32
    %dma_start3A_667 = tpu.memref_slice %arg9[%dma_start3A_663, %dma_start3A_665, %dma_start3A_666] : memref<2x16x1024xf32, #tpu.memory_space<vmem>> -> memref<1x16x1024xf32, #tpu.memory_space<vmem>>
    %dma_start3A_668 = tpu.memref_squeeze %dma_start3A_667 : memref<1x16x1024xf32, #tpu.memory_space<vmem>> -> memref<16x1024xf32, #tpu.memory_space<vmem>>
    %dma_start3A_669 = arith.constant 0 : i32
    %dma_start3A_670 = tpu.memref_slice %arg5[%add3A_662, %dma_start3A_669] : memref<8192x1024xf32, #tpu.memory_space<hbm>> -> memref<16x1024xf32, #tpu.memory_space<hbm>>
    %dma_start3A_671 = tpu.memref_slice %arg12[%dma_start3A_664] : memref<2x!tpu.dma_semaphore, #tpu.memory_space<semaphore_mem>> -> memref<1x!tpu.dma_semaphore, #tpu.memory_space<semaphore_mem>>
    %dma_start3A_672 = tpu.memref_squeeze %dma_start3A_671 : memref<1x!tpu.dma_semaphore, #tpu.memory_space<semaphore_mem>> -> memref<!tpu.dma_semaphore, #tpu.memory_space<semaphore_mem>>
    %dma_start3A_673 = arith.constant 0 : i32
    %dma_start3A_674 = tpu.memref_slice %arg5[%add3A_662, %dma_start3A_673] : memref<8192x1024xf32, #tpu.memory_space<hbm>> -> memref<16x1024xf32, #tpu.memory_space<hbm>>
    %dma_start3A_675 = arith.constant 0 : i32
    %dma_start3A_676 = arith.constant 0 : i32
    %dma_start3A_677 = tpu.memref_slice %arg9[%dma_start3A_663, %dma_start3A_675, %dma_start3A_676] : memref<2x16x1024xf32, #tpu.memory_space<vmem>> -> memref<1x16x1024xf32, #tpu.memory_space<vmem>>
    %dma_start3A_678 = tpu.memref_squeeze %dma_start3A_677 : memref<1x16x1024xf32, #tpu.memory_space<vmem>> -> memref<16x1024xf32, #tpu.memory_space<vmem>>
    tpu.enqueue_dma source(%dma_start3A_678 : memref<16x1024xf32, #tpu.memory_space<vmem>>) target(%dma_start3A_674 : memref<16x1024xf32, #tpu.memory_space<hbm>>) target_semaphore(%dma_start3A_672 : memref<!tpu.dma_semaphore, #tpu.memory_space<semaphore_mem>>)
    %dma_start3A_679 = arith.constant 0 : i32
    %dma_start3A_680 = arith.constant 0 : i32
    %dma_start3A_681 = arith.constant 0 : i32
    %dma_start3A_682 = arith.constant 0 : i32
    %dma_start3A_683 = tpu.memref_slice %arg7[%dma_start3A_679, %dma_start3A_681, %dma_start3A_682] : memref<2x16x1024xf32, #tpu.memory_space<vmem>> -> memref<1x16x1024xf32, #tpu.memory_space<vmem>>
    %dma_start3A_684 = tpu.memref_squeeze %dma_start3A_683 : memref<1x16x1024xf32, #tpu.memory_space<vmem>> -> memref<16x1024xf32, #tpu.memory_space<vmem>>
    %dma_start3A_685 = arith.constant 128 : i32
    %dma_start3A_686 = tpu.memref_slice %arg6[%dma_start3A_685] : memref<256xi32, #tpu.memory_space<vmem>> -> memref<16xi32, #tpu.memory_space<vmem>>
    %dma_start3A_687 = arith.constant 0 : i32
    %dma_start3A_688 = arith.constant 0 : i32
    %dma_start3A_689 = tpu.memref_slice %arg3[%dma_start3A_687, %dma_start3A_688] : memref<100000x1024xf32, #tpu.memory_space<hbm>> -> memref<100000x1024xf32, #tpu.memory_space<hbm>>
    %dma_start3A_690 = tpu.memref_slice %arg10[%dma_start3A_680] : memref<2x!tpu.dma_semaphore, #tpu.memory_space<semaphore_mem>> -> memref<1x!tpu.dma_semaphore, #tpu.memory_space<semaphore_mem>>
    %dma_start3A_691 = tpu.memref_squeeze %dma_start3A_690 : memref<1x!tpu.dma_semaphore, #tpu.memory_space<semaphore_mem>> -> memref<!tpu.dma_semaphore, #tpu.memory_space<semaphore_mem>>
    tpu.enqueue_indirect_dma source(%dma_start3A_689 : memref<100000x1024xf32, #tpu.memory_space<hbm>>) target(%dma_start3A_684 : memref<16x1024xf32, #tpu.memory_space<vmem>>) offsets(%dma_start3A_686 : memref<16xi32, #tpu.memory_space<vmem>>) semaphore(%dma_start3A_691 : memref<!tpu.dma_semaphore, #tpu.memory_space<semaphore_mem>>)
    %add3A_692 = arith.constant 128 : i32
    %add3A_693 = arith.addi %rem3A_3, %add3A_692 : i32
    %dma_start3A_694 = arith.constant 0 : i32
    %dma_start3A_695 = arith.constant 0 : i32
    %dma_start3A_696 = arith.constant 0 : i32
    %dma_start3A_697 = arith.constant 0 : i32
    %dma_start3A_698 = tpu.memref_slice %arg8[%dma_start3A_694, %dma_start3A_696, %dma_start3A_697] : memref<2x16x1024xf32, #tpu.memory_space<vmem>> -> memref<1x16x1024xf32, #tpu.memory_space<vmem>>
    %dma_start3A_699 = tpu.memref_squeeze %dma_start3A_698 : memref<1x16x1024xf32, #tpu.memory_space<vmem>> -> memref<16x1024xf32, #tpu.memory_space<vmem>>
    %dma_start3A_700 = arith.constant 0 : i32
    %dma_start3A_701 = tpu.memref_slice %arg4[%add3A_693, %dma_start3A_700] : memref<2048x1024xf32, #tpu.memory_space<hbm>> -> memref<16x1024xf32, #tpu.memory_space<hbm>>
    %dma_start3A_702 = tpu.memref_slice %arg11[%dma_start3A_695] : memref<2x!tpu.dma_semaphore, #tpu.memory_space<semaphore_mem>> -> memref<1x!tpu.dma_semaphore, #tpu.memory_space<semaphore_mem>>
    %dma_start3A_703 = tpu.memref_squeeze %dma_start3A_702 : memref<1x!tpu.dma_semaphore, #tpu.memory_space<semaphore_mem>> -> memref<!tpu.dma_semaphore, #tpu.memory_space<semaphore_mem>>
    %dma_start3A_704 = arith.constant 0 : i32
    %dma_start3A_705 = arith.constant 0 : i32
    %dma_start3A_706 = tpu.memref_slice %arg8[%dma_start3A_694, %dma_start3A_704, %dma_start3A_705] : memref<2x16x1024xf32, #tpu.memory_space<vmem>> -> memref<1x16x1024xf32, #tpu.memory_space<vmem>>
    %dma_start3A_707 = tpu.memref_squeeze %dma_start3A_706 : memref<1x16x1024xf32, #tpu.memory_space<vmem>> -> memref<16x1024xf32, #tpu.memory_space<vmem>>
    %dma_start3A_708 = arith.constant 0 : i32
    %dma_start3A_709 = tpu.memref_slice %arg4[%add3A_693, %dma_start3A_708] : memref<2048x1024xf32, #tpu.memory_space<hbm>> -> memref<16x1024xf32, #tpu.memory_space<hbm>>
    tpu.enqueue_dma source(%dma_start3A_709 : memref<16x1024xf32, #tpu.memory_space<hbm>>) target(%dma_start3A_707 : memref<16x1024xf32, #tpu.memory_space<vmem>>) target_semaphore(%dma_start3A_703 : memref<!tpu.dma_semaphore, #tpu.memory_space<semaphore_mem>>)
    %dma_wait3A_710 = arith.constant 1 : i32
    %dma_wait3A_711 = arith.constant 1 : i32
    %dma_wait3A_712 = arith.constant 0 : i32
    %dma_wait3A_713 = arith.constant 0 : i32
    %dma_wait3A_714 = tpu.memref_slice %arg7[%dma_wait3A_710, %dma_wait3A_712, %dma_wait3A_713] : memref<2x16x1024xf32, #tpu.memory_space<vmem>> -> memref<1x16x1024xf32, #tpu.memory_space<vmem>>
    %dma_wait3A_715 = tpu.memref_squeeze %dma_wait3A_714 : memref<1x16x1024xf32, #tpu.memory_space<vmem>> -> memref<16x1024xf32, #tpu.memory_space<vmem>>
    %dma_wait3A_716 = arith.constant 112 : i32
    %dma_wait3A_717 = tpu.memref_slice %arg6[%dma_wait3A_716] : memref<256xi32, #tpu.memory_space<vmem>> -> memref<16xi32, #tpu.memory_space<vmem>>
    %dma_wait3A_718 = arith.constant 0 : i32
    %dma_wait3A_719 = arith.constant 0 : i32
    %dma_wait3A_720 = tpu.memref_slice %arg3[%dma_wait3A_718, %dma_wait3A_719] : memref<100000x1024xf32, #tpu.memory_space<hbm>> -> memref<100000x1024xf32, #tpu.memory_space<hbm>>
    %dma_wait3A_721 = tpu.memref_slice %arg10[%dma_wait3A_711] : memref<2x!tpu.dma_semaphore, #tpu.memory_space<semaphore_mem>> -> memref<1x!tpu.dma_semaphore, #tpu.memory_space<semaphore_mem>>
    %dma_wait3A_722 = tpu.memref_squeeze %dma_wait3A_721 : memref<1x!tpu.dma_semaphore, #tpu.memory_space<semaphore_mem>> -> memref<!tpu.dma_semaphore, #tpu.memory_space<semaphore_mem>>
    tpu.wait_indirect_dma semaphore(%dma_wait3A_722 : memref<!tpu.dma_semaphore, #tpu.memory_space<semaphore_mem>>) src(%dma_wait3A_720 : memref<100000x1024xf32, #tpu.memory_space<hbm>>) dst(%dma_wait3A_715 : memref<16x1024xf32, #tpu.memory_space<vmem>>)
    %dma_wait3A_723 = arith.constant 1 : i32
    %dma_wait3A_724 = arith.constant 1 : i32
    %dma_wait3A_725 = arith.constant 0 : i32
    %dma_wait3A_726 = arith.constant 0 : i32
    %dma_wait3A_727 = tpu.memref_slice %arg8[%dma_wait3A_723, %dma_wait3A_725, %dma_wait3A_726] : memref<2x16x1024xf32, #tpu.memory_space<vmem>> -> memref<1x16x1024xf32, #tpu.memory_space<vmem>>
    %dma_wait3A_728 = tpu.memref_squeeze %dma_wait3A_727 : memref<1x16x1024xf32, #tpu.memory_space<vmem>> -> memref<16x1024xf32, #tpu.memory_space<vmem>>
    %dma_wait3A_729 = arith.constant 0 : i32
    %dma_wait3A_730 = tpu.memref_slice %arg4[%add3A_596, %dma_wait3A_729] : memref<2048x1024xf32, #tpu.memory_space<hbm>> -> memref<16x1024xf32, #tpu.memory_space<hbm>>
    %dma_wait3A_731 = tpu.memref_slice %arg11[%dma_wait3A_724] : memref<2x!tpu.dma_semaphore, #tpu.memory_space<semaphore_mem>> -> memref<1x!tpu.dma_semaphore, #tpu.memory_space<semaphore_mem>>
    %dma_wait3A_732 = tpu.memref_squeeze %dma_wait3A_731 : memref<1x!tpu.dma_semaphore, #tpu.memory_space<semaphore_mem>> -> memref<!tpu.dma_semaphore, #tpu.memory_space<semaphore_mem>>
    %dma_wait3A_733 = arith.constant 0 : i32
    %dma_wait3A_734 = arith.constant 0 : i32
    %dma_wait3A_735 = tpu.memref_slice %arg8[%dma_wait3A_723, %dma_wait3A_733, %dma_wait3A_734] : memref<2x16x1024xf32, #tpu.memory_space<vmem>> -> memref<1x16x1024xf32, #tpu.memory_space<vmem>>
    %dma_wait3A_736 = tpu.memref_squeeze %dma_wait3A_735 : memref<1x16x1024xf32, #tpu.memory_space<vmem>> -> memref<16x1024xf32, #tpu.memory_space<vmem>>
    %dma_wait3A_737 = arith.constant 0 : i32
    %dma_wait3A_738 = tpu.memref_slice %arg4[%add3A_596, %dma_wait3A_737] : memref<2048x1024xf32, #tpu.memory_space<hbm>> -> memref<16x1024xf32, #tpu.memory_space<hbm>>
    tpu.wait_dma2 semaphore(%dma_wait3A_732 : memref<!tpu.dma_semaphore, #tpu.memory_space<semaphore_mem>>) src(%dma_wait3A_738 : memref<16x1024xf32, #tpu.memory_space<hbm>>) dst(%dma_wait3A_736 : memref<16x1024xf32, #tpu.memory_space<vmem>>)
    %dma_wait3A_739 = arith.constant 1 : i32
    %dma_wait3A_740 = arith.constant 1 : i32
    %dma_wait3A_741 = arith.constant 0 : i32
    %dma_wait3A_742 = arith.constant 0 : i32
    %dma_wait3A_743 = tpu.memref_slice %arg9[%dma_wait3A_739, %dma_wait3A_741, %dma_wait3A_742] : memref<2x16x1024xf32, #tpu.memory_space<vmem>> -> memref<1x16x1024xf32, #tpu.memory_space<vmem>>
    %dma_wait3A_744 = tpu.memref_squeeze %dma_wait3A_743 : memref<1x16x1024xf32, #tpu.memory_space<vmem>> -> memref<16x1024xf32, #tpu.memory_space<vmem>>
    %dma_wait3A_745 = arith.constant 0 : i32
    %dma_wait3A_746 = tpu.memref_slice %arg5[%add3A_565, %dma_wait3A_745] : memref<8192x1024xf32, #tpu.memory_space<hbm>> -> memref<16x1024xf32, #tpu.memory_space<hbm>>
    %dma_wait3A_747 = tpu.memref_slice %arg12[%dma_wait3A_740] : memref<2x!tpu.dma_semaphore, #tpu.memory_space<semaphore_mem>> -> memref<1x!tpu.dma_semaphore, #tpu.memory_space<semaphore_mem>>
    %dma_wait3A_748 = tpu.memref_squeeze %dma_wait3A_747 : memref<1x!tpu.dma_semaphore, #tpu.memory_space<semaphore_mem>> -> memref<!tpu.dma_semaphore, #tpu.memory_space<semaphore_mem>>
    %dma_wait3A_749 = arith.constant 0 : i32
    %dma_wait3A_750 = tpu.memref_slice %arg5[%add3A_565, %dma_wait3A_749] : memref<8192x1024xf32, #tpu.memory_space<hbm>> -> memref<16x1024xf32, #tpu.memory_space<hbm>>
    %dma_wait3A_751 = arith.constant 0 : i32
    %dma_wait3A_752 = arith.constant 0 : i32
    %dma_wait3A_753 = tpu.memref_slice %arg9[%dma_wait3A_739, %dma_wait3A_751, %dma_wait3A_752] : memref<2x16x1024xf32, #tpu.memory_space<vmem>> -> memref<1x16x1024xf32, #tpu.memory_space<vmem>>
    %dma_wait3A_754 = tpu.memref_squeeze %dma_wait3A_753 : memref<1x16x1024xf32, #tpu.memory_space<vmem>> -> memref<16x1024xf32, #tpu.memory_space<vmem>>
    tpu.wait_dma2 semaphore(%dma_wait3A_748 : memref<!tpu.dma_semaphore, #tpu.memory_space<semaphore_mem>>) src(%dma_wait3A_754 : memref<16x1024xf32, #tpu.memory_space<vmem>>) dst(%dma_wait3A_750 : memref<16x1024xf32, #tpu.memory_space<hbm>>)
    %parallel_loop3A_755 = arith.constant 0 : i32
    %parallel_loop3A_756 = arith.constant 1024 : i32
    %parallel_loop3A_757 = arith.constant 1 : i32
    scf.for %parallel_loop3A_1553 = %parallel_loop3A_755 to %parallel_loop3A_756 step %parallel_loop3A_757  : i32 {
      %parallel_loop3A_1554 = arith.constant 6 : i32
      %parallel_loop3A_1555 = arith.shrui %parallel_loop3A_1553, %parallel_loop3A_1554 : i32
      %parallel_loop3A_1556 = arith.constant 63 : i32
      %parallel_loop3A_1557 = arith.andi %parallel_loop3A_1553, %parallel_loop3A_1556 : i32
      %parallel_loop3A_1558 = arith.constant 16 : i32
      %parallel_loop3A_1559 = arith.muli %parallel_loop3A_1557, %parallel_loop3A_1558 : i32
      %parallel_loop3A_1560 = arith.constant 1 : i32
      %parallel_loop3A_1561 = arith.index_cast %parallel_loop3A_1560 : i32 to index
      %parallel_loop3A_1562 = arith.index_cast %parallel_loop3A_1555 : i32 to index
      %parallel_loop3A_1563 = arith.index_cast %parallel_loop3A_1559 : i32 to index
      %parallel_loop3A_1564 = tpu.vector_load %arg7[%parallel_loop3A_1561, %parallel_loop3A_1562, %parallel_loop3A_1563] {strides = array<i32>} : memref<2x16x1024xf32, #tpu.memory_space<vmem>>, vector<1x1x16xf32>,
      %parallel_loop3A_1565 = vector.shape_cast %parallel_loop3A_1564 : vector<1x1x16xf32> to vector<16xf32>
      %parallel_loop3A_1566 = arith.constant 3.200000e+01 : f32
      %parallel_loop3A_1567 = vector.broadcast %parallel_loop3A_1566 : f32 to vector<16xf32>
      %parallel_loop3A_1568 = arith.mulf %parallel_loop3A_1565, %parallel_loop3A_1567 : vector<16xf32>
      %parallel_loop3A_1569 = arith.constant 1 : i32
      %parallel_loop3A_1570 = arith.index_cast %parallel_loop3A_1569 : i32 to index
      %parallel_loop3A_1571 = arith.index_cast %parallel_loop3A_1555 : i32 to index
      %parallel_loop3A_1572 = arith.index_cast %parallel_loop3A_1559 : i32 to index
      %parallel_loop3A_1573 = tpu.vector_load %arg8[%parallel_loop3A_1570, %parallel_loop3A_1571, %parallel_loop3A_1572] {strides = array<i32>} : memref<2x16x1024xf32, #tpu.memory_space<vmem>>, vector<1x1x16xf32>,
      %parallel_loop3A_1574 = vector.shape_cast %parallel_loop3A_1573 : vector<1x1x16xf32> to vector<16xf32>
      %parallel_loop3A_1575 = arith.addf %parallel_loop3A_1568, %parallel_loop3A_1574 : vector<16xf32>
      %parallel_loop3A_1576 = arith.constant 1 : i32
      %parallel_loop3A_1577 = arith.index_cast %parallel_loop3A_1576 : i32 to index
      %parallel_loop3A_1578 = arith.index_cast %parallel_loop3A_1555 : i32 to index
      %parallel_loop3A_1579 = arith.index_cast %parallel_loop3A_1559 : i32 to index
      %parallel_loop3A_1580 = tpu.vector_load %arg9[%parallel_loop3A_1577, %parallel_loop3A_1578, %parallel_loop3A_1579] {strides = array<i32>} : memref<2x16x1024xf32, #tpu.memory_space<vmem>>, vector<1x1x16xf32>,
      %parallel_loop3A_1581 = vector.shape_cast %parallel_loop3A_1580 : vector<1x1x16xf32> to vector<16xf32>
      %parallel_loop3A_1582 = vector.shape_cast %parallel_loop3A_1575 : vector<16xf32> to vector<1x1x16xf32>
      tpu.vector_store %arg9[%parallel_loop3A_1577, %parallel_loop3A_1578, %parallel_loop3A_1579], %parallel_loop3A_1582 {strides = array<i32>} : memref<2x16x1024xf32, #tpu.memory_space<vmem>>, vector<1x1x16xf32>,
    } {sc.loop_unroll_factor = 8 : i64, sc.parallel_access}
    %add3A_758 = arith.constant 112 : i32
    %add3A_759 = arith.addi %mul3A_2, %add3A_758 : i32
    %dma_start3A_760 = arith.constant 1 : i32
    %dma_start3A_761 = arith.constant 1 : i32
    %dma_start3A_762 = arith.constant 0 : i32
    %dma_start3A_763 = arith.constant 0 : i32
    %dma_start3A_764 = tpu.memref_slice %arg9[%dma_start3A_760, %dma_start3A_762, %dma_start3A_763] : memref<2x16x1024xf32, #tpu.memory_space<vmem>> -> memref<1x16x1024xf32, #tpu.memory_space<vmem>>
    %dma_start3A_765 = tpu.memref_squeeze %dma_start3A_764 : memref<1x16x1024xf32, #tpu.memory_space<vmem>> -> memref<16x1024xf32, #tpu.memory_space<vmem>>
    %dma_start3A_766 = arith.constant 0 : i32
    %dma_start3A_767 = tpu.memref_slice %arg5[%add3A_759, %dma_start3A_766] : memref<8192x1024xf32, #tpu.memory_space<hbm>> -> memref<16x1024xf32, #tpu.memory_space<hbm>>
    %dma_start3A_768 = tpu.memref_slice %arg12[%dma_start3A_761] : memref<2x!tpu.dma_semaphore, #tpu.memory_space<semaphore_mem>> -> memref<1x!tpu.dma_semaphore, #tpu.memory_space<semaphore_mem>>
    %dma_start3A_769 = tpu.memref_squeeze %dma_start3A_768 : memref<1x!tpu.dma_semaphore, #tpu.memory_space<semaphore_mem>> -> memref<!tpu.dma_semaphore, #tpu.memory_space<semaphore_mem>>
    %dma_start3A_770 = arith.constant 0 : i32
    %dma_start3A_771 = tpu.memref_slice %arg5[%add3A_759, %dma_start3A_770] : memref<8192x1024xf32, #tpu.memory_space<hbm>> -> memref<16x1024xf32, #tpu.memory_space<hbm>>
    %dma_start3A_772 = arith.constant 0 : i32
    %dma_start3A_773 = arith.constant 0 : i32
    %dma_start3A_774 = tpu.memref_slice %arg9[%dma_start3A_760, %dma_start3A_772, %dma_start3A_773] : memref<2x16x1024xf32, #tpu.memory_space<vmem>> -> memref<1x16x1024xf32, #tpu.memory_space<vmem>>
    %dma_start3A_775 = tpu.memref_squeeze %dma_start3A_774 : memref<1x16x1024xf32, #tpu.memory_space<vmem>> -> memref<16x1024xf32, #tpu.memory_space<vmem>>
    tpu.enqueue_dma source(%dma_start3A_775 : memref<16x1024xf32, #tpu.memory_space<vmem>>) target(%dma_start3A_771 : memref<16x1024xf32, #tpu.memory_space<hbm>>) target_semaphore(%dma_start3A_769 : memref<!tpu.dma_semaphore, #tpu.memory_space<semaphore_mem>>)
    %dma_start3A_776 = arith.constant 1 : i32
    %dma_start3A_777 = arith.constant 1 : i32
    %dma_start3A_778 = arith.constant 0 : i32
    %dma_start3A_779 = arith.constant 0 : i32
    %dma_start3A_780 = tpu.memref_slice %arg7[%dma_start3A_776, %dma_start3A_778, %dma_start3A_779] : memref<2x16x1024xf32, #tpu.memory_space<vmem>> -> memref<1x16x1024xf32, #tpu.memory_space<vmem>>
    %dma_start3A_781 = tpu.memref_squeeze %dma_start3A_780 : memref<1x16x1024xf32, #tpu.memory_space<vmem>> -> memref<16x1024xf32, #tpu.memory_space<vmem>>
    %dma_start3A_782 = arith.constant 144 : i32
    %dma_start3A_783 = tpu.memref_slice %arg6[%dma_start3A_782] : memref<256xi32, #tpu.memory_space<vmem>> -> memref<16xi32, #tpu.memory_space<vmem>>
    %dma_start3A_784 = arith.constant 0 : i32
    %dma_start3A_785 = arith.constant 0 : i32
    %dma_start3A_786 = tpu.memref_slice %arg3[%dma_start3A_784, %dma_start3A_785] : memref<100000x1024xf32, #tpu.memory_space<hbm>> -> memref<100000x1024xf32, #tpu.memory_space<hbm>>
    %dma_start3A_787 = tpu.memref_slice %arg10[%dma_start3A_777] : memref<2x!tpu.dma_semaphore, #tpu.memory_space<semaphore_mem>> -> memref<1x!tpu.dma_semaphore, #tpu.memory_space<semaphore_mem>>
    %dma_start3A_788 = tpu.memref_squeeze %dma_start3A_787 : memref<1x!tpu.dma_semaphore, #tpu.memory_space<semaphore_mem>> -> memref<!tpu.dma_semaphore, #tpu.memory_space<semaphore_mem>>
    tpu.enqueue_indirect_dma source(%dma_start3A_786 : memref<100000x1024xf32, #tpu.memory_space<hbm>>) target(%dma_start3A_781 : memref<16x1024xf32, #tpu.memory_space<vmem>>) offsets(%dma_start3A_783 : memref<16xi32, #tpu.memory_space<vmem>>) semaphore(%dma_start3A_788 : memref<!tpu.dma_semaphore, #tpu.memory_space<semaphore_mem>>)
    %add3A_789 = arith.constant 144 : i32
    %add3A_790 = arith.addi %rem3A_3, %add3A_789 : i32
    %dma_start3A_791 = arith.constant 1 : i32
    %dma_start3A_792 = arith.constant 1 : i32
    %dma_start3A_793 = arith.constant 0 : i32
    %dma_start3A_794 = arith.constant 0 : i32
    %dma_start3A_795 = tpu.memref_slice %arg8[%dma_start3A_791, %dma_start3A_793, %dma_start3A_794] : memref<2x16x1024xf32, #tpu.memory_space<vmem>> -> memref<1x16x1024xf32, #tpu.memory_space<vmem>>
    %dma_start3A_796 = tpu.memref_squeeze %dma_start3A_795 : memref<1x16x1024xf32, #tpu.memory_space<vmem>> -> memref<16x1024xf32, #tpu.memory_space<vmem>>
    %dma_start3A_797 = arith.constant 0 : i32
    %dma_start3A_798 = tpu.memref_slice %arg4[%add3A_790, %dma_start3A_797] : memref<2048x1024xf32, #tpu.memory_space<hbm>> -> memref<16x1024xf32, #tpu.memory_space<hbm>>
    %dma_start3A_799 = tpu.memref_slice %arg11[%dma_start3A_792] : memref<2x!tpu.dma_semaphore, #tpu.memory_space<semaphore_mem>> -> memref<1x!tpu.dma_semaphore, #tpu.memory_space<semaphore_mem>>
    %dma_start3A_800 = tpu.memref_squeeze %dma_start3A_799 : memref<1x!tpu.dma_semaphore, #tpu.memory_space<semaphore_mem>> -> memref<!tpu.dma_semaphore, #tpu.memory_space<semaphore_mem>>
    %dma_start3A_801 = arith.constant 0 : i32
    %dma_start3A_802 = arith.constant 0 : i32
    %dma_start3A_803 = tpu.memref_slice %arg8[%dma_start3A_791, %dma_start3A_801, %dma_start3A_802] : memref<2x16x1024xf32, #tpu.memory_space<vmem>> -> memref<1x16x1024xf32, #tpu.memory_space<vmem>>
    %dma_start3A_804 = tpu.memref_squeeze %dma_start3A_803 : memref<1x16x1024xf32, #tpu.memory_space<vmem>> -> memref<16x1024xf32, #tpu.memory_space<vmem>>
    %dma_start3A_805 = arith.constant 0 : i32
    %dma_start3A_806 = tpu.memref_slice %arg4[%add3A_790, %dma_start3A_805] : memref<2048x1024xf32, #tpu.memory_space<hbm>> -> memref<16x1024xf32, #tpu.memory_space<hbm>>
    tpu.enqueue_dma source(%dma_start3A_806 : memref<16x1024xf32, #tpu.memory_space<hbm>>) target(%dma_start3A_804 : memref<16x1024xf32, #tpu.memory_space<vmem>>) target_semaphore(%dma_start3A_800 : memref<!tpu.dma_semaphore, #tpu.memory_space<semaphore_mem>>)
    %dma_wait3A_807 = arith.constant 0 : i32
    %dma_wait3A_808 = arith.constant 0 : i32
    %dma_wait3A_809 = arith.constant 0 : i32
    %dma_wait3A_810 = arith.constant 0 : i32
    %dma_wait3A_811 = tpu.memref_slice %arg7[%dma_wait3A_807, %dma_wait3A_809, %dma_wait3A_810] : memref<2x16x1024xf32, #tpu.memory_space<vmem>> -> memref<1x16x1024xf32, #tpu.memory_space<vmem>>
    %dma_wait3A_812 = tpu.memref_squeeze %dma_wait3A_811 : memref<1x16x1024xf32, #tpu.memory_space<vmem>> -> memref<16x1024xf32, #tpu.memory_space<vmem>>
    %dma_wait3A_813 = arith.constant 128 : i32
    %dma_wait3A_814 = tpu.memref_slice %arg6[%dma_wait3A_813] : memref<256xi32, #tpu.memory_space<vmem>> -> memref<16xi32, #tpu.memory_space<vmem>>
    %dma_wait3A_815 = arith.constant 0 : i32
    %dma_wait3A_816 = arith.constant 0 : i32
    %dma_wait3A_817 = tpu.memref_slice %arg3[%dma_wait3A_815, %dma_wait3A_816] : memref<100000x1024xf32, #tpu.memory_space<hbm>> -> memref<100000x1024xf32, #tpu.memory_space<hbm>>
    %dma_wait3A_818 = tpu.memref_slice %arg10[%dma_wait3A_808] : memref<2x!tpu.dma_semaphore, #tpu.memory_space<semaphore_mem>> -> memref<1x!tpu.dma_semaphore, #tpu.memory_space<semaphore_mem>>
    %dma_wait3A_819 = tpu.memref_squeeze %dma_wait3A_818 : memref<1x!tpu.dma_semaphore, #tpu.memory_space<semaphore_mem>> -> memref<!tpu.dma_semaphore, #tpu.memory_space<semaphore_mem>>
    tpu.wait_indirect_dma semaphore(%dma_wait3A_819 : memref<!tpu.dma_semaphore, #tpu.memory_space<semaphore_mem>>) src(%dma_wait3A_817 : memref<100000x1024xf32, #tpu.memory_space<hbm>>) dst(%dma_wait3A_812 : memref<16x1024xf32, #tpu.memory_space<vmem>>)
    %dma_wait3A_820 = arith.constant 0 : i32
    %dma_wait3A_821 = arith.constant 0 : i32
    %dma_wait3A_822 = arith.constant 0 : i32
    %dma_wait3A_823 = arith.constant 0 : i32
    %dma_wait3A_824 = tpu.memref_slice %arg8[%dma_wait3A_820, %dma_wait3A_822, %dma_wait3A_823] : memref<2x16x1024xf32, #tpu.memory_space<vmem>> -> memref<1x16x1024xf32, #tpu.memory_space<vmem>>
    %dma_wait3A_825 = tpu.memref_squeeze %dma_wait3A_824 : memref<1x16x1024xf32, #tpu.memory_space<vmem>> -> memref<16x1024xf32, #tpu.memory_space<vmem>>
    %dma_wait3A_826 = arith.constant 0 : i32
    %dma_wait3A_827 = tpu.memref_slice %arg4[%add3A_693, %dma_wait3A_826] : memref<2048x1024xf32, #tpu.memory_space<hbm>> -> memref<16x1024xf32, #tpu.memory_space<hbm>>
    %dma_wait3A_828 = tpu.memref_slice %arg11[%dma_wait3A_821] : memref<2x!tpu.dma_semaphore, #tpu.memory_space<semaphore_mem>> -> memref<1x!tpu.dma_semaphore, #tpu.memory_space<semaphore_mem>>
    %dma_wait3A_829 = tpu.memref_squeeze %dma_wait3A_828 : memref<1x!tpu.dma_semaphore, #tpu.memory_space<semaphore_mem>> -> memref<!tpu.dma_semaphore, #tpu.memory_space<semaphore_mem>>
    %dma_wait3A_830 = arith.constant 0 : i32
    %dma_wait3A_831 = arith.constant 0 : i32
    %dma_wait3A_832 = tpu.memref_slice %arg8[%dma_wait3A_820, %dma_wait3A_830, %dma_wait3A_831] : memref<2x16x1024xf32, #tpu.memory_space<vmem>> -> memref<1x16x1024xf32, #tpu.memory_space<vmem>>
    %dma_wait3A_833 = tpu.memref_squeeze %dma_wait3A_832 : memref<1x16x1024xf32, #tpu.memory_space<vmem>> -> memref<16x1024xf32, #tpu.memory_space<vmem>>
    %dma_wait3A_834 = arith.constant 0 : i32
    %dma_wait3A_835 = tpu.memref_slice %arg4[%add3A_693, %dma_wait3A_834] : memref<2048x1024xf32, #tpu.memory_space<hbm>> -> memref<16x1024xf32, #tpu.memory_space<hbm>>
    tpu.wait_dma2 semaphore(%dma_wait3A_829 : memref<!tpu.dma_semaphore, #tpu.memory_space<semaphore_mem>>) src(%dma_wait3A_835 : memref<16x1024xf32, #tpu.memory_space<hbm>>) dst(%dma_wait3A_833 : memref<16x1024xf32, #tpu.memory_space<vmem>>)
    %dma_wait3A_836 = arith.constant 0 : i32
    %dma_wait3A_837 = arith.constant 0 : i32
    %dma_wait3A_838 = arith.constant 0 : i32
    %dma_wait3A_839 = arith.constant 0 : i32
    %dma_wait3A_840 = tpu.memref_slice %arg9[%dma_wait3A_836, %dma_wait3A_838, %dma_wait3A_839] : memref<2x16x1024xf32, #tpu.memory_space<vmem>> -> memref<1x16x1024xf32, #tpu.memory_space<vmem>>
    %dma_wait3A_841 = tpu.memref_squeeze %dma_wait3A_840 : memref<1x16x1024xf32, #tpu.memory_space<vmem>> -> memref<16x1024xf32, #tpu.memory_space<vmem>>
    %dma_wait3A_842 = arith.constant 0 : i32
    %dma_wait3A_843 = tpu.memref_slice %arg5[%add3A_662, %dma_wait3A_842] : memref<8192x1024xf32, #tpu.memory_space<hbm>> -> memref<16x1024xf32, #tpu.memory_space<hbm>>
    %dma_wait3A_844 = tpu.memref_slice %arg12[%dma_wait3A_837] : memref<2x!tpu.dma_semaphore, #tpu.memory_space<semaphore_mem>> -> memref<1x!tpu.dma_semaphore, #tpu.memory_space<semaphore_mem>>
    %dma_wait3A_845 = tpu.memref_squeeze %dma_wait3A_844 : memref<1x!tpu.dma_semaphore, #tpu.memory_space<semaphore_mem>> -> memref<!tpu.dma_semaphore, #tpu.memory_space<semaphore_mem>>
    %dma_wait3A_846 = arith.constant 0 : i32
    %dma_wait3A_847 = tpu.memref_slice %arg5[%add3A_662, %dma_wait3A_846] : memref<8192x1024xf32, #tpu.memory_space<hbm>> -> memref<16x1024xf32, #tpu.memory_space<hbm>>
    %dma_wait3A_848 = arith.constant 0 : i32
    %dma_wait3A_849 = arith.constant 0 : i32
    %dma_wait3A_850 = tpu.memref_slice %arg9[%dma_wait3A_836, %dma_wait3A_848, %dma_wait3A_849] : memref<2x16x1024xf32, #tpu.memory_space<vmem>> -> memref<1x16x1024xf32, #tpu.memory_space<vmem>>
    %dma_wait3A_851 = tpu.memref_squeeze %dma_wait3A_850 : memref<1x16x1024xf32, #tpu.memory_space<vmem>> -> memref<16x1024xf32, #tpu.memory_space<vmem>>
    tpu.wait_dma2 semaphore(%dma_wait3A_845 : memref<!tpu.dma_semaphore, #tpu.memory_space<semaphore_mem>>) src(%dma_wait3A_851 : memref<16x1024xf32, #tpu.memory_space<vmem>>) dst(%dma_wait3A_847 : memref<16x1024xf32, #tpu.memory_space<hbm>>)
    %parallel_loop3A_852 = arith.constant 0 : i32
    %parallel_loop3A_853 = arith.constant 1024 : i32
    %parallel_loop3A_854 = arith.constant 1 : i32
    scf.for %parallel_loop3A_1553 = %parallel_loop3A_852 to %parallel_loop3A_853 step %parallel_loop3A_854  : i32 {
      %parallel_loop3A_1554 = arith.constant 6 : i32
      %parallel_loop3A_1555 = arith.shrui %parallel_loop3A_1553, %parallel_loop3A_1554 : i32
      %parallel_loop3A_1556 = arith.constant 63 : i32
      %parallel_loop3A_1557 = arith.andi %parallel_loop3A_1553, %parallel_loop3A_1556 : i32
      %parallel_loop3A_1558 = arith.constant 16 : i32
      %parallel_loop3A_1559 = arith.muli %parallel_loop3A_1557, %parallel_loop3A_1558 : i32
      %parallel_loop3A_1560 = arith.constant 0 : i32
      %parallel_loop3A_1561 = arith.index_cast %parallel_loop3A_1560 : i32 to index
      %parallel_loop3A_1562 = arith.index_cast %parallel_loop3A_1555 : i32 to index
      %parallel_loop3A_1563 = arith.index_cast %parallel_loop3A_1559 : i32 to index
      %parallel_loop3A_1564 = tpu.vector_load %arg7[%parallel_loop3A_1561, %parallel_loop3A_1562, %parallel_loop3A_1563] {strides = array<i32>} : memref<2x16x1024xf32, #tpu.memory_space<vmem>>, vector<1x1x16xf32>,
      %parallel_loop3A_1565 = vector.shape_cast %parallel_loop3A_1564 : vector<1x1x16xf32> to vector<16xf32>
      %parallel_loop3A_1566 = arith.constant 3.200000e+01 : f32
      %parallel_loop3A_1567 = vector.broadcast %parallel_loop3A_1566 : f32 to vector<16xf32>
      %parallel_loop3A_1568 = arith.mulf %parallel_loop3A_1565, %parallel_loop3A_1567 : vector<16xf32>
      %parallel_loop3A_1569 = arith.constant 0 : i32
      %parallel_loop3A_1570 = arith.index_cast %parallel_loop3A_1569 : i32 to index
      %parallel_loop3A_1571 = arith.index_cast %parallel_loop3A_1555 : i32 to index
      %parallel_loop3A_1572 = arith.index_cast %parallel_loop3A_1559 : i32 to index
      %parallel_loop3A_1573 = tpu.vector_load %arg8[%parallel_loop3A_1570, %parallel_loop3A_1571, %parallel_loop3A_1572] {strides = array<i32>} : memref<2x16x1024xf32, #tpu.memory_space<vmem>>, vector<1x1x16xf32>,
      %parallel_loop3A_1574 = vector.shape_cast %parallel_loop3A_1573 : vector<1x1x16xf32> to vector<16xf32>
      %parallel_loop3A_1575 = arith.addf %parallel_loop3A_1568, %parallel_loop3A_1574 : vector<16xf32>
      %parallel_loop3A_1576 = arith.constant 0 : i32
      %parallel_loop3A_1577 = arith.index_cast %parallel_loop3A_1576 : i32 to index
      %parallel_loop3A_1578 = arith.index_cast %parallel_loop3A_1555 : i32 to index
      %parallel_loop3A_1579 = arith.index_cast %parallel_loop3A_1559 : i32 to index
      %parallel_loop3A_1580 = tpu.vector_load %arg9[%parallel_loop3A_1577, %parallel_loop3A_1578, %parallel_loop3A_1579] {strides = array<i32>} : memref<2x16x1024xf32, #tpu.memory_space<vmem>>, vector<1x1x16xf32>,
      %parallel_loop3A_1581 = vector.shape_cast %parallel_loop3A_1580 : vector<1x1x16xf32> to vector<16xf32>
      %parallel_loop3A_1582 = vector.shape_cast %parallel_loop3A_1575 : vector<16xf32> to vector<1x1x16xf32>
      tpu.vector_store %arg9[%parallel_loop3A_1577, %parallel_loop3A_1578, %parallel_loop3A_1579], %parallel_loop3A_1582 {strides = array<i32>} : memref<2x16x1024xf32, #tpu.memory_space<vmem>>, vector<1x1x16xf32>,
    } {sc.loop_unroll_factor = 8 : i64, sc.parallel_access}
    %add3A_855 = arith.constant 128 : i32
    %add3A_856 = arith.addi %mul3A_2, %add3A_855 : i32
    %dma_start3A_857 = arith.constant 0 : i32
    %dma_start3A_858 = arith.constant 0 : i32
    %dma_start3A_859 = arith.constant 0 : i32
    %dma_start3A_860 = arith.constant 0 : i32
    %dma_start3A_861 = tpu.memref_slice %arg9[%dma_start3A_857, %dma_start3A_859, %dma_start3A_860] : memref<2x16x1024xf32, #tpu.memory_space<vmem>> -> memref<1x16x1024xf32, #tpu.memory_space<vmem>>
    %dma_start3A_862 = tpu.memref_squeeze %dma_start3A_861 : memref<1x16x1024xf32, #tpu.memory_space<vmem>> -> memref<16x1024xf32, #tpu.memory_space<vmem>>
    %dma_start3A_863 = arith.constant 0 : i32
    %dma_start3A_864 = tpu.memref_slice %arg5[%add3A_856, %dma_start3A_863] : memref<8192x1024xf32, #tpu.memory_space<hbm>> -> memref<16x1024xf32, #tpu.memory_space<hbm>>
    %dma_start3A_865 = tpu.memref_slice %arg12[%dma_start3A_858] : memref<2x!tpu.dma_semaphore, #tpu.memory_space<semaphore_mem>> -> memref<1x!tpu.dma_semaphore, #tpu.memory_space<semaphore_mem>>
    %dma_start3A_866 = tpu.memref_squeeze %dma_start3A_865 : memref<1x!tpu.dma_semaphore, #tpu.memory_space<semaphore_mem>> -> memref<!tpu.dma_semaphore, #tpu.memory_space<semaphore_mem>>
    %dma_start3A_867 = arith.constant 0 : i32
    %dma_start3A_868 = tpu.memref_slice %arg5[%add3A_856, %dma_start3A_867] : memref<8192x1024xf32, #tpu.memory_space<hbm>> -> memref<16x1024xf32, #tpu.memory_space<hbm>>
    %dma_start3A_869 = arith.constant 0 : i32
    %dma_start3A_870 = arith.constant 0 : i32
    %dma_start3A_871 = tpu.memref_slice %arg9[%dma_start3A_857, %dma_start3A_869, %dma_start3A_870] : memref<2x16x1024xf32, #tpu.memory_space<vmem>> -> memref<1x16x1024xf32, #tpu.memory_space<vmem>>
    %dma_start3A_872 = tpu.memref_squeeze %dma_start3A_871 : memref<1x16x1024xf32, #tpu.memory_space<vmem>> -> memref<16x1024xf32, #tpu.memory_space<vmem>>
    tpu.enqueue_dma source(%dma_start3A_872 : memref<16x1024xf32, #tpu.memory_space<vmem>>) target(%dma_start3A_868 : memref<16x1024xf32, #tpu.memory_space<hbm>>) target_semaphore(%dma_start3A_866 : memref<!tpu.dma_semaphore, #tpu.memory_space<semaphore_mem>>)
    %dma_start3A_873 = arith.constant 0 : i32
    %dma_start3A_874 = arith.constant 0 : i32
    %dma_start3A_875 = arith.constant 0 : i32
    %dma_start3A_876 = arith.constant 0 : i32
    %dma_start3A_877 = tpu.memref_slice %arg7[%dma_start3A_873, %dma_start3A_875, %dma_start3A_876] : memref<2x16x1024xf32, #tpu.memory_space<vmem>> -> memref<1x16x1024xf32, #tpu.memory_space<vmem>>
    %dma_start3A_878 = tpu.memref_squeeze %dma_start3A_877 : memref<1x16x1024xf32, #tpu.memory_space<vmem>> -> memref<16x1024xf32, #tpu.memory_space<vmem>>
    %dma_start3A_879 = arith.constant 160 : i32
    %dma_start3A_880 = tpu.memref_slice %arg6[%dma_start3A_879] : memref<256xi32, #tpu.memory_space<vmem>> -> memref<16xi32, #tpu.memory_space<vmem>>
    %dma_start3A_881 = arith.constant 0 : i32
    %dma_start3A_882 = arith.constant 0 : i32
    %dma_start3A_883 = tpu.memref_slice %arg3[%dma_start3A_881, %dma_start3A_882] : memref<100000x1024xf32, #tpu.memory_space<hbm>> -> memref<100000x1024xf32, #tpu.memory_space<hbm>>
    %dma_start3A_884 = tpu.memref_slice %arg10[%dma_start3A_874] : memref<2x!tpu.dma_semaphore, #tpu.memory_space<semaphore_mem>> -> memref<1x!tpu.dma_semaphore, #tpu.memory_space<semaphore_mem>>
    %dma_start3A_885 = tpu.memref_squeeze %dma_start3A_884 : memref<1x!tpu.dma_semaphore, #tpu.memory_space<semaphore_mem>> -> memref<!tpu.dma_semaphore, #tpu.memory_space<semaphore_mem>>
    tpu.enqueue_indirect_dma source(%dma_start3A_883 : memref<100000x1024xf32, #tpu.memory_space<hbm>>) target(%dma_start3A_878 : memref<16x1024xf32, #tpu.memory_space<vmem>>) offsets(%dma_start3A_880 : memref<16xi32, #tpu.memory_space<vmem>>) semaphore(%dma_start3A_885 : memref<!tpu.dma_semaphore, #tpu.memory_space<semaphore_mem>>)
    %add3A_886 = arith.constant 160 : i32
    %add3A_887 = arith.addi %rem3A_3, %add3A_886 : i32
    %dma_start3A_888 = arith.constant 0 : i32
    %dma_start3A_889 = arith.constant 0 : i32
    %dma_start3A_890 = arith.constant 0 : i32
    %dma_start3A_891 = arith.constant 0 : i32
    %dma_start3A_892 = tpu.memref_slice %arg8[%dma_start3A_888, %dma_start3A_890, %dma_start3A_891] : memref<2x16x1024xf32, #tpu.memory_space<vmem>> -> memref<1x16x1024xf32, #tpu.memory_space<vmem>>
    %dma_start3A_893 = tpu.memref_squeeze %dma_start3A_892 : memref<1x16x1024xf32, #tpu.memory_space<vmem>> -> memref<16x1024xf32, #tpu.memory_space<vmem>>
    %dma_start3A_894 = arith.constant 0 : i32
    %dma_start3A_895 = tpu.memref_slice %arg4[%add3A_887, %dma_start3A_894] : memref<2048x1024xf32, #tpu.memory_space<hbm>> -> memref<16x1024xf32, #tpu.memory_space<hbm>>
    %dma_start3A_896 = tpu.memref_slice %arg11[%dma_start3A_889] : memref<2x!tpu.dma_semaphore, #tpu.memory_space<semaphore_mem>> -> memref<1x!tpu.dma_semaphore, #tpu.memory_space<semaphore_mem>>
    %dma_start3A_897 = tpu.memref_squeeze %dma_start3A_896 : memref<1x!tpu.dma_semaphore, #tpu.memory_space<semaphore_mem>> -> memref<!tpu.dma_semaphore, #tpu.memory_space<semaphore_mem>>
    %dma_start3A_898 = arith.constant 0 : i32
    %dma_start3A_899 = arith.constant 0 : i32
    %dma_start3A_900 = tpu.memref_slice %arg8[%dma_start3A_888, %dma_start3A_898, %dma_start3A_899] : memref<2x16x1024xf32, #tpu.memory_space<vmem>> -> memref<1x16x1024xf32, #tpu.memory_space<vmem>>
    %dma_start3A_901 = tpu.memref_squeeze %dma_start3A_900 : memref<1x16x1024xf32, #tpu.memory_space<vmem>> -> memref<16x1024xf32, #tpu.memory_space<vmem>>
    %dma_start3A_902 = arith.constant 0 : i32
    %dma_start3A_903 = tpu.memref_slice %arg4[%add3A_887, %dma_start3A_902] : memref<2048x1024xf32, #tpu.memory_space<hbm>> -> memref<16x1024xf32, #tpu.memory_space<hbm>>
    tpu.enqueue_dma source(%dma_start3A_903 : memref<16x1024xf32, #tpu.memory_space<hbm>>) target(%dma_start3A_901 : memref<16x1024xf32, #tpu.memory_space<vmem>>) target_semaphore(%dma_start3A_897 : memref<!tpu.dma_semaphore, #tpu.memory_space<semaphore_mem>>)
    %dma_wait3A_904 = arith.constant 1 : i32
    %dma_wait3A_905 = arith.constant 1 : i32
    %dma_wait3A_906 = arith.constant 0 : i32
    %dma_wait3A_907 = arith.constant 0 : i32
    %dma_wait3A_908 = tpu.memref_slice %arg7[%dma_wait3A_904, %dma_wait3A_906, %dma_wait3A_907] : memref<2x16x1024xf32, #tpu.memory_space<vmem>> -> memref<1x16x1024xf32, #tpu.memory_space<vmem>>
    %dma_wait3A_909 = tpu.memref_squeeze %dma_wait3A_908 : memref<1x16x1024xf32, #tpu.memory_space<vmem>> -> memref<16x1024xf32, #tpu.memory_space<vmem>>
    %dma_wait3A_910 = arith.constant 144 : i32
    %dma_wait3A_911 = tpu.memref_slice %arg6[%dma_wait3A_910] : memref<256xi32, #tpu.memory_space<vmem>> -> memref<16xi32, #tpu.memory_space<vmem>>
    %dma_wait3A_912 = arith.constant 0 : i32
    %dma_wait3A_913 = arith.constant 0 : i32
    %dma_wait3A_914 = tpu.memref_slice %arg3[%dma_wait3A_912, %dma_wait3A_913] : memref<100000x1024xf32, #tpu.memory_space<hbm>> -> memref<100000x1024xf32, #tpu.memory_space<hbm>>
    %dma_wait3A_915 = tpu.memref_slice %arg10[%dma_wait3A_905] : memref<2x!tpu.dma_semaphore, #tpu.memory_space<semaphore_mem>> -> memref<1x!tpu.dma_semaphore, #tpu.memory_space<semaphore_mem>>
    %dma_wait3A_916 = tpu.memref_squeeze %dma_wait3A_915 : memref<1x!tpu.dma_semaphore, #tpu.memory_space<semaphore_mem>> -> memref<!tpu.dma_semaphore, #tpu.memory_space<semaphore_mem>>
    tpu.wait_indirect_dma semaphore(%dma_wait3A_916 : memref<!tpu.dma_semaphore, #tpu.memory_space<semaphore_mem>>) src(%dma_wait3A_914 : memref<100000x1024xf32, #tpu.memory_space<hbm>>) dst(%dma_wait3A_909 : memref<16x1024xf32, #tpu.memory_space<vmem>>)
    %dma_wait3A_917 = arith.constant 1 : i32
    %dma_wait3A_918 = arith.constant 1 : i32
    %dma_wait3A_919 = arith.constant 0 : i32
    %dma_wait3A_920 = arith.constant 0 : i32
    %dma_wait3A_921 = tpu.memref_slice %arg8[%dma_wait3A_917, %dma_wait3A_919, %dma_wait3A_920] : memref<2x16x1024xf32, #tpu.memory_space<vmem>> -> memref<1x16x1024xf32, #tpu.memory_space<vmem>>
    %dma_wait3A_922 = tpu.memref_squeeze %dma_wait3A_921 : memref<1x16x1024xf32, #tpu.memory_space<vmem>> -> memref<16x1024xf32, #tpu.memory_space<vmem>>
    %dma_wait3A_923 = arith.constant 0 : i32
    %dma_wait3A_924 = tpu.memref_slice %arg4[%add3A_790, %dma_wait3A_923] : memref<2048x1024xf32, #tpu.memory_space<hbm>> -> memref<16x1024xf32, #tpu.memory_space<hbm>>
    %dma_wait3A_925 = tpu.memref_slice %arg11[%dma_wait3A_918] : memref<2x!tpu.dma_semaphore, #tpu.memory_space<semaphore_mem>> -> memref<1x!tpu.dma_semaphore, #tpu.memory_space<semaphore_mem>>
    %dma_wait3A_926 = tpu.memref_squeeze %dma_wait3A_925 : memref<1x!tpu.dma_semaphore, #tpu.memory_space<semaphore_mem>> -> memref<!tpu.dma_semaphore, #tpu.memory_space<semaphore_mem>>
    %dma_wait3A_927 = arith.constant 0 : i32
    %dma_wait3A_928 = arith.constant 0 : i32
    %dma_wait3A_929 = tpu.memref_slice %arg8[%dma_wait3A_917, %dma_wait3A_927, %dma_wait3A_928] : memref<2x16x1024xf32, #tpu.memory_space<vmem>> -> memref<1x16x1024xf32, #tpu.memory_space<vmem>>
    %dma_wait3A_930 = tpu.memref_squeeze %dma_wait3A_929 : memref<1x16x1024xf32, #tpu.memory_space<vmem>> -> memref<16x1024xf32, #tpu.memory_space<vmem>>
    %dma_wait3A_931 = arith.constant 0 : i32
    %dma_wait3A_932 = tpu.memref_slice %arg4[%add3A_790, %dma_wait3A_931] : memref<2048x1024xf32, #tpu.memory_space<hbm>> -> memref<16x1024xf32, #tpu.memory_space<hbm>>
    tpu.wait_dma2 semaphore(%dma_wait3A_926 : memref<!tpu.dma_semaphore, #tpu.memory_space<semaphore_mem>>) src(%dma_wait3A_932 : memref<16x1024xf32, #tpu.memory_space<hbm>>) dst(%dma_wait3A_930 : memref<16x1024xf32, #tpu.memory_space<vmem>>)
    %dma_wait3A_933 = arith.constant 1 : i32
    %dma_wait3A_934 = arith.constant 1 : i32
    %dma_wait3A_935 = arith.constant 0 : i32
    %dma_wait3A_936 = arith.constant 0 : i32
    %dma_wait3A_937 = tpu.memref_slice %arg9[%dma_wait3A_933, %dma_wait3A_935, %dma_wait3A_936] : memref<2x16x1024xf32, #tpu.memory_space<vmem>> -> memref<1x16x1024xf32, #tpu.memory_space<vmem>>
    %dma_wait3A_938 = tpu.memref_squeeze %dma_wait3A_937 : memref<1x16x1024xf32, #tpu.memory_space<vmem>> -> memref<16x1024xf32, #tpu.memory_space<vmem>>
    %dma_wait3A_939 = arith.constant 0 : i32
    %dma_wait3A_940 = tpu.memref_slice %arg5[%add3A_759, %dma_wait3A_939] : memref<8192x1024xf32, #tpu.memory_space<hbm>> -> memref<16x1024xf32, #tpu.memory_space<hbm>>
    %dma_wait3A_941 = tpu.memref_slice %arg12[%dma_wait3A_934] : memref<2x!tpu.dma_semaphore, #tpu.memory_space<semaphore_mem>> -> memref<1x!tpu.dma_semaphore, #tpu.memory_space<semaphore_mem>>
    %dma_wait3A_942 = tpu.memref_squeeze %dma_wait3A_941 : memref<1x!tpu.dma_semaphore, #tpu.memory_space<semaphore_mem>> -> memref<!tpu.dma_semaphore, #tpu.memory_space<semaphore_mem>>
    %dma_wait3A_943 = arith.constant 0 : i32
    %dma_wait3A_944 = tpu.memref_slice %arg5[%add3A_759, %dma_wait3A_943] : memref<8192x1024xf32, #tpu.memory_space<hbm>> -> memref<16x1024xf32, #tpu.memory_space<hbm>>
    %dma_wait3A_945 = arith.constant 0 : i32
    %dma_wait3A_946 = arith.constant 0 : i32
    %dma_wait3A_947 = tpu.memref_slice %arg9[%dma_wait3A_933, %dma_wait3A_945, %dma_wait3A_946] : memref<2x16x1024xf32, #tpu.memory_space<vmem>> -> memref<1x16x1024xf32, #tpu.memory_space<vmem>>
    %dma_wait3A_948 = tpu.memref_squeeze %dma_wait3A_947 : memref<1x16x1024xf32, #tpu.memory_space<vmem>> -> memref<16x1024xf32, #tpu.memory_space<vmem>>
    tpu.wait_dma2 semaphore(%dma_wait3A_942 : memref<!tpu.dma_semaphore, #tpu.memory_space<semaphore_mem>>) src(%dma_wait3A_948 : memref<16x1024xf32, #tpu.memory_space<vmem>>) dst(%dma_wait3A_944 : memref<16x1024xf32, #tpu.memory_space<hbm>>)
    %parallel_loop3A_949 = arith.constant 0 : i32
    %parallel_loop3A_950 = arith.constant 1024 : i32
    %parallel_loop3A_951 = arith.constant 1 : i32
    scf.for %parallel_loop3A_1553 = %parallel_loop3A_949 to %parallel_loop3A_950 step %parallel_loop3A_951  : i32 {
      %parallel_loop3A_1554 = arith.constant 6 : i32
      %parallel_loop3A_1555 = arith.shrui %parallel_loop3A_1553, %parallel_loop3A_1554 : i32
      %parallel_loop3A_1556 = arith.constant 63 : i32
      %parallel_loop3A_1557 = arith.andi %parallel_loop3A_1553, %parallel_loop3A_1556 : i32
      %parallel_loop3A_1558 = arith.constant 16 : i32
      %parallel_loop3A_1559 = arith.muli %parallel_loop3A_1557, %parallel_loop3A_1558 : i32
      %parallel_loop3A_1560 = arith.constant 1 : i32
      %parallel_loop3A_1561 = arith.index_cast %parallel_loop3A_1560 : i32 to index
      %parallel_loop3A_1562 = arith.index_cast %parallel_loop3A_1555 : i32 to index
      %parallel_loop3A_1563 = arith.index_cast %parallel_loop3A_1559 : i32 to index
      %parallel_loop3A_1564 = tpu.vector_load %arg7[%parallel_loop3A_1561, %parallel_loop3A_1562, %parallel_loop3A_1563] {strides = array<i32>} : memref<2x16x1024xf32, #tpu.memory_space<vmem>>, vector<1x1x16xf32>,
      %parallel_loop3A_1565 = vector.shape_cast %parallel_loop3A_1564 : vector<1x1x16xf32> to vector<16xf32>
      %parallel_loop3A_1566 = arith.constant 3.200000e+01 : f32
      %parallel_loop3A_1567 = vector.broadcast %parallel_loop3A_1566 : f32 to vector<16xf32>
      %parallel_loop3A_1568 = arith.mulf %parallel_loop3A_1565, %parallel_loop3A_1567 : vector<16xf32>
      %parallel_loop3A_1569 = arith.constant 1 : i32
      %parallel_loop3A_1570 = arith.index_cast %parallel_loop3A_1569 : i32 to index
      %parallel_loop3A_1571 = arith.index_cast %parallel_loop3A_1555 : i32 to index
      %parallel_loop3A_1572 = arith.index_cast %parallel_loop3A_1559 : i32 to index
      %parallel_loop3A_1573 = tpu.vector_load %arg8[%parallel_loop3A_1570, %parallel_loop3A_1571, %parallel_loop3A_1572] {strides = array<i32>} : memref<2x16x1024xf32, #tpu.memory_space<vmem>>, vector<1x1x16xf32>,
      %parallel_loop3A_1574 = vector.shape_cast %parallel_loop3A_1573 : vector<1x1x16xf32> to vector<16xf32>
      %parallel_loop3A_1575 = arith.addf %parallel_loop3A_1568, %parallel_loop3A_1574 : vector<16xf32>
      %parallel_loop3A_1576 = arith.constant 1 : i32
      %parallel_loop3A_1577 = arith.index_cast %parallel_loop3A_1576 : i32 to index
      %parallel_loop3A_1578 = arith.index_cast %parallel_loop3A_1555 : i32 to index
      %parallel_loop3A_1579 = arith.index_cast %parallel_loop3A_1559 : i32 to index
      %parallel_loop3A_1580 = tpu.vector_load %arg9[%parallel_loop3A_1577, %parallel_loop3A_1578, %parallel_loop3A_1579] {strides = array<i32>} : memref<2x16x1024xf32, #tpu.memory_space<vmem>>, vector<1x1x16xf32>,
      %parallel_loop3A_1581 = vector.shape_cast %parallel_loop3A_1580 : vector<1x1x16xf32> to vector<16xf32>
      %parallel_loop3A_1582 = vector.shape_cast %parallel_loop3A_1575 : vector<16xf32> to vector<1x1x16xf32>
      tpu.vector_store %arg9[%parallel_loop3A_1577, %parallel_loop3A_1578, %parallel_loop3A_1579], %parallel_loop3A_1582 {strides = array<i32>} : memref<2x16x1024xf32, #tpu.memory_space<vmem>>, vector<1x1x16xf32>,
    } {sc.loop_unroll_factor = 8 : i64, sc.parallel_access}
    %add3A_952 = arith.constant 144 : i32
    %add3A_953 = arith.addi %mul3A_2, %add3A_952 : i32
    %dma_start3A_954 = arith.constant 1 : i32
    %dma_start3A_955 = arith.constant 1 : i32
    %dma_start3A_956 = arith.constant 0 : i32
    %dma_start3A_957 = arith.constant 0 : i32
    %dma_start3A_958 = tpu.memref_slice %arg9[%dma_start3A_954, %dma_start3A_956, %dma_start3A_957] : memref<2x16x1024xf32, #tpu.memory_space<vmem>> -> memref<1x16x1024xf32, #tpu.memory_space<vmem>>
    %dma_start3A_959 = tpu.memref_squeeze %dma_start3A_958 : memref<1x16x1024xf32, #tpu.memory_space<vmem>> -> memref<16x1024xf32, #tpu.memory_space<vmem>>
    %dma_start3A_960 = arith.constant 0 : i32
    %dma_start3A_961 = tpu.memref_slice %arg5[%add3A_953, %dma_start3A_960] : memref<8192x1024xf32, #tpu.memory_space<hbm>> -> memref<16x1024xf32, #tpu.memory_space<hbm>>
    %dma_start3A_962 = tpu.memref_slice %arg12[%dma_start3A_955] : memref<2x!tpu.dma_semaphore, #tpu.memory_space<semaphore_mem>> -> memref<1x!tpu.dma_semaphore, #tpu.memory_space<semaphore_mem>>
    %dma_start3A_963 = tpu.memref_squeeze %dma_start3A_962 : memref<1x!tpu.dma_semaphore, #tpu.memory_space<semaphore_mem>> -> memref<!tpu.dma_semaphore, #tpu.memory_space<semaphore_mem>>
    %dma_start3A_964 = arith.constant 0 : i32
    %dma_start3A_965 = tpu.memref_slice %arg5[%add3A_953, %dma_start3A_964] : memref<8192x1024xf32, #tpu.memory_space<hbm>> -> memref<16x1024xf32, #tpu.memory_space<hbm>>
    %dma_start3A_966 = arith.constant 0 : i32
    %dma_start3A_967 = arith.constant 0 : i32
    %dma_start3A_968 = tpu.memref_slice %arg9[%dma_start3A_954, %dma_start3A_966, %dma_start3A_967] : memref<2x16x1024xf32, #tpu.memory_space<vmem>> -> memref<1x16x1024xf32, #tpu.memory_space<vmem>>
    %dma_start3A_969 = tpu.memref_squeeze %dma_start3A_968 : memref<1x16x1024xf32, #tpu.memory_space<vmem>> -> memref<16x1024xf32, #tpu.memory_space<vmem>>
    tpu.enqueue_dma source(%dma_start3A_969 : memref<16x1024xf32, #tpu.memory_space<vmem>>) target(%dma_start3A_965 : memref<16x1024xf32, #tpu.memory_space<hbm>>) target_semaphore(%dma_start3A_963 : memref<!tpu.dma_semaphore, #tpu.memory_space<semaphore_mem>>)
    %dma_start3A_970 = arith.constant 1 : i32
    %dma_start3A_971 = arith.constant 1 : i32
    %dma_start3A_972 = arith.constant 0 : i32
    %dma_start3A_973 = arith.constant 0 : i32
    %dma_start3A_974 = tpu.memref_slice %arg7[%dma_start3A_970, %dma_start3A_972, %dma_start3A_973] : memref<2x16x1024xf32, #tpu.memory_space<vmem>> -> memref<1x16x1024xf32, #tpu.memory_space<vmem>>
    %dma_start3A_975 = tpu.memref_squeeze %dma_start3A_974 : memref<1x16x1024xf32, #tpu.memory_space<vmem>> -> memref<16x1024xf32, #tpu.memory_space<vmem>>
    %dma_start3A_976 = arith.constant 176 : i32
    %dma_start3A_977 = tpu.memref_slice %arg6[%dma_start3A_976] : memref<256xi32, #tpu.memory_space<vmem>> -> memref<16xi32, #tpu.memory_space<vmem>>
    %dma_start3A_978 = arith.constant 0 : i32
    %dma_start3A_979 = arith.constant 0 : i32
    %dma_start3A_980 = tpu.memref_slice %arg3[%dma_start3A_978, %dma_start3A_979] : memref<100000x1024xf32, #tpu.memory_space<hbm>> -> memref<100000x1024xf32, #tpu.memory_space<hbm>>
    %dma_start3A_981 = tpu.memref_slice %arg10[%dma_start3A_971] : memref<2x!tpu.dma_semaphore, #tpu.memory_space<semaphore_mem>> -> memref<1x!tpu.dma_semaphore, #tpu.memory_space<semaphore_mem>>
    %dma_start3A_982 = tpu.memref_squeeze %dma_start3A_981 : memref<1x!tpu.dma_semaphore, #tpu.memory_space<semaphore_mem>> -> memref<!tpu.dma_semaphore, #tpu.memory_space<semaphore_mem>>
    tpu.enqueue_indirect_dma source(%dma_start3A_980 : memref<100000x1024xf32, #tpu.memory_space<hbm>>) target(%dma_start3A_975 : memref<16x1024xf32, #tpu.memory_space<vmem>>) offsets(%dma_start3A_977 : memref<16xi32, #tpu.memory_space<vmem>>) semaphore(%dma_start3A_982 : memref<!tpu.dma_semaphore, #tpu.memory_space<semaphore_mem>>)
    %add3A_983 = arith.constant 176 : i32
    %add3A_984 = arith.addi %rem3A_3, %add3A_983 : i32
    %dma_start3A_985 = arith.constant 1 : i32
    %dma_start3A_986 = arith.constant 1 : i32
    %dma_start3A_987 = arith.constant 0 : i32
    %dma_start3A_988 = arith.constant 0 : i32
    %dma_start3A_989 = tpu.memref_slice %arg8[%dma_start3A_985, %dma_start3A_987, %dma_start3A_988] : memref<2x16x1024xf32, #tpu.memory_space<vmem>> -> memref<1x16x1024xf32, #tpu.memory_space<vmem>>
    %dma_start3A_990 = tpu.memref_squeeze %dma_start3A_989 : memref<1x16x1024xf32, #tpu.memory_space<vmem>> -> memref<16x1024xf32, #tpu.memory_space<vmem>>
    %dma_start3A_991 = arith.constant 0 : i32
    %dma_start3A_992 = tpu.memref_slice %arg4[%add3A_984, %dma_start3A_991] : memref<2048x1024xf32, #tpu.memory_space<hbm>> -> memref<16x1024xf32, #tpu.memory_space<hbm>>
    %dma_start3A_993 = tpu.memref_slice %arg11[%dma_start3A_986] : memref<2x!tpu.dma_semaphore, #tpu.memory_space<semaphore_mem>> -> memref<1x!tpu.dma_semaphore, #tpu.memory_space<semaphore_mem>>
    %dma_start3A_994 = tpu.memref_squeeze %dma_start3A_993 : memref<1x!tpu.dma_semaphore, #tpu.memory_space<semaphore_mem>> -> memref<!tpu.dma_semaphore, #tpu.memory_space<semaphore_mem>>
    %dma_start3A_995 = arith.constant 0 : i32
    %dma_start3A_996 = arith.constant 0 : i32
    %dma_start3A_997 = tpu.memref_slice %arg8[%dma_start3A_985, %dma_start3A_995, %dma_start3A_996] : memref<2x16x1024xf32, #tpu.memory_space<vmem>> -> memref<1x16x1024xf32, #tpu.memory_space<vmem>>
    %dma_start3A_998 = tpu.memref_squeeze %dma_start3A_997 : memref<1x16x1024xf32, #tpu.memory_space<vmem>> -> memref<16x1024xf32, #tpu.memory_space<vmem>>
    %dma_start3A_999 = arith.constant 0 : i32
    %dma_start3A_1000 = tpu.memref_slice %arg4[%add3A_984, %dma_start3A_999] : memref<2048x1024xf32, #tpu.memory_space<hbm>> -> memref<16x1024xf32, #tpu.memory_space<hbm>>
    tpu.enqueue_dma source(%dma_start3A_1000 : memref<16x1024xf32, #tpu.memory_space<hbm>>) target(%dma_start3A_998 : memref<16x1024xf32, #tpu.memory_space<vmem>>) target_semaphore(%dma_start3A_994 : memref<!tpu.dma_semaphore, #tpu.memory_space<semaphore_mem>>)
    %dma_wait3A_1001 = arith.constant 0 : i32
    %dma_wait3A_1002 = arith.constant 0 : i32
    %dma_wait3A_1003 = arith.constant 0 : i32
    %dma_wait3A_1004 = arith.constant 0 : i32
    %dma_wait3A_1005 = tpu.memref_slice %arg7[%dma_wait3A_1001, %dma_wait3A_1003, %dma_wait3A_1004] : memref<2x16x1024xf32, #tpu.memory_space<vmem>> -> memref<1x16x1024xf32, #tpu.memory_space<vmem>>
    %dma_wait3A_1006 = tpu.memref_squeeze %dma_wait3A_1005 : memref<1x16x1024xf32, #tpu.memory_space<vmem>> -> memref<16x1024xf32, #tpu.memory_space<vmem>>
    %dma_wait3A_1007 = arith.constant 160 : i32
    %dma_wait3A_1008 = tpu.memref_slice %arg6[%dma_wait3A_1007] : memref<256xi32, #tpu.memory_space<vmem>> -> memref<16xi32, #tpu.memory_space<vmem>>
    %dma_wait3A_1009 = arith.constant 0 : i32
    %dma_wait3A_1010 = arith.constant 0 : i32
    %dma_wait3A_1011 = tpu.memref_slice %arg3[%dma_wait3A_1009, %dma_wait3A_1010] : memref<100000x1024xf32, #tpu.memory_space<hbm>> -> memref<100000x1024xf32, #tpu.memory_space<hbm>>
    %dma_wait3A_1012 = tpu.memref_slice %arg10[%dma_wait3A_1002] : memref<2x!tpu.dma_semaphore, #tpu.memory_space<semaphore_mem>> -> memref<1x!tpu.dma_semaphore, #tpu.memory_space<semaphore_mem>>
    %dma_wait3A_1013 = tpu.memref_squeeze %dma_wait3A_1012 : memref<1x!tpu.dma_semaphore, #tpu.memory_space<semaphore_mem>> -> memref<!tpu.dma_semaphore, #tpu.memory_space<semaphore_mem>>
    tpu.wait_indirect_dma semaphore(%dma_wait3A_1013 : memref<!tpu.dma_semaphore, #tpu.memory_space<semaphore_mem>>) src(%dma_wait3A_1011 : memref<100000x1024xf32, #tpu.memory_space<hbm>>) dst(%dma_wait3A_1006 : memref<16x1024xf32, #tpu.memory_space<vmem>>)
    %dma_wait3A_1014 = arith.constant 0 : i32
    %dma_wait3A_1015 = arith.constant 0 : i32
    %dma_wait3A_1016 = arith.constant 0 : i32
    %dma_wait3A_1017 = arith.constant 0 : i32
    %dma_wait3A_1018 = tpu.memref_slice %arg8[%dma_wait3A_1014, %dma_wait3A_1016, %dma_wait3A_1017] : memref<2x16x1024xf32, #tpu.memory_space<vmem>> -> memref<1x16x1024xf32, #tpu.memory_space<vmem>>
    %dma_wait3A_1019 = tpu.memref_squeeze %dma_wait3A_1018 : memref<1x16x1024xf32, #tpu.memory_space<vmem>> -> memref<16x1024xf32, #tpu.memory_space<vmem>>
    %dma_wait3A_1020 = arith.constant 0 : i32
    %dma_wait3A_1021 = tpu.memref_slice %arg4[%add3A_887, %dma_wait3A_1020] : memref<2048x1024xf32, #tpu.memory_space<hbm>> -> memref<16x1024xf32, #tpu.memory_space<hbm>>
    %dma_wait3A_1022 = tpu.memref_slice %arg11[%dma_wait3A_1015] : memref<2x!tpu.dma_semaphore, #tpu.memory_space<semaphore_mem>> -> memref<1x!tpu.dma_semaphore, #tpu.memory_space<semaphore_mem>>
    %dma_wait3A_1023 = tpu.memref_squeeze %dma_wait3A_1022 : memref<1x!tpu.dma_semaphore, #tpu.memory_space<semaphore_mem>> -> memref<!tpu.dma_semaphore, #tpu.memory_space<semaphore_mem>>
    %dma_wait3A_1024 = arith.constant 0 : i32
    %dma_wait3A_1025 = arith.constant 0 : i32
    %dma_wait3A_1026 = tpu.memref_slice %arg8[%dma_wait3A_1014, %dma_wait3A_1024, %dma_wait3A_1025] : memref<2x16x1024xf32, #tpu.memory_space<vmem>> -> memref<1x16x1024xf32, #tpu.memory_space<vmem>>
    %dma_wait3A_1027 = tpu.memref_squeeze %dma_wait3A_1026 : memref<1x16x1024xf32, #tpu.memory_space<vmem>> -> memref<16x1024xf32, #tpu.memory_space<vmem>>
    %dma_wait3A_1028 = arith.constant 0 : i32
    %dma_wait3A_1029 = tpu.memref_slice %arg4[%add3A_887, %dma_wait3A_1028] : memref<2048x1024xf32, #tpu.memory_space<hbm>> -> memref<16x1024xf32, #tpu.memory_space<hbm>>
    tpu.wait_dma2 semaphore(%dma_wait3A_1023 : memref<!tpu.dma_semaphore, #tpu.memory_space<semaphore_mem>>) src(%dma_wait3A_1029 : memref<16x1024xf32, #tpu.memory_space<hbm>>) dst(%dma_wait3A_1027 : memref<16x1024xf32, #tpu.memory_space<vmem>>)
    %dma_wait3A_1030 = arith.constant 0 : i32
    %dma_wait3A_1031 = arith.constant 0 : i32
    %dma_wait3A_1032 = arith.constant 0 : i32
    %dma_wait3A_1033 = arith.constant 0 : i32
    %dma_wait3A_1034 = tpu.memref_slice %arg9[%dma_wait3A_1030, %dma_wait3A_1032, %dma_wait3A_1033] : memref<2x16x1024xf32, #tpu.memory_space<vmem>> -> memref<1x16x1024xf32, #tpu.memory_space<vmem>>
    %dma_wait3A_1035 = tpu.memref_squeeze %dma_wait3A_1034 : memref<1x16x1024xf32, #tpu.memory_space<vmem>> -> memref<16x1024xf32, #tpu.memory_space<vmem>>
    %dma_wait3A_1036 = arith.constant 0 : i32
    %dma_wait3A_1037 = tpu.memref_slice %arg5[%add3A_856, %dma_wait3A_1036] : memref<8192x1024xf32, #tpu.memory_space<hbm>> -> memref<16x1024xf32, #tpu.memory_space<hbm>>
    %dma_wait3A_1038 = tpu.memref_slice %arg12[%dma_wait3A_1031] : memref<2x!tpu.dma_semaphore, #tpu.memory_space<semaphore_mem>> -> memref<1x!tpu.dma_semaphore, #tpu.memory_space<semaphore_mem>>
    %dma_wait3A_1039 = tpu.memref_squeeze %dma_wait3A_1038 : memref<1x!tpu.dma_semaphore, #tpu.memory_space<semaphore_mem>> -> memref<!tpu.dma_semaphore, #tpu.memory_space<semaphore_mem>>
    %dma_wait3A_1040 = arith.constant 0 : i32
    %dma_wait3A_1041 = tpu.memref_slice %arg5[%add3A_856, %dma_wait3A_1040] : memref<8192x1024xf32, #tpu.memory_space<hbm>> -> memref<16x1024xf32, #tpu.memory_space<hbm>>
    %dma_wait3A_1042 = arith.constant 0 : i32
    %dma_wait3A_1043 = arith.constant 0 : i32
    %dma_wait3A_1044 = tpu.memref_slice %arg9[%dma_wait3A_1030, %dma_wait3A_1042, %dma_wait3A_1043] : memref<2x16x1024xf32, #tpu.memory_space<vmem>> -> memref<1x16x1024xf32, #tpu.memory_space<vmem>>
    %dma_wait3A_1045 = tpu.memref_squeeze %dma_wait3A_1044 : memref<1x16x1024xf32, #tpu.memory_space<vmem>> -> memref<16x1024xf32, #tpu.memory_space<vmem>>
    tpu.wait_dma2 semaphore(%dma_wait3A_1039 : memref<!tpu.dma_semaphore, #tpu.memory_space<semaphore_mem>>) src(%dma_wait3A_1045 : memref<16x1024xf32, #tpu.memory_space<vmem>>) dst(%dma_wait3A_1041 : memref<16x1024xf32, #tpu.memory_space<hbm>>)
    %parallel_loop3A_1046 = arith.constant 0 : i32
    %parallel_loop3A_1047 = arith.constant 1024 : i32
    %parallel_loop3A_1048 = arith.constant 1 : i32
    scf.for %parallel_loop3A_1553 = %parallel_loop3A_1046 to %parallel_loop3A_1047 step %parallel_loop3A_1048  : i32 {
      %parallel_loop3A_1554 = arith.constant 6 : i32
      %parallel_loop3A_1555 = arith.shrui %parallel_loop3A_1553, %parallel_loop3A_1554 : i32
      %parallel_loop3A_1556 = arith.constant 63 : i32
      %parallel_loop3A_1557 = arith.andi %parallel_loop3A_1553, %parallel_loop3A_1556 : i32
      %parallel_loop3A_1558 = arith.constant 16 : i32
      %parallel_loop3A_1559 = arith.muli %parallel_loop3A_1557, %parallel_loop3A_1558 : i32
      %parallel_loop3A_1560 = arith.constant 0 : i32
      %parallel_loop3A_1561 = arith.index_cast %parallel_loop3A_1560 : i32 to index
      %parallel_loop3A_1562 = arith.index_cast %parallel_loop3A_1555 : i32 to index
      %parallel_loop3A_1563 = arith.index_cast %parallel_loop3A_1559 : i32 to index
      %parallel_loop3A_1564 = tpu.vector_load %arg7[%parallel_loop3A_1561, %parallel_loop3A_1562, %parallel_loop3A_1563] {strides = array<i32>} : memref<2x16x1024xf32, #tpu.memory_space<vmem>>, vector<1x1x16xf32>,
      %parallel_loop3A_1565 = vector.shape_cast %parallel_loop3A_1564 : vector<1x1x16xf32> to vector<16xf32>
      %parallel_loop3A_1566 = arith.constant 3.200000e+01 : f32
      %parallel_loop3A_1567 = vector.broadcast %parallel_loop3A_1566 : f32 to vector<16xf32>
      %parallel_loop3A_1568 = arith.mulf %parallel_loop3A_1565, %parallel_loop3A_1567 : vector<16xf32>
      %parallel_loop3A_1569 = arith.constant 0 : i32
      %parallel_loop3A_1570 = arith.index_cast %parallel_loop3A_1569 : i32 to index
      %parallel_loop3A_1571 = arith.index_cast %parallel_loop3A_1555 : i32 to index
      %parallel_loop3A_1572 = arith.index_cast %parallel_loop3A_1559 : i32 to index
      %parallel_loop3A_1573 = tpu.vector_load %arg8[%parallel_loop3A_1570, %parallel_loop3A_1571, %parallel_loop3A_1572] {strides = array<i32>} : memref<2x16x1024xf32, #tpu.memory_space<vmem>>, vector<1x1x16xf32>,
      %parallel_loop3A_1574 = vector.shape_cast %parallel_loop3A_1573 : vector<1x1x16xf32> to vector<16xf32>
      %parallel_loop3A_1575 = arith.addf %parallel_loop3A_1568, %parallel_loop3A_1574 : vector<16xf32>
      %parallel_loop3A_1576 = arith.constant 0 : i32
      %parallel_loop3A_1577 = arith.index_cast %parallel_loop3A_1576 : i32 to index
      %parallel_loop3A_1578 = arith.index_cast %parallel_loop3A_1555 : i32 to index
      %parallel_loop3A_1579 = arith.index_cast %parallel_loop3A_1559 : i32 to index
      %parallel_loop3A_1580 = tpu.vector_load %arg9[%parallel_loop3A_1577, %parallel_loop3A_1578, %parallel_loop3A_1579] {strides = array<i32>} : memref<2x16x1024xf32, #tpu.memory_space<vmem>>, vector<1x1x16xf32>,
      %parallel_loop3A_1581 = vector.shape_cast %parallel_loop3A_1580 : vector<1x1x16xf32> to vector<16xf32>
      %parallel_loop3A_1582 = vector.shape_cast %parallel_loop3A_1575 : vector<16xf32> to vector<1x1x16xf32>
      tpu.vector_store %arg9[%parallel_loop3A_1577, %parallel_loop3A_1578, %parallel_loop3A_1579], %parallel_loop3A_1582 {strides = array<i32>} : memref<2x16x1024xf32, #tpu.memory_space<vmem>>, vector<1x1x16xf32>,
    } {sc.loop_unroll_factor = 8 : i64, sc.parallel_access}
    %add3A_1049 = arith.constant 160 : i32
    %add3A_1050 = arith.addi %mul3A_2, %add3A_1049 : i32
    %dma_start3A_1051 = arith.constant 0 : i32
    %dma_start3A_1052 = arith.constant 0 : i32
    %dma_start3A_1053 = arith.constant 0 : i32
    %dma_start3A_1054 = arith.constant 0 : i32
    %dma_start3A_1055 = tpu.memref_slice %arg9[%dma_start3A_1051, %dma_start3A_1053, %dma_start3A_1054] : memref<2x16x1024xf32, #tpu.memory_space<vmem>> -> memref<1x16x1024xf32, #tpu.memory_space<vmem>>
    %dma_start3A_1056 = tpu.memref_squeeze %dma_start3A_1055 : memref<1x16x1024xf32, #tpu.memory_space<vmem>> -> memref<16x1024xf32, #tpu.memory_space<vmem>>
    %dma_start3A_1057 = arith.constant 0 : i32
    %dma_start3A_1058 = tpu.memref_slice %arg5[%add3A_1050, %dma_start3A_1057] : memref<8192x1024xf32, #tpu.memory_space<hbm>> -> memref<16x1024xf32, #tpu.memory_space<hbm>>
    %dma_start3A_1059 = tpu.memref_slice %arg12[%dma_start3A_1052] : memref<2x!tpu.dma_semaphore, #tpu.memory_space<semaphore_mem>> -> memref<1x!tpu.dma_semaphore, #tpu.memory_space<semaphore_mem>>
    %dma_start3A_1060 = tpu.memref_squeeze %dma_start3A_1059 : memref<1x!tpu.dma_semaphore, #tpu.memory_space<semaphore_mem>> -> memref<!tpu.dma_semaphore, #tpu.memory_space<semaphore_mem>>
    %dma_start3A_1061 = arith.constant 0 : i32
    %dma_start3A_1062 = tpu.memref_slice %arg5[%add3A_1050, %dma_start3A_1061] : memref<8192x1024xf32, #tpu.memory_space<hbm>> -> memref<16x1024xf32, #tpu.memory_space<hbm>>
    %dma_start3A_1063 = arith.constant 0 : i32
    %dma_start3A_1064 = arith.constant 0 : i32
    %dma_start3A_1065 = tpu.memref_slice %arg9[%dma_start3A_1051, %dma_start3A_1063, %dma_start3A_1064] : memref<2x16x1024xf32, #tpu.memory_space<vmem>> -> memref<1x16x1024xf32, #tpu.memory_space<vmem>>
    %dma_start3A_1066 = tpu.memref_squeeze %dma_start3A_1065 : memref<1x16x1024xf32, #tpu.memory_space<vmem>> -> memref<16x1024xf32, #tpu.memory_space<vmem>>
    tpu.enqueue_dma source(%dma_start3A_1066 : memref<16x1024xf32, #tpu.memory_space<vmem>>) target(%dma_start3A_1062 : memref<16x1024xf32, #tpu.memory_space<hbm>>) target_semaphore(%dma_start3A_1060 : memref<!tpu.dma_semaphore, #tpu.memory_space<semaphore_mem>>)
    %dma_start3A_1067 = arith.constant 0 : i32
    %dma_start3A_1068 = arith.constant 0 : i32
    %dma_start3A_1069 = arith.constant 0 : i32
    %dma_start3A_1070 = arith.constant 0 : i32
    %dma_start3A_1071 = tpu.memref_slice %arg7[%dma_start3A_1067, %dma_start3A_1069, %dma_start3A_1070] : memref<2x16x1024xf32, #tpu.memory_space<vmem>> -> memref<1x16x1024xf32, #tpu.memory_space<vmem>>
    %dma_start3A_1072 = tpu.memref_squeeze %dma_start3A_1071 : memref<1x16x1024xf32, #tpu.memory_space<vmem>> -> memref<16x1024xf32, #tpu.memory_space<vmem>>
    %dma_start3A_1073 = arith.constant 192 : i32
    %dma_start3A_1074 = tpu.memref_slice %arg6[%dma_start3A_1073] : memref<256xi32, #tpu.memory_space<vmem>> -> memref<16xi32, #tpu.memory_space<vmem>>
    %dma_start3A_1075 = arith.constant 0 : i32
    %dma_start3A_1076 = arith.constant 0 : i32
    %dma_start3A_1077 = tpu.memref_slice %arg3[%dma_start3A_1075, %dma_start3A_1076] : memref<100000x1024xf32, #tpu.memory_space<hbm>> -> memref<100000x1024xf32, #tpu.memory_space<hbm>>
    %dma_start3A_1078 = tpu.memref_slice %arg10[%dma_start3A_1068] : memref<2x!tpu.dma_semaphore, #tpu.memory_space<semaphore_mem>> -> memref<1x!tpu.dma_semaphore, #tpu.memory_space<semaphore_mem>>
    %dma_start3A_1079 = tpu.memref_squeeze %dma_start3A_1078 : memref<1x!tpu.dma_semaphore, #tpu.memory_space<semaphore_mem>> -> memref<!tpu.dma_semaphore, #tpu.memory_space<semaphore_mem>>
    tpu.enqueue_indirect_dma source(%dma_start3A_1077 : memref<100000x1024xf32, #tpu.memory_space<hbm>>) target(%dma_start3A_1072 : memref<16x1024xf32, #tpu.memory_space<vmem>>) offsets(%dma_start3A_1074 : memref<16xi32, #tpu.memory_space<vmem>>) semaphore(%dma_start3A_1079 : memref<!tpu.dma_semaphore, #tpu.memory_space<semaphore_mem>>)
    %add3A_1080 = arith.constant 192 : i32
    %add3A_1081 = arith.addi %rem3A_3, %add3A_1080 : i32
    %dma_start3A_1082 = arith.constant 0 : i32
    %dma_start3A_1083 = arith.constant 0 : i32
    %dma_start3A_1084 = arith.constant 0 : i32
    %dma_start3A_1085 = arith.constant 0 : i32
    %dma_start3A_1086 = tpu.memref_slice %arg8[%dma_start3A_1082, %dma_start3A_1084, %dma_start3A_1085] : memref<2x16x1024xf32, #tpu.memory_space<vmem>> -> memref<1x16x1024xf32, #tpu.memory_space<vmem>>
    %dma_start3A_1087 = tpu.memref_squeeze %dma_start3A_1086 : memref<1x16x1024xf32, #tpu.memory_space<vmem>> -> memref<16x1024xf32, #tpu.memory_space<vmem>>
    %dma_start3A_1088 = arith.constant 0 : i32
    %dma_start3A_1089 = tpu.memref_slice %arg4[%add3A_1081, %dma_start3A_1088] : memref<2048x1024xf32, #tpu.memory_space<hbm>> -> memref<16x1024xf32, #tpu.memory_space<hbm>>
    %dma_start3A_1090 = tpu.memref_slice %arg11[%dma_start3A_1083] : memref<2x!tpu.dma_semaphore, #tpu.memory_space<semaphore_mem>> -> memref<1x!tpu.dma_semaphore, #tpu.memory_space<semaphore_mem>>
    %dma_start3A_1091 = tpu.memref_squeeze %dma_start3A_1090 : memref<1x!tpu.dma_semaphore, #tpu.memory_space<semaphore_mem>> -> memref<!tpu.dma_semaphore, #tpu.memory_space<semaphore_mem>>
    %dma_start3A_1092 = arith.constant 0 : i32
    %dma_start3A_1093 = arith.constant 0 : i32
    %dma_start3A_1094 = tpu.memref_slice %arg8[%dma_start3A_1082, %dma_start3A_1092, %dma_start3A_1093] : memref<2x16x1024xf32, #tpu.memory_space<vmem>> -> memref<1x16x1024xf32, #tpu.memory_space<vmem>>
    %dma_start3A_1095 = tpu.memref_squeeze %dma_start3A_1094 : memref<1x16x1024xf32, #tpu.memory_space<vmem>> -> memref<16x1024xf32, #tpu.memory_space<vmem>>
    %dma_start3A_1096 = arith.constant 0 : i32
    %dma_start3A_1097 = tpu.memref_slice %arg4[%add3A_1081, %dma_start3A_1096] : memref<2048x1024xf32, #tpu.memory_space<hbm>> -> memref<16x1024xf32, #tpu.memory_space<hbm>>
    tpu.enqueue_dma source(%dma_start3A_1097 : memref<16x1024xf32, #tpu.memory_space<hbm>>) target(%dma_start3A_1095 : memref<16x1024xf32, #tpu.memory_space<vmem>>) target_semaphore(%dma_start3A_1091 : memref<!tpu.dma_semaphore, #tpu.memory_space<semaphore_mem>>)
    %dma_wait3A_1098 = arith.constant 1 : i32
    %dma_wait3A_1099 = arith.constant 1 : i32
    %dma_wait3A_1100 = arith.constant 0 : i32
    %dma_wait3A_1101 = arith.constant 0 : i32
    %dma_wait3A_1102 = tpu.memref_slice %arg7[%dma_wait3A_1098, %dma_wait3A_1100, %dma_wait3A_1101] : memref<2x16x1024xf32, #tpu.memory_space<vmem>> -> memref<1x16x1024xf32, #tpu.memory_space<vmem>>
    %dma_wait3A_1103 = tpu.memref_squeeze %dma_wait3A_1102 : memref<1x16x1024xf32, #tpu.memory_space<vmem>> -> memref<16x1024xf32, #tpu.memory_space<vmem>>
    %dma_wait3A_1104 = arith.constant 176 : i32
    %dma_wait3A_1105 = tpu.memref_slice %arg6[%dma_wait3A_1104] : memref<256xi32, #tpu.memory_space<vmem>> -> memref<16xi32, #tpu.memory_space<vmem>>
    %dma_wait3A_1106 = arith.constant 0 : i32
    %dma_wait3A_1107 = arith.constant 0 : i32
    %dma_wait3A_1108 = tpu.memref_slice %arg3[%dma_wait3A_1106, %dma_wait3A_1107] : memref<100000x1024xf32, #tpu.memory_space<hbm>> -> memref<100000x1024xf32, #tpu.memory_space<hbm>>
    %dma_wait3A_1109 = tpu.memref_slice %arg10[%dma_wait3A_1099] : memref<2x!tpu.dma_semaphore, #tpu.memory_space<semaphore_mem>> -> memref<1x!tpu.dma_semaphore, #tpu.memory_space<semaphore_mem>>
    %dma_wait3A_1110 = tpu.memref_squeeze %dma_wait3A_1109 : memref<1x!tpu.dma_semaphore, #tpu.memory_space<semaphore_mem>> -> memref<!tpu.dma_semaphore, #tpu.memory_space<semaphore_mem>>
    tpu.wait_indirect_dma semaphore(%dma_wait3A_1110 : memref<!tpu.dma_semaphore, #tpu.memory_space<semaphore_mem>>) src(%dma_wait3A_1108 : memref<100000x1024xf32, #tpu.memory_space<hbm>>) dst(%dma_wait3A_1103 : memref<16x1024xf32, #tpu.memory_space<vmem>>)
    %dma_wait3A_1111 = arith.constant 1 : i32
    %dma_wait3A_1112 = arith.constant 1 : i32
    %dma_wait3A_1113 = arith.constant 0 : i32
    %dma_wait3A_1114 = arith.constant 0 : i32
    %dma_wait3A_1115 = tpu.memref_slice %arg8[%dma_wait3A_1111, %dma_wait3A_1113, %dma_wait3A_1114] : memref<2x16x1024xf32, #tpu.memory_space<vmem>> -> memref<1x16x1024xf32, #tpu.memory_space<vmem>>
    %dma_wait3A_1116 = tpu.memref_squeeze %dma_wait3A_1115 : memref<1x16x1024xf32, #tpu.memory_space<vmem>> -> memref<16x1024xf32, #tpu.memory_space<vmem>>
    %dma_wait3A_1117 = arith.constant 0 : i32
    %dma_wait3A_1118 = tpu.memref_slice %arg4[%add3A_984, %dma_wait3A_1117] : memref<2048x1024xf32, #tpu.memory_space<hbm>> -> memref<16x1024xf32, #tpu.memory_space<hbm>>
    %dma_wait3A_1119 = tpu.memref_slice %arg11[%dma_wait3A_1112] : memref<2x!tpu.dma_semaphore, #tpu.memory_space<semaphore_mem>> -> memref<1x!tpu.dma_semaphore, #tpu.memory_space<semaphore_mem>>
    %dma_wait3A_1120 = tpu.memref_squeeze %dma_wait3A_1119 : memref<1x!tpu.dma_semaphore, #tpu.memory_space<semaphore_mem>> -> memref<!tpu.dma_semaphore, #tpu.memory_space<semaphore_mem>>
    %dma_wait3A_1121 = arith.constant 0 : i32
    %dma_wait3A_1122 = arith.constant 0 : i32
    %dma_wait3A_1123 = tpu.memref_slice %arg8[%dma_wait3A_1111, %dma_wait3A_1121, %dma_wait3A_1122] : memref<2x16x1024xf32, #tpu.memory_space<vmem>> -> memref<1x16x1024xf32, #tpu.memory_space<vmem>>
    %dma_wait3A_1124 = tpu.memref_squeeze %dma_wait3A_1123 : memref<1x16x1024xf32, #tpu.memory_space<vmem>> -> memref<16x1024xf32, #tpu.memory_space<vmem>>
    %dma_wait3A_1125 = arith.constant 0 : i32
    %dma_wait3A_1126 = tpu.memref_slice %arg4[%add3A_984, %dma_wait3A_1125] : memref<2048x1024xf32, #tpu.memory_space<hbm>> -> memref<16x1024xf32, #tpu.memory_space<hbm>>
    tpu.wait_dma2 semaphore(%dma_wait3A_1120 : memref<!tpu.dma_semaphore, #tpu.memory_space<semaphore_mem>>) src(%dma_wait3A_1126 : memref<16x1024xf32, #tpu.memory_space<hbm>>) dst(%dma_wait3A_1124 : memref<16x1024xf32, #tpu.memory_space<vmem>>)
    %dma_wait3A_1127 = arith.constant 1 : i32
    %dma_wait3A_1128 = arith.constant 1 : i32
    %dma_wait3A_1129 = arith.constant 0 : i32
    %dma_wait3A_1130 = arith.constant 0 : i32
    %dma_wait3A_1131 = tpu.memref_slice %arg9[%dma_wait3A_1127, %dma_wait3A_1129, %dma_wait3A_1130] : memref<2x16x1024xf32, #tpu.memory_space<vmem>> -> memref<1x16x1024xf32, #tpu.memory_space<vmem>>
    %dma_wait3A_1132 = tpu.memref_squeeze %dma_wait3A_1131 : memref<1x16x1024xf32, #tpu.memory_space<vmem>> -> memref<16x1024xf32, #tpu.memory_space<vmem>>
    %dma_wait3A_1133 = arith.constant 0 : i32
    %dma_wait3A_1134 = tpu.memref_slice %arg5[%add3A_953, %dma_wait3A_1133] : memref<8192x1024xf32, #tpu.memory_space<hbm>> -> memref<16x1024xf32, #tpu.memory_space<hbm>>
    %dma_wait3A_1135 = tpu.memref_slice %arg12[%dma_wait3A_1128] : memref<2x!tpu.dma_semaphore, #tpu.memory_space<semaphore_mem>> -> memref<1x!tpu.dma_semaphore, #tpu.memory_space<semaphore_mem>>
    %dma_wait3A_1136 = tpu.memref_squeeze %dma_wait3A_1135 : memref<1x!tpu.dma_semaphore, #tpu.memory_space<semaphore_mem>> -> memref<!tpu.dma_semaphore, #tpu.memory_space<semaphore_mem>>
    %dma_wait3A_1137 = arith.constant 0 : i32
    %dma_wait3A_1138 = tpu.memref_slice %arg5[%add3A_953, %dma_wait3A_1137] : memref<8192x1024xf32, #tpu.memory_space<hbm>> -> memref<16x1024xf32, #tpu.memory_space<hbm>>
    %dma_wait3A_1139 = arith.constant 0 : i32
    %dma_wait3A_1140 = arith.constant 0 : i32
    %dma_wait3A_1141 = tpu.memref_slice %arg9[%dma_wait3A_1127, %dma_wait3A_1139, %dma_wait3A_1140] : memref<2x16x1024xf32, #tpu.memory_space<vmem>> -> memref<1x16x1024xf32, #tpu.memory_space<vmem>>
    %dma_wait3A_1142 = tpu.memref_squeeze %dma_wait3A_1141 : memref<1x16x1024xf32, #tpu.memory_space<vmem>> -> memref<16x1024xf32, #tpu.memory_space<vmem>>
    tpu.wait_dma2 semaphore(%dma_wait3A_1136 : memref<!tpu.dma_semaphore, #tpu.memory_space<semaphore_mem>>) src(%dma_wait3A_1142 : memref<16x1024xf32, #tpu.memory_space<vmem>>) dst(%dma_wait3A_1138 : memref<16x1024xf32, #tpu.memory_space<hbm>>)
    %parallel_loop3A_1143 = arith.constant 0 : i32
    %parallel_loop3A_1144 = arith.constant 1024 : i32
    %parallel_loop3A_1145 = arith.constant 1 : i32
    scf.for %parallel_loop3A_1553 = %parallel_loop3A_1143 to %parallel_loop3A_1144 step %parallel_loop3A_1145  : i32 {
      %parallel_loop3A_1554 = arith.constant 6 : i32
      %parallel_loop3A_1555 = arith.shrui %parallel_loop3A_1553, %parallel_loop3A_1554 : i32
      %parallel_loop3A_1556 = arith.constant 63 : i32
      %parallel_loop3A_1557 = arith.andi %parallel_loop3A_1553, %parallel_loop3A_1556 : i32
      %parallel_loop3A_1558 = arith.constant 16 : i32
      %parallel_loop3A_1559 = arith.muli %parallel_loop3A_1557, %parallel_loop3A_1558 : i32
      %parallel_loop3A_1560 = arith.constant 1 : i32
      %parallel_loop3A_1561 = arith.index_cast %parallel_loop3A_1560 : i32 to index
      %parallel_loop3A_1562 = arith.index_cast %parallel_loop3A_1555 : i32 to index
      %parallel_loop3A_1563 = arith.index_cast %parallel_loop3A_1559 : i32 to index
      %parallel_loop3A_1564 = tpu.vector_load %arg7[%parallel_loop3A_1561, %parallel_loop3A_1562, %parallel_loop3A_1563] {strides = array<i32>} : memref<2x16x1024xf32, #tpu.memory_space<vmem>>, vector<1x1x16xf32>,
      %parallel_loop3A_1565 = vector.shape_cast %parallel_loop3A_1564 : vector<1x1x16xf32> to vector<16xf32>
      %parallel_loop3A_1566 = arith.constant 3.200000e+01 : f32
      %parallel_loop3A_1567 = vector.broadcast %parallel_loop3A_1566 : f32 to vector<16xf32>
      %parallel_loop3A_1568 = arith.mulf %parallel_loop3A_1565, %parallel_loop3A_1567 : vector<16xf32>
      %parallel_loop3A_1569 = arith.constant 1 : i32
      %parallel_loop3A_1570 = arith.index_cast %parallel_loop3A_1569 : i32 to index
      %parallel_loop3A_1571 = arith.index_cast %parallel_loop3A_1555 : i32 to index
      %parallel_loop3A_1572 = arith.index_cast %parallel_loop3A_1559 : i32 to index
      %parallel_loop3A_1573 = tpu.vector_load %arg8[%parallel_loop3A_1570, %parallel_loop3A_1571, %parallel_loop3A_1572] {strides = array<i32>} : memref<2x16x1024xf32, #tpu.memory_space<vmem>>, vector<1x1x16xf32>,
      %parallel_loop3A_1574 = vector.shape_cast %parallel_loop3A_1573 : vector<1x1x16xf32> to vector<16xf32>
      %parallel_loop3A_1575 = arith.addf %parallel_loop3A_1568, %parallel_loop3A_1574 : vector<16xf32>
      %parallel_loop3A_1576 = arith.constant 1 : i32
      %parallel_loop3A_1577 = arith.index_cast %parallel_loop3A_1576 : i32 to index
      %parallel_loop3A_1578 = arith.index_cast %parallel_loop3A_1555 : i32 to index
      %parallel_loop3A_1579 = arith.index_cast %parallel_loop3A_1559 : i32 to index
      %parallel_loop3A_1580 = tpu.vector_load %arg9[%parallel_loop3A_1577, %parallel_loop3A_1578, %parallel_loop3A_1579] {strides = array<i32>} : memref<2x16x1024xf32, #tpu.memory_space<vmem>>, vector<1x1x16xf32>,
      %parallel_loop3A_1581 = vector.shape_cast %parallel_loop3A_1580 : vector<1x1x16xf32> to vector<16xf32>
      %parallel_loop3A_1582 = vector.shape_cast %parallel_loop3A_1575 : vector<16xf32> to vector<1x1x16xf32>
      tpu.vector_store %arg9[%parallel_loop3A_1577, %parallel_loop3A_1578, %parallel_loop3A_1579], %parallel_loop3A_1582 {strides = array<i32>} : memref<2x16x1024xf32, #tpu.memory_space<vmem>>, vector<1x1x16xf32>,
    } {sc.loop_unroll_factor = 8 : i64, sc.parallel_access}
    %add3A_1146 = arith.constant 176 : i32
    %add3A_1147 = arith.addi %mul3A_2, %add3A_1146 : i32
    %dma_start3A_1148 = arith.constant 1 : i32
    %dma_start3A_1149 = arith.constant 1 : i32
    %dma_start3A_1150 = arith.constant 0 : i32
    %dma_start3A_1151 = arith.constant 0 : i32
    %dma_start3A_1152 = tpu.memref_slice %arg9[%dma_start3A_1148, %dma_start3A_1150, %dma_start3A_1151] : memref<2x16x1024xf32, #tpu.memory_space<vmem>> -> memref<1x16x1024xf32, #tpu.memory_space<vmem>>
    %dma_start3A_1153 = tpu.memref_squeeze %dma_start3A_1152 : memref<1x16x1024xf32, #tpu.memory_space<vmem>> -> memref<16x1024xf32, #tpu.memory_space<vmem>>
    %dma_start3A_1154 = arith.constant 0 : i32
    %dma_start3A_1155 = tpu.memref_slice %arg5[%add3A_1147, %dma_start3A_1154] : memref<8192x1024xf32, #tpu.memory_space<hbm>> -> memref<16x1024xf32, #tpu.memory_space<hbm>>
    %dma_start3A_1156 = tpu.memref_slice %arg12[%dma_start3A_1149] : memref<2x!tpu.dma_semaphore, #tpu.memory_space<semaphore_mem>> -> memref<1x!tpu.dma_semaphore, #tpu.memory_space<semaphore_mem>>
    %dma_start3A_1157 = tpu.memref_squeeze %dma_start3A_1156 : memref<1x!tpu.dma_semaphore, #tpu.memory_space<semaphore_mem>> -> memref<!tpu.dma_semaphore, #tpu.memory_space<semaphore_mem>>
    %dma_start3A_1158 = arith.constant 0 : i32
    %dma_start3A_1159 = tpu.memref_slice %arg5[%add3A_1147, %dma_start3A_1158] : memref<8192x1024xf32, #tpu.memory_space<hbm>> -> memref<16x1024xf32, #tpu.memory_space<hbm>>
    %dma_start3A_1160 = arith.constant 0 : i32
    %dma_start3A_1161 = arith.constant 0 : i32
    %dma_start3A_1162 = tpu.memref_slice %arg9[%dma_start3A_1148, %dma_start3A_1160, %dma_start3A_1161] : memref<2x16x1024xf32, #tpu.memory_space<vmem>> -> memref<1x16x1024xf32, #tpu.memory_space<vmem>>
    %dma_start3A_1163 = tpu.memref_squeeze %dma_start3A_1162 : memref<1x16x1024xf32, #tpu.memory_space<vmem>> -> memref<16x1024xf32, #tpu.memory_space<vmem>>
    tpu.enqueue_dma source(%dma_start3A_1163 : memref<16x1024xf32, #tpu.memory_space<vmem>>) target(%dma_start3A_1159 : memref<16x1024xf32, #tpu.memory_space<hbm>>) target_semaphore(%dma_start3A_1157 : memref<!tpu.dma_semaphore, #tpu.memory_space<semaphore_mem>>)
    %dma_start3A_1164 = arith.constant 1 : i32
    %dma_start3A_1165 = arith.constant 1 : i32
    %dma_start3A_1166 = arith.constant 0 : i32
    %dma_start3A_1167 = arith.constant 0 : i32
    %dma_start3A_1168 = tpu.memref_slice %arg7[%dma_start3A_1164, %dma_start3A_1166, %dma_start3A_1167] : memref<2x16x1024xf32, #tpu.memory_space<vmem>> -> memref<1x16x1024xf32, #tpu.memory_space<vmem>>
    %dma_start3A_1169 = tpu.memref_squeeze %dma_start3A_1168 : memref<1x16x1024xf32, #tpu.memory_space<vmem>> -> memref<16x1024xf32, #tpu.memory_space<vmem>>
    %dma_start3A_1170 = arith.constant 208 : i32
    %dma_start3A_1171 = tpu.memref_slice %arg6[%dma_start3A_1170] : memref<256xi32, #tpu.memory_space<vmem>> -> memref<16xi32, #tpu.memory_space<vmem>>
    %dma_start3A_1172 = arith.constant 0 : i32
    %dma_start3A_1173 = arith.constant 0 : i32
    %dma_start3A_1174 = tpu.memref_slice %arg3[%dma_start3A_1172, %dma_start3A_1173] : memref<100000x1024xf32, #tpu.memory_space<hbm>> -> memref<100000x1024xf32, #tpu.memory_space<hbm>>
    %dma_start3A_1175 = tpu.memref_slice %arg10[%dma_start3A_1165] : memref<2x!tpu.dma_semaphore, #tpu.memory_space<semaphore_mem>> -> memref<1x!tpu.dma_semaphore, #tpu.memory_space<semaphore_mem>>
    %dma_start3A_1176 = tpu.memref_squeeze %dma_start3A_1175 : memref<1x!tpu.dma_semaphore, #tpu.memory_space<semaphore_mem>> -> memref<!tpu.dma_semaphore, #tpu.memory_space<semaphore_mem>>
    tpu.enqueue_indirect_dma source(%dma_start3A_1174 : memref<100000x1024xf32, #tpu.memory_space<hbm>>) target(%dma_start3A_1169 : memref<16x1024xf32, #tpu.memory_space<vmem>>) offsets(%dma_start3A_1171 : memref<16xi32, #tpu.memory_space<vmem>>) semaphore(%dma_start3A_1176 : memref<!tpu.dma_semaphore, #tpu.memory_space<semaphore_mem>>)
    %add3A_1177 = arith.constant 208 : i32
    %add3A_1178 = arith.addi %rem3A_3, %add3A_1177 : i32
    %dma_start3A_1179 = arith.constant 1 : i32
    %dma_start3A_1180 = arith.constant 1 : i32
    %dma_start3A_1181 = arith.constant 0 : i32
    %dma_start3A_1182 = arith.constant 0 : i32
    %dma_start3A_1183 = tpu.memref_slice %arg8[%dma_start3A_1179, %dma_start3A_1181, %dma_start3A_1182] : memref<2x16x1024xf32, #tpu.memory_space<vmem>> -> memref<1x16x1024xf32, #tpu.memory_space<vmem>>
    %dma_start3A_1184 = tpu.memref_squeeze %dma_start3A_1183 : memref<1x16x1024xf32, #tpu.memory_space<vmem>> -> memref<16x1024xf32, #tpu.memory_space<vmem>>
    %dma_start3A_1185 = arith.constant 0 : i32
    %dma_start3A_1186 = tpu.memref_slice %arg4[%add3A_1178, %dma_start3A_1185] : memref<2048x1024xf32, #tpu.memory_space<hbm>> -> memref<16x1024xf32, #tpu.memory_space<hbm>>
    %dma_start3A_1187 = tpu.memref_slice %arg11[%dma_start3A_1180] : memref<2x!tpu.dma_semaphore, #tpu.memory_space<semaphore_mem>> -> memref<1x!tpu.dma_semaphore, #tpu.memory_space<semaphore_mem>>
    %dma_start3A_1188 = tpu.memref_squeeze %dma_start3A_1187 : memref<1x!tpu.dma_semaphore, #tpu.memory_space<semaphore_mem>> -> memref<!tpu.dma_semaphore, #tpu.memory_space<semaphore_mem>>
    %dma_start3A_1189 = arith.constant 0 : i32
    %dma_start3A_1190 = arith.constant 0 : i32
    %dma_start3A_1191 = tpu.memref_slice %arg8[%dma_start3A_1179, %dma_start3A_1189, %dma_start3A_1190] : memref<2x16x1024xf32, #tpu.memory_space<vmem>> -> memref<1x16x1024xf32, #tpu.memory_space<vmem>>
    %dma_start3A_1192 = tpu.memref_squeeze %dma_start3A_1191 : memref<1x16x1024xf32, #tpu.memory_space<vmem>> -> memref<16x1024xf32, #tpu.memory_space<vmem>>
    %dma_start3A_1193 = arith.constant 0 : i32
    %dma_start3A_1194 = tpu.memref_slice %arg4[%add3A_1178, %dma_start3A_1193] : memref<2048x1024xf32, #tpu.memory_space<hbm>> -> memref<16x1024xf32, #tpu.memory_space<hbm>>
    tpu.enqueue_dma source(%dma_start3A_1194 : memref<16x1024xf32, #tpu.memory_space<hbm>>) target(%dma_start3A_1192 : memref<16x1024xf32, #tpu.memory_space<vmem>>) target_semaphore(%dma_start3A_1188 : memref<!tpu.dma_semaphore, #tpu.memory_space<semaphore_mem>>)
    %dma_wait3A_1195 = arith.constant 0 : i32
    %dma_wait3A_1196 = arith.constant 0 : i32
    %dma_wait3A_1197 = arith.constant 0 : i32
    %dma_wait3A_1198 = arith.constant 0 : i32
    %dma_wait3A_1199 = tpu.memref_slice %arg7[%dma_wait3A_1195, %dma_wait3A_1197, %dma_wait3A_1198] : memref<2x16x1024xf32, #tpu.memory_space<vmem>> -> memref<1x16x1024xf32, #tpu.memory_space<vmem>>
    %dma_wait3A_1200 = tpu.memref_squeeze %dma_wait3A_1199 : memref<1x16x1024xf32, #tpu.memory_space<vmem>> -> memref<16x1024xf32, #tpu.memory_space<vmem>>
    %dma_wait3A_1201 = arith.constant 192 : i32
    %dma_wait3A_1202 = tpu.memref_slice %arg6[%dma_wait3A_1201] : memref<256xi32, #tpu.memory_space<vmem>> -> memref<16xi32, #tpu.memory_space<vmem>>
    %dma_wait3A_1203 = arith.constant 0 : i32
    %dma_wait3A_1204 = arith.constant 0 : i32
    %dma_wait3A_1205 = tpu.memref_slice %arg3[%dma_wait3A_1203, %dma_wait3A_1204] : memref<100000x1024xf32, #tpu.memory_space<hbm>> -> memref<100000x1024xf32, #tpu.memory_space<hbm>>
    %dma_wait3A_1206 = tpu.memref_slice %arg10[%dma_wait3A_1196] : memref<2x!tpu.dma_semaphore, #tpu.memory_space<semaphore_mem>> -> memref<1x!tpu.dma_semaphore, #tpu.memory_space<semaphore_mem>>
    %dma_wait3A_1207 = tpu.memref_squeeze %dma_wait3A_1206 : memref<1x!tpu.dma_semaphore, #tpu.memory_space<semaphore_mem>> -> memref<!tpu.dma_semaphore, #tpu.memory_space<semaphore_mem>>
    tpu.wait_indirect_dma semaphore(%dma_wait3A_1207 : memref<!tpu.dma_semaphore, #tpu.memory_space<semaphore_mem>>) src(%dma_wait3A_1205 : memref<100000x1024xf32, #tpu.memory_space<hbm>>) dst(%dma_wait3A_1200 : memref<16x1024xf32, #tpu.memory_space<vmem>>)
    %dma_wait3A_1208 = arith.constant 0 : i32
    %dma_wait3A_1209 = arith.constant 0 : i32
    %dma_wait3A_1210 = arith.constant 0 : i32
    %dma_wait3A_1211 = arith.constant 0 : i32
    %dma_wait3A_1212 = tpu.memref_slice %arg8[%dma_wait3A_1208, %dma_wait3A_1210, %dma_wait3A_1211] : memref<2x16x1024xf32, #tpu.memory_space<vmem>> -> memref<1x16x1024xf32, #tpu.memory_space<vmem>>
    %dma_wait3A_1213 = tpu.memref_squeeze %dma_wait3A_1212 : memref<1x16x1024xf32, #tpu.memory_space<vmem>> -> memref<16x1024xf32, #tpu.memory_space<vmem>>
    %dma_wait3A_1214 = arith.constant 0 : i32
    %dma_wait3A_1215 = tpu.memref_slice %arg4[%add3A_1081, %dma_wait3A_1214] : memref<2048x1024xf32, #tpu.memory_space<hbm>> -> memref<16x1024xf32, #tpu.memory_space<hbm>>
    %dma_wait3A_1216 = tpu.memref_slice %arg11[%dma_wait3A_1209] : memref<2x!tpu.dma_semaphore, #tpu.memory_space<semaphore_mem>> -> memref<1x!tpu.dma_semaphore, #tpu.memory_space<semaphore_mem>>
    %dma_wait3A_1217 = tpu.memref_squeeze %dma_wait3A_1216 : memref<1x!tpu.dma_semaphore, #tpu.memory_space<semaphore_mem>> -> memref<!tpu.dma_semaphore, #tpu.memory_space<semaphore_mem>>
    %dma_wait3A_1218 = arith.constant 0 : i32
    %dma_wait3A_1219 = arith.constant 0 : i32
    %dma_wait3A_1220 = tpu.memref_slice %arg8[%dma_wait3A_1208, %dma_wait3A_1218, %dma_wait3A_1219] : memref<2x16x1024xf32, #tpu.memory_space<vmem>> -> memref<1x16x1024xf32, #tpu.memory_space<vmem>>
    %dma_wait3A_1221 = tpu.memref_squeeze %dma_wait3A_1220 : memref<1x16x1024xf32, #tpu.memory_space<vmem>> -> memref<16x1024xf32, #tpu.memory_space<vmem>>
    %dma_wait3A_1222 = arith.constant 0 : i32
    %dma_wait3A_1223 = tpu.memref_slice %arg4[%add3A_1081, %dma_wait3A_1222] : memref<2048x1024xf32, #tpu.memory_space<hbm>> -> memref<16x1024xf32, #tpu.memory_space<hbm>>
    tpu.wait_dma2 semaphore(%dma_wait3A_1217 : memref<!tpu.dma_semaphore, #tpu.memory_space<semaphore_mem>>) src(%dma_wait3A_1223 : memref<16x1024xf32, #tpu.memory_space<hbm>>) dst(%dma_wait3A_1221 : memref<16x1024xf32, #tpu.memory_space<vmem>>)
    %dma_wait3A_1224 = arith.constant 0 : i32
    %dma_wait3A_1225 = arith.constant 0 : i32
    %dma_wait3A_1226 = arith.constant 0 : i32
    %dma_wait3A_1227 = arith.constant 0 : i32
    %dma_wait3A_1228 = tpu.memref_slice %arg9[%dma_wait3A_1224, %dma_wait3A_1226, %dma_wait3A_1227] : memref<2x16x1024xf32, #tpu.memory_space<vmem>> -> memref<1x16x1024xf32, #tpu.memory_space<vmem>>
    %dma_wait3A_1229 = tpu.memref_squeeze %dma_wait3A_1228 : memref<1x16x1024xf32, #tpu.memory_space<vmem>> -> memref<16x1024xf32, #tpu.memory_space<vmem>>
    %dma_wait3A_1230 = arith.constant 0 : i32
    %dma_wait3A_1231 = tpu.memref_slice %arg5[%add3A_1050, %dma_wait3A_1230] : memref<8192x1024xf32, #tpu.memory_space<hbm>> -> memref<16x1024xf32, #tpu.memory_space<hbm>>
    %dma_wait3A_1232 = tpu.memref_slice %arg12[%dma_wait3A_1225] : memref<2x!tpu.dma_semaphore, #tpu.memory_space<semaphore_mem>> -> memref<1x!tpu.dma_semaphore, #tpu.memory_space<semaphore_mem>>
    %dma_wait3A_1233 = tpu.memref_squeeze %dma_wait3A_1232 : memref<1x!tpu.dma_semaphore, #tpu.memory_space<semaphore_mem>> -> memref<!tpu.dma_semaphore, #tpu.memory_space<semaphore_mem>>
    %dma_wait3A_1234 = arith.constant 0 : i32
    %dma_wait3A_1235 = tpu.memref_slice %arg5[%add3A_1050, %dma_wait3A_1234] : memref<8192x1024xf32, #tpu.memory_space<hbm>> -> memref<16x1024xf32, #tpu.memory_space<hbm>>
    %dma_wait3A_1236 = arith.constant 0 : i32
    %dma_wait3A_1237 = arith.constant 0 : i32
    %dma_wait3A_1238 = tpu.memref_slice %arg9[%dma_wait3A_1224, %dma_wait3A_1236, %dma_wait3A_1237] : memref<2x16x1024xf32, #tpu.memory_space<vmem>> -> memref<1x16x1024xf32, #tpu.memory_space<vmem>>
    %dma_wait3A_1239 = tpu.memref_squeeze %dma_wait3A_1238 : memref<1x16x1024xf32, #tpu.memory_space<vmem>> -> memref<16x1024xf32, #tpu.memory_space<vmem>>
    tpu.wait_dma2 semaphore(%dma_wait3A_1233 : memref<!tpu.dma_semaphore, #tpu.memory_space<semaphore_mem>>) src(%dma_wait3A_1239 : memref<16x1024xf32, #tpu.memory_space<vmem>>) dst(%dma_wait3A_1235 : memref<16x1024xf32, #tpu.memory_space<hbm>>)
    %parallel_loop3A_1240 = arith.constant 0 : i32
    %parallel_loop3A_1241 = arith.constant 1024 : i32
    %parallel_loop3A_1242 = arith.constant 1 : i32
    scf.for %parallel_loop3A_1553 = %parallel_loop3A_1240 to %parallel_loop3A_1241 step %parallel_loop3A_1242  : i32 {
      %parallel_loop3A_1554 = arith.constant 6 : i32
      %parallel_loop3A_1555 = arith.shrui %parallel_loop3A_1553, %parallel_loop3A_1554 : i32
      %parallel_loop3A_1556 = arith.constant 63 : i32
      %parallel_loop3A_1557 = arith.andi %parallel_loop3A_1553, %parallel_loop3A_1556 : i32
      %parallel_loop3A_1558 = arith.constant 16 : i32
      %parallel_loop3A_1559 = arith.muli %parallel_loop3A_1557, %parallel_loop3A_1558 : i32
      %parallel_loop3A_1560 = arith.constant 0 : i32
      %parallel_loop3A_1561 = arith.index_cast %parallel_loop3A_1560 : i32 to index
      %parallel_loop3A_1562 = arith.index_cast %parallel_loop3A_1555 : i32 to index
      %parallel_loop3A_1563 = arith.index_cast %parallel_loop3A_1559 : i32 to index
      %parallel_loop3A_1564 = tpu.vector_load %arg7[%parallel_loop3A_1561, %parallel_loop3A_1562, %parallel_loop3A_1563] {strides = array<i32>} : memref<2x16x1024xf32, #tpu.memory_space<vmem>>, vector<1x1x16xf32>,
      %parallel_loop3A_1565 = vector.shape_cast %parallel_loop3A_1564 : vector<1x1x16xf32> to vector<16xf32>
      %parallel_loop3A_1566 = arith.constant 3.200000e+01 : f32
      %parallel_loop3A_1567 = vector.broadcast %parallel_loop3A_1566 : f32 to vector<16xf32>
      %parallel_loop3A_1568 = arith.mulf %parallel_loop3A_1565, %parallel_loop3A_1567 : vector<16xf32>
      %parallel_loop3A_1569 = arith.constant 0 : i32
      %parallel_loop3A_1570 = arith.index_cast %parallel_loop3A_1569 : i32 to index
      %parallel_loop3A_1571 = arith.index_cast %parallel_loop3A_1555 : i32 to index
      %parallel_loop3A_1572 = arith.index_cast %parallel_loop3A_1559 : i32 to index
      %parallel_loop3A_1573 = tpu.vector_load %arg8[%parallel_loop3A_1570, %parallel_loop3A_1571, %parallel_loop3A_1572] {strides = array<i32>} : memref<2x16x1024xf32, #tpu.memory_space<vmem>>, vector<1x1x16xf32>,
      %parallel_loop3A_1574 = vector.shape_cast %parallel_loop3A_1573 : vector<1x1x16xf32> to vector<16xf32>
      %parallel_loop3A_1575 = arith.addf %parallel_loop3A_1568, %parallel_loop3A_1574 : vector<16xf32>
      %parallel_loop3A_1576 = arith.constant 0 : i32
      %parallel_loop3A_1577 = arith.index_cast %parallel_loop3A_1576 : i32 to index
      %parallel_loop3A_1578 = arith.index_cast %parallel_loop3A_1555 : i32 to index
      %parallel_loop3A_1579 = arith.index_cast %parallel_loop3A_1559 : i32 to index
      %parallel_loop3A_1580 = tpu.vector_load %arg9[%parallel_loop3A_1577, %parallel_loop3A_1578, %parallel_loop3A_1579] {strides = array<i32>} : memref<2x16x1024xf32, #tpu.memory_space<vmem>>, vector<1x1x16xf32>,
      %parallel_loop3A_1581 = vector.shape_cast %parallel_loop3A_1580 : vector<1x1x16xf32> to vector<16xf32>
      %parallel_loop3A_1582 = vector.shape_cast %parallel_loop3A_1575 : vector<16xf32> to vector<1x1x16xf32>
      tpu.vector_store %arg9[%parallel_loop3A_1577, %parallel_loop3A_1578, %parallel_loop3A_1579], %parallel_loop3A_1582 {strides = array<i32>} : memref<2x16x1024xf32, #tpu.memory_space<vmem>>, vector<1x1x16xf32>,
    } {sc.loop_unroll_factor = 8 : i64, sc.parallel_access}
    %add3A_1243 = arith.constant 192 : i32
    %add3A_1244 = arith.addi %mul3A_2, %add3A_1243 : i32
    %dma_start3A_1245 = arith.constant 0 : i32
    %dma_start3A_1246 = arith.constant 0 : i32
    %dma_start3A_1247 = arith.constant 0 : i32
    %dma_start3A_1248 = arith.constant 0 : i32
    %dma_start3A_1249 = tpu.memref_slice %arg9[%dma_start3A_1245, %dma_start3A_1247, %dma_start3A_1248] : memref<2x16x1024xf32, #tpu.memory_space<vmem>> -> memref<1x16x1024xf32, #tpu.memory_space<vmem>>
    %dma_start3A_1250 = tpu.memref_squeeze %dma_start3A_1249 : memref<1x16x1024xf32, #tpu.memory_space<vmem>> -> memref<16x1024xf32, #tpu.memory_space<vmem>>
    %dma_start3A_1251 = arith.constant 0 : i32
    %dma_start3A_1252 = tpu.memref_slice %arg5[%add3A_1244, %dma_start3A_1251] : memref<8192x1024xf32, #tpu.memory_space<hbm>> -> memref<16x1024xf32, #tpu.memory_space<hbm>>
    %dma_start3A_1253 = tpu.memref_slice %arg12[%dma_start3A_1246] : memref<2x!tpu.dma_semaphore, #tpu.memory_space<semaphore_mem>> -> memref<1x!tpu.dma_semaphore, #tpu.memory_space<semaphore_mem>>
    %dma_start3A_1254 = tpu.memref_squeeze %dma_start3A_1253 : memref<1x!tpu.dma_semaphore, #tpu.memory_space<semaphore_mem>> -> memref<!tpu.dma_semaphore, #tpu.memory_space<semaphore_mem>>
    %dma_start3A_1255 = arith.constant 0 : i32
    %dma_start3A_1256 = tpu.memref_slice %arg5[%add3A_1244, %dma_start3A_1255] : memref<8192x1024xf32, #tpu.memory_space<hbm>> -> memref<16x1024xf32, #tpu.memory_space<hbm>>
    %dma_start3A_1257 = arith.constant 0 : i32
    %dma_start3A_1258 = arith.constant 0 : i32
    %dma_start3A_1259 = tpu.memref_slice %arg9[%dma_start3A_1245, %dma_start3A_1257, %dma_start3A_1258] : memref<2x16x1024xf32, #tpu.memory_space<vmem>> -> memref<1x16x1024xf32, #tpu.memory_space<vmem>>
    %dma_start3A_1260 = tpu.memref_squeeze %dma_start3A_1259 : memref<1x16x1024xf32, #tpu.memory_space<vmem>> -> memref<16x1024xf32, #tpu.memory_space<vmem>>
    tpu.enqueue_dma source(%dma_start3A_1260 : memref<16x1024xf32, #tpu.memory_space<vmem>>) target(%dma_start3A_1256 : memref<16x1024xf32, #tpu.memory_space<hbm>>) target_semaphore(%dma_start3A_1254 : memref<!tpu.dma_semaphore, #tpu.memory_space<semaphore_mem>>)
    %dma_start3A_1261 = arith.constant 0 : i32
    %dma_start3A_1262 = arith.constant 0 : i32
    %dma_start3A_1263 = arith.constant 0 : i32
    %dma_start3A_1264 = arith.constant 0 : i32
    %dma_start3A_1265 = tpu.memref_slice %arg7[%dma_start3A_1261, %dma_start3A_1263, %dma_start3A_1264] : memref<2x16x1024xf32, #tpu.memory_space<vmem>> -> memref<1x16x1024xf32, #tpu.memory_space<vmem>>
    %dma_start3A_1266 = tpu.memref_squeeze %dma_start3A_1265 : memref<1x16x1024xf32, #tpu.memory_space<vmem>> -> memref<16x1024xf32, #tpu.memory_space<vmem>>
    %dma_start3A_1267 = arith.constant 224 : i32
    %dma_start3A_1268 = tpu.memref_slice %arg6[%dma_start3A_1267] : memref<256xi32, #tpu.memory_space<vmem>> -> memref<16xi32, #tpu.memory_space<vmem>>
    %dma_start3A_1269 = arith.constant 0 : i32
    %dma_start3A_1270 = arith.constant 0 : i32
    %dma_start3A_1271 = tpu.memref_slice %arg3[%dma_start3A_1269, %dma_start3A_1270] : memref<100000x1024xf32, #tpu.memory_space<hbm>> -> memref<100000x1024xf32, #tpu.memory_space<hbm>>
    %dma_start3A_1272 = tpu.memref_slice %arg10[%dma_start3A_1262] : memref<2x!tpu.dma_semaphore, #tpu.memory_space<semaphore_mem>> -> memref<1x!tpu.dma_semaphore, #tpu.memory_space<semaphore_mem>>
    %dma_start3A_1273 = tpu.memref_squeeze %dma_start3A_1272 : memref<1x!tpu.dma_semaphore, #tpu.memory_space<semaphore_mem>> -> memref<!tpu.dma_semaphore, #tpu.memory_space<semaphore_mem>>
    tpu.enqueue_indirect_dma source(%dma_start3A_1271 : memref<100000x1024xf32, #tpu.memory_space<hbm>>) target(%dma_start3A_1266 : memref<16x1024xf32, #tpu.memory_space<vmem>>) offsets(%dma_start3A_1268 : memref<16xi32, #tpu.memory_space<vmem>>) semaphore(%dma_start3A_1273 : memref<!tpu.dma_semaphore, #tpu.memory_space<semaphore_mem>>)
    %add3A_1274 = arith.constant 224 : i32
    %add3A_1275 = arith.addi %rem3A_3, %add3A_1274 : i32
    %dma_start3A_1276 = arith.constant 0 : i32
    %dma_start3A_1277 = arith.constant 0 : i32
    %dma_start3A_1278 = arith.constant 0 : i32
    %dma_start3A_1279 = arith.constant 0 : i32
    %dma_start3A_1280 = tpu.memref_slice %arg8[%dma_start3A_1276, %dma_start3A_1278, %dma_start3A_1279] : memref<2x16x1024xf32, #tpu.memory_space<vmem>> -> memref<1x16x1024xf32, #tpu.memory_space<vmem>>
    %dma_start3A_1281 = tpu.memref_squeeze %dma_start3A_1280 : memref<1x16x1024xf32, #tpu.memory_space<vmem>> -> memref<16x1024xf32, #tpu.memory_space<vmem>>
    %dma_start3A_1282 = arith.constant 0 : i32
    %dma_start3A_1283 = tpu.memref_slice %arg4[%add3A_1275, %dma_start3A_1282] : memref<2048x1024xf32, #tpu.memory_space<hbm>> -> memref<16x1024xf32, #tpu.memory_space<hbm>>
    %dma_start3A_1284 = tpu.memref_slice %arg11[%dma_start3A_1277] : memref<2x!tpu.dma_semaphore, #tpu.memory_space<semaphore_mem>> -> memref<1x!tpu.dma_semaphore, #tpu.memory_space<semaphore_mem>>
    %dma_start3A_1285 = tpu.memref_squeeze %dma_start3A_1284 : memref<1x!tpu.dma_semaphore, #tpu.memory_space<semaphore_mem>> -> memref<!tpu.dma_semaphore, #tpu.memory_space<semaphore_mem>>
    %dma_start3A_1286 = arith.constant 0 : i32
    %dma_start3A_1287 = arith.constant 0 : i32
    %dma_start3A_1288 = tpu.memref_slice %arg8[%dma_start3A_1276, %dma_start3A_1286, %dma_start3A_1287] : memref<2x16x1024xf32, #tpu.memory_space<vmem>> -> memref<1x16x1024xf32, #tpu.memory_space<vmem>>
    %dma_start3A_1289 = tpu.memref_squeeze %dma_start3A_1288 : memref<1x16x1024xf32, #tpu.memory_space<vmem>> -> memref<16x1024xf32, #tpu.memory_space<vmem>>
    %dma_start3A_1290 = arith.constant 0 : i32
    %dma_start3A_1291 = tpu.memref_slice %arg4[%add3A_1275, %dma_start3A_1290] : memref<2048x1024xf32, #tpu.memory_space<hbm>> -> memref<16x1024xf32, #tpu.memory_space<hbm>>
    tpu.enqueue_dma source(%dma_start3A_1291 : memref<16x1024xf32, #tpu.memory_space<hbm>>) target(%dma_start3A_1289 : memref<16x1024xf32, #tpu.memory_space<vmem>>) target_semaphore(%dma_start3A_1285 : memref<!tpu.dma_semaphore, #tpu.memory_space<semaphore_mem>>)
    %dma_wait3A_1292 = arith.constant 1 : i32
    %dma_wait3A_1293 = arith.constant 1 : i32
    %dma_wait3A_1294 = arith.constant 0 : i32
    %dma_wait3A_1295 = arith.constant 0 : i32
    %dma_wait3A_1296 = tpu.memref_slice %arg7[%dma_wait3A_1292, %dma_wait3A_1294, %dma_wait3A_1295] : memref<2x16x1024xf32, #tpu.memory_space<vmem>> -> memref<1x16x1024xf32, #tpu.memory_space<vmem>>
    %dma_wait3A_1297 = tpu.memref_squeeze %dma_wait3A_1296 : memref<1x16x1024xf32, #tpu.memory_space<vmem>> -> memref<16x1024xf32, #tpu.memory_space<vmem>>
    %dma_wait3A_1298 = arith.constant 208 : i32
    %dma_wait3A_1299 = tpu.memref_slice %arg6[%dma_wait3A_1298] : memref<256xi32, #tpu.memory_space<vmem>> -> memref<16xi32, #tpu.memory_space<vmem>>
    %dma_wait3A_1300 = arith.constant 0 : i32
    %dma_wait3A_1301 = arith.constant 0 : i32
    %dma_wait3A_1302 = tpu.memref_slice %arg3[%dma_wait3A_1300, %dma_wait3A_1301] : memref<100000x1024xf32, #tpu.memory_space<hbm>> -> memref<100000x1024xf32, #tpu.memory_space<hbm>>
    %dma_wait3A_1303 = tpu.memref_slice %arg10[%dma_wait3A_1293] : memref<2x!tpu.dma_semaphore, #tpu.memory_space<semaphore_mem>> -> memref<1x!tpu.dma_semaphore, #tpu.memory_space<semaphore_mem>>
    %dma_wait3A_1304 = tpu.memref_squeeze %dma_wait3A_1303 : memref<1x!tpu.dma_semaphore, #tpu.memory_space<semaphore_mem>> -> memref<!tpu.dma_semaphore, #tpu.memory_space<semaphore_mem>>
    tpu.wait_indirect_dma semaphore(%dma_wait3A_1304 : memref<!tpu.dma_semaphore, #tpu.memory_space<semaphore_mem>>) src(%dma_wait3A_1302 : memref<100000x1024xf32, #tpu.memory_space<hbm>>) dst(%dma_wait3A_1297 : memref<16x1024xf32, #tpu.memory_space<vmem>>)
    %dma_wait3A_1305 = arith.constant 1 : i32
    %dma_wait3A_1306 = arith.constant 1 : i32
    %dma_wait3A_1307 = arith.constant 0 : i32
    %dma_wait3A_1308 = arith.constant 0 : i32
    %dma_wait3A_1309 = tpu.memref_slice %arg8[%dma_wait3A_1305, %dma_wait3A_1307, %dma_wait3A_1308] : memref<2x16x1024xf32, #tpu.memory_space<vmem>> -> memref<1x16x1024xf32, #tpu.memory_space<vmem>>
    %dma_wait3A_1310 = tpu.memref_squeeze %dma_wait3A_1309 : memref<1x16x1024xf32, #tpu.memory_space<vmem>> -> memref<16x1024xf32, #tpu.memory_space<vmem>>
    %dma_wait3A_1311 = arith.constant 0 : i32
    %dma_wait3A_1312 = tpu.memref_slice %arg4[%add3A_1178, %dma_wait3A_1311] : memref<2048x1024xf32, #tpu.memory_space<hbm>> -> memref<16x1024xf32, #tpu.memory_space<hbm>>
    %dma_wait3A_1313 = tpu.memref_slice %arg11[%dma_wait3A_1306] : memref<2x!tpu.dma_semaphore, #tpu.memory_space<semaphore_mem>> -> memref<1x!tpu.dma_semaphore, #tpu.memory_space<semaphore_mem>>
    %dma_wait3A_1314 = tpu.memref_squeeze %dma_wait3A_1313 : memref<1x!tpu.dma_semaphore, #tpu.memory_space<semaphore_mem>> -> memref<!tpu.dma_semaphore, #tpu.memory_space<semaphore_mem>>
    %dma_wait3A_1315 = arith.constant 0 : i32
    %dma_wait3A_1316 = arith.constant 0 : i32
    %dma_wait3A_1317 = tpu.memref_slice %arg8[%dma_wait3A_1305, %dma_wait3A_1315, %dma_wait3A_1316] : memref<2x16x1024xf32, #tpu.memory_space<vmem>> -> memref<1x16x1024xf32, #tpu.memory_space<vmem>>
    %dma_wait3A_1318 = tpu.memref_squeeze %dma_wait3A_1317 : memref<1x16x1024xf32, #tpu.memory_space<vmem>> -> memref<16x1024xf32, #tpu.memory_space<vmem>>
    %dma_wait3A_1319 = arith.constant 0 : i32
    %dma_wait3A_1320 = tpu.memref_slice %arg4[%add3A_1178, %dma_wait3A_1319] : memref<2048x1024xf32, #tpu.memory_space<hbm>> -> memref<16x1024xf32, #tpu.memory_space<hbm>>
    tpu.wait_dma2 semaphore(%dma_wait3A_1314 : memref<!tpu.dma_semaphore, #tpu.memory_space<semaphore_mem>>) src(%dma_wait3A_1320 : memref<16x1024xf32, #tpu.memory_space<hbm>>) dst(%dma_wait3A_1318 : memref<16x1024xf32, #tpu.memory_space<vmem>>)
    %dma_wait3A_1321 = arith.constant 1 : i32
    %dma_wait3A_1322 = arith.constant 1 : i32
    %dma_wait3A_1323 = arith.constant 0 : i32
    %dma_wait3A_1324 = arith.constant 0 : i32
    %dma_wait3A_1325 = tpu.memref_slice %arg9[%dma_wait3A_1321, %dma_wait3A_1323, %dma_wait3A_1324] : memref<2x16x1024xf32, #tpu.memory_space<vmem>> -> memref<1x16x1024xf32, #tpu.memory_space<vmem>>
    %dma_wait3A_1326 = tpu.memref_squeeze %dma_wait3A_1325 : memref<1x16x1024xf32, #tpu.memory_space<vmem>> -> memref<16x1024xf32, #tpu.memory_space<vmem>>
    %dma_wait3A_1327 = arith.constant 0 : i32
    %dma_wait3A_1328 = tpu.memref_slice %arg5[%add3A_1147, %dma_wait3A_1327] : memref<8192x1024xf32, #tpu.memory_space<hbm>> -> memref<16x1024xf32, #tpu.memory_space<hbm>>
    %dma_wait3A_1329 = tpu.memref_slice %arg12[%dma_wait3A_1322] : memref<2x!tpu.dma_semaphore, #tpu.memory_space<semaphore_mem>> -> memref<1x!tpu.dma_semaphore, #tpu.memory_space<semaphore_mem>>
    %dma_wait3A_1330 = tpu.memref_squeeze %dma_wait3A_1329 : memref<1x!tpu.dma_semaphore, #tpu.memory_space<semaphore_mem>> -> memref<!tpu.dma_semaphore, #tpu.memory_space<semaphore_mem>>
    %dma_wait3A_1331 = arith.constant 0 : i32
    %dma_wait3A_1332 = tpu.memref_slice %arg5[%add3A_1147, %dma_wait3A_1331] : memref<8192x1024xf32, #tpu.memory_space<hbm>> -> memref<16x1024xf32, #tpu.memory_space<hbm>>
    %dma_wait3A_1333 = arith.constant 0 : i32
    %dma_wait3A_1334 = arith.constant 0 : i32
    %dma_wait3A_1335 = tpu.memref_slice %arg9[%dma_wait3A_1321, %dma_wait3A_1333, %dma_wait3A_1334] : memref<2x16x1024xf32, #tpu.memory_space<vmem>> -> memref<1x16x1024xf32, #tpu.memory_space<vmem>>
    %dma_wait3A_1336 = tpu.memref_squeeze %dma_wait3A_1335 : memref<1x16x1024xf32, #tpu.memory_space<vmem>> -> memref<16x1024xf32, #tpu.memory_space<vmem>>
    tpu.wait_dma2 semaphore(%dma_wait3A_1330 : memref<!tpu.dma_semaphore, #tpu.memory_space<semaphore_mem>>) src(%dma_wait3A_1336 : memref<16x1024xf32, #tpu.memory_space<vmem>>) dst(%dma_wait3A_1332 : memref<16x1024xf32, #tpu.memory_space<hbm>>)
    %parallel_loop3A_1337 = arith.constant 0 : i32
    %parallel_loop3A_1338 = arith.constant 1024 : i32
    %parallel_loop3A_1339 = arith.constant 1 : i32
    scf.for %parallel_loop3A_1553 = %parallel_loop3A_1337 to %parallel_loop3A_1338 step %parallel_loop3A_1339  : i32 {
      %parallel_loop3A_1554 = arith.constant 6 : i32
      %parallel_loop3A_1555 = arith.shrui %parallel_loop3A_1553, %parallel_loop3A_1554 : i32
      %parallel_loop3A_1556 = arith.constant 63 : i32
      %parallel_loop3A_1557 = arith.andi %parallel_loop3A_1553, %parallel_loop3A_1556 : i32
      %parallel_loop3A_1558 = arith.constant 16 : i32
      %parallel_loop3A_1559 = arith.muli %parallel_loop3A_1557, %parallel_loop3A_1558 : i32
      %parallel_loop3A_1560 = arith.constant 1 : i32
      %parallel_loop3A_1561 = arith.index_cast %parallel_loop3A_1560 : i32 to index
      %parallel_loop3A_1562 = arith.index_cast %parallel_loop3A_1555 : i32 to index
      %parallel_loop3A_1563 = arith.index_cast %parallel_loop3A_1559 : i32 to index
      %parallel_loop3A_1564 = tpu.vector_load %arg7[%parallel_loop3A_1561, %parallel_loop3A_1562, %parallel_loop3A_1563] {strides = array<i32>} : memref<2x16x1024xf32, #tpu.memory_space<vmem>>, vector<1x1x16xf32>,
      %parallel_loop3A_1565 = vector.shape_cast %parallel_loop3A_1564 : vector<1x1x16xf32> to vector<16xf32>
      %parallel_loop3A_1566 = arith.constant 3.200000e+01 : f32
      %parallel_loop3A_1567 = vector.broadcast %parallel_loop3A_1566 : f32 to vector<16xf32>
      %parallel_loop3A_1568 = arith.mulf %parallel_loop3A_1565, %parallel_loop3A_1567 : vector<16xf32>
      %parallel_loop3A_1569 = arith.constant 1 : i32
      %parallel_loop3A_1570 = arith.index_cast %parallel_loop3A_1569 : i32 to index
      %parallel_loop3A_1571 = arith.index_cast %parallel_loop3A_1555 : i32 to index
      %parallel_loop3A_1572 = arith.index_cast %parallel_loop3A_1559 : i32 to index
      %parallel_loop3A_1573 = tpu.vector_load %arg8[%parallel_loop3A_1570, %parallel_loop3A_1571, %parallel_loop3A_1572] {strides = array<i32>} : memref<2x16x1024xf32, #tpu.memory_space<vmem>>, vector<1x1x16xf32>,
      %parallel_loop3A_1574 = vector.shape_cast %parallel_loop3A_1573 : vector<1x1x16xf32> to vector<16xf32>
      %parallel_loop3A_1575 = arith.addf %parallel_loop3A_1568, %parallel_loop3A_1574 : vector<16xf32>
      %parallel_loop3A_1576 = arith.constant 1 : i32
      %parallel_loop3A_1577 = arith.index_cast %parallel_loop3A_1576 : i32 to index
      %parallel_loop3A_1578 = arith.index_cast %parallel_loop3A_1555 : i32 to index
      %parallel_loop3A_1579 = arith.index_cast %parallel_loop3A_1559 : i32 to index
      %parallel_loop3A_1580 = tpu.vector_load %arg9[%parallel_loop3A_1577, %parallel_loop3A_1578, %parallel_loop3A_1579] {strides = array<i32>} : memref<2x16x1024xf32, #tpu.memory_space<vmem>>, vector<1x1x16xf32>,
      %parallel_loop3A_1581 = vector.shape_cast %parallel_loop3A_1580 : vector<1x1x16xf32> to vector<16xf32>
      %parallel_loop3A_1582 = vector.shape_cast %parallel_loop3A_1575 : vector<16xf32> to vector<1x1x16xf32>
      tpu.vector_store %arg9[%parallel_loop3A_1577, %parallel_loop3A_1578, %parallel_loop3A_1579], %parallel_loop3A_1582 {strides = array<i32>} : memref<2x16x1024xf32, #tpu.memory_space<vmem>>, vector<1x1x16xf32>,
    } {sc.loop_unroll_factor = 8 : i64, sc.parallel_access}
    %add3A_1340 = arith.constant 208 : i32
    %add3A_1341 = arith.addi %mul3A_2, %add3A_1340 : i32
    %dma_start3A_1342 = arith.constant 1 : i32
    %dma_start3A_1343 = arith.constant 1 : i32
    %dma_start3A_1344 = arith.constant 0 : i32
    %dma_start3A_1345 = arith.constant 0 : i32
    %dma_start3A_1346 = tpu.memref_slice %arg9[%dma_start3A_1342, %dma_start3A_1344, %dma_start3A_1345] : memref<2x16x1024xf32, #tpu.memory_space<vmem>> -> memref<1x16x1024xf32, #tpu.memory_space<vmem>>
    %dma_start3A_1347 = tpu.memref_squeeze %dma_start3A_1346 : memref<1x16x1024xf32, #tpu.memory_space<vmem>> -> memref<16x1024xf32, #tpu.memory_space<vmem>>
    %dma_start3A_1348 = arith.constant 0 : i32
    %dma_start3A_1349 = tpu.memref_slice %arg5[%add3A_1341, %dma_start3A_1348] : memref<8192x1024xf32, #tpu.memory_space<hbm>> -> memref<16x1024xf32, #tpu.memory_space<hbm>>
    %dma_start3A_1350 = tpu.memref_slice %arg12[%dma_start3A_1343] : memref<2x!tpu.dma_semaphore, #tpu.memory_space<semaphore_mem>> -> memref<1x!tpu.dma_semaphore, #tpu.memory_space<semaphore_mem>>
    %dma_start3A_1351 = tpu.memref_squeeze %dma_start3A_1350 : memref<1x!tpu.dma_semaphore, #tpu.memory_space<semaphore_mem>> -> memref<!tpu.dma_semaphore, #tpu.memory_space<semaphore_mem>>
    %dma_start3A_1352 = arith.constant 0 : i32
    %dma_start3A_1353 = tpu.memref_slice %arg5[%add3A_1341, %dma_start3A_1352] : memref<8192x1024xf32, #tpu.memory_space<hbm>> -> memref<16x1024xf32, #tpu.memory_space<hbm>>
    %dma_start3A_1354 = arith.constant 0 : i32
    %dma_start3A_1355 = arith.constant 0 : i32
    %dma_start3A_1356 = tpu.memref_slice %arg9[%dma_start3A_1342, %dma_start3A_1354, %dma_start3A_1355] : memref<2x16x1024xf32, #tpu.memory_space<vmem>> -> memref<1x16x1024xf32, #tpu.memory_space<vmem>>
    %dma_start3A_1357 = tpu.memref_squeeze %dma_start3A_1356 : memref<1x16x1024xf32, #tpu.memory_space<vmem>> -> memref<16x1024xf32, #tpu.memory_space<vmem>>
    tpu.enqueue_dma source(%dma_start3A_1357 : memref<16x1024xf32, #tpu.memory_space<vmem>>) target(%dma_start3A_1353 : memref<16x1024xf32, #tpu.memory_space<hbm>>) target_semaphore(%dma_start3A_1351 : memref<!tpu.dma_semaphore, #tpu.memory_space<semaphore_mem>>)
    %dma_start3A_1358 = arith.constant 1 : i32
    %dma_start3A_1359 = arith.constant 1 : i32
    %dma_start3A_1360 = arith.constant 0 : i32
    %dma_start3A_1361 = arith.constant 0 : i32
    %dma_start3A_1362 = tpu.memref_slice %arg7[%dma_start3A_1358, %dma_start3A_1360, %dma_start3A_1361] : memref<2x16x1024xf32, #tpu.memory_space<vmem>> -> memref<1x16x1024xf32, #tpu.memory_space<vmem>>
    %dma_start3A_1363 = tpu.memref_squeeze %dma_start3A_1362 : memref<1x16x1024xf32, #tpu.memory_space<vmem>> -> memref<16x1024xf32, #tpu.memory_space<vmem>>
    %dma_start3A_1364 = arith.constant 240 : i32
    %dma_start3A_1365 = tpu.memref_slice %arg6[%dma_start3A_1364] : memref<256xi32, #tpu.memory_space<vmem>> -> memref<16xi32, #tpu.memory_space<vmem>>
    %dma_start3A_1366 = arith.constant 0 : i32
    %dma_start3A_1367 = arith.constant 0 : i32
    %dma_start3A_1368 = tpu.memref_slice %arg3[%dma_start3A_1366, %dma_start3A_1367] : memref<100000x1024xf32, #tpu.memory_space<hbm>> -> memref<100000x1024xf32, #tpu.memory_space<hbm>>
    %dma_start3A_1369 = tpu.memref_slice %arg10[%dma_start3A_1359] : memref<2x!tpu.dma_semaphore, #tpu.memory_space<semaphore_mem>> -> memref<1x!tpu.dma_semaphore, #tpu.memory_space<semaphore_mem>>
    %dma_start3A_1370 = tpu.memref_squeeze %dma_start3A_1369 : memref<1x!tpu.dma_semaphore, #tpu.memory_space<semaphore_mem>> -> memref<!tpu.dma_semaphore, #tpu.memory_space<semaphore_mem>>
    tpu.enqueue_indirect_dma source(%dma_start3A_1368 : memref<100000x1024xf32, #tpu.memory_space<hbm>>) target(%dma_start3A_1363 : memref<16x1024xf32, #tpu.memory_space<vmem>>) offsets(%dma_start3A_1365 : memref<16xi32, #tpu.memory_space<vmem>>) semaphore(%dma_start3A_1370 : memref<!tpu.dma_semaphore, #tpu.memory_space<semaphore_mem>>)
    %add3A_1371 = arith.constant 240 : i32
    %add3A_1372 = arith.addi %rem3A_3, %add3A_1371 : i32
    %dma_start3A_1373 = arith.constant 1 : i32
    %dma_start3A_1374 = arith.constant 1 : i32
    %dma_start3A_1375 = arith.constant 0 : i32
    %dma_start3A_1376 = arith.constant 0 : i32
    %dma_start3A_1377 = tpu.memref_slice %arg8[%dma_start3A_1373, %dma_start3A_1375, %dma_start3A_1376] : memref<2x16x1024xf32, #tpu.memory_space<vmem>> -> memref<1x16x1024xf32, #tpu.memory_space<vmem>>
    %dma_start3A_1378 = tpu.memref_squeeze %dma_start3A_1377 : memref<1x16x1024xf32, #tpu.memory_space<vmem>> -> memref<16x1024xf32, #tpu.memory_space<vmem>>
    %dma_start3A_1379 = arith.constant 0 : i32
    %dma_start3A_1380 = tpu.memref_slice %arg4[%add3A_1372, %dma_start3A_1379] : memref<2048x1024xf32, #tpu.memory_space<hbm>> -> memref<16x1024xf32, #tpu.memory_space<hbm>>
    %dma_start3A_1381 = tpu.memref_slice %arg11[%dma_start3A_1374] : memref<2x!tpu.dma_semaphore, #tpu.memory_space<semaphore_mem>> -> memref<1x!tpu.dma_semaphore, #tpu.memory_space<semaphore_mem>>
    %dma_start3A_1382 = tpu.memref_squeeze %dma_start3A_1381 : memref<1x!tpu.dma_semaphore, #tpu.memory_space<semaphore_mem>> -> memref<!tpu.dma_semaphore, #tpu.memory_space<semaphore_mem>>
    %dma_start3A_1383 = arith.constant 0 : i32
    %dma_start3A_1384 = arith.constant 0 : i32
    %dma_start3A_1385 = tpu.memref_slice %arg8[%dma_start3A_1373, %dma_start3A_1383, %dma_start3A_1384] : memref<2x16x1024xf32, #tpu.memory_space<vmem>> -> memref<1x16x1024xf32, #tpu.memory_space<vmem>>
    %dma_start3A_1386 = tpu.memref_squeeze %dma_start3A_1385 : memref<1x16x1024xf32, #tpu.memory_space<vmem>> -> memref<16x1024xf32, #tpu.memory_space<vmem>>
    %dma_start3A_1387 = arith.constant 0 : i32
    %dma_start3A_1388 = tpu.memref_slice %arg4[%add3A_1372, %dma_start3A_1387] : memref<2048x1024xf32, #tpu.memory_space<hbm>> -> memref<16x1024xf32, #tpu.memory_space<hbm>>
    tpu.enqueue_dma source(%dma_start3A_1388 : memref<16x1024xf32, #tpu.memory_space<hbm>>) target(%dma_start3A_1386 : memref<16x1024xf32, #tpu.memory_space<vmem>>) target_semaphore(%dma_start3A_1382 : memref<!tpu.dma_semaphore, #tpu.memory_space<semaphore_mem>>)
    %dma_wait3A_1389 = arith.constant 0 : i32
    %dma_wait3A_1390 = arith.constant 0 : i32
    %dma_wait3A_1391 = arith.constant 0 : i32
    %dma_wait3A_1392 = arith.constant 0 : i32
    %dma_wait3A_1393 = tpu.memref_slice %arg7[%dma_wait3A_1389, %dma_wait3A_1391, %dma_wait3A_1392] : memref<2x16x1024xf32, #tpu.memory_space<vmem>> -> memref<1x16x1024xf32, #tpu.memory_space<vmem>>
    %dma_wait3A_1394 = tpu.memref_squeeze %dma_wait3A_1393 : memref<1x16x1024xf32, #tpu.memory_space<vmem>> -> memref<16x1024xf32, #tpu.memory_space<vmem>>
    %dma_wait3A_1395 = arith.constant 224 : i32
    %dma_wait3A_1396 = tpu.memref_slice %arg6[%dma_wait3A_1395] : memref<256xi32, #tpu.memory_space<vmem>> -> memref<16xi32, #tpu.memory_space<vmem>>
    %dma_wait3A_1397 = arith.constant 0 : i32
    %dma_wait3A_1398 = arith.constant 0 : i32
    %dma_wait3A_1399 = tpu.memref_slice %arg3[%dma_wait3A_1397, %dma_wait3A_1398] : memref<100000x1024xf32, #tpu.memory_space<hbm>> -> memref<100000x1024xf32, #tpu.memory_space<hbm>>
    %dma_wait3A_1400 = tpu.memref_slice %arg10[%dma_wait3A_1390] : memref<2x!tpu.dma_semaphore, #tpu.memory_space<semaphore_mem>> -> memref<1x!tpu.dma_semaphore, #tpu.memory_space<semaphore_mem>>
    %dma_wait3A_1401 = tpu.memref_squeeze %dma_wait3A_1400 : memref<1x!tpu.dma_semaphore, #tpu.memory_space<semaphore_mem>> -> memref<!tpu.dma_semaphore, #tpu.memory_space<semaphore_mem>>
    tpu.wait_indirect_dma semaphore(%dma_wait3A_1401 : memref<!tpu.dma_semaphore, #tpu.memory_space<semaphore_mem>>) src(%dma_wait3A_1399 : memref<100000x1024xf32, #tpu.memory_space<hbm>>) dst(%dma_wait3A_1394 : memref<16x1024xf32, #tpu.memory_space<vmem>>)
    %dma_wait3A_1402 = arith.constant 0 : i32
    %dma_wait3A_1403 = arith.constant 0 : i32
    %dma_wait3A_1404 = arith.constant 0 : i32
    %dma_wait3A_1405 = arith.constant 0 : i32
    %dma_wait3A_1406 = tpu.memref_slice %arg8[%dma_wait3A_1402, %dma_wait3A_1404, %dma_wait3A_1405] : memref<2x16x1024xf32, #tpu.memory_space<vmem>> -> memref<1x16x1024xf32, #tpu.memory_space<vmem>>
    %dma_wait3A_1407 = tpu.memref_squeeze %dma_wait3A_1406 : memref<1x16x1024xf32, #tpu.memory_space<vmem>> -> memref<16x1024xf32, #tpu.memory_space<vmem>>
    %dma_wait3A_1408 = arith.constant 0 : i32
    %dma_wait3A_1409 = tpu.memref_slice %arg4[%add3A_1275, %dma_wait3A_1408] : memref<2048x1024xf32, #tpu.memory_space<hbm>> -> memref<16x1024xf32, #tpu.memory_space<hbm>>
    %dma_wait3A_1410 = tpu.memref_slice %arg11[%dma_wait3A_1403] : memref<2x!tpu.dma_semaphore, #tpu.memory_space<semaphore_mem>> -> memref<1x!tpu.dma_semaphore, #tpu.memory_space<semaphore_mem>>
    %dma_wait3A_1411 = tpu.memref_squeeze %dma_wait3A_1410 : memref<1x!tpu.dma_semaphore, #tpu.memory_space<semaphore_mem>> -> memref<!tpu.dma_semaphore, #tpu.memory_space<semaphore_mem>>
    %dma_wait3A_1412 = arith.constant 0 : i32
    %dma_wait3A_1413 = arith.constant 0 : i32
    %dma_wait3A_1414 = tpu.memref_slice %arg8[%dma_wait3A_1402, %dma_wait3A_1412, %dma_wait3A_1413] : memref<2x16x1024xf32, #tpu.memory_space<vmem>> -> memref<1x16x1024xf32, #tpu.memory_space<vmem>>
    %dma_wait3A_1415 = tpu.memref_squeeze %dma_wait3A_1414 : memref<1x16x1024xf32, #tpu.memory_space<vmem>> -> memref<16x1024xf32, #tpu.memory_space<vmem>>
    %dma_wait3A_1416 = arith.constant 0 : i32
    %dma_wait3A_1417 = tpu.memref_slice %arg4[%add3A_1275, %dma_wait3A_1416] : memref<2048x1024xf32, #tpu.memory_space<hbm>> -> memref<16x1024xf32, #tpu.memory_space<hbm>>
    tpu.wait_dma2 semaphore(%dma_wait3A_1411 : memref<!tpu.dma_semaphore, #tpu.memory_space<semaphore_mem>>) src(%dma_wait3A_1417 : memref<16x1024xf32, #tpu.memory_space<hbm>>) dst(%dma_wait3A_1415 : memref<16x1024xf32, #tpu.memory_space<vmem>>)
    %dma_wait3A_1418 = arith.constant 0 : i32
    %dma_wait3A_1419 = arith.constant 0 : i32
    %dma_wait3A_1420 = arith.constant 0 : i32
    %dma_wait3A_1421 = arith.constant 0 : i32
    %dma_wait3A_1422 = tpu.memref_slice %arg9[%dma_wait3A_1418, %dma_wait3A_1420, %dma_wait3A_1421] : memref<2x16x1024xf32, #tpu.memory_space<vmem>> -> memref<1x16x1024xf32, #tpu.memory_space<vmem>>
    %dma_wait3A_1423 = tpu.memref_squeeze %dma_wait3A_1422 : memref<1x16x1024xf32, #tpu.memory_space<vmem>> -> memref<16x1024xf32, #tpu.memory_space<vmem>>
    %dma_wait3A_1424 = arith.constant 0 : i32
    %dma_wait3A_1425 = tpu.memref_slice %arg5[%add3A_1244, %dma_wait3A_1424] : memref<8192x1024xf32, #tpu.memory_space<hbm>> -> memref<16x1024xf32, #tpu.memory_space<hbm>>
    %dma_wait3A_1426 = tpu.memref_slice %arg12[%dma_wait3A_1419] : memref<2x!tpu.dma_semaphore, #tpu.memory_space<semaphore_mem>> -> memref<1x!tpu.dma_semaphore, #tpu.memory_space<semaphore_mem>>
    %dma_wait3A_1427 = tpu.memref_squeeze %dma_wait3A_1426 : memref<1x!tpu.dma_semaphore, #tpu.memory_space<semaphore_mem>> -> memref<!tpu.dma_semaphore, #tpu.memory_space<semaphore_mem>>
    %dma_wait3A_1428 = arith.constant 0 : i32
    %dma_wait3A_1429 = tpu.memref_slice %arg5[%add3A_1244, %dma_wait3A_1428] : memref<8192x1024xf32, #tpu.memory_space<hbm>> -> memref<16x1024xf32, #tpu.memory_space<hbm>>
    %dma_wait3A_1430 = arith.constant 0 : i32
    %dma_wait3A_1431 = arith.constant 0 : i32
    %dma_wait3A_1432 = tpu.memref_slice %arg9[%dma_wait3A_1418, %dma_wait3A_1430, %dma_wait3A_1431] : memref<2x16x1024xf32, #tpu.memory_space<vmem>> -> memref<1x16x1024xf32, #tpu.memory_space<vmem>>
    %dma_wait3A_1433 = tpu.memref_squeeze %dma_wait3A_1432 : memref<1x16x1024xf32, #tpu.memory_space<vmem>> -> memref<16x1024xf32, #tpu.memory_space<vmem>>
    tpu.wait_dma2 semaphore(%dma_wait3A_1427 : memref<!tpu.dma_semaphore, #tpu.memory_space<semaphore_mem>>) src(%dma_wait3A_1433 : memref<16x1024xf32, #tpu.memory_space<vmem>>) dst(%dma_wait3A_1429 : memref<16x1024xf32, #tpu.memory_space<hbm>>)
    %parallel_loop3A_1434 = arith.constant 0 : i32
    %parallel_loop3A_1435 = arith.constant 1024 : i32
    %parallel_loop3A_1436 = arith.constant 1 : i32
    scf.for %parallel_loop3A_1553 = %parallel_loop3A_1434 to %parallel_loop3A_1435 step %parallel_loop3A_1436  : i32 {
      %parallel_loop3A_1554 = arith.constant 6 : i32
      %parallel_loop3A_1555 = arith.shrui %parallel_loop3A_1553, %parallel_loop3A_1554 : i32
      %parallel_loop3A_1556 = arith.constant 63 : i32
      %parallel_loop3A_1557 = arith.andi %parallel_loop3A_1553, %parallel_loop3A_1556 : i32
      %parallel_loop3A_1558 = arith.constant 16 : i32
      %parallel_loop3A_1559 = arith.muli %parallel_loop3A_1557, %parallel_loop3A_1558 : i32
      %parallel_loop3A_1560 = arith.constant 0 : i32
      %parallel_loop3A_1561 = arith.index_cast %parallel_loop3A_1560 : i32 to index
      %parallel_loop3A_1562 = arith.index_cast %parallel_loop3A_1555 : i32 to index
      %parallel_loop3A_1563 = arith.index_cast %parallel_loop3A_1559 : i32 to index
      %parallel_loop3A_1564 = tpu.vector_load %arg7[%parallel_loop3A_1561, %parallel_loop3A_1562, %parallel_loop3A_1563] {strides = array<i32>} : memref<2x16x1024xf32, #tpu.memory_space<vmem>>, vector<1x1x16xf32>,
      %parallel_loop3A_1565 = vector.shape_cast %parallel_loop3A_1564 : vector<1x1x16xf32> to vector<16xf32>
      %parallel_loop3A_1566 = arith.constant 3.200000e+01 : f32
      %parallel_loop3A_1567 = vector.broadcast %parallel_loop3A_1566 : f32 to vector<16xf32>
      %parallel_loop3A_1568 = arith.mulf %parallel_loop3A_1565, %parallel_loop3A_1567 : vector<16xf32>
      %parallel_loop3A_1569 = arith.constant 0 : i32
      %parallel_loop3A_1570 = arith.index_cast %parallel_loop3A_1569 : i32 to index
      %parallel_loop3A_1571 = arith.index_cast %parallel_loop3A_1555 : i32 to index
      %parallel_loop3A_1572 = arith.index_cast %parallel_loop3A_1559 : i32 to index
      %parallel_loop3A_1573 = tpu.vector_load %arg8[%parallel_loop3A_1570, %parallel_loop3A_1571, %parallel_loop3A_1572] {strides = array<i32>} : memref<2x16x1024xf32, #tpu.memory_space<vmem>>, vector<1x1x16xf32>,
      %parallel_loop3A_1574 = vector.shape_cast %parallel_loop3A_1573 : vector<1x1x16xf32> to vector<16xf32>
      %parallel_loop3A_1575 = arith.addf %parallel_loop3A_1568, %parallel_loop3A_1574 : vector<16xf32>
      %parallel_loop3A_1576 = arith.constant 0 : i32
      %parallel_loop3A_1577 = arith.index_cast %parallel_loop3A_1576 : i32 to index
      %parallel_loop3A_1578 = arith.index_cast %parallel_loop3A_1555 : i32 to index
      %parallel_loop3A_1579 = arith.index_cast %parallel_loop3A_1559 : i32 to index
      %parallel_loop3A_1580 = tpu.vector_load %arg9[%parallel_loop3A_1577, %parallel_loop3A_1578, %parallel_loop3A_1579] {strides = array<i32>} : memref<2x16x1024xf32, #tpu.memory_space<vmem>>, vector<1x1x16xf32>,
      %parallel_loop3A_1581 = vector.shape_cast %parallel_loop3A_1580 : vector<1x1x16xf32> to vector<16xf32>
      %parallel_loop3A_1582 = vector.shape_cast %parallel_loop3A_1575 : vector<16xf32> to vector<1x1x16xf32>
      tpu.vector_store %arg9[%parallel_loop3A_1577, %parallel_loop3A_1578, %parallel_loop3A_1579], %parallel_loop3A_1582 {strides = array<i32>} : memref<2x16x1024xf32, #tpu.memory_space<vmem>>, vector<1x1x16xf32>,
    } {sc.loop_unroll_factor = 8 : i64, sc.parallel_access}
    %add3A_1437 = arith.constant 224 : i32
    %add3A_1438 = arith.addi %mul3A_2, %add3A_1437 : i32
    %dma_start3A_1439 = arith.constant 0 : i32
    %dma_start3A_1440 = arith.constant 0 : i32
    %dma_start3A_1441 = arith.constant 0 : i32
    %dma_start3A_1442 = arith.constant 0 : i32
    %dma_start3A_1443 = tpu.memref_slice %arg9[%dma_start3A_1439, %dma_start3A_1441, %dma_start3A_1442] : memref<2x16x1024xf32, #tpu.memory_space<vmem>> -> memref<1x16x1024xf32, #tpu.memory_space<vmem>>
    %dma_start3A_1444 = tpu.memref_squeeze %dma_start3A_1443 : memref<1x16x1024xf32, #tpu.memory_space<vmem>> -> memref<16x1024xf32, #tpu.memory_space<vmem>>
    %dma_start3A_1445 = arith.constant 0 : i32
    %dma_start3A_1446 = tpu.memref_slice %arg5[%add3A_1438, %dma_start3A_1445] : memref<8192x1024xf32, #tpu.memory_space<hbm>> -> memref<16x1024xf32, #tpu.memory_space<hbm>>
    %dma_start3A_1447 = tpu.memref_slice %arg12[%dma_start3A_1440] : memref<2x!tpu.dma_semaphore, #tpu.memory_space<semaphore_mem>> -> memref<1x!tpu.dma_semaphore, #tpu.memory_space<semaphore_mem>>
    %dma_start3A_1448 = tpu.memref_squeeze %dma_start3A_1447 : memref<1x!tpu.dma_semaphore, #tpu.memory_space<semaphore_mem>> -> memref<!tpu.dma_semaphore, #tpu.memory_space<semaphore_mem>>
    %dma_start3A_1449 = arith.constant 0 : i32
    %dma_start3A_1450 = tpu.memref_slice %arg5[%add3A_1438, %dma_start3A_1449] : memref<8192x1024xf32, #tpu.memory_space<hbm>> -> memref<16x1024xf32, #tpu.memory_space<hbm>>
    %dma_start3A_1451 = arith.constant 0 : i32
    %dma_start3A_1452 = arith.constant 0 : i32
    %dma_start3A_1453 = tpu.memref_slice %arg9[%dma_start3A_1439, %dma_start3A_1451, %dma_start3A_1452] : memref<2x16x1024xf32, #tpu.memory_space<vmem>> -> memref<1x16x1024xf32, #tpu.memory_space<vmem>>
    %dma_start3A_1454 = tpu.memref_squeeze %dma_start3A_1453 : memref<1x16x1024xf32, #tpu.memory_space<vmem>> -> memref<16x1024xf32, #tpu.memory_space<vmem>>
    tpu.enqueue_dma source(%dma_start3A_1454 : memref<16x1024xf32, #tpu.memory_space<vmem>>) target(%dma_start3A_1450 : memref<16x1024xf32, #tpu.memory_space<hbm>>) target_semaphore(%dma_start3A_1448 : memref<!tpu.dma_semaphore, #tpu.memory_space<semaphore_mem>>)
    %dma_wait3A_1455 = arith.constant 1 : i32
    %dma_wait3A_1456 = arith.constant 1 : i32
    %dma_wait3A_1457 = arith.constant 0 : i32
    %dma_wait3A_1458 = arith.constant 0 : i32
    %dma_wait3A_1459 = tpu.memref_slice %arg7[%dma_wait3A_1455, %dma_wait3A_1457, %dma_wait3A_1458] : memref<2x16x1024xf32, #tpu.memory_space<vmem>> -> memref<1x16x1024xf32, #tpu.memory_space<vmem>>
    %dma_wait3A_1460 = tpu.memref_squeeze %dma_wait3A_1459 : memref<1x16x1024xf32, #tpu.memory_space<vmem>> -> memref<16x1024xf32, #tpu.memory_space<vmem>>
    %dma_wait3A_1461 = arith.constant 240 : i32
    %dma_wait3A_1462 = tpu.memref_slice %arg6[%dma_wait3A_1461] : memref<256xi32, #tpu.memory_space<vmem>> -> memref<16xi32, #tpu.memory_space<vmem>>
    %dma_wait3A_1463 = arith.constant 0 : i32
    %dma_wait3A_1464 = arith.constant 0 : i32
    %dma_wait3A_1465 = tpu.memref_slice %arg3[%dma_wait3A_1463, %dma_wait3A_1464] : memref<100000x1024xf32, #tpu.memory_space<hbm>> -> memref<100000x1024xf32, #tpu.memory_space<hbm>>
    %dma_wait3A_1466 = tpu.memref_slice %arg10[%dma_wait3A_1456] : memref<2x!tpu.dma_semaphore, #tpu.memory_space<semaphore_mem>> -> memref<1x!tpu.dma_semaphore, #tpu.memory_space<semaphore_mem>>
    %dma_wait3A_1467 = tpu.memref_squeeze %dma_wait3A_1466 : memref<1x!tpu.dma_semaphore, #tpu.memory_space<semaphore_mem>> -> memref<!tpu.dma_semaphore, #tpu.memory_space<semaphore_mem>>
    tpu.wait_indirect_dma semaphore(%dma_wait3A_1467 : memref<!tpu.dma_semaphore, #tpu.memory_space<semaphore_mem>>) src(%dma_wait3A_1465 : memref<100000x1024xf32, #tpu.memory_space<hbm>>) dst(%dma_wait3A_1460 : memref<16x1024xf32, #tpu.memory_space<vmem>>)
    %dma_wait3A_1468 = arith.constant 1 : i32
    %dma_wait3A_1469 = arith.constant 1 : i32
    %dma_wait3A_1470 = arith.constant 0 : i32
    %dma_wait3A_1471 = arith.constant 0 : i32
    %dma_wait3A_1472 = tpu.memref_slice %arg8[%dma_wait3A_1468, %dma_wait3A_1470, %dma_wait3A_1471] : memref<2x16x1024xf32, #tpu.memory_space<vmem>> -> memref<1x16x1024xf32, #tpu.memory_space<vmem>>
    %dma_wait3A_1473 = tpu.memref_squeeze %dma_wait3A_1472 : memref<1x16x1024xf32, #tpu.memory_space<vmem>> -> memref<16x1024xf32, #tpu.memory_space<vmem>>
    %dma_wait3A_1474 = arith.constant 0 : i32
    %dma_wait3A_1475 = tpu.memref_slice %arg4[%add3A_1372, %dma_wait3A_1474] : memref<2048x1024xf32, #tpu.memory_space<hbm>> -> memref<16x1024xf32, #tpu.memory_space<hbm>>
    %dma_wait3A_1476 = tpu.memref_slice %arg11[%dma_wait3A_1469] : memref<2x!tpu.dma_semaphore, #tpu.memory_space<semaphore_mem>> -> memref<1x!tpu.dma_semaphore, #tpu.memory_space<semaphore_mem>>
    %dma_wait3A_1477 = tpu.memref_squeeze %dma_wait3A_1476 : memref<1x!tpu.dma_semaphore, #tpu.memory_space<semaphore_mem>> -> memref<!tpu.dma_semaphore, #tpu.memory_space<semaphore_mem>>
    %dma_wait3A_1478 = arith.constant 0 : i32
    %dma_wait3A_1479 = arith.constant 0 : i32
    %dma_wait3A_1480 = tpu.memref_slice %arg8[%dma_wait3A_1468, %dma_wait3A_1478, %dma_wait3A_1479] : memref<2x16x1024xf32, #tpu.memory_space<vmem>> -> memref<1x16x1024xf32, #tpu.memory_space<vmem>>
    %dma_wait3A_1481 = tpu.memref_squeeze %dma_wait3A_1480 : memref<1x16x1024xf32, #tpu.memory_space<vmem>> -> memref<16x1024xf32, #tpu.memory_space<vmem>>
    %dma_wait3A_1482 = arith.constant 0 : i32
    %dma_wait3A_1483 = tpu.memref_slice %arg4[%add3A_1372, %dma_wait3A_1482] : memref<2048x1024xf32, #tpu.memory_space<hbm>> -> memref<16x1024xf32, #tpu.memory_space<hbm>>
    tpu.wait_dma2 semaphore(%dma_wait3A_1477 : memref<!tpu.dma_semaphore, #tpu.memory_space<semaphore_mem>>) src(%dma_wait3A_1483 : memref<16x1024xf32, #tpu.memory_space<hbm>>) dst(%dma_wait3A_1481 : memref<16x1024xf32, #tpu.memory_space<vmem>>)
    %dma_wait3A_1484 = arith.constant 1 : i32
    %dma_wait3A_1485 = arith.constant 1 : i32
    %dma_wait3A_1486 = arith.constant 0 : i32
    %dma_wait3A_1487 = arith.constant 0 : i32
    %dma_wait3A_1488 = tpu.memref_slice %arg9[%dma_wait3A_1484, %dma_wait3A_1486, %dma_wait3A_1487] : memref<2x16x1024xf32, #tpu.memory_space<vmem>> -> memref<1x16x1024xf32, #tpu.memory_space<vmem>>
    %dma_wait3A_1489 = tpu.memref_squeeze %dma_wait3A_1488 : memref<1x16x1024xf32, #tpu.memory_space<vmem>> -> memref<16x1024xf32, #tpu.memory_space<vmem>>
    %dma_wait3A_1490 = arith.constant 0 : i32
    %dma_wait3A_1491 = tpu.memref_slice %arg5[%add3A_1341, %dma_wait3A_1490] : memref<8192x1024xf32, #tpu.memory_space<hbm>> -> memref<16x1024xf32, #tpu.memory_space<hbm>>
    %dma_wait3A_1492 = tpu.memref_slice %arg12[%dma_wait3A_1485] : memref<2x!tpu.dma_semaphore, #tpu.memory_space<semaphore_mem>> -> memref<1x!tpu.dma_semaphore, #tpu.memory_space<semaphore_mem>>
    %dma_wait3A_1493 = tpu.memref_squeeze %dma_wait3A_1492 : memref<1x!tpu.dma_semaphore, #tpu.memory_space<semaphore_mem>> -> memref<!tpu.dma_semaphore, #tpu.memory_space<semaphore_mem>>
    %dma_wait3A_1494 = arith.constant 0 : i32
    %dma_wait3A_1495 = tpu.memref_slice %arg5[%add3A_1341, %dma_wait3A_1494] : memref<8192x1024xf32, #tpu.memory_space<hbm>> -> memref<16x1024xf32, #tpu.memory_space<hbm>>
    %dma_wait3A_1496 = arith.constant 0 : i32
    %dma_wait3A_1497 = arith.constant 0 : i32
    %dma_wait3A_1498 = tpu.memref_slice %arg9[%dma_wait3A_1484, %dma_wait3A_1496, %dma_wait3A_1497] : memref<2x16x1024xf32, #tpu.memory_space<vmem>> -> memref<1x16x1024xf32, #tpu.memory_space<vmem>>
    %dma_wait3A_1499 = tpu.memref_squeeze %dma_wait3A_1498 : memref<1x16x1024xf32, #tpu.memory_space<vmem>> -> memref<16x1024xf32, #tpu.memory_space<vmem>>
    tpu.wait_dma2 semaphore(%dma_wait3A_1493 : memref<!tpu.dma_semaphore, #tpu.memory_space<semaphore_mem>>) src(%dma_wait3A_1499 : memref<16x1024xf32, #tpu.memory_space<vmem>>) dst(%dma_wait3A_1495 : memref<16x1024xf32, #tpu.memory_space<hbm>>)
    %parallel_loop3A_1500 = arith.constant 0 : i32
    %parallel_loop3A_1501 = arith.constant 1024 : i32
    %parallel_loop3A_1502 = arith.constant 1 : i32
    scf.for %parallel_loop3A_1553 = %parallel_loop3A_1500 to %parallel_loop3A_1501 step %parallel_loop3A_1502  : i32 {
      %parallel_loop3A_1554 = arith.constant 6 : i32
      %parallel_loop3A_1555 = arith.shrui %parallel_loop3A_1553, %parallel_loop3A_1554 : i32
      %parallel_loop3A_1556 = arith.constant 63 : i32
      %parallel_loop3A_1557 = arith.andi %parallel_loop3A_1553, %parallel_loop3A_1556 : i32
      %parallel_loop3A_1558 = arith.constant 16 : i32
      %parallel_loop3A_1559 = arith.muli %parallel_loop3A_1557, %parallel_loop3A_1558 : i32
      %parallel_loop3A_1560 = arith.constant 1 : i32
      %parallel_loop3A_1561 = arith.index_cast %parallel_loop3A_1560 : i32 to index
      %parallel_loop3A_1562 = arith.index_cast %parallel_loop3A_1555 : i32 to index
      %parallel_loop3A_1563 = arith.index_cast %parallel_loop3A_1559 : i32 to index
      %parallel_loop3A_1564 = tpu.vector_load %arg7[%parallel_loop3A_1561, %parallel_loop3A_1562, %parallel_loop3A_1563] {strides = array<i32>} : memref<2x16x1024xf32, #tpu.memory_space<vmem>>, vector<1x1x16xf32>,
      %parallel_loop3A_1565 = vector.shape_cast %parallel_loop3A_1564 : vector<1x1x16xf32> to vector<16xf32>
      %parallel_loop3A_1566 = arith.constant 3.200000e+01 : f32
      %parallel_loop3A_1567 = vector.broadcast %parallel_loop3A_1566 : f32 to vector<16xf32>
      %parallel_loop3A_1568 = arith.mulf %parallel_loop3A_1565, %parallel_loop3A_1567 : vector<16xf32>
      %parallel_loop3A_1569 = arith.constant 1 : i32
      %parallel_loop3A_1570 = arith.index_cast %parallel_loop3A_1569 : i32 to index
      %parallel_loop3A_1571 = arith.index_cast %parallel_loop3A_1555 : i32 to index
      %parallel_loop3A_1572 = arith.index_cast %parallel_loop3A_1559 : i32 to index
      %parallel_loop3A_1573 = tpu.vector_load %arg8[%parallel_loop3A_1570, %parallel_loop3A_1571, %parallel_loop3A_1572] {strides = array<i32>} : memref<2x16x1024xf32, #tpu.memory_space<vmem>>, vector<1x1x16xf32>,
      %parallel_loop3A_1574 = vector.shape_cast %parallel_loop3A_1573 : vector<1x1x16xf32> to vector<16xf32>
      %parallel_loop3A_1575 = arith.addf %parallel_loop3A_1568, %parallel_loop3A_1574 : vector<16xf32>
      %parallel_loop3A_1576 = arith.constant 1 : i32
      %parallel_loop3A_1577 = arith.index_cast %parallel_loop3A_1576 : i32 to index
      %parallel_loop3A_1578 = arith.index_cast %parallel_loop3A_1555 : i32 to index
      %parallel_loop3A_1579 = arith.index_cast %parallel_loop3A_1559 : i32 to index
      %parallel_loop3A_1580 = tpu.vector_load %arg9[%parallel_loop3A_1577, %parallel_loop3A_1578, %parallel_loop3A_1579] {strides = array<i32>} : memref<2x16x1024xf32, #tpu.memory_space<vmem>>, vector<1x1x16xf32>,
      %parallel_loop3A_1581 = vector.shape_cast %parallel_loop3A_1580 : vector<1x1x16xf32> to vector<16xf32>
      %parallel_loop3A_1582 = vector.shape_cast %parallel_loop3A_1575 : vector<16xf32> to vector<1x1x16xf32>
      tpu.vector_store %arg9[%parallel_loop3A_1577, %parallel_loop3A_1578, %parallel_loop3A_1579], %parallel_loop3A_1582 {strides = array<i32>} : memref<2x16x1024xf32, #tpu.memory_space<vmem>>, vector<1x1x16xf32>,
    } {sc.loop_unroll_factor = 8 : i64, sc.parallel_access}
    %add3A_1503 = arith.constant 240 : i32
    %add3A_1504 = arith.addi %mul3A_2, %add3A_1503 : i32
    %dma_start3A_1505 = arith.constant 1 : i32
    %dma_start3A_1506 = arith.constant 1 : i32
    %dma_start3A_1507 = arith.constant 0 : i32
    %dma_start3A_1508 = arith.constant 0 : i32
    %dma_start3A_1509 = tpu.memref_slice %arg9[%dma_start3A_1505, %dma_start3A_1507, %dma_start3A_1508] : memref<2x16x1024xf32, #tpu.memory_space<vmem>> -> memref<1x16x1024xf32, #tpu.memory_space<vmem>>
    %dma_start3A_1510 = tpu.memref_squeeze %dma_start3A_1509 : memref<1x16x1024xf32, #tpu.memory_space<vmem>> -> memref<16x1024xf32, #tpu.memory_space<vmem>>
    %dma_start3A_1511 = arith.constant 0 : i32
    %dma_start3A_1512 = tpu.memref_slice %arg5[%add3A_1504, %dma_start3A_1511] : memref<8192x1024xf32, #tpu.memory_space<hbm>> -> memref<16x1024xf32, #tpu.memory_space<hbm>>
    %dma_start3A_1513 = tpu.memref_slice %arg12[%dma_start3A_1506] : memref<2x!tpu.dma_semaphore, #tpu.memory_space<semaphore_mem>> -> memref<1x!tpu.dma_semaphore, #tpu.memory_space<semaphore_mem>>
    %dma_start3A_1514 = tpu.memref_squeeze %dma_start3A_1513 : memref<1x!tpu.dma_semaphore, #tpu.memory_space<semaphore_mem>> -> memref<!tpu.dma_semaphore, #tpu.memory_space<semaphore_mem>>
    %dma_start3A_1515 = arith.constant 0 : i32
    %dma_start3A_1516 = tpu.memref_slice %arg5[%add3A_1504, %dma_start3A_1515] : memref<8192x1024xf32, #tpu.memory_space<hbm>> -> memref<16x1024xf32, #tpu.memory_space<hbm>>
    %dma_start3A_1517 = arith.constant 0 : i32
    %dma_start3A_1518 = arith.constant 0 : i32
    %dma_start3A_1519 = tpu.memref_slice %arg9[%dma_start3A_1505, %dma_start3A_1517, %dma_start3A_1518] : memref<2x16x1024xf32, #tpu.memory_space<vmem>> -> memref<1x16x1024xf32, #tpu.memory_space<vmem>>
    %dma_start3A_1520 = tpu.memref_squeeze %dma_start3A_1519 : memref<1x16x1024xf32, #tpu.memory_space<vmem>> -> memref<16x1024xf32, #tpu.memory_space<vmem>>
    tpu.enqueue_dma source(%dma_start3A_1520 : memref<16x1024xf32, #tpu.memory_space<vmem>>) target(%dma_start3A_1516 : memref<16x1024xf32, #tpu.memory_space<hbm>>) target_semaphore(%dma_start3A_1514 : memref<!tpu.dma_semaphore, #tpu.memory_space<semaphore_mem>>)
    %dma_wait3A_1521 = arith.constant 0 : i32
    %dma_wait3A_1522 = arith.constant 0 : i32
    %dma_wait3A_1523 = arith.constant 0 : i32
    %dma_wait3A_1524 = arith.constant 0 : i32
    %dma_wait3A_1525 = tpu.memref_slice %arg9[%dma_wait3A_1521, %dma_wait3A_1523, %dma_wait3A_1524] : memref<2x16x1024xf32, #tpu.memory_space<vmem>> -> memref<1x16x1024xf32, #tpu.memory_space<vmem>>
    %dma_wait3A_1526 = tpu.memref_squeeze %dma_wait3A_1525 : memref<1x16x1024xf32, #tpu.memory_space<vmem>> -> memref<16x1024xf32, #tpu.memory_space<vmem>>
    %dma_wait3A_1527 = arith.constant 0 : i32
    %dma_wait3A_1528 = tpu.memref_slice %arg5[%add3A_1438, %dma_wait3A_1527] : memref<8192x1024xf32, #tpu.memory_space<hbm>> -> memref<16x1024xf32, #tpu.memory_space<hbm>>
    %dma_wait3A_1529 = tpu.memref_slice %arg12[%dma_wait3A_1522] : memref<2x!tpu.dma_semaphore, #tpu.memory_space<semaphore_mem>> -> memref<1x!tpu.dma_semaphore, #tpu.memory_space<semaphore_mem>>
    %dma_wait3A_1530 = tpu.memref_squeeze %dma_wait3A_1529 : memref<1x!tpu.dma_semaphore, #tpu.memory_space<semaphore_mem>> -> memref<!tpu.dma_semaphore, #tpu.memory_space<semaphore_mem>>
    %dma_wait3A_1531 = arith.constant 0 : i32
    %dma_wait3A_1532 = tpu.memref_slice %arg5[%add3A_1438, %dma_wait3A_1531] : memref<8192x1024xf32, #tpu.memory_space<hbm>> -> memref<16x1024xf32, #tpu.memory_space<hbm>>
    %dma_wait3A_1533 = arith.constant 0 : i32
    %dma_wait3A_1534 = arith.constant 0 : i32
    %dma_wait3A_1535 = tpu.memref_slice %arg9[%dma_wait3A_1521, %dma_wait3A_1533, %dma_wait3A_1534] : memref<2x16x1024xf32, #tpu.memory_space<vmem>> -> memref<1x16x1024xf32, #tpu.memory_space<vmem>>
    %dma_wait3A_1536 = tpu.memref_squeeze %dma_wait3A_1535 : memref<1x16x1024xf32, #tpu.memory_space<vmem>> -> memref<16x1024xf32, #tpu.memory_space<vmem>>
    tpu.wait_dma2 semaphore(%dma_wait3A_1530 : memref<!tpu.dma_semaphore, #tpu.memory_space<semaphore_mem>>) src(%dma_wait3A_1536 : memref<16x1024xf32, #tpu.memory_space<vmem>>) dst(%dma_wait3A_1532 : memref<16x1024xf32, #tpu.memory_space<hbm>>)
    %dma_wait3A_1537 = arith.constant 1 : i32
    %dma_wait3A_1538 = arith.constant 1 : i32
    %dma_wait3A_1539 = arith.constant 0 : i32
    %dma_wait3A_1540 = arith.constant 0 : i32
    %dma_wait3A_1541 = tpu.memref_slice %arg9[%dma_wait3A_1537, %dma_wait3A_1539, %dma_wait3A_1540] : memref<2x16x1024xf32, #tpu.memory_space<vmem>> -> memref<1x16x1024xf32, #tpu.memory_space<vmem>>
    %dma_wait3A_1542 = tpu.memref_squeeze %dma_wait3A_1541 : memref<1x16x1024xf32, #tpu.memory_space<vmem>> -> memref<16x1024xf32, #tpu.memory_space<vmem>>
    %dma_wait3A_1543 = arith.constant 0 : i32
    %dma_wait3A_1544 = tpu.memref_slice %arg5[%add3A_1504, %dma_wait3A_1543] : memref<8192x1024xf32, #tpu.memory_space<hbm>> -> memref<16x1024xf32, #tpu.memory_space<hbm>>
    %dma_wait3A_1545 = tpu.memref_slice %arg12[%dma_wait3A_1538] : memref<2x!tpu.dma_semaphore, #tpu.memory_space<semaphore_mem>> -> memref<1x!tpu.dma_semaphore, #tpu.memory_space<semaphore_mem>>
    %dma_wait3A_1546 = tpu.memref_squeeze %dma_wait3A_1545 : memref<1x!tpu.dma_semaphore, #tpu.memory_space<semaphore_mem>> -> memref<!tpu.dma_semaphore, #tpu.memory_space<semaphore_mem>>
    %dma_wait3A_1547 = arith.constant 0 : i32
    %dma_wait3A_1548 = tpu.memref_slice %arg5[%add3A_1504, %dma_wait3A_1547] : memref<8192x1024xf32, #tpu.memory_space<hbm>> -> memref<16x1024xf32, #tpu.memory_space<hbm>>
    %dma_wait3A_1549 = arith.constant 0 : i32
    %dma_wait3A_1550 = arith.constant 0 : i32
    %dma_wait3A_1551 = tpu.memref_slice %arg9[%dma_wait3A_1537, %dma_wait3A_1549, %dma_wait3A_1550] : memref<2x16x1024xf32, #tpu.memory_space<vmem>> -> memref<1x16x1024xf32, #tpu.memory_space<vmem>>
    %dma_wait3A_1552 = tpu.memref_squeeze %dma_wait3A_1551 : memref<1x16x1024xf32, #tpu.memory_space<vmem>> -> memref<16x1024xf32, #tpu.memory_space<vmem>>
    tpu.wait_dma2 semaphore(%dma_wait3A_1546 : memref<!tpu.dma_semaphore, #tpu.memory_space<semaphore_mem>>) src(%dma_wait3A_1552 : memref<16x1024xf32, #tpu.memory_space<vmem>>) dst(%dma_wait3A_1548 : memref<16x1024xf32, #tpu.memory_space<hbm>>)
    return
  }
}

</mosaic_0001>

<sc_bundles>
// kernel: kernel.3.cloned.1.call-start
scs
__scs_entry_jumppad:
0x0: {  	(pc) =	sbr.rel $0x88, $3  }
0x1: {  	(tag) =	ssettag $0x0;
	lr =	simm.s32 $0x1  }
0x2: {  	[smem:$0x3F9E] =	sst lr;
	_ =	strace $0xD0000000  }
0x3: {  	_ = 	snop  }
0x4: {  	_ = 	snop  }
0x5: {  	_ = 	snop  }
0x6: {  	_ = 	snop  }
0x7: {  	_ = 	snop  }
__scs_overlays_trampoline_lowered:
0x8: {  	[smem:$0x3FAD] =	sst s0  }
0x9: {  	[smem:$0x3FAE] =	sst s1  }
0xa: {  	[smem:$0x3FAF] =	sst s2  }
0xb: {  	[smem:$0x3FB0] =	sst s3  }
0xc: {  	[smem:$0x3FB1] =	sst s4  }
0xd: {  	[smem:$0x3FB2] =	sst s5  }
0xe: {  	[smem:$0x3FB3] =	sst s6  }
0xf: {  	[smem:$0x3FB4] =	sst s7  }
0x10: {  	[smem:$0x3FB5] =	sst s8  }
0x11: {  	[smem:$0x3FB6] =	sst s9;
	s0 =	simm.s32 @!p0 $0x0  }
0x12: {  	s1 =	sld [smem:$0x3F9C];
	s0 =	simm.s32 @p0 $0x1  }
0x13: {  	[smem:$0x3FB7] =	sst s0;
	s0 =	simm.s32 @!p1 $0x0  }
0x14: {  	s2 =	sld [smem:$0x3F9B];
	s0 =	simm.s32 @p1 $0x1  }
0x15: {  	[smem:$0x3FB8] =	sst s0;
	s0 =	simm.s32 @!p2 $0x0  }
0x16: {  	s3 =	sld [smem:$0x3FDB];
	s0 =	simm.s32 @p2 $0x1  }
0x17: {  	s4 =	simm.s32 $0x1BF5;
	[smem:$0x3FBA] =	sst s0  }
0x18: {  	s0 =	sld [smem:$0x3F9D];
	_ =	swait.ge [sflag:s4], $0x0  }
0x19: {  	s7 =	sld [smem:$0x3F9E]  }
0x1a: {  	s8 =	sadd.s32 $0xFFFFE003, lr  }
0x1b: {  	s9 =	sadd.s32 $0xFFFFFEF7, lr;
	s5 =	simm.s32 $0xFFFFFFFF;
	p2 =	slt.u32 s8, $0xFFFFF086  }
0x1c: {  	p1 =	slt.u32 s9, $0xF7A;
	s5 =	simm.s32 @!p2 $0x0  }
0x1d: {  	s5 =	simm.s32 @p1 $0x1;
	p0 =	seq.s32 s7, s2  }
0x1e: {  	s7 =	smul.u32 @!p0 $0xF7A, s2;
	p2 =	seq.s32 @!p0 s5, $0x0  }
0x1f: {  	s9 =	smul.u32 $0xF7A, s1;
	s8 =	simm.s32 @!p0 $0x1BF5;
	p2 =	por !p2, p0  }
0x20: {  	[sflag:s8] =	ssyncset.s32 @!p0 $0xFFFFF086;
	s6 =	sadd.s32 @!p0 s3, s7;
	s7 =	simm.s32 @!p0 $0x108  }
0x21: {  	s3 =	sadd.s32 s3, s9;
	s6 =	sadd.s32 @!p0 $0x88, s6;
	s7 =	simm.s32 @p2 $0x1082  }
0x22: {  	[simem:s7], [sflag:s8] =	dma.local @!p0 [hbm:s6], $0xF7A  }
0x23: {  	s9 =	sor.u32 $0xD0000000, s2;
	s6 =	simm.s32 $0x108;
	_ =	swait.ge @!p0 [sflag:s8], $0x0  }
0x24: {  	s3 =	sadd.s32 $0x88, s3;
	s6 =	simm.s32 @!p1 $0x1082;
	[sflag:s4] =	ssyncset.s32 $0xFFFFF086  }
0x25: {  	[simem:s6], [sflag:s4] =	dma.local [hbm:s3], $0xF7A  }
0x26: {  	[smem:$0x3F9E] =	sst s1;
	(tag) =	ssettag s2;
	_ =	strace s9  }
0x27: {  	s1 =	sld [smem:$0x3FAE]  }
0x28: {  	s2 =	sld [smem:$0x3FAF]  }
0x29: {  	s4 =	sld [smem:$0x3FB1]  }
0x2a: {  	p0 =	seq.s32 s5, $0x0;
	s5 =	sld [smem:$0x3FB2]  }
0x2b: {  	s6 =	sld [smem:$0x3FB3]  }
0x2c: {  	s7 =	sld [smem:$0x3FB4]  }
0x2d: {  	s3 =	simm.s32 $0x108;
	s8 =	sld [smem:$0x3FB5]  }
0x2e: {  	s3 =	simm.s32 @!p0 $0x1082;
	s9 =	sld [smem:$0x3FB6]  }
0x2f: {  	lr =	sadd.s32 s0, s3;
	s0 =	sld [smem:$0x3FAD]  }
0x30: {  	s3 =	sld [smem:$0x3FB0]  }
0x31: {  	[smem:$0x3FB9] =	sst s10  }
0x32: {  	s10 =	sld [smem:$0x3FB7];
	_ =	sdelay $0x3  }
0x33: {  	p0 =	seq.s32 s10, $0x1;
	s10 =	sld [smem:$0x3FB9];
	_ =	sdelay $0x3  }
0x34: {  	[smem:$0x3FB9] =	sst s10  }
0x35: {  	s10 =	sld [smem:$0x3FB8];
	_ =	sdelay $0x3  }
0x36: {  	p1 =	seq.s32 s10, $0x1;
	s10 =	sld [smem:$0x3FB9];
	_ =	sdelay $0x3  }
0x37: {  	[smem:$0x3FB9] =	sst s10  }
0x38: {  	s10 =	sld [smem:$0x3FBA]  }
0x39: {  	_ = 	snop;
	(pc) =	sbr.ind lr, $3  }
0x3a: {  	_ = 	snop  }
0x3b: {  	_ = 	snop  }
0x3c: {  	p2 =	seq.s32 s10, $0x1;
	s10 =	sld [smem:$0x3FB9]  }
0x3d: {  	_ =	shalt  }
0x3e: {  	_ =	shalt  }
0x3f: {  	_ =	shalt  }
0x40: {  	_ =	shalt  }
0x41: {  	_ =	shalt  }
0x42: {  	_ =	shalt  }
0x43: {  	_ =	shalt  }
0x44: {  	_ =	shalt  }
0x45: {  	_ =	shalt  }
0x46: {  	_ =	shalt  }
0x47: {  	_ =	shalt  }
0x48: {  	_ =	shalt  }
0x49: {  	_ =	shalt  }
0x4a: {  	_ =	shalt  }
0x4b: {  	_ =	shalt  }
0x4c: {  	_ =	shalt  }
0x4d: {  	_ =	shalt  }
0x4e: {  	_ =	shalt  }
0x4f: {  	_ =	shalt  }
0x50: {  	_ =	shalt  }
0x51: {  	_ =	shalt  }
0x52: {  	_ =	shalt  }
0x53: {  	_ =	shalt  }
0x54: {  	_ =	shalt  }
0x55: {  	_ =	shalt  }
0x56: {  	_ =	shalt  }
0x57: {  	_ =	shalt  }
0x58: {  	_ =	shalt  }
0x59: {  	_ =	shalt  }
0x5a: {  	_ =	shalt  }
0x5b: {  	_ =	shalt  }
0x5c: {  	_ =	shalt  }
0x5d: {  	_ =	shalt  }
0x5e: {  	_ =	shalt  }
0x5f: {  	_ =	shalt  }
0x60: {  	_ =	shalt  }
0x61: {  	_ =	shalt  }
0x62: {  	_ =	shalt  }
0x63: {  	_ =	shalt  }
0x64: {  	_ =	shalt  }
0x65: {  	_ =	shalt  }
0x66: {  	_ =	shalt  }
0x67: {  	_ =	shalt  }
0x68: {  	_ =	shalt  }
0x69: {  	_ =	shalt  }
0x6a: {  	_ =	shalt  }
0x6b: {  	_ =	shalt  }
0x6c: {  	_ =	shalt  }
0x6d: {  	_ =	shalt  }
0x6e: {  	_ =	shalt  }
0x6f: {  	_ =	shalt  }
0x70: {  	_ =	shalt  }
0x71: {  	_ =	shalt  }
0x72: {  	_ =	shalt  }
0x73: {  	_ =	shalt  }
0x74: {  	_ =	shalt  }
0x75: {  	_ =	shalt  }
0x76: {  	_ =	shalt  }
0x77: {  	_ =	shalt  }
0x78: {  	_ =	shalt  }
0x79: {  	_ =	shalt  }
0x7a: {  	_ =	shalt  }
0x7b: {  	_ =	shalt  }
0x7c: {  	_ =	shalt  }
0x7d: {  	_ =	shalt  }
0x7e: {  	_ =	shalt  }
0x7f: {  	_ =	shalt  }
0x80: {  	_ =	shalt  }
0x81: {  	_ =	shalt  }
0x82: {  	_ =	shalt  }
0x83: {  	_ =	shalt  }
0x84: {  	_ =	shalt  }
0x85: {  	_ =	shalt  }
0x86: {  	_ =	shalt  }
0x87: {  	_ =	shalt  }
.Lfunc_end0:
.L_simem_size_0:
called_computation_lowered:
.L_overlay_start_0:
0x88: {  	s2 =	sld [smem:$0x3FD9]  }
0x89: {  	s3 =	sld [smem:$0x3FFE];
	_ =	sdelay $0x1  }
0x8a: {  	s1 =	srdreg.scid  }
0x8b: {  	s0 =	sand.u32 $0x1, s1  }
0x8c: {  	s17 =	sshll.u32 s0, $0xA;
	s2 =	sadd.s32 s3, s2  }
0x8d: {  	s2 =	sadd.s32 s2, s17  }
0x8e: {  	[smem:$0x3FC5] =	sst s2  }
0x8f: {  	_ = 	snop  }
0x90: {  	s2 =	sld [smem:$0x3FC8]  }
0x91: {  	s18 =	sld [smem:$0x3FC7]  }
0x92: {  	s4 =	sld [smem:$0x3FD0];
	(tm) =	ssettm $0x1  }
0x93: {  	s5 =	sld [smem:$0x3FFB];
	_ =	sdelay $0x3  }
0x94: {  	_ =	strace s5  }
0x95: {  	s5 =	sld [smem:$0x3FFC];
	_ =	sdelay $0x3  }
0x96: {  	_ =	strace s5  }
0x97: {  	s5 =	sld [smem:$0x3FFD];
	_ =	sdelay $0x3  }
0x98: {  	_ =	strace s5  }
0x99: {  	_ =	strace $0x8FFFFFFF  }
0x9a: {  	s19 =	sld [smem:$0x3FDB];
	_ =	sdelay $0x1  }
0x9b: {  	s6 =	simm.s32 $_scs_section_size  }
0x9c: {  	s7 =	simm.s32 $_size__tile_overlayer_lowered;
	s8 =	simm.s32 $_tile_overlayer_lowered  }
0x9d: {  	s22 =	simm.s32 $0x1BFF;
	s21 =	sshll.u32 s8, $0x1;
	s5 =	sadd.s32 s6, s19  }
0x9e: {  	s9 =	simm.s32 $0x0;
	s20 =	sshll.u32 s7, $0x1;
	s7 =	sadd.s32 s21, s5  }
0x9f: {  	[timem:s9], [sflag:s22] =	dma.local [hbm:s7], s20  }
0xa0: {  	_ =	swait.ge [sflag:s22], s20  }
0xa1: {  	s6 =	ssub.s32 $0x0, s20;
	[sflag:s22] =	ssyncset.done $0x0  }
0xa2: {  	[sflag:s22] =	ssyncadd.s32 s6;
	_ =	sdelay $0x1  }
0xa3: {  	s23 =	simm.s32 $0x1B8B  }
0xa4: {  	_ =	swait.ge [sflag:s23], $0x1  }
0xa5: {  	[sflag:s23] =	ssyncset.done $0x0  }
0xa6: {  	s25 =	simm.s32 $0x1B8E;
	s24 =	sld [smem:$0x3FFE];
	[sflag:s23] =	ssyncadd.s32 $0xFFFFFFFF  }
0xa7: {  	s26 =	simm.s32 $execute0_lowered;
	[smem:$0x3FD2] =	sst s25  }
0xa8: {  	s7 =	sshll.u32 s26, $0x1;
	_ =	strace $0x80000046;
	[dreg:$0x1] =	wrdreg $0xFFFFFFFF  }
0xa9: {  	s28 =	simm.s32 $_size_execute0_lowered;
	s5 =	sadd.s32 s5, s7;
	[dreg:$0x0] =	wrdreg $0x0  }
0xaa: {  	s7 =	sshll.u32 s28, $0x1;
	[dreg:$0x2] =	wrdreg s5  }
0xab: {  	[dreg:$0x3] =	wrdreg s7  }
0xac: {  	[dreg:$0x4] =	wrdreg $0xC0  }
0xad: {  	_ =	task [dreg:s9], $0x5FFFF  }
0xae: {  	[dreg:$0x1] =	wrdreg $0xFFFFFFFF  }
0xaf: {  	[dreg:$0x0] =	wrdreg $0x60  }
0xb0: {  	[dreg:$0x2] =	wrdreg s24  }
0xb1: {  	[dreg:$0x3] =	wrdreg s2  }
0xb2: {  	[dreg:$0x4] =	wrdreg s18  }
0xb3: {  	[dreg:$0x5] =	wrdreg s4  }
0xb4: {  	[dreg:$0x6] =	wrdreg $0x9  }
0xb5: {  	_ =	task.clear_ibuf [dreg:s9], $0x7FFFF;
	_ =	strace $0x90000046  }
0xb6: {  	s29 =	simm.s32 $0x9;
	_ =	strace $0x80000048  }
0xb7: {  	_ =	swait.ge [sflag:s29], $0x1  }
0xb8: {  	[sflag:s29] =	ssyncadd.s32 $0xFFFFFFFF  }
0xb9: {  	_ =	strace $0x90000048  }
0xba: {  	_ =	sfence  }
0xbb: {  	s30 =	sld [smem:$0x0];
	_ =	sdelay $0x2  }
0xbc: {  	s31 =	sshll.u32 s1, $0xD;
	s1 =	sshrl.u32 s1, $0x2  }
0xbd: {  	s3 =	sand.u32 $0x4000, s31;
	s1 =	sadd.s32 s1, s30  }
0xbe: {  	s0 =	sor.u32 s3, s0;
	s1 =	sshll.u32 s1, $0x11  }
0xbf: {  	s0 =	sor.u32 s1, s0  }
0xc0: {  	s0 =	sadd.s32 $0x8F2B, s0  }
0xc1: {  	[sflag:s0] =	ssyncadd.remote.s32 $0x1  }
0xc2: {  	_ =	sfence.sel $0xFFFF  }
0xc3: {  	[dreg:$0x0] =	wrdreg $0xFFFFFFFF;
	(pc) =	sbr.abs _section_cstart, $3  }
0xc4: {  	[dreg:$0x1] =	wrdreg $0xFFFFFFFF  }
0xc5: {  	_ =	task.clear_ibuf [dreg:s9], $0x2FFFF;
	_ =	strace $0x9FFFFFFF  }
0xc6: {  	(tm) =	ssettm $0x7FFFFFFF  }
0xc7: {  	_ =	shalt  }
tec
execute0_lowered:
.L_overlay_start_1:
0x0: {  	(tag) =	ssettag $0x1  }
0x1: {  	s0 =	rddreg [dreg:$0x0]  }
0x2: {  	s1 =	rddreg [dreg:$0x1]  }
0x3: {  	s2 =	rddreg [dreg:$0x2]  }
0x4: {  	s4 =	rddreg [dreg:$0x3];
	s3 =	srdreg.scid  }
0x5: {  	s6 =	stileid.u32;
	s5 =	sand.u32 $0x1, s3;
	s3 =	simm.s32 $0x0  }
0x6: {  	s6 =	sshll.u32 s6, $0x9;
	s7 =	sshll.u32 s5, $0x8;
	s5 =	ssub.s32 $0x2, s5  }
0x7: {  	[smem:$0x7FF] =	sst s3;
	s6 =	sor.u32 s7, s6;
	s8 =	sshrl.u32 s5, $0x1  }
0x8: {  	_ =	strace $0x80000047;
	s7 =	sshrl.u32 s6, $0x3;
	s8 =	ssub.s32 s5, s8  }
0x9: {  	s9 =	sshll.u32 s6, $0x7;
	s0 =	sadd.s32 s7, s0;
	s12 =	smax.u32 s8, $0x1  }
0xa: {  	s15 =	sand.u32 $0x38000, s9;
	s0 =	sadd.s32 $0x400, s0;
	[dreg:$0x17] =	wrdreg s12  }
0xb: {  	[dreg:$0x5] =	wrdreg s0;
	s0 =	sadd.s32 s2, s15  }
0xc: {  	s2 =	sadd.s32 $0x800, s0;
	[dreg:$0x6] =	wrdreg s0  }
0xd: {  	s16 =	sadd.s32 $0x1000, s0;
	[dreg:$0x7] =	wrdreg s2  }
0xe: {  	s18 =	sadd.s32 $0x1800, s0;
	[dreg:$0x9] =	wrdreg s16  }
0xf: {  	s20 =	sadd.s32 $0x2000, s0;
	[dreg:$0xb] =	wrdreg s18  }
0x10: {  	s22 =	sadd.s32 $0x2800, s0;
	[dreg:$0xd] =	wrdreg s20  }
0x11: {  	s24 =	sadd.s32 $0x3000, s0;
	[dreg:$0xf] =	wrdreg s22  }
0x12: {  	s26 =	sadd.s32 $0x3800, s0;
	[dreg:$0x11] =	wrdreg s24  }
0x13: {  	s10 =	sadd.s32 $0x4000, s0;
	[dreg:$0x13] =	wrdreg s26  }
0x14: {  	s13 =	sadd.s32 $0x4800, s0;
	[dreg:$0x15] =	wrdreg s10  }
0x15: {  	s15 =	sadd.s32 $0x5000, s0;
	[dreg:$0x18] =	wrdreg s13  }
0x16: {  	s2 =	sadd.s32 s4, s9;
	[dreg:$0x1a] =	wrdreg s15  }
0x17: {  	s28 =	simm.s32 $0x4100;
	s17 =	sadd.s32 $0x800, s2;
	[dreg:$0x8] =	wrdreg s2  }
0x18: {  	s29 =	simm.s32 $0x4900;
	s19 =	sadd.s32 $0x1000, s2;
	[dreg:$0xa] =	wrdreg s17  }
0x19: {  	s30 =	simm.s32 $0x5100;
	s21 =	sadd.s32 $0x1800, s2;
	[dreg:$0xc] =	wrdreg s19  }
0x1a: {  	s31 =	simm.s32 $0x5900;
	s23 =	sadd.s32 $0x2000, s2;
	[dreg:$0xe] =	wrdreg s21  }
0x1b: {  	s5 =	sadd.s32 $0x100, s1;
	s25 =	sadd.s32 $0x2800, s2;
	[dreg:$0x10] =	wrdreg s23  }
0x1c: {  	s6 =	sadd.s32 $0x200, s1;
	s9 =	sadd.s32 $0x3000, s2;
	[dreg:$0x12] =	wrdreg s25  }
0x1d: {  	s7 =	sadd.s32 $0x300, s1;
	s11 =	sadd.s32 $0x3800, s2;
	[dreg:$0x14] =	wrdreg s9  }
0x1e: {  	s8 =	simm.s32 $0x14100;
	s14 =	sadd.s32 $0x4000, s2;
	[dreg:$0x16] =	wrdreg s11  }
0x1f: {  	s12 =	simm.s32 $0x1;
	s16 =	sadd.s32 $0x4800, s2;
	[dreg:$0x19] =	wrdreg s14  }
0x20: {  	s4 =	simm.s32 $0x7100;
	s18 =	sadd.s32 $0x5000, s2;
	[dreg:$0x1b] =	wrdreg s16  }
0x21: {  	s13 =	simm.s32 $0x3;
	s20 =	sadd.s32 $0x5800, s2;
	[dreg:$0x1d] =	wrdreg s18  }
0x22: {  	s15 =	simm.s32 $0x2;
	s22 =	sadd.s32 $0x6000, s2;
	[dreg:$0x1f] =	wrdreg s20  }
0x23: {  	s10 =	simm.s32 $0x5;
	s24 =	sadd.s32 $0x6800, s2;
	[smem:$0x7F8] =	sst s22  }
0x24: {  	s26 =	sadd.s32 $0x7800, s2;
	s17 =	sadd.s32 $0x5800, s0;
	[smem:$0x7FA] =	sst s24  }
0x25: {  	s19 =	sadd.s32 $0x6000, s0;
	s21 =	sadd.s32 $0x6800, s0;
	[smem:$0x7FD] =	sst s26  }
0x26: {  	s23 =	sadd.s32 $0x7000, s0;
	s0 =	sadd.s32 $0x7800, s0;
	[dreg:$0x1c] =	wrdreg s17  }
0x27: {  	s25 =	sadd.s32 $0x7000, s2;
	s26 =	simm.s32 $0x8100;
	[dreg:$0x1e] =	wrdreg s19  }
0x28: {  	s2 =	simm.s32 $0x6900;
	s9 =	simm.s32 $0x7900;
	[smem:$0x7F7] =	sst s21  }
0x29: {  	v2 =	vlaneseq.u32;
	s11 =	simm.s32 $0xC100;
	s14 =	simm.s32 $0x10100;
	[smem:$0x7F9] =	sst s23  }
0x2a: {  	vm0 =	vmmov $0xffff;
	v1 =	vshrl.u32 v2, $0x3;
	s16 =	simm.s32 $0x4;
	s18 =	simm.s32 $0x0;
	[smem:$0x7FB] =	sst s0  }
0x2b: {  	v0 =	vand.u32 $0x7, v2;
	v2 =	vor.u32 $0x8, v2;
	v1 =	vmul.u32 $0x8, v1;
	[smem:$0x7FC] =	sst s25;
	s0 =	simm.s32 $0x6100;
	s17 =	simm.s32 $0x6  }
.LBB2_1:
0x2c: {  	s19 =	rddreg [dreg:$0x5];
	s25 =	simm.s32 $0x7  }
0x2d: {  	[tilespmem:s3], [sflag:$0x7] =	stream.linear.gather [hbm4b:s19+s3], $0x100, $0x38;
	[tilespmem:$0x18100] =	vst v63  }
0x2e: {  	_ =	swait.ge [sflag:s25], $0x100  }
0x2f: {  	[sflag:s25] =	ssyncset.done $0x0  }
0x30: {  	[sflag:s25] =	ssyncadd.s32 $0xFFFFFF00  }
0x31: {  	v3 =	vld [tilespmem:$0x0];
	_ =	sdelay $0x4  }
0x32: {  	v4 =	vshll.u32 v3, $0x3  }
0x33: {  	v3 =	vand.u32 $0x7, v3;
	v4 =	vand.u32 $0xFFFFFFC0, v4  }
0x34: {  	v3 =	vor.u32 v3, v4  }
0x35: {  	v4 =	vperm.xlane v3, v0;
	_ =	sdelay $0x1  }
0x36: {  	v4 =	vadd.s32 v1, v4;
	_ =	sdelay $0x3  }
0x37: {  	s20 =	simm.s32 $0x100  }
0x38: {  	[tilespmem:s20], [sflag:$0x1] =	stream.indirect_vreg.gather [hbm4b:s1+s3], $0x80, v4, vm0, $0xb8;
	[tilespmem:$0x18100] =	vst v63  }
0x39: {  	s21 =	simm.s32 $0x900;
	v3 =	vperm.xlane v3, v2  }
0x3a: {  	[tilespmem:s21], [sflag:$0x1] =	stream.indirect_vreg.gather [hbm4b:s5+s3], $0x80, v4, vm0, $0xb8;
	[tilespmem:$0x18100] =	vst v63  }
0x3b: {  	s22 =	simm.s32 $0x1100;
	v3 =	vadd.s32 v1, v3  }
0x3c: {  	[tilespmem:s22], [sflag:$0x1] =	stream.indirect_vreg.gather [hbm4b:s6+s3], $0x80, v4, vm0, $0xb8;
	[tilespmem:$0x18100] =	vst v63  }
0x3d: {  	s23 =	simm.s32 $0x1900  }
0x3e: {  	[tilespmem:s23], [sflag:$0x1] =	stream.indirect_vreg.gather [hbm4b:s7+s3], $0x80, v4, vm0, $0xb8;
	[tilespmem:$0x18100] =	vst v63  }
0x3f: {  	s24 =	simm.s32 $0x2100  }
0x40: {  	[tilespmem:s24], [sflag:$0x1] =	stream.indirect_vreg.gather [hbm4b:s1+s3], $0x80, v3, vm0, $0xb8;
	[tilespmem:$0x18100] =	vst v63  }
0x41: {  	s25 =	simm.s32 $0x2900  }
0x42: {  	[tilespmem:s25], [sflag:$0x1] =	stream.indirect_vreg.gather [hbm4b:s5+s3], $0x80, v3, vm0, $0xb8;
	[tilespmem:$0x18100] =	vst v63  }
0x43: {  	s20 =	simm.s32 $0x3100  }
0x44: {  	[tilespmem:s20], [sflag:$0x1] =	stream.indirect_vreg.gather [hbm4b:s6+s3], $0x80, v3, vm0, $0xb8;
	[tilespmem:$0x18100] =	vst v63  }
0x45: {  	s21 =	simm.s32 $0x3900  }
0x46: {  	[tilespmem:s21], [sflag:$0x1] =	stream.indirect_vreg.gather [hbm4b:s7+s3], $0x80, v3, vm0, $0xb8;
	[tilespmem:$0x18100] =	vst v63  }
0x47: {  	s22 =	rddreg [dreg:$0x6]  }
0x48: {  	[tilespmem:s26], [sflag:$0x3] =	stream.linear.gather [hbm4b:s22+s3], $0x4000, $0x38;
	[tilespmem:$0x18100] =	vst v63  }
0x49: {  	v3 =	vld [tilespmem:$0x10];
	_ =	sdelay $0x4  }
0x4a: {  	v4 =	vshll.u32 v3, $0x3  }
0x4b: {  	v3 =	vand.u32 $0x7, v3;
	v4 =	vand.u32 $0xFFFFFFC0, v4  }
0x4c: {  	v3 =	vor.u32 v3, v4  }
0x4d: {  	v4 =	vperm.xlane v3, v0;
	_ =	sdelay $0x1  }
0x4e: {  	v4 =	vadd.s32 v1, v4;
	_ =	sdelay $0x4  }
0x4f: {  	[tilespmem:s28], [sflag:$0x2] =	stream.indirect_vreg.gather [hbm4b:s1+s3], $0x80, v4, vm0, $0xb8;
	[tilespmem:$0x18100] =	vst v63  }
0x50: {  	v3 =	vperm.xlane v3, v2  }
0x51: {  	[tilespmem:s29], [sflag:$0x2] =	stream.indirect_vreg.gather [hbm4b:s5+s3], $0x80, v4, vm0, $0xb8;
	[tilespmem:$0x18100] =	vst v63  }
0x52: {  	v3 =	vadd.s32 v1, v3  }
0x53: {  	[tilespmem:s30], [sflag:$0x2] =	stream.indirect_vreg.gather [hbm4b:s6+s3], $0x80, v4, vm0, $0xb8;
	[tilespmem:$0x18100] =	vst v63  }
0x54: {  	_ = 	snop  }
0x55: {  	[tilespmem:s31], [sflag:$0x2] =	stream.indirect_vreg.gather [hbm4b:s7+s3], $0x80, v4, vm0, $0xb8;
	[tilespmem:$0x18100] =	vst v63  }
0x56: {  	_ = 	snop  }
0x57: {  	[tilespmem:s0], [sflag:$0x2] =	stream.indirect_vreg.gather [hbm4b:s1+s3], $0x80, v3, vm0, $0xb8;
	[tilespmem:$0x18100] =	vst v63  }
0x58: {  	_ = 	snop  }
0x59: {  	[tilespmem:s2], [sflag:$0x2] =	stream.indirect_vreg.gather [hbm4b:s5+s3], $0x80, v3, vm0, $0xb8;
	[tilespmem:$0x18100] =	vst v63  }
0x5a: {  	_ = 	snop  }
0x5b: {  	[tilespmem:s4], [sflag:$0x2] =	stream.indirect_vreg.gather [hbm4b:s6+s3], $0x80, v3, vm0, $0xb8;
	[tilespmem:$0x18100] =	vst v63  }
0x5c: {  	_ = 	snop  }
0x5d: {  	[tilespmem:s9], [sflag:$0x2] =	stream.indirect_vreg.gather [hbm4b:s7+s3], $0x80, v3, vm0, $0xb8;
	[tilespmem:$0x18100] =	vst v63  }
0x5e: {  	s23 =	rddreg [dreg:$0x7]  }
0x5f: {  	[tilespmem:s11], [sflag:$0x4] =	stream.linear.gather [hbm4b:s23+s3], $0x4000, $0x38;
	[tilespmem:$0x18100] =	vst v63  }
0x60: {  	_ =	swait.ge [sflag:s12], $0x4000  }
0x61: {  	[sflag:s12] =	ssyncset.done $0x0  }
0x62: {  	[sflag:s12] =	ssyncadd.s32 $0xFFFFC000  }
0x63: {  	s24 =	sand.u32 $0x2000, s3;
	s20 =	sand.u32 $0x1C00, s3;
	_ =	swait.ge [sflag:s13], $0x4000  }
0x64: {  	s25 =	sand.u32 $0x380, s3;
	s19 =	sor.u32 s20, s24;
	[sflag:s13] =	ssyncset.done $0x0  }
0x65: {  	s19 =	sor.u32 s25, s19;
	[sflag:s13] =	ssyncadd.s32 $0xFFFFC000  }
0x66: {  	v3 =	vld [tilespmem:s19+$0x170]  }
0x67: {  	v4 =	vld [tilespmem:s19+$0x100]  }
0x68: {  	v5 =	vld [tilespmem:s19+$0x8170]  }
0x69: {  	v6 =	vld [tilespmem:s19+$0x110]  }
0x6a: {  	v7 =	vld [tilespmem:s19+$0x120]  }
0x6b: {  	v11 =	vld [tilespmem:s19+$0x130]  }
0x6c: {  	v12 =	vld [tilespmem:s19+$0x140]  }
0x6d: {  	v14 =	vld [tilespmem:s19+$0x150]  }
0x6e: {  	v8 =	vld [tilespmem:s19+$0x160];
	v9 =	vmul.f32 $3.200000000e+01, v3  }
0x6f: {  	v10 =	vld [tilespmem:s19+$0x8100]  }
0x70: {  	v13 =	vld [tilespmem:s19+$0x8110];
	v3 =	vmul.f32 $3.200000000e+01, v4;
	v7 =	vmul.f32 $3.200000000e+01, v7;
	v4 =	vadd.f32 v5, v9  }
0x71: {  	s20 =	simm.s32 $0x0;
	v9 =	vmul.f32 $3.200000000e+01, v6;
	v6 =	vmul.f32 $3.200000000e+01, v11;
	v11 =	vld [tilespmem:s19+$0x8120]  }
0x72: {  	s21 =	simm.s32 $0x10;
	s22 =	simm.s32 $0x400;
	s23 =	simm.s32 $0x80;
	v5 =	vmul.f32 $3.200000000e+01, v12;
	v12 =	vld [tilespmem:s19+$0x8130];
	[tilespmem:s19+$0x10170] =	vst v4;
	v4 =	vmul.f32 $3.200000000e+01, v14  }
.LBB2_2:
0x73: {  	s24 =	sand.u32 $0x2000, s23;
	s25 =	sand.u32 $0x1C00, s22;
	s20 =	sadd.s32 $0x8, s20;
	v14 =	vld [tilespmem:s19+$0x8140];
	v8 =	vmul.f32 $3.200000000e+01, v8  }
0x74: {  	s24 =	sor.u32 s25, s24;
	s25 =	sand.u32 $0x380, s21;
	p0 =	slt.u32 s20, $0x3F8;
	v3 =	vadd.f32 v10, v3;
	v10 =	vld [tilespmem:s19+$0x8150]  }
0x75: {  	s24 =	sor.u32 s25, s24;
	v9 =	vadd.f32 v13, v9;
	v13 =	vld [tilespmem:s19+$0x8160]  }
0x76: {  	v15 =	vld [tilespmem:s24+$0x170];
	[tilespmem:s19+$0x10100] =	vst v3;
	v3 =	vadd.f32 v11, v7  }
0x77: {  	v7 =	vld [tilespmem:s24+$0x100];
	[tilespmem:s19+$0x10110] =	vst v9;
	v6 =	vadd.f32 v12, v6  }
0x78: {  	v9 =	vld [tilespmem:s24+$0x8170];
	[tilespmem:s19+$0x10120] =	vst v3;
	v3 =	vadd.f32 v14, v5  }
0x79: {  	v5 =	vld [tilespmem:s24+$0x110];
	[tilespmem:s19+$0x10130] =	vst v6;
	v4 =	vadd.f32 v10, v4  }
0x7a: {  	v6 =	vld [tilespmem:s24+$0x120];
	[tilespmem:s19+$0x10140] =	vst v3;
	v8 =	vadd.f32 v13, v8  }
0x7b: {  	v11 =	vld [tilespmem:s24+$0x130];
	v10 =	vmul.f32 $3.200000000e+01, v15;
	[tilespmem:s19+$0x10150] =	vst v4  }
0x7c: {  	v3 =	vmul.f32 $3.200000000e+01, v7;
	v4 =	vld [tilespmem:s24+$0x140];
	[tilespmem:s19+$0x10160] =	vst v8;
	s19 =	smov.u32 s24  }
0x7d: {  	v14 =	vld [tilespmem:s19+$0x150];
	v12 =	vadd.f32 v9, v10  }
.Ltmp0:
0x7e: {  	v9 =	vmul.f32 $3.200000000e+01, v5;
	v8 =	vld [tilespmem:s19+$0x160];
	(pc) =	sbr.rel @p0 .LBB2_2-.Ltmp0, $4  }
0x7f: {  	v10 =	vld [tilespmem:s19+$0x8100];
	v7 =	vmul.f32 $3.200000000e+01, v6;
	[tilespmem:s19+$0x10170] =	vst v12  }
0x80: {  	v13 =	vld [tilespmem:s19+$0x8110];
	v6 =	vmul.f32 $3.200000000e+01, v11  }
0x81: {  	v11 =	vld [tilespmem:s19+$0x8120];
	v5 =	vmul.f32 $3.200000000e+01, v4  }
0x82: {  	s22 =	sadd.s32 $0x400, s22;
	s23 =	sadd.s32 $0x80, s23;
	s21 =	sadd.s32 $0x10, s21;
	v12 =	vld [tilespmem:s19+$0x8130];
	v4 =	vmul.f32 $3.200000000e+01, v14  }
0x83: {  	v14 =	vld [tilespmem:s19+$0x8140]  }
0x84: {  	v3 =	vadd.f32 v10, v3;
	v10 =	vld [tilespmem:s19+$0x8150]  }
0x85: {  	v9 =	vadd.f32 v13, v9;
	v13 =	vld [tilespmem:s19+$0x8160]  }
0x86: {  	[tilespmem:s19+$0x10100] =	vst v3;
	v3 =	vadd.f32 v11, v7  }
0x87: {  	[tilespmem:s19+$0x10110] =	vst v9;
	v6 =	vadd.f32 v12, v6  }
0x88: {  	v7 =	vmul.f32 $3.200000000e+01, v8;
	[tilespmem:s19+$0x10120] =	vst v3;
	v3 =	vadd.f32 v14, v5  }
0x89: {  	[tilespmem:s19+$0x10130] =	vst v6;
	v4 =	vadd.f32 v10, v4  }
0x8a: {  	[tilespmem:s19+$0x10140] =	vst v3;
	v3 =	vadd.f32 v13, v7  }
0x8b: {  	[tilespmem:s19+$0x10150] =	vst v4  }
0x8c: {  	[tilespmem:s19+$0x10160] =	vst v3  }
0x8d: {  	s19 =	simm.s32 $0x0;
	s20 =	rddreg [dreg:$0x8]  }
0x8e: {  	[hbm4b:s20+s19] =	stream.linear.scatter [tilespmem:s14], [sflag:$0x5], $0x4000, $0x38;
	[tilespmem:$0x18100] =	vst v63  }
0x8f: {  	v3 =	vld [tilespmem:$0x20];
	_ =	sdelay $0x4  }
0x90: {  	v4 =	vshll.u32 v3, $0x3  }
0x91: {  	v3 =	vand.u32 $0x7, v3;
	v4 =	vand.u32 $0xFFFFFFC0, v4  }
0x92: {  	v3 =	vor.u32 v3, v4  }
0x93: {  	v4 =	vperm.xlane v3, v0;
	_ =	sdelay $0x1  }
0x94: {  	v4 =	vadd.s32 v1, v4;
	_ =	sdelay $0x3  }
0x95: {  	s21 =	simm.s32 $0x100  }
0x96: {  	[tilespmem:s21], [sflag:$0x1] =	stream.indirect_vreg.gather [hbm4b:s1+s19], $0x80, v4, vm0, $0xb8;
	[tilespmem:$0x18100] =	vst v63  }
0x97: {  	s22 =	simm.s32 $0x900;
	v3 =	vperm.xlane v3, v2  }
0x98: {  	[tilespmem:s22], [sflag:$0x1] =	stream.indirect_vreg.gather [hbm4b:s5+s19], $0x80, v4, vm0, $0xb8;
	[tilespmem:$0x18100] =	vst v63  }
0x99: {  	s23 =	simm.s32 $0x1100;
	v3 =	vadd.s32 v1, v3  }
0x9a: {  	[tilespmem:s23], [sflag:$0x1] =	stream.indirect_vreg.gather [hbm4b:s6+s19], $0x80, v4, vm0, $0xb8;
	[tilespmem:$0x18100] =	vst v63  }
0x9b: {  	s24 =	simm.s32 $0x1900  }
0x9c: {  	[tilespmem:s24], [sflag:$0x1] =	stream.indirect_vreg.gather [hbm4b:s7+s19], $0x80, v4, vm0, $0xb8;
	[tilespmem:$0x18100] =	vst v63  }
0x9d: {  	s25 =	simm.s32 $0x2100  }
0x9e: {  	[tilespmem:s25], [sflag:$0x1] =	stream.indirect_vreg.gather [hbm4b:s1+s19], $0x80, v3, vm0, $0xb8;
	[tilespmem:$0x18100] =	vst v63  }
0x9f: {  	s21 =	simm.s32 $0x2900  }
0xa0: {  	[tilespmem:s21], [sflag:$0x1] =	stream.indirect_vreg.gather [hbm4b:s5+s19], $0x80, v3, vm0, $0xb8;
	[tilespmem:$0x18100] =	vst v63  }
0xa1: {  	s22 =	simm.s32 $0x3100  }
0xa2: {  	[tilespmem:s22], [sflag:$0x1] =	stream.indirect_vreg.gather [hbm4b:s6+s19], $0x80, v3, vm0, $0xb8;
	[tilespmem:$0x18100] =	vst v63  }
0xa3: {  	s23 =	simm.s32 $0x3900  }
0xa4: {  	[tilespmem:s23], [sflag:$0x1] =	stream.indirect_vreg.gather [hbm4b:s7+s19], $0x80, v3, vm0, $0xb8;
	[tilespmem:$0x18100] =	vst v63  }
0xa5: {  	s24 =	rddreg [dreg:$0x9]  }
0xa6: {  	[tilespmem:s26], [sflag:$0x3] =	stream.linear.gather [hbm4b:s24+s19], $0x4000, $0x38;
	[tilespmem:$0x18100] =	vst v63  }
0xa7: {  	_ =	swait.ge [sflag:s15], $0x4000  }
0xa8: {  	[sflag:s15] =	ssyncset.done $0x0  }
0xa9: {  	[sflag:s15] =	ssyncadd.s32 $0xFFFFC000  }
0xaa: {  	s25 =	sand.u32 $0x2000, s19;
	s21 =	sand.u32 $0x1C00, s19;
	_ =	swait.ge [sflag:s16], $0x4000  }
0xab: {  	s20 =	sor.u32 s21, s25;
	s19 =	sand.u32 $0x380, s19;
	[sflag:s16] =	ssyncset.done $0x0  }
0xac: {  	s19 =	sor.u32 s19, s20;
	[sflag:s16] =	ssyncadd.s32 $0xFFFFC000  }
0xad: {  	v3 =	vld [tilespmem:s19+$0x4170]  }
0xae: {  	v4 =	vld [tilespmem:s19+$0x4100]  }
0xaf: {  	v5 =	vld [tilespmem:s19+$0xC170]  }
0xb0: {  	v6 =	vld [tilespmem:s19+$0x4110]  }
0xb1: {  	v7 =	vld [tilespmem:s19+$0x4120]  }
0xb2: {  	v11 =	vld [tilespmem:s19+$0x4130]  }
0xb3: {  	v12 =	vld [tilespmem:s19+$0x4140]  }
0xb4: {  	v14 =	vld [tilespmem:s19+$0x4150]  }
0xb5: {  	v8 =	vld [tilespmem:s19+$0x4160];
	v9 =	vmul.f32 $3.200000000e+01, v3  }
0xb6: {  	v10 =	vld [tilespmem:s19+$0xC100]  }
0xb7: {  	v13 =	vld [tilespmem:s19+$0xC110];
	v3 =	vmul.f32 $3.200000000e+01, v4;
	v7 =	vmul.f32 $3.200000000e+01, v7;
	v4 =	vadd.f32 v5, v9  }
0xb8: {  	s21 =	simm.s32 $0x10;
	v9 =	vmul.f32 $3.200000000e+01, v6;
	v6 =	vmul.f32 $3.200000000e+01, v11;
	v11 =	vld [tilespmem:s19+$0xC120]  }
0xb9: {  	s22 =	simm.s32 $0x400;
	s23 =	simm.s32 $0x80;
	s20 =	simm.s32 $0x0;
	v5 =	vmul.f32 $3.200000000e+01, v12;
	v12 =	vld [tilespmem:s19+$0xC130];
	[tilespmem:s19+$0x14170] =	vst v4;
	v4 =	vmul.f32 $3.200000000e+01, v14  }
.LBB2_4:
0xba: {  	s24 =	sand.u32 $0x2000, s23;
	s25 =	sand.u32 $0x1C00, s22;
	s20 =	sadd.s32 $0x8, s20;
	v14 =	vld [tilespmem:s19+$0xC140];
	v8 =	vmul.f32 $3.200000000e+01, v8  }
0xbb: {  	s24 =	sor.u32 s25, s24;
	s25 =	sand.u32 $0x380, s21;
	p0 =	slt.u32 s20, $0x3F8;
	v3 =	vadd.f32 v10, v3;
	v10 =	vld [tilespmem:s19+$0xC150]  }
0xbc: {  	s24 =	sor.u32 s25, s24;
	v9 =	vadd.f32 v13, v9;
	v13 =	vld [tilespmem:s19+$0xC160]  }
0xbd: {  	v15 =	vld [tilespmem:s24+$0x4170];
	[tilespmem:s19+$0x14100] =	vst v3;
	v3 =	vadd.f32 v11, v7  }
0xbe: {  	v7 =	vld [tilespmem:s24+$0x4100];
	[tilespmem:s19+$0x14110] =	vst v9;
	v6 =	vadd.f32 v12, v6  }
0xbf: {  	v9 =	vld [tilespmem:s24+$0xC170];
	[tilespmem:s19+$0x14120] =	vst v3;
	v3 =	vadd.f32 v14, v5  }
0xc0: {  	v5 =	vld [tilespmem:s24+$0x4110];
	[tilespmem:s19+$0x14130] =	vst v6;
	v4 =	vadd.f32 v10, v4  }
0xc1: {  	v6 =	vld [tilespmem:s24+$0x4120];
	[tilespmem:s19+$0x14140] =	vst v3;
	v8 =	vadd.f32 v13, v8  }
0xc2: {  	v11 =	vld [tilespmem:s24+$0x4130];
	v10 =	vmul.f32 $3.200000000e+01, v15;
	[tilespmem:s19+$0x14150] =	vst v4  }
0xc3: {  	v3 =	vmul.f32 $3.200000000e+01, v7;
	v4 =	vld [tilespmem:s24+$0x4140];
	[tilespmem:s19+$0x14160] =	vst v8;
	s19 =	smov.u32 s24  }
0xc4: {  	v14 =	vld [tilespmem:s19+$0x4150];
	v12 =	vadd.f32 v9, v10  }
.Ltmp1:
0xc5: {  	v9 =	vmul.f32 $3.200000000e+01, v5;
	v8 =	vld [tilespmem:s19+$0x4160];
	(pc) =	sbr.rel @p0 .LBB2_4-.Ltmp1, $4  }
0xc6: {  	v10 =	vld [tilespmem:s19+$0xC100];
	v7 =	vmul.f32 $3.200000000e+01, v6;
	[tilespmem:s19+$0x14170] =	vst v12  }
0xc7: {  	v13 =	vld [tilespmem:s19+$0xC110];
	v6 =	vmul.f32 $3.200000000e+01, v11  }
0xc8: {  	v11 =	vld [tilespmem:s19+$0xC120];
	v5 =	vmul.f32 $3.200000000e+01, v4  }
0xc9: {  	s22 =	sadd.s32 $0x400, s22;
	s23 =	sadd.s32 $0x80, s23;
	s21 =	sadd.s32 $0x10, s21;
	v12 =	vld [tilespmem:s19+$0xC130];
	v4 =	vmul.f32 $3.200000000e+01, v14  }
0xca: {  	v14 =	vld [tilespmem:s19+$0xC140]  }
0xcb: {  	v3 =	vadd.f32 v10, v3;
	v10 =	vld [tilespmem:s19+$0xC150]  }
0xcc: {  	v9 =	vadd.f32 v13, v9;
	v13 =	vld [tilespmem:s19+$0xC160]  }
0xcd: {  	[tilespmem:s19+$0x14100] =	vst v3;
	v3 =	vadd.f32 v11, v7  }
0xce: {  	[tilespmem:s19+$0x14110] =	vst v9;
	v6 =	vadd.f32 v12, v6  }
0xcf: {  	v7 =	vmul.f32 $3.200000000e+01, v8;
	[tilespmem:s19+$0x14120] =	vst v3;
	v3 =	vadd.f32 v14, v5  }
0xd0: {  	[tilespmem:s19+$0x14130] =	vst v6;
	v4 =	vadd.f32 v10, v4  }
0xd1: {  	[tilespmem:s19+$0x14140] =	vst v3;
	v3 =	vadd.f32 v13, v7  }
0xd2: {  	[tilespmem:s19+$0x14150] =	vst v4  }
0xd3: {  	[tilespmem:s19+$0x14160] =	vst v3  }
0xd4: {  	s23 =	simm.s32 $0x0;
	s20 =	rddreg [dreg:$0xa]  }
0xd5: {  	[hbm4b:s20+s23] =	stream.linear.scatter [tilespmem:s8], [sflag:$0x6], $0x4000, $0x38;
	[tilespmem:$0x18100] =	vst v63  }
0xd6: {  	v3 =	vld [tilespmem:$0x30];
	_ =	sdelay $0x4  }
0xd7: {  	v4 =	vshll.u32 v3, $0x3  }
0xd8: {  	v3 =	vand.u32 $0x7, v3;
	v4 =	vand.u32 $0xFFFFFFC0, v4  }
0xd9: {  	v3 =	vor.u32 v3, v4  }
0xda: {  	v4 =	vperm.xlane v3, v0;
	_ =	sdelay $0x1  }
0xdb: {  	v4 =	vadd.s32 v1, v4;
	_ =	sdelay $0x4  }
0xdc: {  	[tilespmem:s28], [sflag:$0x2] =	stream.indirect_vreg.gather [hbm4b:s1+s23], $0x80, v4, vm0, $0xb8;
	[tilespmem:$0x18100] =	vst v63  }
0xdd: {  	v3 =	vperm.xlane v3, v2  }
0xde: {  	[tilespmem:s29], [sflag:$0x2] =	stream.indirect_vreg.gather [hbm4b:s5+s23], $0x80, v4, vm0, $0xb8;
	[tilespmem:$0x18100] =	vst v63  }
0xdf: {  	v3 =	vadd.s32 v1, v3  }
0xe0: {  	[tilespmem:s30], [sflag:$0x2] =	stream.indirect_vreg.gather [hbm4b:s6+s23], $0x80, v4, vm0, $0xb8;
	[tilespmem:$0x18100] =	vst v63  }
0xe1: {  	_ = 	snop  }
0xe2: {  	[tilespmem:s31], [sflag:$0x2] =	stream.indirect_vreg.gather [hbm4b:s7+s23], $0x80, v4, vm0, $0xb8;
	[tilespmem:$0x18100] =	vst v63  }
0xe3: {  	_ = 	snop  }
0xe4: {  	[tilespmem:s0], [sflag:$0x2] =	stream.indirect_vreg.gather [hbm4b:s1+s23], $0x80, v3, vm0, $0xb8;
	[tilespmem:$0x18100] =	vst v63  }
0xe5: {  	_ = 	snop  }
0xe6: {  	[tilespmem:s2], [sflag:$0x2] =	stream.indirect_vreg.gather [hbm4b:s5+s23], $0x80, v3, vm0, $0xb8;
	[tilespmem:$0x18100] =	vst v63  }
0xe7: {  	_ = 	snop  }
0xe8: {  	[tilespmem:s4], [sflag:$0x2] =	stream.indirect_vreg.gather [hbm4b:s6+s23], $0x80, v3, vm0, $0xb8;
	[tilespmem:$0x18100] =	vst v63  }
0xe9: {  	_ = 	snop  }
0xea: {  	[tilespmem:s9], [sflag:$0x2] =	stream.indirect_vreg.gather [hbm4b:s7+s23], $0x80, v3, vm0, $0xb8;
	[tilespmem:$0x18100] =	vst v63  }
0xeb: {  	s24 =	rddreg [dreg:$0xb]  }
0xec: {  	[tilespmem:s11], [sflag:$0x4] =	stream.linear.gather [hbm4b:s24+s23], $0x4000, $0x38;
	[tilespmem:$0x18100] =	vst v63  }
0xed: {  	_ =	swait.ge [sflag:s12], $0x4000  }
0xee: {  	[sflag:s12] =	ssyncset.done $0x0  }
0xef: {  	[sflag:s12] =	ssyncadd.s32 $0xFFFFC000  }
0xf0: {  	_ =	swait.ge [sflag:s13], $0x4000  }
0xf1: {  	[sflag:s13] =	ssyncset.done $0x0  }
0xf2: {  	[sflag:s13] =	ssyncadd.s32 $0xFFFFC000  }
0xf3: {  	s25 =	sand.u32 $0x2000, s23;
	s21 =	sand.u32 $0x1C00, s23;
	_ =	swait.ge [sflag:s10], $0x4000  }
0xf4: {  	s19 =	sand.u32 $0x380, s23;
	s20 =	sor.u32 s21, s25;
	[sflag:s10] =	ssyncset.done $0x0  }
0xf5: {  	s19 =	sor.u32 s19, s20;
	[sflag:s10] =	ssyncadd.s32 $0xFFFFC000  }
0xf6: {  	v3 =	vld [tilespmem:s19+$0x170]  }
0xf7: {  	v4 =	vld [tilespmem:s19+$0x100]  }
0xf8: {  	v5 =	vld [tilespmem:s19+$0x8170]  }
0xf9: {  	v6 =	vld [tilespmem:s19+$0x110]  }
0xfa: {  	v7 =	vld [tilespmem:s19+$0x120]  }
0xfb: {  	v11 =	vld [tilespmem:s19+$0x130]  }
0xfc: {  	v12 =	vld [tilespmem:s19+$0x140]  }
0xfd: {  	v14 =	vld [tilespmem:s19+$0x150]  }
0xfe: {  	v8 =	vld [tilespmem:s19+$0x160];
	v9 =	vmul.f32 $3.200000000e+01, v3  }
0xff: {  	v10 =	vld [tilespmem:s19+$0x8100]  }
0x100: {  	v13 =	vld [tilespmem:s19+$0x8110];
	v3 =	vmul.f32 $3.200000000e+01, v4;
	v7 =	vmul.f32 $3.200000000e+01, v7;
	v4 =	vadd.f32 v5, v9  }
0x101: {  	s22 =	simm.s32 $0x400;
	v9 =	vmul.f32 $3.200000000e+01, v6;
	v6 =	vmul.f32 $3.200000000e+01, v11;
	v11 =	vld [tilespmem:s19+$0x8120]  }
0x102: {  	s21 =	simm.s32 $0x10;
	s20 =	simm.s32 $0x0;
	s23 =	simm.s32 $0x80;
	v5 =	vmul.f32 $3.200000000e+01, v12;
	v12 =	vld [tilespmem:s19+$0x8130];
	[tilespmem:s19+$0x10170] =	vst v4;
	v4 =	vmul.f32 $3.200000000e+01, v14  }
.LBB2_6:
0x103: {  	s24 =	sand.u32 $0x2000, s23;
	s25 =	sand.u32 $0x1C00, s22;
	s20 =	sadd.s32 $0x8, s20;
	v14 =	vld [tilespmem:s19+$0x8140];
	v8 =	vmul.f32 $3.200000000e+01, v8  }
0x104: {  	s24 =	sor.u32 s25, s24;
	s25 =	sand.u32 $0x380, s21;
	p0 =	slt.u32 s20, $0x3F8;
	v3 =	vadd.f32 v10, v3;
	v10 =	vld [tilespmem:s19+$0x8150]  }
0x105: {  	s24 =	sor.u32 s25, s24;
	v9 =	vadd.f32 v13, v9;
	v13 =	vld [tilespmem:s19+$0x8160]  }
0x106: {  	v15 =	vld [tilespmem:s24+$0x170];
	[tilespmem:s19+$0x10100] =	vst v3;
	v3 =	vadd.f32 v11, v7  }
0x107: {  	v7 =	vld [tilespmem:s24+$0x100];
	[tilespmem:s19+$0x10110] =	vst v9;
	v6 =	vadd.f32 v12, v6  }
0x108: {  	v9 =	vld [tilespmem:s24+$0x8170];
	[tilespmem:s19+$0x10120] =	vst v3;
	v3 =	vadd.f32 v14, v5  }
0x109: {  	v5 =	vld [tilespmem:s24+$0x110];
	[tilespmem:s19+$0x10130] =	vst v6;
	v4 =	vadd.f32 v10, v4  }
0x10a: {  	v6 =	vld [tilespmem:s24+$0x120];
	[tilespmem:s19+$0x10140] =	vst v3;
	v8 =	vadd.f32 v13, v8  }
0x10b: {  	v11 =	vld [tilespmem:s24+$0x130];
	v10 =	vmul.f32 $3.200000000e+01, v15;
	[tilespmem:s19+$0x10150] =	vst v4  }
0x10c: {  	v3 =	vmul.f32 $3.200000000e+01, v7;
	v4 =	vld [tilespmem:s24+$0x140];
	[tilespmem:s19+$0x10160] =	vst v8;
	s19 =	smov.u32 s24  }
0x10d: {  	v14 =	vld [tilespmem:s19+$0x150];
	v12 =	vadd.f32 v9, v10  }
.Ltmp2:
0x10e: {  	v9 =	vmul.f32 $3.200000000e+01, v5;
	v8 =	vld [tilespmem:s19+$0x160];
	(pc) =	sbr.rel @p0 .LBB2_6-.Ltmp2, $4  }
0x10f: {  	v10 =	vld [tilespmem:s19+$0x8100];
	v7 =	vmul.f32 $3.200000000e+01, v6;
	[tilespmem:s19+$0x10170] =	vst v12  }
0x110: {  	v13 =	vld [tilespmem:s19+$0x8110];
	v6 =	vmul.f32 $3.200000000e+01, v11  }
0x111: {  	v11 =	vld [tilespmem:s19+$0x8120];
	v5 =	vmul.f32 $3.200000000e+01, v4  }
0x112: {  	s22 =	sadd.s32 $0x400, s22;
	s23 =	sadd.s32 $0x80, s23;
	s21 =	sadd.s32 $0x10, s21;
	v12 =	vld [tilespmem:s19+$0x8130];
	v4 =	vmul.f32 $3.200000000e+01, v14  }
0x113: {  	v14 =	vld [tilespmem:s19+$0x8140]  }
0x114: {  	v3 =	vadd.f32 v10, v3;
	v10 =	vld [tilespmem:s19+$0x8150]  }
0x115: {  	v9 =	vadd.f32 v13, v9;
	v13 =	vld [tilespmem:s19+$0x8160]  }
0x116: {  	[tilespmem:s19+$0x10100] =	vst v3;
	v3 =	vadd.f32 v11, v7  }
0x117: {  	[tilespmem:s19+$0x10110] =	vst v9;
	v6 =	vadd.f32 v12, v6  }
0x118: {  	v7 =	vmul.f32 $3.200000000e+01, v8;
	[tilespmem:s19+$0x10120] =	vst v3;
	v3 =	vadd.f32 v14, v5  }
0x119: {  	[tilespmem:s19+$0x10130] =	vst v6;
	v4 =	vadd.f32 v10, v4  }
0x11a: {  	[tilespmem:s19+$0x10140] =	vst v3;
	v3 =	vadd.f32 v13, v7  }
0x11b: {  	[tilespmem:s19+$0x10150] =	vst v4  }
0x11c: {  	[tilespmem:s19+$0x10160] =	vst v3  }
0x11d: {  	s19 =	simm.s32 $0x0;
	s20 =	rddreg [dreg:$0xc]  }
0x11e: {  	[hbm4b:s20+s19] =	stream.linear.scatter [tilespmem:s14], [sflag:$0x5], $0x4000, $0x38;
	[tilespmem:$0x18100] =	vst v63  }
0x11f: {  	v3 =	vld [tilespmem:$0x40];
	_ =	sdelay $0x4  }
0x120: {  	v4 =	vshll.u32 v3, $0x3  }
0x121: {  	v3 =	vand.u32 $0x7, v3;
	v4 =	vand.u32 $0xFFFFFFC0, v4  }
0x122: {  	v3 =	vor.u32 v3, v4  }
0x123: {  	v4 =	vperm.xlane v3, v0;
	_ =	sdelay $0x1  }
0x124: {  	v4 =	vadd.s32 v1, v4;
	_ =	sdelay $0x3  }
0x125: {  	s21 =	simm.s32 $0x100  }
0x126: {  	[tilespmem:s21], [sflag:$0x1] =	stream.indirect_vreg.gather [hbm4b:s1+s19], $0x80, v4, vm0, $0xb8;
	[tilespmem:$0x18100] =	vst v63  }
0x127: {  	s22 =	simm.s32 $0x900;
	v3 =	vperm.xlane v3, v2  }
0x128: {  	[tilespmem:s22], [sflag:$0x1] =	stream.indirect_vreg.gather [hbm4b:s5+s19], $0x80, v4, vm0, $0xb8;
	[tilespmem:$0x18100] =	vst v63  }
0x129: {  	s23 =	simm.s32 $0x1100;
	v3 =	vadd.s32 v1, v3  }
0x12a: {  	[tilespmem:s23], [sflag:$0x1] =	stream.indirect_vreg.gather [hbm4b:s6+s19], $0x80, v4, vm0, $0xb8;
	[tilespmem:$0x18100] =	vst v63  }
0x12b: {  	s24 =	simm.s32 $0x1900  }
0x12c: {  	[tilespmem:s24], [sflag:$0x1] =	stream.indirect_vreg.gather [hbm4b:s7+s19], $0x80, v4, vm0, $0xb8;
	[tilespmem:$0x18100] =	vst v63  }
0x12d: {  	s25 =	simm.s32 $0x2100  }
0x12e: {  	[tilespmem:s25], [sflag:$0x1] =	stream.indirect_vreg.gather [hbm4b:s1+s19], $0x80, v3, vm0, $0xb8;
	[tilespmem:$0x18100] =	vst v63  }
0x12f: {  	s21 =	simm.s32 $0x2900  }
0x130: {  	[tilespmem:s21], [sflag:$0x1] =	stream.indirect_vreg.gather [hbm4b:s5+s19], $0x80, v3, vm0, $0xb8;
	[tilespmem:$0x18100] =	vst v63  }
0x131: {  	s22 =	simm.s32 $0x3100  }
0x132: {  	[tilespmem:s22], [sflag:$0x1] =	stream.indirect_vreg.gather [hbm4b:s6+s19], $0x80, v3, vm0, $0xb8;
	[tilespmem:$0x18100] =	vst v63  }
0x133: {  	s23 =	simm.s32 $0x3900  }
0x134: {  	[tilespmem:s23], [sflag:$0x1] =	stream.indirect_vreg.gather [hbm4b:s7+s19], $0x80, v3, vm0, $0xb8;
	[tilespmem:$0x18100] =	vst v63  }
0x135: {  	s24 =	rddreg [dreg:$0xd]  }
0x136: {  	[tilespmem:s26], [sflag:$0x3] =	stream.linear.gather [hbm4b:s24+s19], $0x4000, $0x38;
	[tilespmem:$0x18100] =	vst v63  }
0x137: {  	_ =	swait.ge [sflag:s15], $0x4000  }
0x138: {  	[sflag:s15] =	ssyncset.done $0x0  }
0x139: {  	[sflag:s15] =	ssyncadd.s32 $0xFFFFC000  }
0x13a: {  	_ =	swait.ge [sflag:s16], $0x4000  }
0x13b: {  	[sflag:s16] =	ssyncset.done $0x0  }
0x13c: {  	[sflag:s16] =	ssyncadd.s32 $0xFFFFC000  }
0x13d: {  	s25 =	sand.u32 $0x2000, s19;
	s21 =	sand.u32 $0x1C00, s19;
	_ =	swait.ge [sflag:s17], $0x4000  }
0x13e: {  	s20 =	sor.u32 s21, s25;
	s19 =	sand.u32 $0x380, s19;
	[sflag:s17] =	ssyncset.done $0x0  }
0x13f: {  	s19 =	sor.u32 s19, s20;
	[sflag:s17] =	ssyncadd.s32 $0xFFFFC000  }
0x140: {  	v3 =	vld [tilespmem:s19+$0x4170]  }
0x141: {  	v4 =	vld [tilespmem:s19+$0x4100]  }
0x142: {  	v5 =	vld [tilespmem:s19+$0xC170]  }
0x143: {  	v6 =	vld [tilespmem:s19+$0x4110]  }
0x144: {  	v7 =	vld [tilespmem:s19+$0x4120]  }
0x145: {  	v11 =	vld [tilespmem:s19+$0x4130]  }
0x146: {  	v12 =	vld [tilespmem:s19+$0x4140]  }
0x147: {  	v14 =	vld [tilespmem:s19+$0x4150]  }
0x148: {  	v8 =	vld [tilespmem:s19+$0x4160];
	v9 =	vmul.f32 $3.200000000e+01, v3  }
0x149: {  	v10 =	vld [tilespmem:s19+$0xC100]  }
0x14a: {  	v13 =	vld [tilespmem:s19+$0xC110];
	v3 =	vmul.f32 $3.200000000e+01, v4;
	v7 =	vmul.f32 $3.200000000e+01, v7;
	v4 =	vadd.f32 v5, v9  }
0x14b: {  	s21 =	simm.s32 $0x10;
	v9 =	vmul.f32 $3.200000000e+01, v6;
	v6 =	vmul.f32 $3.200000000e+01, v11;
	v11 =	vld [tilespmem:s19+$0xC120]  }
0x14c: {  	s22 =	simm.s32 $0x400;
	s23 =	simm.s32 $0x80;
	s20 =	simm.s32 $0x0;
	v5 =	vmul.f32 $3.200000000e+01, v12;
	v12 =	vld [tilespmem:s19+$0xC130];
	[tilespmem:s19+$0x14170] =	vst v4;
	v4 =	vmul.f32 $3.200000000e+01, v14  }
.LBB2_8:
0x14d: {  	s24 =	sand.u32 $0x2000, s23;
	s25 =	sand.u32 $0x1C00, s22;
	s20 =	sadd.s32 $0x8, s20;
	v14 =	vld [tilespmem:s19+$0xC140];
	v8 =	vmul.f32 $3.200000000e+01, v8  }
0x14e: {  	s24 =	sor.u32 s25, s24;
	s25 =	sand.u32 $0x380, s21;
	p0 =	slt.u32 s20, $0x3F8;
	v3 =	vadd.f32 v10, v3;
	v10 =	vld [tilespmem:s19+$0xC150]  }
0x14f: {  	s24 =	sor.u32 s25, s24;
	v9 =	vadd.f32 v13, v9;
	v13 =	vld [tilespmem:s19+$0xC160]  }
0x150: {  	v15 =	vld [tilespmem:s24+$0x4170];
	[tilespmem:s19+$0x14100] =	vst v3;
	v3 =	vadd.f32 v11, v7  }
0x151: {  	v7 =	vld [tilespmem:s24+$0x4100];
	[tilespmem:s19+$0x14110] =	vst v9;
	v6 =	vadd.f32 v12, v6  }
0x152: {  	v9 =	vld [tilespmem:s24+$0xC170];
	[tilespmem:s19+$0x14120] =	vst v3;
	v3 =	vadd.f32 v14, v5  }
0x153: {  	v5 =	vld [tilespmem:s24+$0x4110];
	[tilespmem:s19+$0x14130] =	vst v6;
	v4 =	vadd.f32 v10, v4  }
0x154: {  	v6 =	vld [tilespmem:s24+$0x4120];
	[tilespmem:s19+$0x14140] =	vst v3;
	v8 =	vadd.f32 v13, v8  }
0x155: {  	v11 =	vld [tilespmem:s24+$0x4130];
	v10 =	vmul.f32 $3.200000000e+01, v15;
	[tilespmem:s19+$0x14150] =	vst v4  }
0x156: {  	v3 =	vmul.f32 $3.200000000e+01, v7;
	v4 =	vld [tilespmem:s24+$0x4140];
	[tilespmem:s19+$0x14160] =	vst v8;
	s19 =	smov.u32 s24  }
0x157: {  	v14 =	vld [tilespmem:s19+$0x4150];
	v12 =	vadd.f32 v9, v10  }
.Ltmp3:
0x158: {  	v9 =	vmul.f32 $3.200000000e+01, v5;
	v8 =	vld [tilespmem:s19+$0x4160];
	(pc) =	sbr.rel @p0 .LBB2_8-.Ltmp3, $4  }
0x159: {  	v10 =	vld [tilespmem:s19+$0xC100];
	v7 =	vmul.f32 $3.200000000e+01, v6;
	[tilespmem:s19+$0x14170] =	vst v12  }
0x15a: {  	v13 =	vld [tilespmem:s19+$0xC110];
	v6 =	vmul.f32 $3.200000000e+01, v11  }
0x15b: {  	v11 =	vld [tilespmem:s19+$0xC120];
	v5 =	vmul.f32 $3.200000000e+01, v4  }
0x15c: {  	s22 =	sadd.s32 $0x400, s22;
	s23 =	sadd.s32 $0x80, s23;
	s21 =	sadd.s32 $0x10, s21;
	v12 =	vld [tilespmem:s19+$0xC130];
	v4 =	vmul.f32 $3.200000000e+01, v14  }
0x15d: {  	v14 =	vld [tilespmem:s19+$0xC140]  }
0x15e: {  	v3 =	vadd.f32 v10, v3;
	v10 =	vld [tilespmem:s19+$0xC150]  }
0x15f: {  	v9 =	vadd.f32 v13, v9;
	v13 =	vld [tilespmem:s19+$0xC160]  }
0x160: {  	[tilespmem:s19+$0x14100] =	vst v3;
	v3 =	vadd.f32 v11, v7  }
0x161: {  	[tilespmem:s19+$0x14110] =	vst v9;
	v6 =	vadd.f32 v12, v6  }
0x162: {  	v7 =	vmul.f32 $3.200000000e+01, v8;
	[tilespmem:s19+$0x14120] =	vst v3;
	v3 =	vadd.f32 v14, v5  }
0x163: {  	[tilespmem:s19+$0x14130] =	vst v6;
	v4 =	vadd.f32 v10, v4  }
0x164: {  	[tilespmem:s19+$0x14140] =	vst v3;
	v3 =	vadd.f32 v13, v7  }
0x165: {  	[tilespmem:s19+$0x14150] =	vst v4  }
0x166: {  	[tilespmem:s19+$0x14160] =	vst v3  }
0x167: {  	s23 =	simm.s32 $0x0;
	s20 =	rddreg [dreg:$0xe]  }
0x168: {  	[hbm4b:s20+s23] =	stream.linear.scatter [tilespmem:s8], [sflag:$0x6], $0x4000, $0x38;
	[tilespmem:$0x18100] =	vst v63  }
0x169: {  	v3 =	vld [tilespmem:$0x50];
	_ =	sdelay $0x4  }
0x16a: {  	v4 =	vshll.u32 v3, $0x3  }
0x16b: {  	v3 =	vand.u32 $0x7, v3;
	v4 =	vand.u32 $0xFFFFFFC0, v4  }
0x16c: {  	v3 =	vor.u32 v3, v4  }
0x16d: {  	v4 =	vperm.xlane v3, v0;
	_ =	sdelay $0x1  }
0x16e: {  	v4 =	vadd.s32 v1, v4;
	_ =	sdelay $0x4  }
0x16f: {  	[tilespmem:s28], [sflag:$0x2] =	stream.indirect_vreg.gather [hbm4b:s1+s23], $0x80, v4, vm0, $0xb8;
	[tilespmem:$0x18100] =	vst v63  }
0x170: {  	v3 =	vperm.xlane v3, v2  }
0x171: {  	[tilespmem:s29], [sflag:$0x2] =	stream.indirect_vreg.gather [hbm4b:s5+s23], $0x80, v4, vm0, $0xb8;
	[tilespmem:$0x18100] =	vst v63  }
0x172: {  	v3 =	vadd.s32 v1, v3  }
0x173: {  	[tilespmem:s30], [sflag:$0x2] =	stream.indirect_vreg.gather [hbm4b:s6+s23], $0x80, v4, vm0, $0xb8;
	[tilespmem:$0x18100] =	vst v63  }
0x174: {  	_ = 	snop  }
0x175: {  	[tilespmem:s31], [sflag:$0x2] =	stream.indirect_vreg.gather [hbm4b:s7+s23], $0x80, v4, vm0, $0xb8;
	[tilespmem:$0x18100] =	vst v63  }
0x176: {  	_ = 	snop  }
0x177: {  	[tilespmem:s0], [sflag:$0x2] =	stream.indirect_vreg.gather [hbm4b:s1+s23], $0x80, v3, vm0, $0xb8;
	[tilespmem:$0x18100] =	vst v63  }
0x178: {  	_ = 	snop  }
0x179: {  	[tilespmem:s2], [sflag:$0x2] =	stream.indirect_vreg.gather [hbm4b:s5+s23], $0x80, v3, vm0, $0xb8;
	[tilespmem:$0x18100] =	vst v63  }
0x17a: {  	_ = 	snop  }
0x17b: {  	[tilespmem:s4], [sflag:$0x2] =	stream.indirect_vreg.gather [hbm4b:s6+s23], $0x80, v3, vm0, $0xb8;
	[tilespmem:$0x18100] =	vst v63  }
0x17c: {  	_ = 	snop  }
0x17d: {  	[tilespmem:s9], [sflag:$0x2] =	stream.indirect_vreg.gather [hbm4b:s7+s23], $0x80, v3, vm0, $0xb8;
	[tilespmem:$0x18100] =	vst v63  }
0x17e: {  	s24 =	rddreg [dreg:$0xf]  }
0x17f: {  	[tilespmem:s11], [sflag:$0x4] =	stream.linear.gather [hbm4b:s24+s23], $0x4000, $0x38;
	[tilespmem:$0x18100] =	vst v63  }
0x180: {  	_ =	swait.ge [sflag:s12], $0x4000  }
0x181: {  	[sflag:s12] =	ssyncset.done $0x0  }
0x182: {  	[sflag:s12] =	ssyncadd.s32 $0xFFFFC000  }
0x183: {  	_ =	swait.ge [sflag:s13], $0x4000  }
0x184: {  	[sflag:s13] =	ssyncset.done $0x0  }
0x185: {  	[sflag:s13] =	ssyncadd.s32 $0xFFFFC000  }
0x186: {  	s25 =	sand.u32 $0x2000, s23;
	s21 =	sand.u32 $0x1C00, s23;
	_ =	swait.ge [sflag:s10], $0x4000  }
0x187: {  	s19 =	sand.u32 $0x380, s23;
	s20 =	sor.u32 s21, s25;
	[sflag:s10] =	ssyncset.done $0x0  }
0x188: {  	s19 =	sor.u32 s19, s20;
	[sflag:s10] =	ssyncadd.s32 $0xFFFFC000  }
0x189: {  	v3 =	vld [tilespmem:s19+$0x170]  }
0x18a: {  	v4 =	vld [tilespmem:s19+$0x100]  }
0x18b: {  	v5 =	vld [tilespmem:s19+$0x8170]  }
0x18c: {  	v6 =	vld [tilespmem:s19+$0x110]  }
0x18d: {  	v7 =	vld [tilespmem:s19+$0x120]  }
0x18e: {  	v11 =	vld [tilespmem:s19+$0x130]  }
0x18f: {  	v12 =	vld [tilespmem:s19+$0x140]  }
0x190: {  	v14 =	vld [tilespmem:s19+$0x150]  }
0x191: {  	v8 =	vld [tilespmem:s19+$0x160];
	v9 =	vmul.f32 $3.200000000e+01, v3  }
0x192: {  	v10 =	vld [tilespmem:s19+$0x8100]  }
0x193: {  	v13 =	vld [tilespmem:s19+$0x8110];
	v3 =	vmul.f32 $3.200000000e+01, v4;
	v7 =	vmul.f32 $3.200000000e+01, v7;
	v4 =	vadd.f32 v5, v9  }
0x194: {  	s22 =	simm.s32 $0x400;
	v9 =	vmul.f32 $3.200000000e+01, v6;
	v6 =	vmul.f32 $3.200000000e+01, v11;
	v11 =	vld [tilespmem:s19+$0x8120]  }
0x195: {  	s21 =	simm.s32 $0x10;
	s20 =	simm.s32 $0x0;
	s23 =	simm.s32 $0x80;
	v5 =	vmul.f32 $3.200000000e+01, v12;
	v12 =	vld [tilespmem:s19+$0x8130];
	[tilespmem:s19+$0x10170] =	vst v4;
	v4 =	vmul.f32 $3.200000000e+01, v14  }
.LBB2_10:
0x196: {  	s24 =	sand.u32 $0x2000, s23;
	s25 =	sand.u32 $0x1C00, s22;
	s20 =	sadd.s32 $0x8, s20;
	v14 =	vld [tilespmem:s19+$0x8140];
	v8 =	vmul.f32 $3.200000000e+01, v8  }
0x197: {  	s24 =	sor.u32 s25, s24;
	s25 =	sand.u32 $0x380, s21;
	p0 =	slt.u32 s20, $0x3F8;
	v3 =	vadd.f32 v10, v3;
	v10 =	vld [tilespmem:s19+$0x8150]  }
0x198: {  	s24 =	sor.u32 s25, s24;
	v9 =	vadd.f32 v13, v9;
	v13 =	vld [tilespmem:s19+$0x8160]  }
0x199: {  	v15 =	vld [tilespmem:s24+$0x170];
	[tilespmem:s19+$0x10100] =	vst v3;
	v3 =	vadd.f32 v11, v7  }
0x19a: {  	v7 =	vld [tilespmem:s24+$0x100];
	[tilespmem:s19+$0x10110] =	vst v9;
	v6 =	vadd.f32 v12, v6  }
0x19b: {  	v9 =	vld [tilespmem:s24+$0x8170];
	[tilespmem:s19+$0x10120] =	vst v3;
	v3 =	vadd.f32 v14, v5  }
0x19c: {  	v5 =	vld [tilespmem:s24+$0x110];
	[tilespmem:s19+$0x10130] =	vst v6;
	v4 =	vadd.f32 v10, v4  }
0x19d: {  	v6 =	vld [tilespmem:s24+$0x120];
	[tilespmem:s19+$0x10140] =	vst v3;
	v8 =	vadd.f32 v13, v8  }
0x19e: {  	v11 =	vld [tilespmem:s24+$0x130];
	v10 =	vmul.f32 $3.200000000e+01, v15;
	[tilespmem:s19+$0x10150] =	vst v4  }
0x19f: {  	v3 =	vmul.f32 $3.200000000e+01, v7;
	v4 =	vld [tilespmem:s24+$0x140];
	[tilespmem:s19+$0x10160] =	vst v8;
	s19 =	smov.u32 s24  }
0x1a0: {  	v14 =	vld [tilespmem:s19+$0x150];
	v12 =	vadd.f32 v9, v10  }
.Ltmp4:
0x1a1: {  	v9 =	vmul.f32 $3.200000000e+01, v5;
	v8 =	vld [tilespmem:s19+$0x160];
	(pc) =	sbr.rel @p0 .LBB2_10-.Ltmp4, $4  }
0x1a2: {  	v10 =	vld [tilespmem:s19+$0x8100];
	v7 =	vmul.f32 $3.200000000e+01, v6;
	[tilespmem:s19+$0x10170] =	vst v12  }
0x1a3: {  	v13 =	vld [tilespmem:s19+$0x8110];
	v6 =	vmul.f32 $3.200000000e+01, v11  }
0x1a4: {  	v11 =	vld [tilespmem:s19+$0x8120];
	v5 =	vmul.f32 $3.200000000e+01, v4  }
0x1a5: {  	s22 =	sadd.s32 $0x400, s22;
	s23 =	sadd.s32 $0x80, s23;
	s21 =	sadd.s32 $0x10, s21;
	v12 =	vld [tilespmem:s19+$0x8130];
	v4 =	vmul.f32 $3.200000000e+01, v14  }
0x1a6: {  	v14 =	vld [tilespmem:s19+$0x8140]  }
0x1a7: {  	v3 =	vadd.f32 v10, v3;
	v10 =	vld [tilespmem:s19+$0x8150]  }
0x1a8: {  	v9 =	vadd.f32 v13, v9;
	v13 =	vld [tilespmem:s19+$0x8160]  }
0x1a9: {  	[tilespmem:s19+$0x10100] =	vst v3;
	v3 =	vadd.f32 v11, v7  }
0x1aa: {  	[tilespmem:s19+$0x10110] =	vst v9;
	v6 =	vadd.f32 v12, v6  }
0x1ab: {  	v7 =	vmul.f32 $3.200000000e+01, v8;
	[tilespmem:s19+$0x10120] =	vst v3;
	v3 =	vadd.f32 v14, v5  }
0x1ac: {  	[tilespmem:s19+$0x10130] =	vst v6;
	v4 =	vadd.f32 v10, v4  }
0x1ad: {  	[tilespmem:s19+$0x10140] =	vst v3;
	v3 =	vadd.f32 v13, v7  }
0x1ae: {  	[tilespmem:s19+$0x10150] =	vst v4  }
0x1af: {  	[tilespmem:s19+$0x10160] =	vst v3  }
0x1b0: {  	s19 =	simm.s32 $0x0;
	s20 =	rddreg [dreg:$0x10]  }
0x1b1: {  	[hbm4b:s20+s19] =	stream.linear.scatter [tilespmem:s14], [sflag:$0x5], $0x4000, $0x38;
	[tilespmem:$0x18100] =	vst v63  }
0x1b2: {  	v3 =	vld [tilespmem:$0x60];
	_ =	sdelay $0x4  }
0x1b3: {  	v4 =	vshll.u32 v3, $0x3  }
0x1b4: {  	v3 =	vand.u32 $0x7, v3;
	v4 =	vand.u32 $0xFFFFFFC0, v4  }
0x1b5: {  	v3 =	vor.u32 v3, v4  }
0x1b6: {  	v4 =	vperm.xlane v3, v0;
	_ =	sdelay $0x1  }
0x1b7: {  	v4 =	vadd.s32 v1, v4;
	_ =	sdelay $0x3  }
0x1b8: {  	s21 =	simm.s32 $0x100  }
0x1b9: {  	[tilespmem:s21], [sflag:$0x1] =	stream.indirect_vreg.gather [hbm4b:s1+s19], $0x80, v4, vm0, $0xb8;
	[tilespmem:$0x18100] =	vst v63  }
0x1ba: {  	s22 =	simm.s32 $0x900;
	v3 =	vperm.xlane v3, v2  }
0x1bb: {  	[tilespmem:s22], [sflag:$0x1] =	stream.indirect_vreg.gather [hbm4b:s5+s19], $0x80, v4, vm0, $0xb8;
	[tilespmem:$0x18100] =	vst v63  }
0x1bc: {  	s23 =	simm.s32 $0x1100;
	v3 =	vadd.s32 v1, v3  }
0x1bd: {  	[tilespmem:s23], [sflag:$0x1] =	stream.indirect_vreg.gather [hbm4b:s6+s19], $0x80, v4, vm0, $0xb8;
	[tilespmem:$0x18100] =	vst v63  }
0x1be: {  	s24 =	simm.s32 $0x1900  }
0x1bf: {  	[tilespmem:s24], [sflag:$0x1] =	stream.indirect_vreg.gather [hbm4b:s7+s19], $0x80, v4, vm0, $0xb8;
	[tilespmem:$0x18100] =	vst v63  }
0x1c0: {  	s25 =	simm.s32 $0x2100  }
0x1c1: {  	[tilespmem:s25], [sflag:$0x1] =	stream.indirect_vreg.gather [hbm4b:s1+s19], $0x80, v3, vm0, $0xb8;
	[tilespmem:$0x18100] =	vst v63  }
0x1c2: {  	s21 =	simm.s32 $0x2900  }
0x1c3: {  	[tilespmem:s21], [sflag:$0x1] =	stream.indirect_vreg.gather [hbm4b:s5+s19], $0x80, v3, vm0, $0xb8;
	[tilespmem:$0x18100] =	vst v63  }
0x1c4: {  	s22 =	simm.s32 $0x3100  }
0x1c5: {  	[tilespmem:s22], [sflag:$0x1] =	stream.indirect_vreg.gather [hbm4b:s6+s19], $0x80, v3, vm0, $0xb8;
	[tilespmem:$0x18100] =	vst v63  }
0x1c6: {  	s23 =	simm.s32 $0x3900  }
0x1c7: {  	[tilespmem:s23], [sflag:$0x1] =	stream.indirect_vreg.gather [hbm4b:s7+s19], $0x80, v3, vm0, $0xb8;
	[tilespmem:$0x18100] =	vst v63  }
0x1c8: {  	s24 =	rddreg [dreg:$0x11]  }
0x1c9: {  	[tilespmem:s26], [sflag:$0x3] =	stream.linear.gather [hbm4b:s24+s19], $0x4000, $0x38;
	[tilespmem:$0x18100] =	vst v63  }
0x1ca: {  	_ =	swait.ge [sflag:s15], $0x4000  }
0x1cb: {  	[sflag:s15] =	ssyncset.done $0x0  }
0x1cc: {  	[sflag:s15] =	ssyncadd.s32 $0xFFFFC000  }
0x1cd: {  	_ =	swait.ge [sflag:s16], $0x4000  }
0x1ce: {  	[sflag:s16] =	ssyncset.done $0x0  }
0x1cf: {  	[sflag:s16] =	ssyncadd.s32 $0xFFFFC000  }
0x1d0: {  	s25 =	sand.u32 $0x2000, s19;
	s21 =	sand.u32 $0x1C00, s19;
	_ =	swait.ge [sflag:s17], $0x4000  }
0x1d1: {  	s20 =	sor.u32 s21, s25;
	s19 =	sand.u32 $0x380, s19;
	[sflag:s17] =	ssyncset.done $0x0  }
0x1d2: {  	s19 =	sor.u32 s19, s20;
	[sflag:s17] =	ssyncadd.s32 $0xFFFFC000  }
0x1d3: {  	v3 =	vld [tilespmem:s19+$0x4170]  }
0x1d4: {  	v4 =	vld [tilespmem:s19+$0x4100]  }
0x1d5: {  	v5 =	vld [tilespmem:s19+$0xC170]  }
0x1d6: {  	v6 =	vld [tilespmem:s19+$0x4110]  }
0x1d7: {  	v7 =	vld [tilespmem:s19+$0x4120]  }
0x1d8: {  	v11 =	vld [tilespmem:s19+$0x4130]  }
0x1d9: {  	v12 =	vld [tilespmem:s19+$0x4140]  }
0x1da: {  	v14 =	vld [tilespmem:s19+$0x4150]  }
0x1db: {  	v8 =	vld [tilespmem:s19+$0x4160];
	v9 =	vmul.f32 $3.200000000e+01, v3  }
0x1dc: {  	v10 =	vld [tilespmem:s19+$0xC100]  }
0x1dd: {  	v13 =	vld [tilespmem:s19+$0xC110];
	v3 =	vmul.f32 $3.200000000e+01, v4;
	v7 =	vmul.f32 $3.200000000e+01, v7;
	v4 =	vadd.f32 v5, v9  }
0x1de: {  	s21 =	simm.s32 $0x10;
	v9 =	vmul.f32 $3.200000000e+01, v6;
	v6 =	vmul.f32 $3.200000000e+01, v11;
	v11 =	vld [tilespmem:s19+$0xC120]  }
0x1df: {  	s22 =	simm.s32 $0x400;
	s23 =	simm.s32 $0x80;
	s20 =	simm.s32 $0x0;
	v5 =	vmul.f32 $3.200000000e+01, v12;
	v12 =	vld [tilespmem:s19+$0xC130];
	[tilespmem:s19+$0x14170] =	vst v4;
	v4 =	vmul.f32 $3.200000000e+01, v14  }
.LBB2_12:
0x1e0: {  	s24 =	sand.u32 $0x2000, s23;
	s25 =	sand.u32 $0x1C00, s22;
	s20 =	sadd.s32 $0x8, s20;
	v14 =	vld [tilespmem:s19+$0xC140];
	v8 =	vmul.f32 $3.200000000e+01, v8  }
0x1e1: {  	s24 =	sor.u32 s25, s24;
	s25 =	sand.u32 $0x380, s21;
	p0 =	slt.u32 s20, $0x3F8;
	v3 =	vadd.f32 v10, v3;
	v10 =	vld [tilespmem:s19+$0xC150]  }
0x1e2: {  	s24 =	sor.u32 s25, s24;
	v9 =	vadd.f32 v13, v9;
	v13 =	vld [tilespmem:s19+$0xC160]  }
0x1e3: {  	v15 =	vld [tilespmem:s24+$0x4170];
	[tilespmem:s19+$0x14100] =	vst v3;
	v3 =	vadd.f32 v11, v7  }
0x1e4: {  	v7 =	vld [tilespmem:s24+$0x4100];
	[tilespmem:s19+$0x14110] =	vst v9;
	v6 =	vadd.f32 v12, v6  }
0x1e5: {  	v9 =	vld [tilespmem:s24+$0xC170];
	[tilespmem:s19+$0x14120] =	vst v3;
	v3 =	vadd.f32 v14, v5  }
0x1e6: {  	v5 =	vld [tilespmem:s24+$0x4110];
	[tilespmem:s19+$0x14130] =	vst v6;
	v4 =	vadd.f32 v10, v4  }
0x1e7: {  	v6 =	vld [tilespmem:s24+$0x4120];
	[tilespmem:s19+$0x14140] =	vst v3;
	v8 =	vadd.f32 v13, v8  }
0x1e8: {  	v11 =	vld [tilespmem:s24+$0x4130];
	v10 =	vmul.f32 $3.200000000e+01, v15;
	[tilespmem:s19+$0x14150] =	vst v4  }
0x1e9: {  	v3 =	vmul.f32 $3.200000000e+01, v7;
	v4 =	vld [tilespmem:s24+$0x4140];
	[tilespmem:s19+$0x14160] =	vst v8;
	s19 =	smov.u32 s24  }
0x1ea: {  	v14 =	vld [tilespmem:s19+$0x4150];
	v12 =	vadd.f32 v9, v10  }
.Ltmp5:
0x1eb: {  	v9 =	vmul.f32 $3.200000000e+01, v5;
	v8 =	vld [tilespmem:s19+$0x4160];
	(pc) =	sbr.rel @p0 .LBB2_12-.Ltmp5, $4  }
0x1ec: {  	v10 =	vld [tilespmem:s19+$0xC100];
	v7 =	vmul.f32 $3.200000000e+01, v6;
	[tilespmem:s19+$0x14170] =	vst v12  }
0x1ed: {  	v13 =	vld [tilespmem:s19+$0xC110];
	v6 =	vmul.f32 $3.200000000e+01, v11  }
0x1ee: {  	v11 =	vld [tilespmem:s19+$0xC120];
	v5 =	vmul.f32 $3.200000000e+01, v4  }
0x1ef: {  	s22 =	sadd.s32 $0x400, s22;
	s23 =	sadd.s32 $0x80, s23;
	s21 =	sadd.s32 $0x10, s21;
	v12 =	vld [tilespmem:s19+$0xC130];
	v4 =	vmul.f32 $3.200000000e+01, v14  }
0x1f0: {  	v14 =	vld [tilespmem:s19+$0xC140]  }
0x1f1: {  	v3 =	vadd.f32 v10, v3;
	v10 =	vld [tilespmem:s19+$0xC150]  }
0x1f2: {  	v9 =	vadd.f32 v13, v9;
	v13 =	vld [tilespmem:s19+$0xC160]  }
0x1f3: {  	[tilespmem:s19+$0x14100] =	vst v3;
	v3 =	vadd.f32 v11, v7  }
0x1f4: {  	[tilespmem:s19+$0x14110] =	vst v9;
	v6 =	vadd.f32 v12, v6  }
0x1f5: {  	v7 =	vmul.f32 $3.200000000e+01, v8;
	[tilespmem:s19+$0x14120] =	vst v3;
	v3 =	vadd.f32 v14, v5  }
0x1f6: {  	[tilespmem:s19+$0x14130] =	vst v6;
	v4 =	vadd.f32 v10, v4  }
0x1f7: {  	[tilespmem:s19+$0x14140] =	vst v3;
	v3 =	vadd.f32 v13, v7  }
0x1f8: {  	[tilespmem:s19+$0x14150] =	vst v4  }
0x1f9: {  	[tilespmem:s19+$0x14160] =	vst v3  }
0x1fa: {  	s23 =	simm.s32 $0x0;
	s20 =	rddreg [dreg:$0x12]  }
0x1fb: {  	[hbm4b:s20+s23] =	stream.linear.scatter [tilespmem:s8], [sflag:$0x6], $0x4000, $0x38;
	[tilespmem:$0x18100] =	vst v63  }
0x1fc: {  	v3 =	vld [tilespmem:$0x70];
	_ =	sdelay $0x4  }
0x1fd: {  	v4 =	vshll.u32 v3, $0x3  }
0x1fe: {  	v3 =	vand.u32 $0x7, v3;
	v4 =	vand.u32 $0xFFFFFFC0, v4  }
0x1ff: {  	v3 =	vor.u32 v3, v4  }
0x200: {  	v4 =	vperm.xlane v3, v0;
	_ =	sdelay $0x1  }
0x201: {  	v4 =	vadd.s32 v1, v4;
	_ =	sdelay $0x4  }
0x202: {  	[tilespmem:s28], [sflag:$0x2] =	stream.indirect_vreg.gather [hbm4b:s1+s23], $0x80, v4, vm0, $0xb8;
	[tilespmem:$0x18100] =	vst v63  }
0x203: {  	v3 =	vperm.xlane v3, v2  }
0x204: {  	[tilespmem:s29], [sflag:$0x2] =	stream.indirect_vreg.gather [hbm4b:s5+s23], $0x80, v4, vm0, $0xb8;
	[tilespmem:$0x18100] =	vst v63  }
0x205: {  	v3 =	vadd.s32 v1, v3  }
0x206: {  	[tilespmem:s30], [sflag:$0x2] =	stream.indirect_vreg.gather [hbm4b:s6+s23], $0x80, v4, vm0, $0xb8;
	[tilespmem:$0x18100] =	vst v63  }
0x207: {  	_ = 	snop  }
0x208: {  	[tilespmem:s31], [sflag:$0x2] =	stream.indirect_vreg.gather [hbm4b:s7+s23], $0x80, v4, vm0, $0xb8;
	[tilespmem:$0x18100] =	vst v63  }
0x209: {  	_ = 	snop  }
0x20a: {  	[tilespmem:s0], [sflag:$0x2] =	stream.indirect_vreg.gather [hbm4b:s1+s23], $0x80, v3, vm0, $0xb8;
	[tilespmem:$0x18100] =	vst v63  }
0x20b: {  	_ = 	snop  }
0x20c: {  	[tilespmem:s2], [sflag:$0x2] =	stream.indirect_vreg.gather [hbm4b:s5+s23], $0x80, v3, vm0, $0xb8;
	[tilespmem:$0x18100] =	vst v63  }
0x20d: {  	_ = 	snop  }
0x20e: {  	[tilespmem:s4], [sflag:$0x2] =	stream.indirect_vreg.gather [hbm4b:s6+s23], $0x80, v3, vm0, $0xb8;
	[tilespmem:$0x18100] =	vst v63  }
0x20f: {  	_ = 	snop  }
0x210: {  	[tilespmem:s9], [sflag:$0x2] =	stream.indirect_vreg.gather [hbm4b:s7+s23], $0x80, v3, vm0, $0xb8;
	[tilespmem:$0x18100] =	vst v63  }
0x211: {  	s24 =	rddreg [dreg:$0x13]  }
0x212: {  	[tilespmem:s11], [sflag:$0x4] =	stream.linear.gather [hbm4b:s24+s23], $0x4000, $0x38;
	[tilespmem:$0x18100] =	vst v63  }
0x213: {  	_ =	swait.ge [sflag:s12], $0x4000  }
0x214: {  	[sflag:s12] =	ssyncset.done $0x0  }
0x215: {  	[sflag:s12] =	ssyncadd.s32 $0xFFFFC000  }
0x216: {  	_ =	swait.ge [sflag:s13], $0x4000  }
0x217: {  	[sflag:s13] =	ssyncset.done $0x0  }
0x218: {  	[sflag:s13] =	ssyncadd.s32 $0xFFFFC000  }
0x219: {  	s25 =	sand.u32 $0x2000, s23;
	s21 =	sand.u32 $0x1C00, s23;
	_ =	swait.ge [sflag:s10], $0x4000  }
0x21a: {  	s19 =	sand.u32 $0x380, s23;
	s20 =	sor.u32 s21, s25;
	[sflag:s10] =	ssyncset.done $0x0  }
0x21b: {  	s19 =	sor.u32 s19, s20;
	[sflag:s10] =	ssyncadd.s32 $0xFFFFC000  }
0x21c: {  	v3 =	vld [tilespmem:s19+$0x170]  }
0x21d: {  	v4 =	vld [tilespmem:s19+$0x100]  }
0x21e: {  	v5 =	vld [tilespmem:s19+$0x8170]  }
0x21f: {  	v6 =	vld [tilespmem:s19+$0x110]  }
0x220: {  	v7 =	vld [tilespmem:s19+$0x120]  }
0x221: {  	v11 =	vld [tilespmem:s19+$0x130]  }
0x222: {  	v12 =	vld [tilespmem:s19+$0x140]  }
0x223: {  	v14 =	vld [tilespmem:s19+$0x150]  }
0x224: {  	v8 =	vld [tilespmem:s19+$0x160];
	v9 =	vmul.f32 $3.200000000e+01, v3  }
0x225: {  	v10 =	vld [tilespmem:s19+$0x8100]  }
0x226: {  	v13 =	vld [tilespmem:s19+$0x8110];
	v3 =	vmul.f32 $3.200000000e+01, v4;
	v7 =	vmul.f32 $3.200000000e+01, v7;
	v4 =	vadd.f32 v5, v9  }
0x227: {  	s22 =	simm.s32 $0x400;
	v9 =	vmul.f32 $3.200000000e+01, v6;
	v6 =	vmul.f32 $3.200000000e+01, v11;
	v11 =	vld [tilespmem:s19+$0x8120]  }
0x228: {  	s21 =	simm.s32 $0x10;
	s20 =	simm.s32 $0x0;
	s23 =	simm.s32 $0x80;
	v5 =	vmul.f32 $3.200000000e+01, v12;
	v12 =	vld [tilespmem:s19+$0x8130];
	[tilespmem:s19+$0x10170] =	vst v4;
	v4 =	vmul.f32 $3.200000000e+01, v14  }
.LBB2_14:
0x229: {  	s24 =	sand.u32 $0x2000, s23;
	s25 =	sand.u32 $0x1C00, s22;
	s20 =	sadd.s32 $0x8, s20;
	v14 =	vld [tilespmem:s19+$0x8140];
	v8 =	vmul.f32 $3.200000000e+01, v8  }
0x22a: {  	s24 =	sor.u32 s25, s24;
	s25 =	sand.u32 $0x380, s21;
	p0 =	slt.u32 s20, $0x3F8;
	v3 =	vadd.f32 v10, v3;
	v10 =	vld [tilespmem:s19+$0x8150]  }
0x22b: {  	s24 =	sor.u32 s25, s24;
	v9 =	vadd.f32 v13, v9;
	v13 =	vld [tilespmem:s19+$0x8160]  }
0x22c: {  	v15 =	vld [tilespmem:s24+$0x170];
	[tilespmem:s19+$0x10100] =	vst v3;
	v3 =	vadd.f32 v11, v7  }
0x22d: {  	v7 =	vld [tilespmem:s24+$0x100];
	[tilespmem:s19+$0x10110] =	vst v9;
	v6 =	vadd.f32 v12, v6  }
0x22e: {  	v9 =	vld [tilespmem:s24+$0x8170];
	[tilespmem:s19+$0x10120] =	vst v3;
	v3 =	vadd.f32 v14, v5  }
0x22f: {  	v5 =	vld [tilespmem:s24+$0x110];
	[tilespmem:s19+$0x10130] =	vst v6;
	v4 =	vadd.f32 v10, v4  }
0x230: {  	v6 =	vld [tilespmem:s24+$0x120];
	[tilespmem:s19+$0x10140] =	vst v3;
	v8 =	vadd.f32 v13, v8  }
0x231: {  	v11 =	vld [tilespmem:s24+$0x130];
	v10 =	vmul.f32 $3.200000000e+01, v15;
	[tilespmem:s19+$0x10150] =	vst v4  }
0x232: {  	v3 =	vmul.f32 $3.200000000e+01, v7;
	v4 =	vld [tilespmem:s24+$0x140];
	[tilespmem:s19+$0x10160] =	vst v8;
	s19 =	smov.u32 s24  }
0x233: {  	v14 =	vld [tilespmem:s19+$0x150];
	v12 =	vadd.f32 v9, v10  }
.Ltmp6:
0x234: {  	v9 =	vmul.f32 $3.200000000e+01, v5;
	v8 =	vld [tilespmem:s19+$0x160];
	(pc) =	sbr.rel @p0 .LBB2_14-.Ltmp6, $4  }
0x235: {  	v10 =	vld [tilespmem:s19+$0x8100];
	v7 =	vmul.f32 $3.200000000e+01, v6;
	[tilespmem:s19+$0x10170] =	vst v12  }
0x236: {  	v13 =	vld [tilespmem:s19+$0x8110];
	v6 =	vmul.f32 $3.200000000e+01, v11  }
0x237: {  	v11 =	vld [tilespmem:s19+$0x8120];
	v5 =	vmul.f32 $3.200000000e+01, v4  }
0x238: {  	s22 =	sadd.s32 $0x400, s22;
	s23 =	sadd.s32 $0x80, s23;
	s21 =	sadd.s32 $0x10, s21;
	v12 =	vld [tilespmem:s19+$0x8130];
	v4 =	vmul.f32 $3.200000000e+01, v14  }
0x239: {  	v14 =	vld [tilespmem:s19+$0x8140]  }
0x23a: {  	v3 =	vadd.f32 v10, v3;
	v10 =	vld [tilespmem:s19+$0x8150]  }
0x23b: {  	v9 =	vadd.f32 v13, v9;
	v13 =	vld [tilespmem:s19+$0x8160]  }
0x23c: {  	[tilespmem:s19+$0x10100] =	vst v3;
	v3 =	vadd.f32 v11, v7  }
0x23d: {  	[tilespmem:s19+$0x10110] =	vst v9;
	v6 =	vadd.f32 v12, v6  }
0x23e: {  	v7 =	vmul.f32 $3.200000000e+01, v8;
	[tilespmem:s19+$0x10120] =	vst v3;
	v3 =	vadd.f32 v14, v5  }
0x23f: {  	[tilespmem:s19+$0x10130] =	vst v6;
	v4 =	vadd.f32 v10, v4  }
0x240: {  	[tilespmem:s19+$0x10140] =	vst v3;
	v3 =	vadd.f32 v13, v7  }
0x241: {  	[tilespmem:s19+$0x10150] =	vst v4  }
0x242: {  	[tilespmem:s19+$0x10160] =	vst v3  }
0x243: {  	s19 =	simm.s32 $0x0;
	s20 =	rddreg [dreg:$0x14]  }
0x244: {  	[hbm4b:s20+s19] =	stream.linear.scatter [tilespmem:s14], [sflag:$0x5], $0x4000, $0x38;
	[tilespmem:$0x18100] =	vst v63  }
0x245: {  	v3 =	vld [tilespmem:$0x80];
	_ =	sdelay $0x4  }
0x246: {  	v4 =	vshll.u32 v3, $0x3  }
0x247: {  	v3 =	vand.u32 $0x7, v3;
	v4 =	vand.u32 $0xFFFFFFC0, v4  }
0x248: {  	v3 =	vor.u32 v3, v4  }
0x249: {  	v4 =	vperm.xlane v3, v0;
	_ =	sdelay $0x1  }
0x24a: {  	v4 =	vadd.s32 v1, v4;
	_ =	sdelay $0x3  }
0x24b: {  	s21 =	simm.s32 $0x100  }
0x24c: {  	[tilespmem:s21], [sflag:$0x1] =	stream.indirect_vreg.gather [hbm4b:s1+s19], $0x80, v4, vm0, $0xb8;
	[tilespmem:$0x18100] =	vst v63  }
0x24d: {  	s22 =	simm.s32 $0x900;
	v3 =	vperm.xlane v3, v2  }
0x24e: {  	[tilespmem:s22], [sflag:$0x1] =	stream.indirect_vreg.gather [hbm4b:s5+s19], $0x80, v4, vm0, $0xb8;
	[tilespmem:$0x18100] =	vst v63  }
0x24f: {  	s23 =	simm.s32 $0x1100;
	v3 =	vadd.s32 v1, v3  }
0x250: {  	[tilespmem:s23], [sflag:$0x1] =	stream.indirect_vreg.gather [hbm4b:s6+s19], $0x80, v4, vm0, $0xb8;
	[tilespmem:$0x18100] =	vst v63  }
0x251: {  	s24 =	simm.s32 $0x1900  }
0x252: {  	[tilespmem:s24], [sflag:$0x1] =	stream.indirect_vreg.gather [hbm4b:s7+s19], $0x80, v4, vm0, $0xb8;
	[tilespmem:$0x18100] =	vst v63  }
0x253: {  	s25 =	simm.s32 $0x2100  }
0x254: {  	[tilespmem:s25], [sflag:$0x1] =	stream.indirect_vreg.gather [hbm4b:s1+s19], $0x80, v3, vm0, $0xb8;
	[tilespmem:$0x18100] =	vst v63  }
0x255: {  	s21 =	simm.s32 $0x2900  }
0x256: {  	[tilespmem:s21], [sflag:$0x1] =	stream.indirect_vreg.gather [hbm4b:s5+s19], $0x80, v3, vm0, $0xb8;
	[tilespmem:$0x18100] =	vst v63  }
0x257: {  	s22 =	simm.s32 $0x3100  }
0x258: {  	[tilespmem:s22], [sflag:$0x1] =	stream.indirect_vreg.gather [hbm4b:s6+s19], $0x80, v3, vm0, $0xb8;
	[tilespmem:$0x18100] =	vst v63  }
0x259: {  	s23 =	simm.s32 $0x3900  }
0x25a: {  	[tilespmem:s23], [sflag:$0x1] =	stream.indirect_vreg.gather [hbm4b:s7+s19], $0x80, v3, vm0, $0xb8;
	[tilespmem:$0x18100] =	vst v63  }
0x25b: {  	s24 =	rddreg [dreg:$0x15]  }
0x25c: {  	[tilespmem:s26], [sflag:$0x3] =	stream.linear.gather [hbm4b:s24+s19], $0x4000, $0x38;
	[tilespmem:$0x18100] =	vst v63  }
0x25d: {  	_ =	swait.ge [sflag:s15], $0x4000  }
0x25e: {  	[sflag:s15] =	ssyncset.done $0x0  }
0x25f: {  	[sflag:s15] =	ssyncadd.s32 $0xFFFFC000  }
0x260: {  	_ =	swait.ge [sflag:s16], $0x4000  }
0x261: {  	[sflag:s16] =	ssyncset.done $0x0  }
0x262: {  	[sflag:s16] =	ssyncadd.s32 $0xFFFFC000  }
0x263: {  	s25 =	sand.u32 $0x2000, s19;
	s21 =	sand.u32 $0x1C00, s19;
	_ =	swait.ge [sflag:s17], $0x4000  }
0x264: {  	s20 =	sor.u32 s21, s25;
	s19 =	sand.u32 $0x380, s19;
	[sflag:s17] =	ssyncset.done $0x0  }
0x265: {  	s19 =	sor.u32 s19, s20;
	[sflag:s17] =	ssyncadd.s32 $0xFFFFC000  }
0x266: {  	v3 =	vld [tilespmem:s19+$0x4170]  }
0x267: {  	v4 =	vld [tilespmem:s19+$0x4100]  }
0x268: {  	v5 =	vld [tilespmem:s19+$0xC170]  }
0x269: {  	v6 =	vld [tilespmem:s19+$0x4110]  }
0x26a: {  	v7 =	vld [tilespmem:s19+$0x4120]  }
0x26b: {  	v11 =	vld [tilespmem:s19+$0x4130]  }
0x26c: {  	v12 =	vld [tilespmem:s19+$0x4140]  }
0x26d: {  	v14 =	vld [tilespmem:s19+$0x4150]  }
0x26e: {  	v8 =	vld [tilespmem:s19+$0x4160];
	v9 =	vmul.f32 $3.200000000e+01, v3  }
0x26f: {  	v10 =	vld [tilespmem:s19+$0xC100]  }
0x270: {  	v13 =	vld [tilespmem:s19+$0xC110];
	v3 =	vmul.f32 $3.200000000e+01, v4;
	v7 =	vmul.f32 $3.200000000e+01, v7;
	v4 =	vadd.f32 v5, v9  }
0x271: {  	s21 =	simm.s32 $0x10;
	v9 =	vmul.f32 $3.200000000e+01, v6;
	v6 =	vmul.f32 $3.200000000e+01, v11;
	v11 =	vld [tilespmem:s19+$0xC120]  }
0x272: {  	s22 =	simm.s32 $0x400;
	s23 =	simm.s32 $0x80;
	s20 =	simm.s32 $0x0;
	v5 =	vmul.f32 $3.200000000e+01, v12;
	v12 =	vld [tilespmem:s19+$0xC130];
	[tilespmem:s19+$0x14170] =	vst v4;
	v4 =	vmul.f32 $3.200000000e+01, v14  }
.LBB2_16:
0x273: {  	s24 =	sand.u32 $0x2000, s23;
	s25 =	sand.u32 $0x1C00, s22;
	s20 =	sadd.s32 $0x8, s20;
	v14 =	vld [tilespmem:s19+$0xC140];
	v8 =	vmul.f32 $3.200000000e+01, v8  }
0x274: {  	s24 =	sor.u32 s25, s24;
	s25 =	sand.u32 $0x380, s21;
	p0 =	slt.u32 s20, $0x3F8;
	v3 =	vadd.f32 v10, v3;
	v10 =	vld [tilespmem:s19+$0xC150]  }
0x275: {  	s24 =	sor.u32 s25, s24;
	v9 =	vadd.f32 v13, v9;
	v13 =	vld [tilespmem:s19+$0xC160]  }
0x276: {  	v15 =	vld [tilespmem:s24+$0x4170];
	[tilespmem:s19+$0x14100] =	vst v3;
	v3 =	vadd.f32 v11, v7  }
0x277: {  	v7 =	vld [tilespmem:s24+$0x4100];
	[tilespmem:s19+$0x14110] =	vst v9;
	v6 =	vadd.f32 v12, v6  }
0x278: {  	v9 =	vld [tilespmem:s24+$0xC170];
	[tilespmem:s19+$0x14120] =	vst v3;
	v3 =	vadd.f32 v14, v5  }
0x279: {  	v5 =	vld [tilespmem:s24+$0x4110];
	[tilespmem:s19+$0x14130] =	vst v6;
	v4 =	vadd.f32 v10, v4  }
0x27a: {  	v6 =	vld [tilespmem:s24+$0x4120];
	[tilespmem:s19+$0x14140] =	vst v3;
	v8 =	vadd.f32 v13, v8  }
0x27b: {  	v11 =	vld [tilespmem:s24+$0x4130];
	v10 =	vmul.f32 $3.200000000e+01, v15;
	[tilespmem:s19+$0x14150] =	vst v4  }
0x27c: {  	v3 =	vmul.f32 $3.200000000e+01, v7;
	v4 =	vld [tilespmem:s24+$0x4140];
	[tilespmem:s19+$0x14160] =	vst v8;
	s19 =	smov.u32 s24  }
0x27d: {  	v14 =	vld [tilespmem:s19+$0x4150];
	v12 =	vadd.f32 v9, v10  }
.Ltmp7:
0x27e: {  	v9 =	vmul.f32 $3.200000000e+01, v5;
	v8 =	vld [tilespmem:s19+$0x4160];
	(pc) =	sbr.rel @p0 .LBB2_16-.Ltmp7, $4  }
0x27f: {  	v10 =	vld [tilespmem:s19+$0xC100];
	v7 =	vmul.f32 $3.200000000e+01, v6;
	[tilespmem:s19+$0x14170] =	vst v12  }
0x280: {  	v13 =	vld [tilespmem:s19+$0xC110];
	v6 =	vmul.f32 $3.200000000e+01, v11  }
0x281: {  	v11 =	vld [tilespmem:s19+$0xC120];
	v5 =	vmul.f32 $3.200000000e+01, v4  }
0x282: {  	s22 =	sadd.s32 $0x400, s22;
	s23 =	sadd.s32 $0x80, s23;
	s21 =	sadd.s32 $0x10, s21;
	v12 =	vld [tilespmem:s19+$0xC130];
	v4 =	vmul.f32 $3.200000000e+01, v14  }
0x283: {  	v14 =	vld [tilespmem:s19+$0xC140]  }
0x284: {  	v3 =	vadd.f32 v10, v3;
	v10 =	vld [tilespmem:s19+$0xC150]  }
0x285: {  	v9 =	vadd.f32 v13, v9;
	v13 =	vld [tilespmem:s19+$0xC160]  }
0x286: {  	[tilespmem:s19+$0x14100] =	vst v3;
	v3 =	vadd.f32 v11, v7  }
0x287: {  	[tilespmem:s19+$0x14110] =	vst v9;
	v6 =	vadd.f32 v12, v6  }
0x288: {  	v7 =	vmul.f32 $3.200000000e+01, v8;
	[tilespmem:s19+$0x14120] =	vst v3;
	v3 =	vadd.f32 v14, v5  }
0x289: {  	[tilespmem:s19+$0x14130] =	vst v6;
	v4 =	vadd.f32 v10, v4  }
0x28a: {  	[tilespmem:s19+$0x14140] =	vst v3;
	v3 =	vadd.f32 v13, v7  }
0x28b: {  	[tilespmem:s19+$0x14150] =	vst v4  }
0x28c: {  	[tilespmem:s19+$0x14160] =	vst v3  }
0x28d: {  	s23 =	simm.s32 $0x0;
	s20 =	rddreg [dreg:$0x16]  }
0x28e: {  	[hbm4b:s20+s23] =	stream.linear.scatter [tilespmem:s8], [sflag:$0x6], $0x4000, $0x38;
	[tilespmem:$0x18100] =	vst v63  }
0x28f: {  	v3 =	vld [tilespmem:$0x90];
	_ =	sdelay $0x4  }
0x290: {  	v4 =	vshll.u32 v3, $0x3  }
0x291: {  	v3 =	vand.u32 $0x7, v3;
	v4 =	vand.u32 $0xFFFFFFC0, v4  }
0x292: {  	v3 =	vor.u32 v3, v4  }
0x293: {  	v4 =	vperm.xlane v3, v0;
	_ =	sdelay $0x1  }
0x294: {  	v4 =	vadd.s32 v1, v4;
	_ =	sdelay $0x4  }
0x295: {  	[tilespmem:s28], [sflag:$0x2] =	stream.indirect_vreg.gather [hbm4b:s1+s23], $0x80, v4, vm0, $0xb8;
	[tilespmem:$0x18100] =	vst v63  }
0x296: {  	v3 =	vperm.xlane v3, v2  }
0x297: {  	[tilespmem:s29], [sflag:$0x2] =	stream.indirect_vreg.gather [hbm4b:s5+s23], $0x80, v4, vm0, $0xb8;
	[tilespmem:$0x18100] =	vst v63  }
0x298: {  	v3 =	vadd.s32 v1, v3  }
0x299: {  	[tilespmem:s30], [sflag:$0x2] =	stream.indirect_vreg.gather [hbm4b:s6+s23], $0x80, v4, vm0, $0xb8;
	[tilespmem:$0x18100] =	vst v63  }
0x29a: {  	_ = 	snop  }
0x29b: {  	[tilespmem:s31], [sflag:$0x2] =	stream.indirect_vreg.gather [hbm4b:s7+s23], $0x80, v4, vm0, $0xb8;
	[tilespmem:$0x18100] =	vst v63  }
0x29c: {  	_ = 	snop  }
0x29d: {  	[tilespmem:s0], [sflag:$0x2] =	stream.indirect_vreg.gather [hbm4b:s1+s23], $0x80, v3, vm0, $0xb8;
	[tilespmem:$0x18100] =	vst v63  }
0x29e: {  	_ = 	snop  }
0x29f: {  	[tilespmem:s2], [sflag:$0x2] =	stream.indirect_vreg.gather [hbm4b:s5+s23], $0x80, v3, vm0, $0xb8;
	[tilespmem:$0x18100] =	vst v63  }
0x2a0: {  	_ = 	snop  }
0x2a1: {  	[tilespmem:s4], [sflag:$0x2] =	stream.indirect_vreg.gather [hbm4b:s6+s23], $0x80, v3, vm0, $0xb8;
	[tilespmem:$0x18100] =	vst v63  }
0x2a2: {  	_ = 	snop  }
0x2a3: {  	[tilespmem:s9], [sflag:$0x2] =	stream.indirect_vreg.gather [hbm4b:s7+s23], $0x80, v3, vm0, $0xb8;
	[tilespmem:$0x18100] =	vst v63  }
0x2a4: {  	s24 =	rddreg [dreg:$0x18]  }
0x2a5: {  	[tilespmem:s11], [sflag:$0x4] =	stream.linear.gather [hbm4b:s24+s23], $0x4000, $0x38;
	[tilespmem:$0x18100] =	vst v63  }
0x2a6: {  	_ =	swait.ge [sflag:s12], $0x4000  }
0x2a7: {  	[sflag:s12] =	ssyncset.done $0x0  }
0x2a8: {  	[sflag:s12] =	ssyncadd.s32 $0xFFFFC000  }
0x2a9: {  	_ =	swait.ge [sflag:s13], $0x4000  }
0x2aa: {  	[sflag:s13] =	ssyncset.done $0x0  }
0x2ab: {  	[sflag:s13] =	ssyncadd.s32 $0xFFFFC000  }
0x2ac: {  	s25 =	sand.u32 $0x2000, s23;
	s21 =	sand.u32 $0x1C00, s23;
	_ =	swait.ge [sflag:s10], $0x4000  }
0x2ad: {  	s19 =	sand.u32 $0x380, s23;
	s20 =	sor.u32 s21, s25;
	[sflag:s10] =	ssyncset.done $0x0  }
0x2ae: {  	s19 =	sor.u32 s19, s20;
	[sflag:s10] =	ssyncadd.s32 $0xFFFFC000  }
0x2af: {  	v3 =	vld [tilespmem:s19+$0x170]  }
0x2b0: {  	v4 =	vld [tilespmem:s19+$0x100]  }
0x2b1: {  	v5 =	vld [tilespmem:s19+$0x8170]  }
0x2b2: {  	v6 =	vld [tilespmem:s19+$0x110]  }
0x2b3: {  	v7 =	vld [tilespmem:s19+$0x120]  }
0x2b4: {  	v11 =	vld [tilespmem:s19+$0x130]  }
0x2b5: {  	v12 =	vld [tilespmem:s19+$0x140]  }
0x2b6: {  	v14 =	vld [tilespmem:s19+$0x150]  }
0x2b7: {  	v8 =	vld [tilespmem:s19+$0x160];
	v9 =	vmul.f32 $3.200000000e+01, v3  }
0x2b8: {  	v10 =	vld [tilespmem:s19+$0x8100]  }
0x2b9: {  	v13 =	vld [tilespmem:s19+$0x8110];
	v3 =	vmul.f32 $3.200000000e+01, v4;
	v7 =	vmul.f32 $3.200000000e+01, v7;
	v4 =	vadd.f32 v5, v9  }
0x2ba: {  	s22 =	simm.s32 $0x400;
	v9 =	vmul.f32 $3.200000000e+01, v6;
	v6 =	vmul.f32 $3.200000000e+01, v11;
	v11 =	vld [tilespmem:s19+$0x8120]  }
0x2bb: {  	s21 =	simm.s32 $0x10;
	s20 =	simm.s32 $0x0;
	s23 =	simm.s32 $0x80;
	v5 =	vmul.f32 $3.200000000e+01, v12;
	v12 =	vld [tilespmem:s19+$0x8130];
	[tilespmem:s19+$0x10170] =	vst v4;
	v4 =	vmul.f32 $3.200000000e+01, v14  }
.LBB2_18:
0x2bc: {  	s24 =	sand.u32 $0x2000, s23;
	s25 =	sand.u32 $0x1C00, s22;
	s20 =	sadd.s32 $0x8, s20;
	v14 =	vld [tilespmem:s19+$0x8140];
	v8 =	vmul.f32 $3.200000000e+01, v8  }
0x2bd: {  	s24 =	sor.u32 s25, s24;
	s25 =	sand.u32 $0x380, s21;
	p0 =	slt.u32 s20, $0x3F8;
	v3 =	vadd.f32 v10, v3;
	v10 =	vld [tilespmem:s19+$0x8150]  }
0x2be: {  	s24 =	sor.u32 s25, s24;
	v9 =	vadd.f32 v13, v9;
	v13 =	vld [tilespmem:s19+$0x8160]  }
0x2bf: {  	v15 =	vld [tilespmem:s24+$0x170];
	[tilespmem:s19+$0x10100] =	vst v3;
	v3 =	vadd.f32 v11, v7  }
0x2c0: {  	v7 =	vld [tilespmem:s24+$0x100];
	[tilespmem:s19+$0x10110] =	vst v9;
	v6 =	vadd.f32 v12, v6  }
0x2c1: {  	v9 =	vld [tilespmem:s24+$0x8170];
	[tilespmem:s19+$0x10120] =	vst v3;
	v3 =	vadd.f32 v14, v5  }
0x2c2: {  	v5 =	vld [tilespmem:s24+$0x110];
	[tilespmem:s19+$0x10130] =	vst v6;
	v4 =	vadd.f32 v10, v4  }
0x2c3: {  	v6 =	vld [tilespmem:s24+$0x120];
	[tilespmem:s19+$0x10140] =	vst v3;
	v8 =	vadd.f32 v13, v8  }
0x2c4: {  	v11 =	vld [tilespmem:s24+$0x130];
	v10 =	vmul.f32 $3.200000000e+01, v15;
	[tilespmem:s19+$0x10150] =	vst v4  }
0x2c5: {  	v3 =	vmul.f32 $3.200000000e+01, v7;
	v4 =	vld [tilespmem:s24+$0x140];
	[tilespmem:s19+$0x10160] =	vst v8;
	s19 =	smov.u32 s24  }
0x2c6: {  	v14 =	vld [tilespmem:s19+$0x150];
	v12 =	vadd.f32 v9, v10  }
.Ltmp8:
0x2c7: {  	v9 =	vmul.f32 $3.200000000e+01, v5;
	v8 =	vld [tilespmem:s19+$0x160];
	(pc) =	sbr.rel @p0 .LBB2_18-.Ltmp8, $4  }
0x2c8: {  	v10 =	vld [tilespmem:s19+$0x8100];
	v7 =	vmul.f32 $3.200000000e+01, v6;
	[tilespmem:s19+$0x10170] =	vst v12  }
0x2c9: {  	v13 =	vld [tilespmem:s19+$0x8110];
	v6 =	vmul.f32 $3.200000000e+01, v11  }
0x2ca: {  	v11 =	vld [tilespmem:s19+$0x8120];
	v5 =	vmul.f32 $3.200000000e+01, v4  }
0x2cb: {  	s22 =	sadd.s32 $0x400, s22;
	s23 =	sadd.s32 $0x80, s23;
	s21 =	sadd.s32 $0x10, s21;
	v12 =	vld [tilespmem:s19+$0x8130];
	v4 =	vmul.f32 $3.200000000e+01, v14  }
0x2cc: {  	v14 =	vld [tilespmem:s19+$0x8140]  }
0x2cd: {  	v3 =	vadd.f32 v10, v3;
	v10 =	vld [tilespmem:s19+$0x8150]  }
0x2ce: {  	v9 =	vadd.f32 v13, v9;
	v13 =	vld [tilespmem:s19+$0x8160]  }
0x2cf: {  	[tilespmem:s19+$0x10100] =	vst v3;
	v3 =	vadd.f32 v11, v7  }
0x2d0: {  	[tilespmem:s19+$0x10110] =	vst v9;
	v6 =	vadd.f32 v12, v6  }
0x2d1: {  	v7 =	vmul.f32 $3.200000000e+01, v8;
	[tilespmem:s19+$0x10120] =	vst v3;
	v3 =	vadd.f32 v14, v5  }
0x2d2: {  	[tilespmem:s19+$0x10130] =	vst v6;
	v4 =	vadd.f32 v10, v4  }
0x2d3: {  	[tilespmem:s19+$0x10140] =	vst v3;
	v3 =	vadd.f32 v13, v7  }
0x2d4: {  	[tilespmem:s19+$0x10150] =	vst v4  }
0x2d5: {  	[tilespmem:s19+$0x10160] =	vst v3  }
0x2d6: {  	s19 =	simm.s32 $0x0;
	s20 =	rddreg [dreg:$0x19]  }
0x2d7: {  	[hbm4b:s20+s19] =	stream.linear.scatter [tilespmem:s14], [sflag:$0x5], $0x4000, $0x38;
	[tilespmem:$0x18100] =	vst v63  }
0x2d8: {  	v3 =	vld [tilespmem:$0xA0];
	_ =	sdelay $0x4  }
0x2d9: {  	v4 =	vshll.u32 v3, $0x3  }
0x2da: {  	v3 =	vand.u32 $0x7, v3;
	v4 =	vand.u32 $0xFFFFFFC0, v4  }
0x2db: {  	v3 =	vor.u32 v3, v4  }
0x2dc: {  	v4 =	vperm.xlane v3, v0;
	_ =	sdelay $0x1  }
0x2dd: {  	v4 =	vadd.s32 v1, v4;
	_ =	sdelay $0x3  }
0x2de: {  	s21 =	simm.s32 $0x100  }
0x2df: {  	[tilespmem:s21], [sflag:$0x1] =	stream.indirect_vreg.gather [hbm4b:s1+s19], $0x80, v4, vm0, $0xb8;
	[tilespmem:$0x18100] =	vst v63  }
0x2e0: {  	s22 =	simm.s32 $0x900;
	v3 =	vperm.xlane v3, v2  }
0x2e1: {  	[tilespmem:s22], [sflag:$0x1] =	stream.indirect_vreg.gather [hbm4b:s5+s19], $0x80, v4, vm0, $0xb8;
	[tilespmem:$0x18100] =	vst v63  }
0x2e2: {  	s23 =	simm.s32 $0x1100;
	v3 =	vadd.s32 v1, v3  }
0x2e3: {  	[tilespmem:s23], [sflag:$0x1] =	stream.indirect_vreg.gather [hbm4b:s6+s19], $0x80, v4, vm0, $0xb8;
	[tilespmem:$0x18100] =	vst v63  }
0x2e4: {  	s24 =	simm.s32 $0x1900  }
0x2e5: {  	[tilespmem:s24], [sflag:$0x1] =	stream.indirect_vreg.gather [hbm4b:s7+s19], $0x80, v4, vm0, $0xb8;
	[tilespmem:$0x18100] =	vst v63  }
0x2e6: {  	s25 =	simm.s32 $0x2100  }
0x2e7: {  	[tilespmem:s25], [sflag:$0x1] =	stream.indirect_vreg.gather [hbm4b:s1+s19], $0x80, v3, vm0, $0xb8;
	[tilespmem:$0x18100] =	vst v63  }
0x2e8: {  	s21 =	simm.s32 $0x2900  }
0x2e9: {  	[tilespmem:s21], [sflag:$0x1] =	stream.indirect_vreg.gather [hbm4b:s5+s19], $0x80, v3, vm0, $0xb8;
	[tilespmem:$0x18100] =	vst v63  }
0x2ea: {  	s22 =	simm.s32 $0x3100  }
0x2eb: {  	[tilespmem:s22], [sflag:$0x1] =	stream.indirect_vreg.gather [hbm4b:s6+s19], $0x80, v3, vm0, $0xb8;
	[tilespmem:$0x18100] =	vst v63  }
0x2ec: {  	s23 =	simm.s32 $0x3900  }
0x2ed: {  	[tilespmem:s23], [sflag:$0x1] =	stream.indirect_vreg.gather [hbm4b:s7+s19], $0x80, v3, vm0, $0xb8;
	[tilespmem:$0x18100] =	vst v63  }
0x2ee: {  	s24 =	rddreg [dreg:$0x1a]  }
0x2ef: {  	[tilespmem:s26], [sflag:$0x3] =	stream.linear.gather [hbm4b:s24+s19], $0x4000, $0x38;
	[tilespmem:$0x18100] =	vst v63  }
0x2f0: {  	_ =	swait.ge [sflag:s15], $0x4000  }
0x2f1: {  	[sflag:s15] =	ssyncset.done $0x0  }
0x2f2: {  	[sflag:s15] =	ssyncadd.s32 $0xFFFFC000  }
0x2f3: {  	_ =	swait.ge [sflag:s16], $0x4000  }
0x2f4: {  	[sflag:s16] =	ssyncset.done $0x0  }
0x2f5: {  	[sflag:s16] =	ssyncadd.s32 $0xFFFFC000  }
0x2f6: {  	s25 =	sand.u32 $0x2000, s19;
	s21 =	sand.u32 $0x1C00, s19;
	_ =	swait.ge [sflag:s17], $0x4000  }
0x2f7: {  	s20 =	sor.u32 s21, s25;
	s19 =	sand.u32 $0x380, s19;
	[sflag:s17] =	ssyncset.done $0x0  }
0x2f8: {  	s19 =	sor.u32 s19, s20;
	[sflag:s17] =	ssyncadd.s32 $0xFFFFC000  }
0x2f9: {  	v3 =	vld [tilespmem:s19+$0x4170]  }
0x2fa: {  	v4 =	vld [tilespmem:s19+$0x4100]  }
0x2fb: {  	v5 =	vld [tilespmem:s19+$0xC170]  }
0x2fc: {  	v6 =	vld [tilespmem:s19+$0x4110]  }
0x2fd: {  	v7 =	vld [tilespmem:s19+$0x4120]  }
0x2fe: {  	v11 =	vld [tilespmem:s19+$0x4130]  }
0x2ff: {  	v12 =	vld [tilespmem:s19+$0x4140]  }
0x300: {  	v14 =	vld [tilespmem:s19+$0x4150]  }
0x301: {  	v8 =	vld [tilespmem:s19+$0x4160];
	v9 =	vmul.f32 $3.200000000e+01, v3  }
0x302: {  	v10 =	vld [tilespmem:s19+$0xC100]  }
0x303: {  	v13 =	vld [tilespmem:s19+$0xC110];
	v3 =	vmul.f32 $3.200000000e+01, v4;
	v7 =	vmul.f32 $3.200000000e+01, v7;
	v4 =	vadd.f32 v5, v9  }
0x304: {  	s21 =	simm.s32 $0x10;
	v9 =	vmul.f32 $3.200000000e+01, v6;
	v6 =	vmul.f32 $3.200000000e+01, v11;
	v11 =	vld [tilespmem:s19+$0xC120]  }
0x305: {  	s22 =	simm.s32 $0x400;
	s23 =	simm.s32 $0x80;
	s20 =	simm.s32 $0x0;
	v5 =	vmul.f32 $3.200000000e+01, v12;
	v12 =	vld [tilespmem:s19+$0xC130];
	[tilespmem:s19+$0x14170] =	vst v4;
	v4 =	vmul.f32 $3.200000000e+01, v14  }
.LBB2_20:
0x306: {  	s24 =	sand.u32 $0x2000, s23;
	s25 =	sand.u32 $0x1C00, s22;
	s20 =	sadd.s32 $0x8, s20;
	v14 =	vld [tilespmem:s19+$0xC140];
	v8 =	vmul.f32 $3.200000000e+01, v8  }
0x307: {  	s24 =	sor.u32 s25, s24;
	s25 =	sand.u32 $0x380, s21;
	p0 =	slt.u32 s20, $0x3F8;
	v3 =	vadd.f32 v10, v3;
	v10 =	vld [tilespmem:s19+$0xC150]  }
0x308: {  	s24 =	sor.u32 s25, s24;
	v9 =	vadd.f32 v13, v9;
	v13 =	vld [tilespmem:s19+$0xC160]  }
0x309: {  	v15 =	vld [tilespmem:s24+$0x4170];
	[tilespmem:s19+$0x14100] =	vst v3;
	v3 =	vadd.f32 v11, v7  }
0x30a: {  	v7 =	vld [tilespmem:s24+$0x4100];
	[tilespmem:s19+$0x14110] =	vst v9;
	v6 =	vadd.f32 v12, v6  }
0x30b: {  	v9 =	vld [tilespmem:s24+$0xC170];
	[tilespmem:s19+$0x14120] =	vst v3;
	v3 =	vadd.f32 v14, v5  }
0x30c: {  	v5 =	vld [tilespmem:s24+$0x4110];
	[tilespmem:s19+$0x14130] =	vst v6;
	v4 =	vadd.f32 v10, v4  }
0x30d: {  	v6 =	vld [tilespmem:s24+$0x4120];
	[tilespmem:s19+$0x14140] =	vst v3;
	v8 =	vadd.f32 v13, v8  }
0x30e: {  	v11 =	vld [tilespmem:s24+$0x4130];
	v10 =	vmul.f32 $3.200000000e+01, v15;
	[tilespmem:s19+$0x14150] =	vst v4  }
0x30f: {  	v3 =	vmul.f32 $3.200000000e+01, v7;
	v4 =	vld [tilespmem:s24+$0x4140];
	[tilespmem:s19+$0x14160] =	vst v8;
	s19 =	smov.u32 s24  }
0x310: {  	v14 =	vld [tilespmem:s19+$0x4150];
	v12 =	vadd.f32 v9, v10  }
.Ltmp9:
0x311: {  	v9 =	vmul.f32 $3.200000000e+01, v5;
	v8 =	vld [tilespmem:s19+$0x4160];
	(pc) =	sbr.rel @p0 .LBB2_20-.Ltmp9, $4  }
0x312: {  	v10 =	vld [tilespmem:s19+$0xC100];
	v7 =	vmul.f32 $3.200000000e+01, v6;
	[tilespmem:s19+$0x14170] =	vst v12  }
0x313: {  	v13 =	vld [tilespmem:s19+$0xC110];
	v6 =	vmul.f32 $3.200000000e+01, v11  }
0x314: {  	v11 =	vld [tilespmem:s19+$0xC120];
	v5 =	vmul.f32 $3.200000000e+01, v4  }
0x315: {  	s22 =	sadd.s32 $0x400, s22;
	s23 =	sadd.s32 $0x80, s23;
	s21 =	sadd.s32 $0x10, s21;
	v12 =	vld [tilespmem:s19+$0xC130];
	v4 =	vmul.f32 $3.200000000e+01, v14  }
0x316: {  	v14 =	vld [tilespmem:s19+$0xC140]  }
0x317: {  	v3 =	vadd.f32 v10, v3;
	v10 =	vld [tilespmem:s19+$0xC150]  }
0x318: {  	v9 =	vadd.f32 v13, v9;
	v13 =	vld [tilespmem:s19+$0xC160]  }
0x319: {  	[tilespmem:s19+$0x14100] =	vst v3;
	v3 =	vadd.f32 v11, v7  }
0x31a: {  	[tilespmem:s19+$0x14110] =	vst v9;
	v6 =	vadd.f32 v12, v6  }
0x31b: {  	v7 =	vmul.f32 $3.200000000e+01, v8;
	[tilespmem:s19+$0x14120] =	vst v3;
	v3 =	vadd.f32 v14, v5  }
0x31c: {  	[tilespmem:s19+$0x14130] =	vst v6;
	v4 =	vadd.f32 v10, v4  }
0x31d: {  	[tilespmem:s19+$0x14140] =	vst v3;
	v3 =	vadd.f32 v13, v7  }
0x31e: {  	[tilespmem:s19+$0x14150] =	vst v4  }
0x31f: {  	[tilespmem:s19+$0x14160] =	vst v3  }
0x320: {  	s23 =	simm.s32 $0x0;
	s20 =	rddreg [dreg:$0x1b]  }
0x321: {  	[hbm4b:s20+s23] =	stream.linear.scatter [tilespmem:s8], [sflag:$0x6], $0x4000, $0x38;
	[tilespmem:$0x18100] =	vst v63  }
0x322: {  	v3 =	vld [tilespmem:$0xB0];
	_ =	sdelay $0x4  }
0x323: {  	v4 =	vshll.u32 v3, $0x3  }
0x324: {  	v3 =	vand.u32 $0x7, v3;
	v4 =	vand.u32 $0xFFFFFFC0, v4  }
0x325: {  	v3 =	vor.u32 v3, v4  }
0x326: {  	v4 =	vperm.xlane v3, v0;
	_ =	sdelay $0x1  }
0x327: {  	v4 =	vadd.s32 v1, v4;
	_ =	sdelay $0x4  }
0x328: {  	[tilespmem:s28], [sflag:$0x2] =	stream.indirect_vreg.gather [hbm4b:s1+s23], $0x80, v4, vm0, $0xb8;
	[tilespmem:$0x18100] =	vst v63  }
0x329: {  	v3 =	vperm.xlane v3, v2  }
0x32a: {  	[tilespmem:s29], [sflag:$0x2] =	stream.indirect_vreg.gather [hbm4b:s5+s23], $0x80, v4, vm0, $0xb8;
	[tilespmem:$0x18100] =	vst v63  }
0x32b: {  	v3 =	vadd.s32 v1, v3  }
0x32c: {  	[tilespmem:s30], [sflag:$0x2] =	stream.indirect_vreg.gather [hbm4b:s6+s23], $0x80, v4, vm0, $0xb8;
	[tilespmem:$0x18100] =	vst v63  }
0x32d: {  	_ = 	snop  }
0x32e: {  	[tilespmem:s31], [sflag:$0x2] =	stream.indirect_vreg.gather [hbm4b:s7+s23], $0x80, v4, vm0, $0xb8;
	[tilespmem:$0x18100] =	vst v63  }
0x32f: {  	_ = 	snop  }
0x330: {  	[tilespmem:s0], [sflag:$0x2] =	stream.indirect_vreg.gather [hbm4b:s1+s23], $0x80, v3, vm0, $0xb8;
	[tilespmem:$0x18100] =	vst v63  }
0x331: {  	_ = 	snop  }
0x332: {  	[tilespmem:s2], [sflag:$0x2] =	stream.indirect_vreg.gather [hbm4b:s5+s23], $0x80, v3, vm0, $0xb8;
	[tilespmem:$0x18100] =	vst v63  }
0x333: {  	_ = 	snop  }
0x334: {  	[tilespmem:s4], [sflag:$0x2] =	stream.indirect_vreg.gather [hbm4b:s6+s23], $0x80, v3, vm0, $0xb8;
	[tilespmem:$0x18100] =	vst v63  }
0x335: {  	_ = 	snop  }
0x336: {  	[tilespmem:s9], [sflag:$0x2] =	stream.indirect_vreg.gather [hbm4b:s7+s23], $0x80, v3, vm0, $0xb8;
	[tilespmem:$0x18100] =	vst v63  }
0x337: {  	s24 =	rddreg [dreg:$0x1c]  }
0x338: {  	[tilespmem:s11], [sflag:$0x4] =	stream.linear.gather [hbm4b:s24+s23], $0x4000, $0x38;
	[tilespmem:$0x18100] =	vst v63  }
0x339: {  	_ =	swait.ge [sflag:s12], $0x4000  }
0x33a: {  	[sflag:s12] =	ssyncset.done $0x0  }
0x33b: {  	[sflag:s12] =	ssyncadd.s32 $0xFFFFC000  }
0x33c: {  	_ =	swait.ge [sflag:s13], $0x4000  }
0x33d: {  	[sflag:s13] =	ssyncset.done $0x0  }
0x33e: {  	[sflag:s13] =	ssyncadd.s32 $0xFFFFC000  }
0x33f: {  	s25 =	sand.u32 $0x2000, s23;
	s21 =	sand.u32 $0x1C00, s23;
	_ =	swait.ge [sflag:s10], $0x4000  }
0x340: {  	s19 =	sand.u32 $0x380, s23;
	s20 =	sor.u32 s21, s25;
	[sflag:s10] =	ssyncset.done $0x0  }
0x341: {  	s19 =	sor.u32 s19, s20;
	[sflag:s10] =	ssyncadd.s32 $0xFFFFC000  }
0x342: {  	v3 =	vld [tilespmem:s19+$0x170]  }
0x343: {  	v4 =	vld [tilespmem:s19+$0x100]  }
0x344: {  	v5 =	vld [tilespmem:s19+$0x8170]  }
0x345: {  	v6 =	vld [tilespmem:s19+$0x110]  }
0x346: {  	v7 =	vld [tilespmem:s19+$0x120]  }
0x347: {  	v11 =	vld [tilespmem:s19+$0x130]  }
0x348: {  	v12 =	vld [tilespmem:s19+$0x140]  }
0x349: {  	v14 =	vld [tilespmem:s19+$0x150]  }
0x34a: {  	v8 =	vld [tilespmem:s19+$0x160];
	v9 =	vmul.f32 $3.200000000e+01, v3  }
0x34b: {  	v10 =	vld [tilespmem:s19+$0x8100]  }
0x34c: {  	v13 =	vld [tilespmem:s19+$0x8110];
	v3 =	vmul.f32 $3.200000000e+01, v4;
	v7 =	vmul.f32 $3.200000000e+01, v7;
	v4 =	vadd.f32 v5, v9  }
0x34d: {  	s22 =	simm.s32 $0x400;
	v9 =	vmul.f32 $3.200000000e+01, v6;
	v6 =	vmul.f32 $3.200000000e+01, v11;
	v11 =	vld [tilespmem:s19+$0x8120]  }
0x34e: {  	s21 =	simm.s32 $0x10;
	s20 =	simm.s32 $0x0;
	s23 =	simm.s32 $0x80;
	v5 =	vmul.f32 $3.200000000e+01, v12;
	v12 =	vld [tilespmem:s19+$0x8130];
	[tilespmem:s19+$0x10170] =	vst v4;
	v4 =	vmul.f32 $3.200000000e+01, v14  }
.LBB2_22:
0x34f: {  	s24 =	sand.u32 $0x2000, s23;
	s25 =	sand.u32 $0x1C00, s22;
	s20 =	sadd.s32 $0x8, s20;
	v14 =	vld [tilespmem:s19+$0x8140];
	v8 =	vmul.f32 $3.200000000e+01, v8  }
0x350: {  	s24 =	sor.u32 s25, s24;
	s25 =	sand.u32 $0x380, s21;
	p0 =	slt.u32 s20, $0x3F8;
	v3 =	vadd.f32 v10, v3;
	v10 =	vld [tilespmem:s19+$0x8150]  }
0x351: {  	s24 =	sor.u32 s25, s24;
	v9 =	vadd.f32 v13, v9;
	v13 =	vld [tilespmem:s19+$0x8160]  }
0x352: {  	v15 =	vld [tilespmem:s24+$0x170];
	[tilespmem:s19+$0x10100] =	vst v3;
	v3 =	vadd.f32 v11, v7  }
0x353: {  	v7 =	vld [tilespmem:s24+$0x100];
	[tilespmem:s19+$0x10110] =	vst v9;
	v6 =	vadd.f32 v12, v6  }
0x354: {  	v9 =	vld [tilespmem:s24+$0x8170];
	[tilespmem:s19+$0x10120] =	vst v3;
	v3 =	vadd.f32 v14, v5  }
0x355: {  	v5 =	vld [tilespmem:s24+$0x110];
	[tilespmem:s19+$0x10130] =	vst v6;
	v4 =	vadd.f32 v10, v4  }
0x356: {  	v6 =	vld [tilespmem:s24+$0x120];
	[tilespmem:s19+$0x10140] =	vst v3;
	v8 =	vadd.f32 v13, v8  }
0x357: {  	v11 =	vld [tilespmem:s24+$0x130];
	v10 =	vmul.f32 $3.200000000e+01, v15;
	[tilespmem:s19+$0x10150] =	vst v4  }
0x358: {  	v3 =	vmul.f32 $3.200000000e+01, v7;
	v4 =	vld [tilespmem:s24+$0x140];
	[tilespmem:s19+$0x10160] =	vst v8;
	s19 =	smov.u32 s24  }
0x359: {  	v14 =	vld [tilespmem:s19+$0x150];
	v12 =	vadd.f32 v9, v10  }
.Ltmp10:
0x35a: {  	v9 =	vmul.f32 $3.200000000e+01, v5;
	v8 =	vld [tilespmem:s19+$0x160];
	(pc) =	sbr.rel @p0 .LBB2_22-.Ltmp10, $4  }
0x35b: {  	v10 =	vld [tilespmem:s19+$0x8100];
	v7 =	vmul.f32 $3.200000000e+01, v6;
	[tilespmem:s19+$0x10170] =	vst v12  }
0x35c: {  	v13 =	vld [tilespmem:s19+$0x8110];
	v6 =	vmul.f32 $3.200000000e+01, v11  }
0x35d: {  	v11 =	vld [tilespmem:s19+$0x8120];
	v5 =	vmul.f32 $3.200000000e+01, v4  }
0x35e: {  	s22 =	sadd.s32 $0x400, s22;
	s23 =	sadd.s32 $0x80, s23;
	s21 =	sadd.s32 $0x10, s21;
	v12 =	vld [tilespmem:s19+$0x8130];
	v4 =	vmul.f32 $3.200000000e+01, v14  }
0x35f: {  	v14 =	vld [tilespmem:s19+$0x8140]  }
0x360: {  	v3 =	vadd.f32 v10, v3;
	v10 =	vld [tilespmem:s19+$0x8150]  }
0x361: {  	v9 =	vadd.f32 v13, v9;
	v13 =	vld [tilespmem:s19+$0x8160]  }
0x362: {  	[tilespmem:s19+$0x10100] =	vst v3;
	v3 =	vadd.f32 v11, v7  }
0x363: {  	[tilespmem:s19+$0x10110] =	vst v9;
	v6 =	vadd.f32 v12, v6  }
0x364: {  	v7 =	vmul.f32 $3.200000000e+01, v8;
	[tilespmem:s19+$0x10120] =	vst v3;
	v3 =	vadd.f32 v14, v5  }
0x365: {  	[tilespmem:s19+$0x10130] =	vst v6;
	v4 =	vadd.f32 v10, v4  }
0x366: {  	[tilespmem:s19+$0x10140] =	vst v3;
	v3 =	vadd.f32 v13, v7  }
0x367: {  	[tilespmem:s19+$0x10150] =	vst v4  }
0x368: {  	[tilespmem:s19+$0x10160] =	vst v3  }
0x369: {  	s19 =	simm.s32 $0x0;
	s20 =	rddreg [dreg:$0x1d]  }
0x36a: {  	[hbm4b:s20+s19] =	stream.linear.scatter [tilespmem:s14], [sflag:$0x5], $0x4000, $0x38;
	[tilespmem:$0x18100] =	vst v63  }
0x36b: {  	v3 =	vld [tilespmem:$0xC0];
	_ =	sdelay $0x4  }
0x36c: {  	v4 =	vshll.u32 v3, $0x3  }
0x36d: {  	v3 =	vand.u32 $0x7, v3;
	v4 =	vand.u32 $0xFFFFFFC0, v4  }
0x36e: {  	v3 =	vor.u32 v3, v4  }
0x36f: {  	v4 =	vperm.xlane v3, v0;
	_ =	sdelay $0x1  }
0x370: {  	v4 =	vadd.s32 v1, v4;
	_ =	sdelay $0x3  }
0x371: {  	s21 =	simm.s32 $0x100  }
0x372: {  	[tilespmem:s21], [sflag:$0x1] =	stream.indirect_vreg.gather [hbm4b:s1+s19], $0x80, v4, vm0, $0xb8;
	[tilespmem:$0x18100] =	vst v63  }
0x373: {  	s22 =	simm.s32 $0x900;
	v3 =	vperm.xlane v3, v2  }
0x374: {  	[tilespmem:s22], [sflag:$0x1] =	stream.indirect_vreg.gather [hbm4b:s5+s19], $0x80, v4, vm0, $0xb8;
	[tilespmem:$0x18100] =	vst v63  }
0x375: {  	s23 =	simm.s32 $0x1100;
	v3 =	vadd.s32 v1, v3  }
0x376: {  	[tilespmem:s23], [sflag:$0x1] =	stream.indirect_vreg.gather [hbm4b:s6+s19], $0x80, v4, vm0, $0xb8;
	[tilespmem:$0x18100] =	vst v63  }
0x377: {  	s24 =	simm.s32 $0x1900  }
0x378: {  	[tilespmem:s24], [sflag:$0x1] =	stream.indirect_vreg.gather [hbm4b:s7+s19], $0x80, v4, vm0, $0xb8;
	[tilespmem:$0x18100] =	vst v63  }
0x379: {  	s25 =	simm.s32 $0x2100  }
0x37a: {  	[tilespmem:s25], [sflag:$0x1] =	stream.indirect_vreg.gather [hbm4b:s1+s19], $0x80, v3, vm0, $0xb8;
	[tilespmem:$0x18100] =	vst v63  }
0x37b: {  	s21 =	simm.s32 $0x2900  }
0x37c: {  	[tilespmem:s21], [sflag:$0x1] =	stream.indirect_vreg.gather [hbm4b:s5+s19], $0x80, v3, vm0, $0xb8;
	[tilespmem:$0x18100] =	vst v63  }
0x37d: {  	s22 =	simm.s32 $0x3100  }
0x37e: {  	[tilespmem:s22], [sflag:$0x1] =	stream.indirect_vreg.gather [hbm4b:s6+s19], $0x80, v3, vm0, $0xb8;
	[tilespmem:$0x18100] =	vst v63  }
0x37f: {  	s23 =	simm.s32 $0x3900  }
0x380: {  	[tilespmem:s23], [sflag:$0x1] =	stream.indirect_vreg.gather [hbm4b:s7+s19], $0x80, v3, vm0, $0xb8;
	[tilespmem:$0x18100] =	vst v63  }
0x381: {  	s24 =	rddreg [dreg:$0x1e]  }
0x382: {  	[tilespmem:s26], [sflag:$0x3] =	stream.linear.gather [hbm4b:s24+s19], $0x4000, $0x38;
	[tilespmem:$0x18100] =	vst v63  }
0x383: {  	_ =	swait.ge [sflag:s15], $0x4000  }
0x384: {  	[sflag:s15] =	ssyncset.done $0x0  }
0x385: {  	[sflag:s15] =	ssyncadd.s32 $0xFFFFC000  }
0x386: {  	_ =	swait.ge [sflag:s16], $0x4000  }
0x387: {  	[sflag:s16] =	ssyncset.done $0x0  }
0x388: {  	[sflag:s16] =	ssyncadd.s32 $0xFFFFC000  }
0x389: {  	s25 =	sand.u32 $0x2000, s19;
	s21 =	sand.u32 $0x1C00, s19;
	_ =	swait.ge [sflag:s17], $0x4000  }
0x38a: {  	s20 =	sor.u32 s21, s25;
	s19 =	sand.u32 $0x380, s19;
	[sflag:s17] =	ssyncset.done $0x0  }
0x38b: {  	s19 =	sor.u32 s19, s20;
	[sflag:s17] =	ssyncadd.s32 $0xFFFFC000  }
0x38c: {  	v3 =	vld [tilespmem:s19+$0x4170]  }
0x38d: {  	v4 =	vld [tilespmem:s19+$0x4100]  }
0x38e: {  	v5 =	vld [tilespmem:s19+$0xC170]  }
0x38f: {  	v6 =	vld [tilespmem:s19+$0x4110]  }
0x390: {  	v7 =	vld [tilespmem:s19+$0x4120]  }
0x391: {  	v11 =	vld [tilespmem:s19+$0x4130]  }
0x392: {  	v12 =	vld [tilespmem:s19+$0x4140]  }
0x393: {  	v14 =	vld [tilespmem:s19+$0x4150]  }
0x394: {  	v8 =	vld [tilespmem:s19+$0x4160];
	v9 =	vmul.f32 $3.200000000e+01, v3  }
0x395: {  	v10 =	vld [tilespmem:s19+$0xC100]  }
0x396: {  	v13 =	vld [tilespmem:s19+$0xC110];
	v3 =	vmul.f32 $3.200000000e+01, v4;
	v7 =	vmul.f32 $3.200000000e+01, v7;
	v4 =	vadd.f32 v5, v9  }
0x397: {  	s21 =	simm.s32 $0x10;
	v9 =	vmul.f32 $3.200000000e+01, v6;
	v6 =	vmul.f32 $3.200000000e+01, v11;
	v11 =	vld [tilespmem:s19+$0xC120]  }
0x398: {  	s22 =	simm.s32 $0x400;
	s23 =	simm.s32 $0x80;
	s20 =	simm.s32 $0x0;
	v5 =	vmul.f32 $3.200000000e+01, v12;
	v12 =	vld [tilespmem:s19+$0xC130];
	[tilespmem:s19+$0x14170] =	vst v4;
	v4 =	vmul.f32 $3.200000000e+01, v14  }
.LBB2_24:
0x399: {  	s24 =	sand.u32 $0x2000, s23;
	s25 =	sand.u32 $0x1C00, s22;
	s20 =	sadd.s32 $0x8, s20;
	v14 =	vld [tilespmem:s19+$0xC140];
	v8 =	vmul.f32 $3.200000000e+01, v8  }
0x39a: {  	s24 =	sor.u32 s25, s24;
	s25 =	sand.u32 $0x380, s21;
	p0 =	slt.u32 s20, $0x3F8;
	v3 =	vadd.f32 v10, v3;
	v10 =	vld [tilespmem:s19+$0xC150]  }
0x39b: {  	s24 =	sor.u32 s25, s24;
	v9 =	vadd.f32 v13, v9;
	v13 =	vld [tilespmem:s19+$0xC160]  }
0x39c: {  	v15 =	vld [tilespmem:s24+$0x4170];
	[tilespmem:s19+$0x14100] =	vst v3;
	v3 =	vadd.f32 v11, v7  }
0x39d: {  	v7 =	vld [tilespmem:s24+$0x4100];
	[tilespmem:s19+$0x14110] =	vst v9;
	v6 =	vadd.f32 v12, v6  }
0x39e: {  	v9 =	vld [tilespmem:s24+$0xC170];
	[tilespmem:s19+$0x14120] =	vst v3;
	v3 =	vadd.f32 v14, v5  }
0x39f: {  	v5 =	vld [tilespmem:s24+$0x4110];
	[tilespmem:s19+$0x14130] =	vst v6;
	v4 =	vadd.f32 v10, v4  }
0x3a0: {  	v6 =	vld [tilespmem:s24+$0x4120];
	[tilespmem:s19+$0x14140] =	vst v3;
	v8 =	vadd.f32 v13, v8  }
0x3a1: {  	v11 =	vld [tilespmem:s24+$0x4130];
	v10 =	vmul.f32 $3.200000000e+01, v15;
	[tilespmem:s19+$0x14150] =	vst v4  }
0x3a2: {  	v3 =	vmul.f32 $3.200000000e+01, v7;
	v4 =	vld [tilespmem:s24+$0x4140];
	[tilespmem:s19+$0x14160] =	vst v8;
	s19 =	smov.u32 s24  }
0x3a3: {  	v14 =	vld [tilespmem:s19+$0x4150];
	v12 =	vadd.f32 v9, v10  }
.Ltmp11:
0x3a4: {  	v9 =	vmul.f32 $3.200000000e+01, v5;
	v8 =	vld [tilespmem:s19+$0x4160];
	(pc) =	sbr.rel @p0 .LBB2_24-.Ltmp11, $4  }
0x3a5: {  	v10 =	vld [tilespmem:s19+$0xC100];
	v7 =	vmul.f32 $3.200000000e+01, v6;
	[tilespmem:s19+$0x14170] =	vst v12  }
0x3a6: {  	v13 =	vld [tilespmem:s19+$0xC110];
	v6 =	vmul.f32 $3.200000000e+01, v11  }
0x3a7: {  	v11 =	vld [tilespmem:s19+$0xC120];
	v5 =	vmul.f32 $3.200000000e+01, v4  }
0x3a8: {  	s22 =	sadd.s32 $0x400, s22;
	s23 =	sadd.s32 $0x80, s23;
	s21 =	sadd.s32 $0x10, s21;
	v12 =	vld [tilespmem:s19+$0xC130];
	v4 =	vmul.f32 $3.200000000e+01, v14  }
0x3a9: {  	v14 =	vld [tilespmem:s19+$0xC140]  }
0x3aa: {  	v3 =	vadd.f32 v10, v3;
	v10 =	vld [tilespmem:s19+$0xC150]  }
0x3ab: {  	v9 =	vadd.f32 v13, v9;
	v13 =	vld [tilespmem:s19+$0xC160]  }
0x3ac: {  	[tilespmem:s19+$0x14100] =	vst v3;
	v3 =	vadd.f32 v11, v7  }
0x3ad: {  	[tilespmem:s19+$0x14110] =	vst v9;
	v6 =	vadd.f32 v12, v6  }
0x3ae: {  	v7 =	vmul.f32 $3.200000000e+01, v8;
	[tilespmem:s19+$0x14120] =	vst v3;
	v3 =	vadd.f32 v14, v5  }
0x3af: {  	[tilespmem:s19+$0x14130] =	vst v6;
	v4 =	vadd.f32 v10, v4  }
0x3b0: {  	[tilespmem:s19+$0x14140] =	vst v3;
	v3 =	vadd.f32 v13, v7  }
0x3b1: {  	[tilespmem:s19+$0x14150] =	vst v4  }
0x3b2: {  	[tilespmem:s19+$0x14160] =	vst v3  }
0x3b3: {  	s23 =	simm.s32 $0x0;
	s20 =	rddreg [dreg:$0x1f]  }
0x3b4: {  	[hbm4b:s20+s23] =	stream.linear.scatter [tilespmem:s8], [sflag:$0x6], $0x4000, $0x38;
	[tilespmem:$0x18100] =	vst v63  }
0x3b5: {  	v3 =	vld [tilespmem:$0xD0];
	_ =	sdelay $0x4  }
0x3b6: {  	v4 =	vshll.u32 v3, $0x3  }
0x3b7: {  	v3 =	vand.u32 $0x7, v3;
	v4 =	vand.u32 $0xFFFFFFC0, v4  }
0x3b8: {  	v3 =	vor.u32 v3, v4  }
0x3b9: {  	v4 =	vperm.xlane v3, v0;
	_ =	sdelay $0x1  }
0x3ba: {  	v4 =	vadd.s32 v1, v4;
	_ =	sdelay $0x4  }
0x3bb: {  	[tilespmem:s28], [sflag:$0x2] =	stream.indirect_vreg.gather [hbm4b:s1+s23], $0x80, v4, vm0, $0xb8;
	[tilespmem:$0x18100] =	vst v63  }
0x3bc: {  	v3 =	vperm.xlane v3, v2  }
0x3bd: {  	[tilespmem:s29], [sflag:$0x2] =	stream.indirect_vreg.gather [hbm4b:s5+s23], $0x80, v4, vm0, $0xb8;
	[tilespmem:$0x18100] =	vst v63  }
0x3be: {  	v3 =	vadd.s32 v1, v3  }
0x3bf: {  	[tilespmem:s30], [sflag:$0x2] =	stream.indirect_vreg.gather [hbm4b:s6+s23], $0x80, v4, vm0, $0xb8;
	[tilespmem:$0x18100] =	vst v63  }
0x3c0: {  	_ = 	snop  }
0x3c1: {  	[tilespmem:s31], [sflag:$0x2] =	stream.indirect_vreg.gather [hbm4b:s7+s23], $0x80, v4, vm0, $0xb8;
	[tilespmem:$0x18100] =	vst v63  }
0x3c2: {  	_ = 	snop  }
0x3c3: {  	[tilespmem:s0], [sflag:$0x2] =	stream.indirect_vreg.gather [hbm4b:s1+s23], $0x80, v3, vm0, $0xb8;
	[tilespmem:$0x18100] =	vst v63  }
0x3c4: {  	_ = 	snop  }
0x3c5: {  	[tilespmem:s2], [sflag:$0x2] =	stream.indirect_vreg.gather [hbm4b:s5+s23], $0x80, v3, vm0, $0xb8;
	[tilespmem:$0x18100] =	vst v63  }
0x3c6: {  	_ = 	snop  }
0x3c7: {  	[tilespmem:s4], [sflag:$0x2] =	stream.indirect_vreg.gather [hbm4b:s6+s23], $0x80, v3, vm0, $0xb8;
	[tilespmem:$0x18100] =	vst v63  }
0x3c8: {  	s24 =	sld [smem:$0x7F7]  }
0x3c9: {  	[tilespmem:s9], [sflag:$0x2] =	stream.indirect_vreg.gather [hbm4b:s7+s23], $0x80, v3, vm0, $0xb8;
	[tilespmem:$0x18100] =	vst v63  }
0x3ca: {  	_ = 	snop  }
0x3cb: {  	[tilespmem:s11], [sflag:$0x4] =	stream.linear.gather [hbm4b:s24+s23], $0x4000, $0x38;
	[tilespmem:$0x18100] =	vst v63  }
0x3cc: {  	_ =	swait.ge [sflag:s12], $0x4000  }
0x3cd: {  	[sflag:s12] =	ssyncset.done $0x0  }
0x3ce: {  	[sflag:s12] =	ssyncadd.s32 $0xFFFFC000  }
0x3cf: {  	_ =	swait.ge [sflag:s13], $0x4000  }
0x3d0: {  	[sflag:s13] =	ssyncset.done $0x0  }
0x3d1: {  	[sflag:s13] =	ssyncadd.s32 $0xFFFFC000  }
0x3d2: {  	s25 =	sand.u32 $0x2000, s23;
	s21 =	sand.u32 $0x1C00, s23;
	_ =	swait.ge [sflag:s10], $0x4000  }
0x3d3: {  	s19 =	sand.u32 $0x380, s23;
	s20 =	sor.u32 s21, s25;
	[sflag:s10] =	ssyncset.done $0x0  }
0x3d4: {  	s19 =	sor.u32 s19, s20;
	[sflag:s10] =	ssyncadd.s32 $0xFFFFC000  }
0x3d5: {  	v3 =	vld [tilespmem:s19+$0x170]  }
0x3d6: {  	v4 =	vld [tilespmem:s19+$0x100]  }
0x3d7: {  	v5 =	vld [tilespmem:s19+$0x8170]  }
0x3d8: {  	v6 =	vld [tilespmem:s19+$0x110]  }
0x3d9: {  	v7 =	vld [tilespmem:s19+$0x120]  }
0x3da: {  	v11 =	vld [tilespmem:s19+$0x130]  }
0x3db: {  	v12 =	vld [tilespmem:s19+$0x140]  }
0x3dc: {  	v14 =	vld [tilespmem:s19+$0x150]  }
0x3dd: {  	v8 =	vld [tilespmem:s19+$0x160];
	v9 =	vmul.f32 $3.200000000e+01, v3  }
0x3de: {  	v10 =	vld [tilespmem:s19+$0x8100]  }
0x3df: {  	v13 =	vld [tilespmem:s19+$0x8110];
	v3 =	vmul.f32 $3.200000000e+01, v4;
	v7 =	vmul.f32 $3.200000000e+01, v7;
	v4 =	vadd.f32 v5, v9  }
0x3e0: {  	s22 =	simm.s32 $0x400;
	v9 =	vmul.f32 $3.200000000e+01, v6;
	v6 =	vmul.f32 $3.200000000e+01, v11;
	v11 =	vld [tilespmem:s19+$0x8120]  }
0x3e1: {  	s21 =	simm.s32 $0x10;
	s20 =	simm.s32 $0x0;
	s23 =	simm.s32 $0x80;
	v5 =	vmul.f32 $3.200000000e+01, v12;
	v12 =	vld [tilespmem:s19+$0x8130];
	[tilespmem:s19+$0x10170] =	vst v4;
	v4 =	vmul.f32 $3.200000000e+01, v14  }
.LBB2_26:
0x3e2: {  	s24 =	sand.u32 $0x2000, s23;
	s25 =	sand.u32 $0x1C00, s22;
	s20 =	sadd.s32 $0x8, s20;
	v14 =	vld [tilespmem:s19+$0x8140];
	v8 =	vmul.f32 $3.200000000e+01, v8  }
0x3e3: {  	s24 =	sor.u32 s25, s24;
	s25 =	sand.u32 $0x380, s21;
	p0 =	slt.u32 s20, $0x3F8;
	v3 =	vadd.f32 v10, v3;
	v10 =	vld [tilespmem:s19+$0x8150]  }
0x3e4: {  	s24 =	sor.u32 s25, s24;
	v9 =	vadd.f32 v13, v9;
	v13 =	vld [tilespmem:s19+$0x8160]  }
0x3e5: {  	v15 =	vld [tilespmem:s24+$0x170];
	[tilespmem:s19+$0x10100] =	vst v3;
	v3 =	vadd.f32 v11, v7  }
0x3e6: {  	v7 =	vld [tilespmem:s24+$0x100];
	[tilespmem:s19+$0x10110] =	vst v9;
	v6 =	vadd.f32 v12, v6  }
0x3e7: {  	v9 =	vld [tilespmem:s24+$0x8170];
	[tilespmem:s19+$0x10120] =	vst v3;
	v3 =	vadd.f32 v14, v5  }
0x3e8: {  	v5 =	vld [tilespmem:s24+$0x110];
	[tilespmem:s19+$0x10130] =	vst v6;
	v4 =	vadd.f32 v10, v4  }
0x3e9: {  	v6 =	vld [tilespmem:s24+$0x120];
	[tilespmem:s19+$0x10140] =	vst v3;
	v8 =	vadd.f32 v13, v8  }
0x3ea: {  	v11 =	vld [tilespmem:s24+$0x130];
	v10 =	vmul.f32 $3.200000000e+01, v15;
	[tilespmem:s19+$0x10150] =	vst v4  }
0x3eb: {  	v3 =	vmul.f32 $3.200000000e+01, v7;
	v4 =	vld [tilespmem:s24+$0x140];
	[tilespmem:s19+$0x10160] =	vst v8;
	s19 =	smov.u32 s24  }
0x3ec: {  	v14 =	vld [tilespmem:s19+$0x150];
	v12 =	vadd.f32 v9, v10  }
.Ltmp12:
0x3ed: {  	v9 =	vmul.f32 $3.200000000e+01, v5;
	v8 =	vld [tilespmem:s19+$0x160];
	(pc) =	sbr.rel @p0 .LBB2_26-.Ltmp12, $4  }
0x3ee: {  	v10 =	vld [tilespmem:s19+$0x8100];
	v7 =	vmul.f32 $3.200000000e+01, v6;
	[tilespmem:s19+$0x10170] =	vst v12  }
0x3ef: {  	v13 =	vld [tilespmem:s19+$0x8110];
	v6 =	vmul.f32 $3.200000000e+01, v11  }
0x3f0: {  	v11 =	vld [tilespmem:s19+$0x8120];
	v5 =	vmul.f32 $3.200000000e+01, v4  }
0x3f1: {  	s22 =	sadd.s32 $0x400, s22;
	s23 =	sadd.s32 $0x80, s23;
	s21 =	sadd.s32 $0x10, s21;
	v12 =	vld [tilespmem:s19+$0x8130];
	v4 =	vmul.f32 $3.200000000e+01, v14  }
0x3f2: {  	v14 =	vld [tilespmem:s19+$0x8140]  }
0x3f3: {  	v3 =	vadd.f32 v10, v3;
	v10 =	vld [tilespmem:s19+$0x8150]  }
0x3f4: {  	v9 =	vadd.f32 v13, v9;
	v13 =	vld [tilespmem:s19+$0x8160]  }
0x3f5: {  	[tilespmem:s19+$0x10100] =	vst v3;
	v3 =	vadd.f32 v11, v7  }
0x3f6: {  	[tilespmem:s19+$0x10110] =	vst v9;
	v6 =	vadd.f32 v12, v6  }
0x3f7: {  	v7 =	vmul.f32 $3.200000000e+01, v8;
	[tilespmem:s19+$0x10120] =	vst v3;
	v3 =	vadd.f32 v14, v5  }
0x3f8: {  	[tilespmem:s19+$0x10130] =	vst v6;
	v4 =	vadd.f32 v10, v4  }
0x3f9: {  	[tilespmem:s19+$0x10140] =	vst v3;
	v3 =	vadd.f32 v13, v7  }
0x3fa: {  	[tilespmem:s19+$0x10150] =	vst v4  }
0x3fb: {  	[tilespmem:s19+$0x10160] =	vst v3  }
0x3fc: {  	s20 =	sld [smem:$0x7F8];
	_ =	sdelay $0x1  }
0x3fd: {  	s19 =	simm.s32 $0x0  }
0x3fe: {  	[hbm4b:s20+s19] =	stream.linear.scatter [tilespmem:s14], [sflag:$0x5], $0x4000, $0x38;
	[tilespmem:$0x18100] =	vst v63  }
0x3ff: {  	v3 =	vld [tilespmem:$0xE0];
	_ =	sdelay $0x4  }
0x400: {  	v4 =	vshll.u32 v3, $0x3  }
0x401: {  	v3 =	vand.u32 $0x7, v3;
	v4 =	vand.u32 $0xFFFFFFC0, v4  }
0x402: {  	v3 =	vor.u32 v3, v4  }
0x403: {  	v4 =	vperm.xlane v3, v0;
	_ =	sdelay $0x1  }
0x404: {  	v4 =	vadd.s32 v1, v4;
	_ =	sdelay $0x3  }
0x405: {  	s21 =	simm.s32 $0x100  }
0x406: {  	[tilespmem:s21], [sflag:$0x1] =	stream.indirect_vreg.gather [hbm4b:s1+s19], $0x80, v4, vm0, $0xb8;
	[tilespmem:$0x18100] =	vst v63  }
0x407: {  	s22 =	simm.s32 $0x900;
	v3 =	vperm.xlane v3, v2  }
0x408: {  	[tilespmem:s22], [sflag:$0x1] =	stream.indirect_vreg.gather [hbm4b:s5+s19], $0x80, v4, vm0, $0xb8;
	[tilespmem:$0x18100] =	vst v63  }
0x409: {  	s23 =	simm.s32 $0x1100;
	v3 =	vadd.s32 v1, v3  }
0x40a: {  	[tilespmem:s23], [sflag:$0x1] =	stream.indirect_vreg.gather [hbm4b:s6+s19], $0x80, v4, vm0, $0xb8;
	[tilespmem:$0x18100] =	vst v63  }
0x40b: {  	s24 =	simm.s32 $0x1900  }
0x40c: {  	[tilespmem:s24], [sflag:$0x1] =	stream.indirect_vreg.gather [hbm4b:s7+s19], $0x80, v4, vm0, $0xb8;
	[tilespmem:$0x18100] =	vst v63  }
0x40d: {  	s25 =	simm.s32 $0x2100  }
0x40e: {  	[tilespmem:s25], [sflag:$0x1] =	stream.indirect_vreg.gather [hbm4b:s1+s19], $0x80, v3, vm0, $0xb8;
	[tilespmem:$0x18100] =	vst v63  }
0x40f: {  	s21 =	simm.s32 $0x2900  }
0x410: {  	[tilespmem:s21], [sflag:$0x1] =	stream.indirect_vreg.gather [hbm4b:s5+s19], $0x80, v3, vm0, $0xb8;
	[tilespmem:$0x18100] =	vst v63  }
0x411: {  	s22 =	simm.s32 $0x3100  }
0x412: {  	[tilespmem:s22], [sflag:$0x1] =	stream.indirect_vreg.gather [hbm4b:s6+s19], $0x80, v3, vm0, $0xb8;
	[tilespmem:$0x18100] =	vst v63  }
0x413: {  	s23 =	simm.s32 $0x3900;
	s24 =	sld [smem:$0x7F9]  }
0x414: {  	[tilespmem:s23], [sflag:$0x1] =	stream.indirect_vreg.gather [hbm4b:s7+s19], $0x80, v3, vm0, $0xb8;
	[tilespmem:$0x18100] =	vst v63  }
0x415: {  	_ = 	snop  }
0x416: {  	[tilespmem:s26], [sflag:$0x3] =	stream.linear.gather [hbm4b:s24+s19], $0x4000, $0x38;
	[tilespmem:$0x18100] =	vst v63  }
0x417: {  	_ =	swait.ge [sflag:s15], $0x4000  }
0x418: {  	[sflag:s15] =	ssyncset.done $0x0  }
0x419: {  	[sflag:s15] =	ssyncadd.s32 $0xFFFFC000  }
0x41a: {  	_ =	swait.ge [sflag:s16], $0x4000  }
0x41b: {  	[sflag:s16] =	ssyncset.done $0x0  }
0x41c: {  	[sflag:s16] =	ssyncadd.s32 $0xFFFFC000  }
0x41d: {  	s25 =	sand.u32 $0x2000, s19;
	s21 =	sand.u32 $0x1C00, s19;
	_ =	swait.ge [sflag:s17], $0x4000  }
0x41e: {  	s20 =	sor.u32 s21, s25;
	s19 =	sand.u32 $0x380, s19;
	[sflag:s17] =	ssyncset.done $0x0  }
0x41f: {  	s19 =	sor.u32 s19, s20;
	[sflag:s17] =	ssyncadd.s32 $0xFFFFC000  }
0x420: {  	v3 =	vld [tilespmem:s19+$0x4170]  }
0x421: {  	v4 =	vld [tilespmem:s19+$0x4100]  }
0x422: {  	v5 =	vld [tilespmem:s19+$0xC170]  }
0x423: {  	v6 =	vld [tilespmem:s19+$0x4110]  }
0x424: {  	v7 =	vld [tilespmem:s19+$0x4120]  }
0x425: {  	v11 =	vld [tilespmem:s19+$0x4130]  }
0x426: {  	v12 =	vld [tilespmem:s19+$0x4140]  }
0x427: {  	v14 =	vld [tilespmem:s19+$0x4150]  }
0x428: {  	v8 =	vld [tilespmem:s19+$0x4160];
	v9 =	vmul.f32 $3.200000000e+01, v3  }
0x429: {  	v10 =	vld [tilespmem:s19+$0xC100]  }
0x42a: {  	v13 =	vld [tilespmem:s19+$0xC110];
	v3 =	vmul.f32 $3.200000000e+01, v4;
	v7 =	vmul.f32 $3.200000000e+01, v7;
	v4 =	vadd.f32 v5, v9  }
0x42b: {  	s21 =	simm.s32 $0x10;
	v9 =	vmul.f32 $3.200000000e+01, v6;
	v6 =	vmul.f32 $3.200000000e+01, v11;
	v11 =	vld [tilespmem:s19+$0xC120]  }
0x42c: {  	s22 =	simm.s32 $0x400;
	s23 =	simm.s32 $0x80;
	s20 =	simm.s32 $0x0;
	v5 =	vmul.f32 $3.200000000e+01, v12;
	v12 =	vld [tilespmem:s19+$0xC130];
	[tilespmem:s19+$0x14170] =	vst v4;
	v4 =	vmul.f32 $3.200000000e+01, v14  }
.LBB2_28:
0x42d: {  	s24 =	sand.u32 $0x2000, s23;
	s25 =	sand.u32 $0x1C00, s22;
	s20 =	sadd.s32 $0x8, s20;
	v14 =	vld [tilespmem:s19+$0xC140];
	v8 =	vmul.f32 $3.200000000e+01, v8  }
0x42e: {  	s24 =	sor.u32 s25, s24;
	s25 =	sand.u32 $0x380, s21;
	p0 =	slt.u32 s20, $0x3F8;
	v3 =	vadd.f32 v10, v3;
	v10 =	vld [tilespmem:s19+$0xC150]  }
0x42f: {  	s24 =	sor.u32 s25, s24;
	v9 =	vadd.f32 v13, v9;
	v13 =	vld [tilespmem:s19+$0xC160]  }
0x430: {  	v15 =	vld [tilespmem:s24+$0x4170];
	[tilespmem:s19+$0x14100] =	vst v3;
	v3 =	vadd.f32 v11, v7  }
0x431: {  	v7 =	vld [tilespmem:s24+$0x4100];
	[tilespmem:s19+$0x14110] =	vst v9;
	v6 =	vadd.f32 v12, v6  }
0x432: {  	v9 =	vld [tilespmem:s24+$0xC170];
	[tilespmem:s19+$0x14120] =	vst v3;
	v3 =	vadd.f32 v14, v5  }
0x433: {  	v5 =	vld [tilespmem:s24+$0x4110];
	[tilespmem:s19+$0x14130] =	vst v6;
	v4 =	vadd.f32 v10, v4  }
0x434: {  	v6 =	vld [tilespmem:s24+$0x4120];
	[tilespmem:s19+$0x14140] =	vst v3;
	v8 =	vadd.f32 v13, v8  }
0x435: {  	v11 =	vld [tilespmem:s24+$0x4130];
	v10 =	vmul.f32 $3.200000000e+01, v15;
	[tilespmem:s19+$0x14150] =	vst v4  }
0x436: {  	v3 =	vmul.f32 $3.200000000e+01, v7;
	v4 =	vld [tilespmem:s24+$0x4140];
	[tilespmem:s19+$0x14160] =	vst v8;
	s19 =	smov.u32 s24  }
0x437: {  	v14 =	vld [tilespmem:s19+$0x4150];
	v12 =	vadd.f32 v9, v10  }
.Ltmp13:
0x438: {  	v9 =	vmul.f32 $3.200000000e+01, v5;
	v8 =	vld [tilespmem:s19+$0x4160];
	(pc) =	sbr.rel @p0 .LBB2_28-.Ltmp13, $4  }
0x439: {  	v10 =	vld [tilespmem:s19+$0xC100];
	v7 =	vmul.f32 $3.200000000e+01, v6;
	[tilespmem:s19+$0x14170] =	vst v12  }
0x43a: {  	v13 =	vld [tilespmem:s19+$0xC110];
	v6 =	vmul.f32 $3.200000000e+01, v11  }
0x43b: {  	v11 =	vld [tilespmem:s19+$0xC120];
	v5 =	vmul.f32 $3.200000000e+01, v4  }
0x43c: {  	s22 =	sadd.s32 $0x400, s22;
	s23 =	sadd.s32 $0x80, s23;
	s21 =	sadd.s32 $0x10, s21;
	v12 =	vld [tilespmem:s19+$0xC130];
	v4 =	vmul.f32 $3.200000000e+01, v14  }
0x43d: {  	v14 =	vld [tilespmem:s19+$0xC140]  }
0x43e: {  	v3 =	vadd.f32 v10, v3;
	v10 =	vld [tilespmem:s19+$0xC150]  }
0x43f: {  	v9 =	vadd.f32 v13, v9;
	v13 =	vld [tilespmem:s19+$0xC160]  }
0x440: {  	[tilespmem:s19+$0x14100] =	vst v3;
	v3 =	vadd.f32 v11, v7  }
0x441: {  	[tilespmem:s19+$0x14110] =	vst v9;
	v6 =	vadd.f32 v12, v6  }
0x442: {  	v7 =	vmul.f32 $3.200000000e+01, v8;
	[tilespmem:s19+$0x14120] =	vst v3;
	v3 =	vadd.f32 v14, v5  }
0x443: {  	[tilespmem:s19+$0x14130] =	vst v6;
	v4 =	vadd.f32 v10, v4  }
0x444: {  	[tilespmem:s19+$0x14140] =	vst v3;
	v3 =	vadd.f32 v13, v7  }
0x445: {  	[tilespmem:s19+$0x14150] =	vst v4  }
0x446: {  	[tilespmem:s19+$0x14160] =	vst v3  }
0x447: {  	s20 =	sld [smem:$0x7FA];
	_ =	sdelay $0x1  }
0x448: {  	s23 =	simm.s32 $0x0  }
0x449: {  	[hbm4b:s20+s23] =	stream.linear.scatter [tilespmem:s8], [sflag:$0x6], $0x4000, $0x38;
	[tilespmem:$0x18100] =	vst v63  }
0x44a: {  	v3 =	vld [tilespmem:$0xF0];
	_ =	sdelay $0x4  }
0x44b: {  	v4 =	vshll.u32 v3, $0x3  }
0x44c: {  	v3 =	vand.u32 $0x7, v3;
	v4 =	vand.u32 $0xFFFFFFC0, v4  }
0x44d: {  	v3 =	vor.u32 v3, v4  }
0x44e: {  	v4 =	vperm.xlane v3, v0;
	_ =	sdelay $0x1  }
0x44f: {  	v4 =	vadd.s32 v1, v4;
	_ =	sdelay $0x4  }
0x450: {  	[tilespmem:s28], [sflag:$0x2] =	stream.indirect_vreg.gather [hbm4b:s1+s23], $0x80, v4, vm0, $0xb8;
	[tilespmem:$0x18100] =	vst v63  }
0x451: {  	v3 =	vperm.xlane v3, v2  }
0x452: {  	[tilespmem:s29], [sflag:$0x2] =	stream.indirect_vreg.gather [hbm4b:s5+s23], $0x80, v4, vm0, $0xb8;
	[tilespmem:$0x18100] =	vst v63  }
0x453: {  	v3 =	vadd.s32 v1, v3  }
0x454: {  	[tilespmem:s30], [sflag:$0x2] =	stream.indirect_vreg.gather [hbm4b:s6+s23], $0x80, v4, vm0, $0xb8;
	[tilespmem:$0x18100] =	vst v63  }
0x455: {  	_ = 	snop  }
0x456: {  	[tilespmem:s31], [sflag:$0x2] =	stream.indirect_vreg.gather [hbm4b:s7+s23], $0x80, v4, vm0, $0xb8;
	[tilespmem:$0x18100] =	vst v63  }
0x457: {  	_ = 	snop  }
0x458: {  	[tilespmem:s0], [sflag:$0x2] =	stream.indirect_vreg.gather [hbm4b:s1+s23], $0x80, v3, vm0, $0xb8;
	[tilespmem:$0x18100] =	vst v63  }
0x459: {  	_ = 	snop  }
0x45a: {  	[tilespmem:s2], [sflag:$0x2] =	stream.indirect_vreg.gather [hbm4b:s5+s23], $0x80, v3, vm0, $0xb8;
	[tilespmem:$0x18100] =	vst v63  }
0x45b: {  	_ = 	snop  }
0x45c: {  	[tilespmem:s4], [sflag:$0x2] =	stream.indirect_vreg.gather [hbm4b:s6+s23], $0x80, v3, vm0, $0xb8;
	[tilespmem:$0x18100] =	vst v63  }
0x45d: {  	s24 =	sld [smem:$0x7FB]  }
0x45e: {  	[tilespmem:s9], [sflag:$0x2] =	stream.indirect_vreg.gather [hbm4b:s7+s23], $0x80, v3, vm0, $0xb8;
	[tilespmem:$0x18100] =	vst v63  }
0x45f: {  	_ = 	snop  }
0x460: {  	[tilespmem:s11], [sflag:$0x4] =	stream.linear.gather [hbm4b:s24+s23], $0x4000, $0x38;
	[tilespmem:$0x18100] =	vst v63  }
0x461: {  	_ =	swait.ge [sflag:s12], $0x4000  }
0x462: {  	[sflag:s12] =	ssyncset.done $0x0  }
0x463: {  	[sflag:s12] =	ssyncadd.s32 $0xFFFFC000  }
0x464: {  	_ =	swait.ge [sflag:s13], $0x4000  }
0x465: {  	[sflag:s13] =	ssyncset.done $0x0  }
0x466: {  	[sflag:s13] =	ssyncadd.s32 $0xFFFFC000  }
0x467: {  	s25 =	sand.u32 $0x2000, s23;
	s21 =	sand.u32 $0x1C00, s23;
	_ =	swait.ge [sflag:s10], $0x4000  }
0x468: {  	s19 =	sand.u32 $0x380, s23;
	s20 =	sor.u32 s21, s25;
	[sflag:s10] =	ssyncset.done $0x0  }
0x469: {  	s19 =	sor.u32 s19, s20;
	[sflag:s10] =	ssyncadd.s32 $0xFFFFC000  }
0x46a: {  	v3 =	vld [tilespmem:s19+$0x170]  }
0x46b: {  	v4 =	vld [tilespmem:s19+$0x100]  }
0x46c: {  	v5 =	vld [tilespmem:s19+$0x8170]  }
0x46d: {  	v6 =	vld [tilespmem:s19+$0x110]  }
0x46e: {  	v7 =	vld [tilespmem:s19+$0x120]  }
0x46f: {  	v11 =	vld [tilespmem:s19+$0x130]  }
0x470: {  	v12 =	vld [tilespmem:s19+$0x140]  }
0x471: {  	v14 =	vld [tilespmem:s19+$0x150]  }
0x472: {  	v8 =	vld [tilespmem:s19+$0x160];
	v9 =	vmul.f32 $3.200000000e+01, v3  }
0x473: {  	v10 =	vld [tilespmem:s19+$0x8100]  }
0x474: {  	v13 =	vld [tilespmem:s19+$0x8110];
	v3 =	vmul.f32 $3.200000000e+01, v4;
	v7 =	vmul.f32 $3.200000000e+01, v7;
	v4 =	vadd.f32 v5, v9  }
0x475: {  	s22 =	simm.s32 $0x400;
	v9 =	vmul.f32 $3.200000000e+01, v6;
	v6 =	vmul.f32 $3.200000000e+01, v11;
	v11 =	vld [tilespmem:s19+$0x8120]  }
0x476: {  	s21 =	simm.s32 $0x10;
	s20 =	simm.s32 $0x0;
	s23 =	simm.s32 $0x80;
	v5 =	vmul.f32 $3.200000000e+01, v12;
	v12 =	vld [tilespmem:s19+$0x8130];
	[tilespmem:s19+$0x10170] =	vst v4;
	v4 =	vmul.f32 $3.200000000e+01, v14  }
.LBB2_30:
0x477: {  	s24 =	sand.u32 $0x2000, s23;
	s25 =	sand.u32 $0x1C00, s22;
	s20 =	sadd.s32 $0x8, s20;
	v14 =	vld [tilespmem:s19+$0x8140];
	v8 =	vmul.f32 $3.200000000e+01, v8  }
0x478: {  	s24 =	sor.u32 s25, s24;
	s25 =	sand.u32 $0x380, s21;
	p0 =	slt.u32 s20, $0x3F8;
	v3 =	vadd.f32 v10, v3;
	v10 =	vld [tilespmem:s19+$0x8150]  }
0x479: {  	s24 =	sor.u32 s25, s24;
	v9 =	vadd.f32 v13, v9;
	v13 =	vld [tilespmem:s19+$0x8160]  }
0x47a: {  	v15 =	vld [tilespmem:s24+$0x170];
	[tilespmem:s19+$0x10100] =	vst v3;
	v3 =	vadd.f32 v11, v7  }
0x47b: {  	v7 =	vld [tilespmem:s24+$0x100];
	[tilespmem:s19+$0x10110] =	vst v9;
	v6 =	vadd.f32 v12, v6  }
0x47c: {  	v9 =	vld [tilespmem:s24+$0x8170];
	[tilespmem:s19+$0x10120] =	vst v3;
	v3 =	vadd.f32 v14, v5  }
0x47d: {  	v5 =	vld [tilespmem:s24+$0x110];
	[tilespmem:s19+$0x10130] =	vst v6;
	v4 =	vadd.f32 v10, v4  }
0x47e: {  	v6 =	vld [tilespmem:s24+$0x120];
	[tilespmem:s19+$0x10140] =	vst v3;
	v8 =	vadd.f32 v13, v8  }
0x47f: {  	v11 =	vld [tilespmem:s24+$0x130];
	v10 =	vmul.f32 $3.200000000e+01, v15;
	[tilespmem:s19+$0x10150] =	vst v4  }
0x480: {  	v3 =	vmul.f32 $3.200000000e+01, v7;
	v4 =	vld [tilespmem:s24+$0x140];
	[tilespmem:s19+$0x10160] =	vst v8;
	s19 =	smov.u32 s24  }
0x481: {  	v14 =	vld [tilespmem:s19+$0x150];
	v12 =	vadd.f32 v9, v10  }
.Ltmp14:
0x482: {  	v9 =	vmul.f32 $3.200000000e+01, v5;
	v8 =	vld [tilespmem:s19+$0x160];
	(pc) =	sbr.rel @p0 .LBB2_30-.Ltmp14, $4  }
0x483: {  	v10 =	vld [tilespmem:s19+$0x8100];
	v7 =	vmul.f32 $3.200000000e+01, v6;
	[tilespmem:s19+$0x10170] =	vst v12  }
0x484: {  	v13 =	vld [tilespmem:s19+$0x8110];
	v6 =	vmul.f32 $3.200000000e+01, v11  }
0x485: {  	v11 =	vld [tilespmem:s19+$0x8120];
	v5 =	vmul.f32 $3.200000000e+01, v4  }
0x486: {  	s22 =	sadd.s32 $0x400, s22;
	s23 =	sadd.s32 $0x80, s23;
	s21 =	sadd.s32 $0x10, s21;
	v12 =	vld [tilespmem:s19+$0x8130];
	v4 =	vmul.f32 $3.200000000e+01, v14  }
0x487: {  	v14 =	vld [tilespmem:s19+$0x8140]  }
0x488: {  	v3 =	vadd.f32 v10, v3;
	v10 =	vld [tilespmem:s19+$0x8150]  }
0x489: {  	v9 =	vadd.f32 v13, v9;
	v13 =	vld [tilespmem:s19+$0x8160]  }
0x48a: {  	[tilespmem:s19+$0x10100] =	vst v3;
	v3 =	vadd.f32 v11, v7  }
0x48b: {  	[tilespmem:s19+$0x10110] =	vst v9;
	v6 =	vadd.f32 v12, v6  }
0x48c: {  	v7 =	vmul.f32 $3.200000000e+01, v8;
	[tilespmem:s19+$0x10120] =	vst v3;
	v3 =	vadd.f32 v14, v5  }
0x48d: {  	[tilespmem:s19+$0x10130] =	vst v6;
	v4 =	vadd.f32 v10, v4  }
0x48e: {  	[tilespmem:s19+$0x10140] =	vst v3;
	v3 =	vadd.f32 v13, v7  }
0x48f: {  	[tilespmem:s19+$0x10150] =	vst v4  }
0x490: {  	[tilespmem:s19+$0x10160] =	vst v3  }
0x491: {  	s20 =	sld [smem:$0x7FC];
	_ =	sdelay $0x1  }
0x492: {  	s24 =	simm.s32 $0x0  }
0x493: {  	[hbm4b:s20+s24] =	stream.linear.scatter [tilespmem:s14], [sflag:$0x5], $0x4000, $0x38;
	[tilespmem:$0x18100] =	vst v63  }
0x494: {  	_ =	swait.ge [sflag:s15], $0x4000  }
0x495: {  	[sflag:s15] =	ssyncset.done $0x0  }
0x496: {  	[sflag:s15] =	ssyncadd.s32 $0xFFFFC000  }
0x497: {  	_ =	swait.ge [sflag:s16], $0x4000  }
0x498: {  	[sflag:s16] =	ssyncset.done $0x0  }
0x499: {  	[sflag:s16] =	ssyncadd.s32 $0xFFFFC000  }
0x49a: {  	s25 =	sand.u32 $0x2000, s24;
	s21 =	sand.u32 $0x1C00, s24;
	_ =	swait.ge [sflag:s17], $0x4000  }
0x49b: {  	s19 =	sand.u32 $0x380, s24;
	s20 =	sor.u32 s21, s25;
	[sflag:s17] =	ssyncset.done $0x0  }
0x49c: {  	s19 =	sor.u32 s19, s20;
	[sflag:s17] =	ssyncadd.s32 $0xFFFFC000  }
0x49d: {  	v3 =	vld [tilespmem:s19+$0x4170]  }
0x49e: {  	v4 =	vld [tilespmem:s19+$0x4100]  }
0x49f: {  	v5 =	vld [tilespmem:s19+$0xC170]  }
0x4a0: {  	v6 =	vld [tilespmem:s19+$0x4110]  }
0x4a1: {  	v7 =	vld [tilespmem:s19+$0x4120]  }
0x4a2: {  	v11 =	vld [tilespmem:s19+$0x4130]  }
0x4a3: {  	v12 =	vld [tilespmem:s19+$0x4140]  }
0x4a4: {  	v14 =	vld [tilespmem:s19+$0x4150]  }
0x4a5: {  	v8 =	vld [tilespmem:s19+$0x4160];
	v9 =	vmul.f32 $3.200000000e+01, v3  }
0x4a6: {  	v10 =	vld [tilespmem:s19+$0xC100]  }
0x4a7: {  	v13 =	vld [tilespmem:s19+$0xC110];
	v3 =	vmul.f32 $3.200000000e+01, v4;
	v7 =	vmul.f32 $3.200000000e+01, v7;
	v4 =	vadd.f32 v5, v9  }
0x4a8: {  	s22 =	simm.s32 $0x400;
	v9 =	vmul.f32 $3.200000000e+01, v6;
	v6 =	vmul.f32 $3.200000000e+01, v11;
	v11 =	vld [tilespmem:s19+$0xC120]  }
0x4a9: {  	s23 =	simm.s32 $0x80;
	s21 =	simm.s32 $0x10;
	s20 =	simm.s32 $0x0;
	v5 =	vmul.f32 $3.200000000e+01, v12;
	v12 =	vld [tilespmem:s19+$0xC130];
	[tilespmem:s19+$0x14170] =	vst v4;
	v4 =	vmul.f32 $3.200000000e+01, v14  }
.LBB2_32:
0x4aa: {  	s24 =	sand.u32 $0x2000, s23;
	s25 =	sand.u32 $0x1C00, s22;
	s20 =	sadd.s32 $0x8, s20;
	v14 =	vld [tilespmem:s19+$0xC140];
	v8 =	vmul.f32 $3.200000000e+01, v8  }
0x4ab: {  	s24 =	sor.u32 s25, s24;
	s25 =	sand.u32 $0x380, s21;
	p0 =	slt.u32 s20, $0x3F8;
	v3 =	vadd.f32 v10, v3;
	v10 =	vld [tilespmem:s19+$0xC150]  }
0x4ac: {  	s24 =	sor.u32 s25, s24;
	v9 =	vadd.f32 v13, v9;
	v13 =	vld [tilespmem:s19+$0xC160]  }
0x4ad: {  	v15 =	vld [tilespmem:s24+$0x4170];
	[tilespmem:s19+$0x14100] =	vst v3;
	v3 =	vadd.f32 v11, v7  }
0x4ae: {  	v7 =	vld [tilespmem:s24+$0x4100];
	[tilespmem:s19+$0x14110] =	vst v9;
	v6 =	vadd.f32 v12, v6  }
0x4af: {  	v9 =	vld [tilespmem:s24+$0xC170];
	[tilespmem:s19+$0x14120] =	vst v3;
	v3 =	vadd.f32 v14, v5  }
0x4b0: {  	v5 =	vld [tilespmem:s24+$0x4110];
	[tilespmem:s19+$0x14130] =	vst v6;
	v4 =	vadd.f32 v10, v4  }
0x4b1: {  	v6 =	vld [tilespmem:s24+$0x4120];
	[tilespmem:s19+$0x14140] =	vst v3;
	v8 =	vadd.f32 v13, v8  }
0x4b2: {  	v11 =	vld [tilespmem:s24+$0x4130];
	v10 =	vmul.f32 $3.200000000e+01, v15;
	[tilespmem:s19+$0x14150] =	vst v4  }
0x4b3: {  	v3 =	vmul.f32 $3.200000000e+01, v7;
	v4 =	vld [tilespmem:s24+$0x4140];
	[tilespmem:s19+$0x14160] =	vst v8;
	s19 =	smov.u32 s24  }
0x4b4: {  	v14 =	vld [tilespmem:s19+$0x4150];
	v12 =	vadd.f32 v9, v10  }
.Ltmp15:
0x4b5: {  	v9 =	vmul.f32 $3.200000000e+01, v5;
	v8 =	vld [tilespmem:s19+$0x4160];
	(pc) =	sbr.rel @p0 .LBB2_32-.Ltmp15, $4  }
0x4b6: {  	v10 =	vld [tilespmem:s19+$0xC100];
	v7 =	vmul.f32 $3.200000000e+01, v6;
	[tilespmem:s19+$0x14170] =	vst v12  }
0x4b7: {  	v13 =	vld [tilespmem:s19+$0xC110];
	v6 =	vmul.f32 $3.200000000e+01, v11  }
0x4b8: {  	v11 =	vld [tilespmem:s19+$0xC120];
	v5 =	vmul.f32 $3.200000000e+01, v4  }
0x4b9: {  	s22 =	sadd.s32 $0x400, s22;
	s23 =	sadd.s32 $0x80, s23;
	s21 =	sadd.s32 $0x10, s21;
	v12 =	vld [tilespmem:s19+$0xC130];
	v4 =	vmul.f32 $3.200000000e+01, v14  }
0x4ba: {  	v14 =	vld [tilespmem:s19+$0xC140]  }
0x4bb: {  	v61 =	vld [tilespmem:s19+$0xC150];
	v3 =	vadd.f32 v10, v3  }
0x4bc: {  	v62 =	vld [tilespmem:s19+$0xC160];
	v9 =	vadd.f32 v13, v9  }
0x4bd: {  	[tilespmem:s19+$0x14100] =	vst v3;
	v3 =	vadd.f32 v11, v7  }
0x4be: {  	[tilespmem:s19+$0x14110] =	vst v9;
	v6 =	vadd.f32 v12, v6  }
0x4bf: {  	v63 =	vmul.f32 $3.200000000e+01, v8;
	[tilespmem:s19+$0x14120] =	vst v3;
	v3 =	vadd.f32 v14, v5  }
0x4c0: {  	v4 =	vadd.f32 v61, v4;
	[tilespmem:s19+$0x14130] =	vst v6  }
0x4c1: {  	[tilespmem:s19+$0x14140] =	vst v3;
	v3 =	vadd.f32 v62, v63  }
0x4c2: {  	[tilespmem:s19+$0x14150] =	vst v4  }
0x4c3: {  	[tilespmem:s19+$0x14160] =	vst v3  }
0x4c4: {  	s19 =	sld [smem:$0x7FD];
	_ =	sdelay $0x2  }
0x4c5: {  	[hbm4b:s19+s3] =	stream.linear.scatter [tilespmem:s8], [sflag:$0x6], $0x4000, $0x38;
	[tilespmem:$0x18100] =	vst v63  }
0x4c6: {  	_ =	swait.ge [sflag:s10], $0x4000  }
0x4c7: {  	[sflag:s10] =	ssyncset.done $0x0  }
0x4c8: {  	[sflag:s10] =	ssyncadd.s32 $0xFFFFC000  }
0x4c9: {  	_ =	swait.ge [sflag:s17], $0x4000  }
0x4ca: {  	s18 =	sadd.s32 $0x1, s18;
	s25 =	rddreg [dreg:$0x17]  }
0x4cb: {  	p0 =	sne.s32 s18, s25  }
.Ltmp16:
0x4cc: {  	_ = 	snop;
	(pc) =	sbr.rel @p0 .LBB2_1-.Ltmp16, $3  }
0x4cd: {  	_ =	sdelay $0x1  }
0x4ce: {  	[sflag:s17] =	ssyncset.done $0x0  }
0x4cf: {  	[sflag:s17] =	ssyncadd.s32 $0xFFFFC000  }
0x4d0: {  	_ =	sfence.sel $0x180000  }
0x4d1: {  	[bflag:$0x0] =	sbarrier.arrive $0xFFFF  }
0x4d2: {  	_ =	strace $0x90000047  }
0x4d3: {  	s0 =	stileid.u32;
	[bflag:$0x2] =	sbarrier.arrive $0xFFFF  }
0x4d4: {  	p0 =	sne.s32 s0, $0x0;
	s0 =	rddreg [dreg:$0x4]  }
0x4d5: {  	s0 =	sadd.s32 @!p0 $0x100000, s0  }
0x4d6: {  	[sflag:s0] =	ssyncadd.tile.s32 @!p0 $0x1;
	_ =	shalt  }
.Lfunc_end2:
_tile_overlayer_lowered:
.L_overlay_start_2:
0x4d7: {  	(tag) =	ssettag $0x2  }
0x4d8: {  	s0 =	rddreg [dreg:$0x0];
	s2 =	stileid.u32  }
0x4d9: {  	s1 =	rddreg [dreg:$0x1];
	p0 =	sne.s32 s2, $0x0  }
0x4da: {  	s3 =	rddreg [dreg:$0x2];
	[bflag:$0x3] =	sbarrier.arrive $0xFFFF;
	s2 =	simm.s32 @!p0 $0x1C07  }
0x4db: {  	[timem:s3], [sflag:s2] =	dma.local @!p0 [hbm:s0], s1  }
0x4dc: {  	s0 =	simm.s32 @!p0 $0x7  }
0x4dd: {  	_ =	swait.ge @!p0 [sflag:s0], s1  }
0x4de: {  	s1 =	ssub.s32 @!p0 $0x0, s1;
	[sflag:s0] =	ssyncset.done @!p0 $0x0  }
0x4df: {  	[sflag:s0] =	ssyncadd.s32 @!p0 s1  }
0x4e0: {  	[bflag:$0x3] =	sbarrier.arrive $0xFFFF  }
0x4e1: {  	_ =	shalt  }

</sc_bundles>
